<compile_context>
chip_gen: v7x
topology: tpu7x:2x2x1
jax: 0.10.2.dev20260603
libtpu: 0.0.44.dev20260713+nightly
codegen_flags: <defaults>
</compile_context>

<pallas_src>
import functools

import jax
import jax.numpy as jnp
from jax import lax
from jax.experimental import pallas as pl
from jax.experimental.pallas import tpu as pltpu
from jax.experimental.pallas import tpu_sc as plsc

_NC = 2
_NSC = 16
_NW = _NC * _NSC
_LANES = 16

_BLK = 400
_SPLIT = 9600
_BLKF = 800


def _sc_segsum_body(nb_hbm, nsum_hbm, buf0, buf1, obuf, sem0, sem1,
                    *, t_nodes, ns, d, n, ch0):
    nch = n // t_nodes
    rows = t_nodes * ns
    ncol = d // _LANES
    count = nch - ch0
    niter = (count + _NW - 1) // _NW
    niter += niter % 2
    bufs = (buf0, buf1)
    sems = (sem0, sem1)
    wid = lax.axis_index("c") * _NSC + lax.axis_index("s")

    c0 = ch0 + wid

    @pl.when(c0 < nch)
    def _():
        pltpu.async_copy(nb_hbm.at[pl.ds(c0 * rows, rows)], bufs[0], sems[0])

    def outer(i, carry):
        for b in range(2):
            c = ch0 + wid + _NW * (2 * i + b)

            @pl.when(c < nch)
            def _(c=c, b=b):
                pltpu.make_async_copy(
                    nb_hbm.at[pl.ds(c * rows, rows)], bufs[b], sems[b]).wait()
                cn = c + _NW

                @pl.when(cn < nch)
                def _():
                    pltpu.async_copy(
                        nb_hbm.at[pl.ds(cn * rows, rows)], bufs[1 - b],
                        sems[1 - b])

                for j in range(t_nodes):
                    def rbody(r, acc):
                        return tuple(
                            acc[k] + bufs[b][j * ns + r,
                                             pl.ds(k * _LANES, _LANES)]
                            for k in range(ncol)
                        )
                    acc = lax.fori_loop(
                        0, ns, rbody,
                        tuple(jnp.zeros((_LANES,), jnp.float32)
                              for _ in range(ncol)),
                        unroll=4,
                    )
                    for k in range(ncol):
                        obuf[j, pl.ds(k * _LANES, _LANES)] = acc[k]
                pltpu.sync_copy(
                    obuf, nsum_hbm.at[pl.ds((c - ch0) * t_nodes, t_nodes)])

        return carry

    lax.fori_loop(0, niter // 2, outer, 0)


def _sc_segsum(neighbor_feats, n, ns, d, ch0, t_nodes):
    body = functools.partial(_sc_segsum_body, t_nodes=t_nodes, ns=ns, d=d,
                             n=n, ch0=ch0)
    mesh = plsc.VectorSubcoreMesh(core_axis_name="c", subcore_axis_name="s")
    rows = t_nodes * ns
    return pl.kernel(
        body,
        out_type=jax.ShapeDtypeStruct((n - ch0 * t_nodes, d), jnp.float32),
        mesh=mesh,
        scratch_types=[
            pltpu.VMEM((rows, d), jnp.float32),
            pltpu.VMEM((rows, d), jnp.float32),
            pltpu.VMEM((t_nodes, d), jnp.float32),
            pltpu.SemaphoreType.DMA,
            pltpu.SemaphoreType.DMA,
        ],
    )(neighbor_feats)


def _fused_body(nf_ref, nb_ref, w_ref, out_ref, *, inv_ns):
    nsum = jnp.sum(nb_ref[...], axis=1)
    d = nf_ref.shape[1]
    acc = jnp.dot(nf_ref[...], w_ref[:d, :], preferred_element_type=jnp.float32)
    acc += jnp.dot(nsum * inv_ns, w_ref[d:, :],
                   preferred_element_type=jnp.float32)
    out_ref[...] = jnp.maximum(acc, 0.0)


def _dense_body(prev_ref, nf_ref, nsum_ref, w_ref, out_ref, *, inv_ns):
    del prev_ref
    d = nf_ref.shape[1]
    acc = jnp.dot(nf_ref[...], w_ref[:d, :], preferred_element_type=jnp.float32)
    acc += jnp.dot(nsum_ref[...] * inv_ns, w_ref[d:, :],
                   preferred_element_type=jnp.float32)
    out_ref[...] = jnp.maximum(acc, 0.0)


def kernel(node_feats, neighbor_feats, weight, node_count):
    n, d = node_feats.shape
    ns = neighbor_feats.shape[0] // n
    e = weight.shape[1]
    s = _SPLIT
    blk = _BLK
    inv_ns = 1.0 / ns

    nb3 = neighbor_feats.reshape(n, ns, d)

    bf = _BLKF
    fused = pl.pallas_call(
            functools.partial(_fused_body, inv_ns=inv_ns),
            grid=(s // bf,),
            in_specs=[
                pl.BlockSpec((bf, d), lambda i: (i, 0)),
                pl.BlockSpec((bf, ns, d), lambda i: (i, 0, 0)),
                pl.BlockSpec((2 * d, e), lambda i: (0, 0)),
            ],
            out_specs=pl.BlockSpec((bf, e), lambda i: (i, 0)),
            out_shape=jax.ShapeDtypeStruct((n, e), jnp.float32),
            compiler_params=pltpu.CompilerParams(
                dimension_semantics=("parallel",),
            ),
        )(node_feats, nb3, weight)

    nsum = _sc_segsum(neighbor_feats, n, ns, d, ch0=s // 8, t_nodes=8)

    off = s // blk
    out = pl.pallas_call(
        functools.partial(_dense_body, inv_ns=inv_ns),
        grid=((n - s) // blk,),
        in_specs=[
            pl.BlockSpec(memory_space=pl.ANY),
            pl.BlockSpec((blk, d), lambda i: (i + off, 0)),
            pl.BlockSpec((blk, d), lambda i: (i, 0)),
            pl.BlockSpec((2 * d, e), lambda i: (0, 0)),
        ],
        out_specs=pl.BlockSpec((blk, e), lambda i: (i + off, 0)),
        out_shape=jax.ShapeDtypeStruct((n, e), jnp.float32),
        input_output_aliases={0: 0},
        compiler_params=pltpu.CompilerParams(
            dimension_semantics=("parallel",),
        ),
    )(fused, node_feats, nsum, weight)
    return out

# --- scband reference (transcript-rebuilt; emitter-appended) ---
"""Pipeline reference for scband-sage-encoder-4758823764145 (READ-ONLY COPY).

The authoritative reference and input builder live on the scoring server;
editing this copy changes nothing except your own understanding.
"""

import jax, jax.numpy as jnp
import numpy as np

N_NODES = 10000
NUM_SAMPLE = 32
FEAT_DIM = 128
EMBED_DIM = 256


def setup_inputs(seed: int = 0) -> dict:
    key = jax.random.key(seed)
    k1, k2, k3 = jax.random.split(key, 3)
    node_feats = jax.random.normal(k1, (N_NODES, FEAT_DIM), dtype=jnp.float32)
    neighbor_feats = jax.random.normal(k2, (N_NODES * NUM_SAMPLE, FEAT_DIM), dtype=jnp.float32)
    # weight: nn.Parameter(2*intermediate_dim, embed_dim) with xavier_uniform init
    fan_in, fan_out = 2 * FEAT_DIM, EMBED_DIM
    limit = float(np.sqrt(6.0 / (fan_in + fan_out)))
    weight = jax.random.uniform(k3, (2 * FEAT_DIM, EMBED_DIM), minval=-limit, maxval=limit, dtype=jnp.float32)
    return {
        "node_feats": node_feats,
        "neighbor_feats": neighbor_feats,
        "weight": weight,
        "node_count": N_NODES,
    }


def reference(node_feats, neighbor_feats, weight, node_count):
    # aggregator: mean aggregator over num_sample sampled neighbors per node
    # (neighbor_feats is the flattened [node_count * num_sample, feat_dim] block
    #  produced by SageEncoder.query's sample_neighbors + unique-gather pipeline)
    d = neighbor_feats.shape[-1]
    n = node_feats.shape[0]
    num_sample_traced = neighbor_feats.shape[0] // node_count
    neigh_feats = jnp.sum(neighbor_feats.reshape(n, -1, d), axis=1) / num_sample_traced
    # self.features: identity feature callback
    self_feats = node_feats
    combined = jnp.concatenate([self_feats, neigh_feats], axis=1)
    combined = jax.nn.relu(jnp.matmul(combined, weight))
    return combined

if __name__ == "__main__":
    import jax
    _d = setup_inputs()
    print(jax.jit(kernel)(*tuple(_d.values())))

</pallas_src>

<mosaic_0001>
#map = affine_map<(d0, d1) -> (0, 0)>
module attributes {stable_mosaic.version = 14 : i64} {
  func.func @_sc_segsum_body(%arg0: i32, %arg1: i32, %arg2: memref<320000x128xf32, #tpu.memory_space<hbm>>, %arg3: memref<400x128xf32, #tpu.memory_space<hbm>>, %arg4: memref<256x128xf32, #tpu.memory_space<vmem>>, %arg5: memref<256x128xf32, #tpu.memory_space<vmem>>, %arg6: memref<8x128xf32, #tpu.memory_space<vmem>>, %arg7: memref<!tpu.dma_semaphore, #tpu.memory_space<semaphore_mem>>, %arg8: memref<!tpu.dma_semaphore, #tpu.memory_space<semaphore_mem>>) attributes {dimension_semantics = [#tpu.dimension_semantics<core_parallel>, #tpu.dimension_semantics<subcore_parallel>], iteration_bounds = array<i64: 2, 16>, scalar_prefetch = 0 : i64, scratch_operands = 5 : i64, tpu.core_type = #tpu.core_type<sc_vector_subcore>, window_params = [{transform_indices = #map}, {transform_indices = #map}]} {
    %mul3A = arith.constant 16 : i32
    %mul3A_0 = arith.muli %arg0, %mul3A : i32
    %add3A = arith.addi %mul3A_0, %arg1 : i32
    %add3A_1 = arith.constant 1200 : i32
    %add3A_2 = arith.addi %add3A_1, %add3A : i32
    %lt3A = arith.constant 1250 : i32
    %lt3A_3 = arith.cmpi slt, %add3A_2, %lt3A : i32
    %convert_element_type3A = arith.extui %lt3A_3 : i1 to i32
    %cond3A = arith.constant 0 : i32
    %cond3A_4 = arith.cmpi ne, %convert_element_type3A, %cond3A : i32
    scf.if %cond3A_4 {
      %mul3A_35 = arith.constant 256 : i32
      %mul3A_36 = arith.muli %add3A_2, %mul3A_35 : i32
      %dma_start3A = arith.constant 0 : i32
      %dma_start3A_37 = tpu.memref_slice %arg2[%mul3A_36, %dma_start3A] : memref<320000x128xf32, #tpu.memory_space<hbm>> -> memref<256x128xf32, #tpu.memory_space<hbm>>
      %dma_start3A_38 = arith.constant 0 : i32
      %dma_start3A_39 = tpu.memref_slice %arg2[%mul3A_36, %dma_start3A_38] : memref<320000x128xf32, #tpu.memory_space<hbm>> -> memref<256x128xf32, #tpu.memory_space<hbm>>
      tpu.enqueue_dma source(%dma_start3A_39 : memref<256x128xf32, #tpu.memory_space<hbm>>) target(%arg4 : memref<256x128xf32, #tpu.memory_space<vmem>>) target_semaphore(%arg7 : memref<!tpu.dma_semaphore, #tpu.memory_space<semaphore_mem>>)
    } else {
    }
    %scan3A = arith.constant 0 : i32
    %scan3A_5 = arith.constant 0 : i32
    %add3A_6 = arith.constant 1200 : i32
    %add3A_7 = arith.addi %add3A_6, %add3A : i32
    %mul3A_8 = arith.constant 2 : i32
    %mul3A_9 = arith.muli %mul3A_8, %scan3A_5 : i32
    %add3A_10 = arith.constant 0 : i32
    %add3A_11 = arith.addi %mul3A_9, %add3A_10 : i32
    %mul3A_12 = arith.constant 32 : i32
    %mul3A_13 = arith.muli %mul3A_12, %add3A_11 : i32
    %add3A_14 = arith.addi %add3A_7, %mul3A_13 : i32
    %lt3A_15 = arith.constant 1250 : i32
    %lt3A_16 = arith.cmpi slt, %add3A_14, %lt3A_15 : i32
    %convert_element_type3A_17 = arith.extui %lt3A_16 : i1 to i32
    %cond3A_18 = arith.constant 0 : i32
    %cond3A_19 = arith.cmpi ne, %convert_element_type3A_17, %cond3A_18 : i32
    scf.if %cond3A_19 {
      %mul3A_35 = arith.constant 256 : i32
      %mul3A_36 = arith.muli %add3A_14, %mul3A_35 : i32
      %dma_wait3A = arith.constant 0 : i32
      %dma_wait3A_37 = tpu.memref_slice %arg2[%mul3A_36, %dma_wait3A] : memref<320000x128xf32, #tpu.memory_space<hbm>> -> memref<256x128xf32, #tpu.memory_space<hbm>>
      %dma_wait3A_38 = arith.constant 0 : i32
      %dma_wait3A_39 = tpu.memref_slice %arg2[%mul3A_36, %dma_wait3A_38] : memref<320000x128xf32, #tpu.memory_space<hbm>> -> memref<256x128xf32, #tpu.memory_space<hbm>>
      tpu.wait_dma2 semaphore(%arg7 : memref<!tpu.dma_semaphore, #tpu.memory_space<semaphore_mem>>) src(%dma_wait3A_39 : memref<256x128xf32, #tpu.memory_space<hbm>>) dst(%arg4 : memref<256x128xf32, #tpu.memory_space<vmem>>)
      %add3A_40 = arith.constant 32 : i32
      %add3A_41 = arith.addi %add3A_14, %add3A_40 : i32
      %lt3A_42 = arith.constant 1250 : i32
      %lt3A_43 = arith.cmpi slt, %add3A_41, %lt3A_42 : i32
      %convert_element_type3A_44 = arith.extui %lt3A_43 : i1 to i32
      %cond3A_45 = arith.constant 0 : i32
      %cond3A_46 = arith.cmpi ne, %convert_element_type3A_44, %cond3A_45 : i32
      scf.if %cond3A_46 {
        %mul3A_608 = arith.constant 256 : i32
        %mul3A_609 = arith.muli %add3A_41, %mul3A_608 : i32
        %dma_start3A = arith.constant 0 : i32
        %dma_start3A_610 = tpu.memref_slice %arg2[%mul3A_609, %dma_start3A] : memref<320000x128xf32, #tpu.memory_space<hbm>> -> memref<256x128xf32, #tpu.memory_space<hbm>>
        %dma_start3A_611 = arith.constant 0 : i32
        %dma_start3A_612 = tpu.memref_slice %arg2[%mul3A_609, %dma_start3A_611] : memref<320000x128xf32, #tpu.memory_space<hbm>> -> memref<256x128xf32, #tpu.memory_space<hbm>>
        tpu.enqueue_dma source(%dma_start3A_612 : memref<256x128xf32, #tpu.memory_space<hbm>>) target(%arg5 : memref<256x128xf32, #tpu.memory_space<vmem>>) target_semaphore(%arg8 : memref<!tpu.dma_semaphore, #tpu.memory_space<semaphore_mem>>)
      } else {
      }
      %broadcast_in_dim3A = arith.constant 0.000000e+00 : f32
      %broadcast_in_dim3A_47 = vector.broadcast %broadcast_in_dim3A : f32 to vector<16xf32>
      %broadcast_in_dim3A_48 = arith.constant 0.000000e+00 : f32
      %broadcast_in_dim3A_49 = vector.broadcast %broadcast_in_dim3A_48 : f32 to vector<16xf32>
      %broadcast_in_dim3A_50 = arith.constant 0.000000e+00 : f32
      %broadcast_in_dim3A_51 = vector.broadcast %broadcast_in_dim3A_50 : f32 to vector<16xf32>
      %broadcast_in_dim3A_52 = arith.constant 0.000000e+00 : f32
      %broadcast_in_dim3A_53 = vector.broadcast %broadcast_in_dim3A_52 : f32 to vector<16xf32>
      %broadcast_in_dim3A_54 = arith.constant 0.000000e+00 : f32
      %broadcast_in_dim3A_55 = vector.broadcast %broadcast_in_dim3A_54 : f32 to vector<16xf32>
      %broadcast_in_dim3A_56 = arith.constant 0.000000e+00 : f32
      %broadcast_in_dim3A_57 = vector.broadcast %broadcast_in_dim3A_56 : f32 to vector<16xf32>
      %broadcast_in_dim3A_58 = arith.constant 0.000000e+00 : f32
      %broadcast_in_dim3A_59 = vector.broadcast %broadcast_in_dim3A_58 : f32 to vector<16xf32>
      %broadcast_in_dim3A_60 = arith.constant 0.000000e+00 : f32
      %broadcast_in_dim3A_61 = vector.broadcast %broadcast_in_dim3A_60 : f32 to vector<16xf32>
      %scan3A_62 = arith.constant 0 : i32
      %scan3A_63 = arith.constant 32 : i32
      %scan3A_64 = arith.addi %scan3A_62, %scan3A_63 : i32
      %scan3A_65 = arith.constant 4 : i32
      %scan3A_66:8 = scf.for %scan3A_608 = %scan3A_62 to %scan3A_64 step %scan3A_65 iter_args(%scan3A_609 = %broadcast_in_dim3A_47, %scan3A_610 = %broadcast_in_dim3A_49, %scan3A_611 = %broadcast_in_dim3A_51, %scan3A_612 = %broadcast_in_dim3A_53, %scan3A_613 = %broadcast_in_dim3A_55, %scan3A_614 = %broadcast_in_dim3A_57, %scan3A_615 = %broadcast_in_dim3A_59, %scan3A_616 = %broadcast_in_dim3A_61) -> (vector<16xf32>, vector<16xf32>, vector<16xf32>, vector<16xf32>, vector<16xf32>, vector<16xf32>, vector<16xf32>, vector<16xf32>)  : i32 {
        %add3A_617 = arith.constant 0 : i32
        %add3A_618 = arith.addi %add3A_617, %scan3A_608 : i32
        %get3A = arith.index_cast %add3A_618 : i32 to index
        %get3A_619 = arith.constant 0 : index
        %get3A_620 = tpu.vector_load %arg4[%get3A, %get3A_619] {strides = array<i32>} : memref<256x128xf32, #tpu.memory_space<vmem>>, vector<1x16xf32>,
        %get3A_621 = vector.shape_cast %get3A_620 : vector<1x16xf32> to vector<16xf32>
        %add3A_622 = arith.addf %scan3A_609, %get3A_621 : vector<16xf32>
        %add3A_623 = arith.constant 0 : i32
        %add3A_624 = arith.addi %add3A_623, %scan3A_608 : i32
        %get3A_625 = arith.index_cast %add3A_624 : i32 to index
        %get3A_626 = arith.constant 16 : index
        %get3A_627 = tpu.vector_load %arg4[%get3A_625, %get3A_626] {strides = array<i32>} : memref<256x128xf32, #tpu.memory_space<vmem>>, vector<1x16xf32>,
        %get3A_628 = vector.shape_cast %get3A_627 : vector<1x16xf32> to vector<16xf32>
        %add3A_629 = arith.addf %scan3A_610, %get3A_628 : vector<16xf32>
        %add3A_630 = arith.constant 0 : i32
        %add3A_631 = arith.addi %add3A_630, %scan3A_608 : i32
        %get3A_632 = arith.index_cast %add3A_631 : i32 to index
        %get3A_633 = arith.constant 32 : index
        %get3A_634 = tpu.vector_load %arg4[%get3A_632, %get3A_633] {strides = array<i32>} : memref<256x128xf32, #tpu.memory_space<vmem>>, vector<1x16xf32>,
        %get3A_635 = vector.shape_cast %get3A_634 : vector<1x16xf32> to vector<16xf32>
        %add3A_636 = arith.addf %scan3A_611, %get3A_635 : vector<16xf32>
        %add3A_637 = arith.constant 0 : i32
        %add3A_638 = arith.addi %add3A_637, %scan3A_608 : i32
        %get3A_639 = arith.index_cast %add3A_638 : i32 to index
        %get3A_640 = arith.constant 48 : index
        %get3A_641 = tpu.vector_load %arg4[%get3A_639, %get3A_640] {strides = array<i32>} : memref<256x128xf32, #tpu.memory_space<vmem>>, vector<1x16xf32>,
        %get3A_642 = vector.shape_cast %get3A_641 : vector<1x16xf32> to vector<16xf32>
        %add3A_643 = arith.addf %scan3A_612, %get3A_642 : vector<16xf32>
        %add3A_644 = arith.constant 0 : i32
        %add3A_645 = arith.addi %add3A_644, %scan3A_608 : i32
        %get3A_646 = arith.index_cast %add3A_645 : i32 to index
        %get3A_647 = arith.constant 64 : index
        %get3A_648 = tpu.vector_load %arg4[%get3A_646, %get3A_647] {strides = array<i32>} : memref<256x128xf32, #tpu.memory_space<vmem>>, vector<1x16xf32>,
        %get3A_649 = vector.shape_cast %get3A_648 : vector<1x16xf32> to vector<16xf32>
        %add3A_650 = arith.addf %scan3A_613, %get3A_649 : vector<16xf32>
        %add3A_651 = arith.constant 0 : i32
        %add3A_652 = arith.addi %add3A_651, %scan3A_608 : i32
        %get3A_653 = arith.index_cast %add3A_652 : i32 to index
        %get3A_654 = arith.constant 80 : index
        %get3A_655 = tpu.vector_load %arg4[%get3A_653, %get3A_654] {strides = array<i32>} : memref<256x128xf32, #tpu.memory_space<vmem>>, vector<1x16xf32>,
        %get3A_656 = vector.shape_cast %get3A_655 : vector<1x16xf32> to vector<16xf32>
        %add3A_657 = arith.addf %scan3A_614, %get3A_656 : vector<16xf32>
        %add3A_658 = arith.constant 0 : i32
        %add3A_659 = arith.addi %add3A_658, %scan3A_608 : i32
        %get3A_660 = arith.index_cast %add3A_659 : i32 to index
        %get3A_661 = arith.constant 96 : index
        %get3A_662 = tpu.vector_load %arg4[%get3A_660, %get3A_661] {strides = array<i32>} : memref<256x128xf32, #tpu.memory_space<vmem>>, vector<1x16xf32>,
        %get3A_663 = vector.shape_cast %get3A_662 : vector<1x16xf32> to vector<16xf32>
        %add3A_664 = arith.addf %scan3A_615, %get3A_663 : vector<16xf32>
        %add3A_665 = arith.constant 0 : i32
        %add3A_666 = arith.addi %add3A_665, %scan3A_608 : i32
        %get3A_667 = arith.index_cast %add3A_666 : i32 to index
        %get3A_668 = arith.constant 112 : index
        %get3A_669 = tpu.vector_load %arg4[%get3A_667, %get3A_668] {strides = array<i32>} : memref<256x128xf32, #tpu.memory_space<vmem>>, vector<1x16xf32>,
        %get3A_670 = vector.shape_cast %get3A_669 : vector<1x16xf32> to vector<16xf32>
        %add3A_671 = arith.addf %scan3A_616, %get3A_670 : vector<16xf32>
        %scan3A_672 = arith.constant 1 : i32
        %scan3A_673 = arith.addi %scan3A_608, %scan3A_672 : i32
        %add3A_674 = arith.constant 0 : i32
        %add3A_675 = arith.addi %add3A_674, %scan3A_673 : i32
        %get3A_676 = arith.index_cast %add3A_675 : i32 to index
        %get3A_677 = arith.constant 0 : index
        %get3A_678 = tpu.vector_load %arg4[%get3A_676, %get3A_677] {strides = array<i32>} : memref<256x128xf32, #tpu.memory_space<vmem>>, vector<1x16xf32>,
        %get3A_679 = vector.shape_cast %get3A_678 : vector<1x16xf32> to vector<16xf32>
        %add3A_680 = arith.addf %add3A_622, %get3A_679 : vector<16xf32>
        %add3A_681 = arith.constant 0 : i32
        %add3A_682 = arith.addi %add3A_681, %scan3A_673 : i32
        %get3A_683 = arith.index_cast %add3A_682 : i32 to index
        %get3A_684 = arith.constant 16 : index
        %get3A_685 = tpu.vector_load %arg4[%get3A_683, %get3A_684] {strides = array<i32>} : memref<256x128xf32, #tpu.memory_space<vmem>>, vector<1x16xf32>,
        %get3A_686 = vector.shape_cast %get3A_685 : vector<1x16xf32> to vector<16xf32>
        %add3A_687 = arith.addf %add3A_629, %get3A_686 : vector<16xf32>
        %add3A_688 = arith.constant 0 : i32
        %add3A_689 = arith.addi %add3A_688, %scan3A_673 : i32
        %get3A_690 = arith.index_cast %add3A_689 : i32 to index
        %get3A_691 = arith.constant 32 : index
        %get3A_692 = tpu.vector_load %arg4[%get3A_690, %get3A_691] {strides = array<i32>} : memref<256x128xf32, #tpu.memory_space<vmem>>, vector<1x16xf32>,
        %get3A_693 = vector.shape_cast %get3A_692 : vector<1x16xf32> to vector<16xf32>
        %add3A_694 = arith.addf %add3A_636, %get3A_693 : vector<16xf32>
        %add3A_695 = arith.constant 0 : i32
        %add3A_696 = arith.addi %add3A_695, %scan3A_673 : i32
        %get3A_697 = arith.index_cast %add3A_696 : i32 to index
        %get3A_698 = arith.constant 48 : index
        %get3A_699 = tpu.vector_load %arg4[%get3A_697, %get3A_698] {strides = array<i32>} : memref<256x128xf32, #tpu.memory_space<vmem>>, vector<1x16xf32>,
        %get3A_700 = vector.shape_cast %get3A_699 : vector<1x16xf32> to vector<16xf32>
        %add3A_701 = arith.addf %add3A_643, %get3A_700 : vector<16xf32>
        %add3A_702 = arith.constant 0 : i32
        %add3A_703 = arith.addi %add3A_702, %scan3A_673 : i32
        %get3A_704 = arith.index_cast %add3A_703 : i32 to index
        %get3A_705 = arith.constant 64 : index
        %get3A_706 = tpu.vector_load %arg4[%get3A_704, %get3A_705] {strides = array<i32>} : memref<256x128xf32, #tpu.memory_space<vmem>>, vector<1x16xf32>,
        %get3A_707 = vector.shape_cast %get3A_706 : vector<1x16xf32> to vector<16xf32>
        %add3A_708 = arith.addf %add3A_650, %get3A_707 : vector<16xf32>
        %add3A_709 = arith.constant 0 : i32
        %add3A_710 = arith.addi %add3A_709, %scan3A_673 : i32
        %get3A_711 = arith.index_cast %add3A_710 : i32 to index
        %get3A_712 = arith.constant 80 : index
        %get3A_713 = tpu.vector_load %arg4[%get3A_711, %get3A_712] {strides = array<i32>} : memref<256x128xf32, #tpu.memory_space<vmem>>, vector<1x16xf32>,
        %get3A_714 = vector.shape_cast %get3A_713 : vector<1x16xf32> to vector<16xf32>
        %add3A_715 = arith.addf %add3A_657, %get3A_714 : vector<16xf32>
        %add3A_716 = arith.constant 0 : i32
        %add3A_717 = arith.addi %add3A_716, %scan3A_673 : i32
        %get3A_718 = arith.index_cast %add3A_717 : i32 to index
        %get3A_719 = arith.constant 96 : index
        %get3A_720 = tpu.vector_load %arg4[%get3A_718, %get3A_719] {strides = array<i32>} : memref<256x128xf32, #tpu.memory_space<vmem>>, vector<1x16xf32>,
        %get3A_721 = vector.shape_cast %get3A_720 : vector<1x16xf32> to vector<16xf32>
        %add3A_722 = arith.addf %add3A_664, %get3A_721 : vector<16xf32>
        %add3A_723 = arith.constant 0 : i32
        %add3A_724 = arith.addi %add3A_723, %scan3A_673 : i32
        %get3A_725 = arith.index_cast %add3A_724 : i32 to index
        %get3A_726 = arith.constant 112 : index
        %get3A_727 = tpu.vector_load %arg4[%get3A_725, %get3A_726] {strides = array<i32>} : memref<256x128xf32, #tpu.memory_space<vmem>>, vector<1x16xf32>,
        %get3A_728 = vector.shape_cast %get3A_727 : vector<1x16xf32> to vector<16xf32>
        %add3A_729 = arith.addf %add3A_671, %get3A_728 : vector<16xf32>
        %scan3A_730 = arith.constant 2 : i32
        %scan3A_731 = arith.addi %scan3A_608, %scan3A_730 : i32
        %add3A_732 = arith.constant 0 : i32
        %add3A_733 = arith.addi %add3A_732, %scan3A_731 : i32
        %get3A_734 = arith.index_cast %add3A_733 : i32 to index
        %get3A_735 = arith.constant 0 : index
        %get3A_736 = tpu.vector_load %arg4[%get3A_734, %get3A_735] {strides = array<i32>} : memref<256x128xf32, #tpu.memory_space<vmem>>, vector<1x16xf32>,
        %get3A_737 = vector.shape_cast %get3A_736 : vector<1x16xf32> to vector<16xf32>
        %add3A_738 = arith.addf %add3A_680, %get3A_737 : vector<16xf32>
        %add3A_739 = arith.constant 0 : i32
        %add3A_740 = arith.addi %add3A_739, %scan3A_731 : i32
        %get3A_741 = arith.index_cast %add3A_740 : i32 to index
        %get3A_742 = arith.constant 16 : index
        %get3A_743 = tpu.vector_load %arg4[%get3A_741, %get3A_742] {strides = array<i32>} : memref<256x128xf32, #tpu.memory_space<vmem>>, vector<1x16xf32>,
        %get3A_744 = vector.shape_cast %get3A_743 : vector<1x16xf32> to vector<16xf32>
        %add3A_745 = arith.addf %add3A_687, %get3A_744 : vector<16xf32>
        %add3A_746 = arith.constant 0 : i32
        %add3A_747 = arith.addi %add3A_746, %scan3A_731 : i32
        %get3A_748 = arith.index_cast %add3A_747 : i32 to index
        %get3A_749 = arith.constant 32 : index
        %get3A_750 = tpu.vector_load %arg4[%get3A_748, %get3A_749] {strides = array<i32>} : memref<256x128xf32, #tpu.memory_space<vmem>>, vector<1x16xf32>,
        %get3A_751 = vector.shape_cast %get3A_750 : vector<1x16xf32> to vector<16xf32>
        %add3A_752 = arith.addf %add3A_694, %get3A_751 : vector<16xf32>
        %add3A_753 = arith.constant 0 : i32
        %add3A_754 = arith.addi %add3A_753, %scan3A_731 : i32
        %get3A_755 = arith.index_cast %add3A_754 : i32 to index
        %get3A_756 = arith.constant 48 : index
        %get3A_757 = tpu.vector_load %arg4[%get3A_755, %get3A_756] {strides = array<i32>} : memref<256x128xf32, #tpu.memory_space<vmem>>, vector<1x16xf32>,
        %get3A_758 = vector.shape_cast %get3A_757 : vector<1x16xf32> to vector<16xf32>
        %add3A_759 = arith.addf %add3A_701, %get3A_758 : vector<16xf32>
        %add3A_760 = arith.constant 0 : i32
        %add3A_761 = arith.addi %add3A_760, %scan3A_731 : i32
        %get3A_762 = arith.index_cast %add3A_761 : i32 to index
        %get3A_763 = arith.constant 64 : index
        %get3A_764 = tpu.vector_load %arg4[%get3A_762, %get3A_763] {strides = array<i32>} : memref<256x128xf32, #tpu.memory_space<vmem>>, vector<1x16xf32>,
        %get3A_765 = vector.shape_cast %get3A_764 : vector<1x16xf32> to vector<16xf32>
        %add3A_766 = arith.addf %add3A_708, %get3A_765 : vector<16xf32>
        %add3A_767 = arith.constant 0 : i32
        %add3A_768 = arith.addi %add3A_767, %scan3A_731 : i32
        %get3A_769 = arith.index_cast %add3A_768 : i32 to index
        %get3A_770 = arith.constant 80 : index
        %get3A_771 = tpu.vector_load %arg4[%get3A_769, %get3A_770] {strides = array<i32>} : memref<256x128xf32, #tpu.memory_space<vmem>>, vector<1x16xf32>,
        %get3A_772 = vector.shape_cast %get3A_771 : vector<1x16xf32> to vector<16xf32>
        %add3A_773 = arith.addf %add3A_715, %get3A_772 : vector<16xf32>
        %add3A_774 = arith.constant 0 : i32
        %add3A_775 = arith.addi %add3A_774, %scan3A_731 : i32
        %get3A_776 = arith.index_cast %add3A_775 : i32 to index
        %get3A_777 = arith.constant 96 : index
        %get3A_778 = tpu.vector_load %arg4[%get3A_776, %get3A_777] {strides = array<i32>} : memref<256x128xf32, #tpu.memory_space<vmem>>, vector<1x16xf32>,
        %get3A_779 = vector.shape_cast %get3A_778 : vector<1x16xf32> to vector<16xf32>
        %add3A_780 = arith.addf %add3A_722, %get3A_779 : vector<16xf32>
        %add3A_781 = arith.constant 0 : i32
        %add3A_782 = arith.addi %add3A_781, %scan3A_731 : i32
        %get3A_783 = arith.index_cast %add3A_782 : i32 to index
        %get3A_784 = arith.constant 112 : index
        %get3A_785 = tpu.vector_load %arg4[%get3A_783, %get3A_784] {strides = array<i32>} : memref<256x128xf32, #tpu.memory_space<vmem>>, vector<1x16xf32>,
        %get3A_786 = vector.shape_cast %get3A_785 : vector<1x16xf32> to vector<16xf32>
        %add3A_787 = arith.addf %add3A_729, %get3A_786 : vector<16xf32>
        %scan3A_788 = arith.constant 3 : i32
        %scan3A_789 = arith.addi %scan3A_608, %scan3A_788 : i32
        %add3A_790 = arith.constant 0 : i32
        %add3A_791 = arith.addi %add3A_790, %scan3A_789 : i32
        %get3A_792 = arith.index_cast %add3A_791 : i32 to index
        %get3A_793 = arith.constant 0 : index
        %get3A_794 = tpu.vector_load %arg4[%get3A_792, %get3A_793] {strides = array<i32>} : memref<256x128xf32, #tpu.memory_space<vmem>>, vector<1x16xf32>,
        %get3A_795 = vector.shape_cast %get3A_794 : vector<1x16xf32> to vector<16xf32>
        %add3A_796 = arith.addf %add3A_738, %get3A_795 : vector<16xf32>
        %add3A_797 = arith.constant 0 : i32
        %add3A_798 = arith.addi %add3A_797, %scan3A_789 : i32
        %get3A_799 = arith.index_cast %add3A_798 : i32 to index
        %get3A_800 = arith.constant 16 : index
        %get3A_801 = tpu.vector_load %arg4[%get3A_799, %get3A_800] {strides = array<i32>} : memref<256x128xf32, #tpu.memory_space<vmem>>, vector<1x16xf32>,
        %get3A_802 = vector.shape_cast %get3A_801 : vector<1x16xf32> to vector<16xf32>
        %add3A_803 = arith.addf %add3A_745, %get3A_802 : vector<16xf32>
        %add3A_804 = arith.constant 0 : i32
        %add3A_805 = arith.addi %add3A_804, %scan3A_789 : i32
        %get3A_806 = arith.index_cast %add3A_805 : i32 to index
        %get3A_807 = arith.constant 32 : index
        %get3A_808 = tpu.vector_load %arg4[%get3A_806, %get3A_807] {strides = array<i32>} : memref<256x128xf32, #tpu.memory_space<vmem>>, vector<1x16xf32>,
        %get3A_809 = vector.shape_cast %get3A_808 : vector<1x16xf32> to vector<16xf32>
        %add3A_810 = arith.addf %add3A_752, %get3A_809 : vector<16xf32>
        %add3A_811 = arith.constant 0 : i32
        %add3A_812 = arith.addi %add3A_811, %scan3A_789 : i32
        %get3A_813 = arith.index_cast %add3A_812 : i32 to index
        %get3A_814 = arith.constant 48 : index
        %get3A_815 = tpu.vector_load %arg4[%get3A_813, %get3A_814] {strides = array<i32>} : memref<256x128xf32, #tpu.memory_space<vmem>>, vector<1x16xf32>,
        %get3A_816 = vector.shape_cast %get3A_815 : vector<1x16xf32> to vector<16xf32>
        %add3A_817 = arith.addf %add3A_759, %get3A_816 : vector<16xf32>
        %add3A_818 = arith.constant 0 : i32
        %add3A_819 = arith.addi %add3A_818, %scan3A_789 : i32
        %get3A_820 = arith.index_cast %add3A_819 : i32 to index
        %get3A_821 = arith.constant 64 : index
        %get3A_822 = tpu.vector_load %arg4[%get3A_820, %get3A_821] {strides = array<i32>} : memref<256x128xf32, #tpu.memory_space<vmem>>, vector<1x16xf32>,
        %get3A_823 = vector.shape_cast %get3A_822 : vector<1x16xf32> to vector<16xf32>
        %add3A_824 = arith.addf %add3A_766, %get3A_823 : vector<16xf32>
        %add3A_825 = arith.constant 0 : i32
        %add3A_826 = arith.addi %add3A_825, %scan3A_789 : i32
        %get3A_827 = arith.index_cast %add3A_826 : i32 to index
        %get3A_828 = arith.constant 80 : index
        %get3A_829 = tpu.vector_load %arg4[%get3A_827, %get3A_828] {strides = array<i32>} : memref<256x128xf32, #tpu.memory_space<vmem>>, vector<1x16xf32>,
        %get3A_830 = vector.shape_cast %get3A_829 : vector<1x16xf32> to vector<16xf32>
        %add3A_831 = arith.addf %add3A_773, %get3A_830 : vector<16xf32>
        %add3A_832 = arith.constant 0 : i32
        %add3A_833 = arith.addi %add3A_832, %scan3A_789 : i32
        %get3A_834 = arith.index_cast %add3A_833 : i32 to index
        %get3A_835 = arith.constant 96 : index
        %get3A_836 = tpu.vector_load %arg4[%get3A_834, %get3A_835] {strides = array<i32>} : memref<256x128xf32, #tpu.memory_space<vmem>>, vector<1x16xf32>,
        %get3A_837 = vector.shape_cast %get3A_836 : vector<1x16xf32> to vector<16xf32>
        %add3A_838 = arith.addf %add3A_780, %get3A_837 : vector<16xf32>
        %add3A_839 = arith.constant 0 : i32
        %add3A_840 = arith.addi %add3A_839, %scan3A_789 : i32
        %get3A_841 = arith.index_cast %add3A_840 : i32 to index
        %get3A_842 = arith.constant 112 : index
        %get3A_843 = tpu.vector_load %arg4[%get3A_841, %get3A_842] {strides = array<i32>} : memref<256x128xf32, #tpu.memory_space<vmem>>, vector<1x16xf32>,
        %get3A_844 = vector.shape_cast %get3A_843 : vector<1x16xf32> to vector<16xf32>
        %add3A_845 = arith.addf %add3A_787, %get3A_844 : vector<16xf32>
        scf.yield %add3A_796, %add3A_803, %add3A_810, %add3A_817, %add3A_824, %add3A_831, %add3A_838, %add3A_845 : vector<16xf32>, vector<16xf32>, vector<16xf32>, vector<16xf32>, vector<16xf32>, vector<16xf32>, vector<16xf32>, vector<16xf32>
      }
      %scan3A_67 = arith.constant 32 : i32
      %swap3A = arith.constant 0 : i32
      %swap3A_68 = arith.index_cast %swap3A : i32 to index
      %swap3A_69 = arith.constant 0 : index
      %swap3A_70 = tpu.vector_load %arg6[%swap3A_68, %swap3A_69] {strides = array<i32>} : memref<8x128xf32, #tpu.memory_space<vmem>>, vector<1x16xf32>,
      %swap3A_71 = vector.shape_cast %swap3A_70 : vector<1x16xf32> to vector<16xf32>
      %swap3A_72 = vector.shape_cast %scan3A_66#0 : vector<16xf32> to vector<1x16xf32>
      tpu.vector_store %arg6[%swap3A_68, %swap3A_69], %swap3A_72 {strides = array<i32>} : memref<8x128xf32, #tpu.memory_space<vmem>>, vector<1x16xf32>,
      %swap3A_73 = arith.constant 0 : i32
      %swap3A_74 = arith.index_cast %swap3A_73 : i32 to index
      %swap3A_75 = arith.constant 16 : index
      %swap3A_76 = tpu.vector_load %arg6[%swap3A_74, %swap3A_75] {strides = array<i32>} : memref<8x128xf32, #tpu.memory_space<vmem>>, vector<1x16xf32>,
      %swap3A_77 = vector.shape_cast %swap3A_76 : vector<1x16xf32> to vector<16xf32>
      %swap3A_78 = vector.shape_cast %scan3A_66#1 : vector<16xf32> to vector<1x16xf32>
      tpu.vector_store %arg6[%swap3A_74, %swap3A_75], %swap3A_78 {strides = array<i32>} : memref<8x128xf32, #tpu.memory_space<vmem>>, vector<1x16xf32>,
      %swap3A_79 = arith.constant 0 : i32
      %swap3A_80 = arith.index_cast %swap3A_79 : i32 to index
      %swap3A_81 = arith.constant 32 : index
      %swap3A_82 = tpu.vector_load %arg6[%swap3A_80, %swap3A_81] {strides = array<i32>} : memref<8x128xf32, #tpu.memory_space<vmem>>, vector<1x16xf32>,
      %swap3A_83 = vector.shape_cast %swap3A_82 : vector<1x16xf32> to vector<16xf32>
      %swap3A_84 = vector.shape_cast %scan3A_66#2 : vector<16xf32> to vector<1x16xf32>
      tpu.vector_store %arg6[%swap3A_80, %swap3A_81], %swap3A_84 {strides = array<i32>} : memref<8x128xf32, #tpu.memory_space<vmem>>, vector<1x16xf32>,
      %swap3A_85 = arith.constant 0 : i32
      %swap3A_86 = arith.index_cast %swap3A_85 : i32 to index
      %swap3A_87 = arith.constant 48 : index
      %swap3A_88 = tpu.vector_load %arg6[%swap3A_86, %swap3A_87] {strides = array<i32>} : memref<8x128xf32, #tpu.memory_space<vmem>>, vector<1x16xf32>,
      %swap3A_89 = vector.shape_cast %swap3A_88 : vector<1x16xf32> to vector<16xf32>
      %swap3A_90 = vector.shape_cast %scan3A_66#3 : vector<16xf32> to vector<1x16xf32>
      tpu.vector_store %arg6[%swap3A_86, %swap3A_87], %swap3A_90 {strides = array<i32>} : memref<8x128xf32, #tpu.memory_space<vmem>>, vector<1x16xf32>,
      %swap3A_91 = arith.constant 0 : i32
      %swap3A_92 = arith.index_cast %swap3A_91 : i32 to index
      %swap3A_93 = arith.constant 64 : index
      %swap3A_94 = tpu.vector_load %arg6[%swap3A_92, %swap3A_93] {strides = array<i32>} : memref<8x128xf32, #tpu.memory_space<vmem>>, vector<1x16xf32>,
      %swap3A_95 = vector.shape_cast %swap3A_94 : vector<1x16xf32> to vector<16xf32>
      %swap3A_96 = vector.shape_cast %scan3A_66#4 : vector<16xf32> to vector<1x16xf32>
      tpu.vector_store %arg6[%swap3A_92, %swap3A_93], %swap3A_96 {strides = array<i32>} : memref<8x128xf32, #tpu.memory_space<vmem>>, vector<1x16xf32>,
      %swap3A_97 = arith.constant 0 : i32
      %swap3A_98 = arith.index_cast %swap3A_97 : i32 to index
      %swap3A_99 = arith.constant 80 : index
      %swap3A_100 = tpu.vector_load %arg6[%swap3A_98, %swap3A_99] {strides = array<i32>} : memref<8x128xf32, #tpu.memory_space<vmem>>, vector<1x16xf32>,
      %swap3A_101 = vector.shape_cast %swap3A_100 : vector<1x16xf32> to vector<16xf32>
      %swap3A_102 = vector.shape_cast %scan3A_66#5 : vector<16xf32> to vector<1x16xf32>
      tpu.vector_store %arg6[%swap3A_98, %swap3A_99], %swap3A_102 {strides = array<i32>} : memref<8x128xf32, #tpu.memory_space<vmem>>, vector<1x16xf32>,
      %swap3A_103 = arith.constant 0 : i32
      %swap3A_104 = arith.index_cast %swap3A_103 : i32 to index
      %swap3A_105 = arith.constant 96 : index
      %swap3A_106 = tpu.vector_load %arg6[%swap3A_104, %swap3A_105] {strides = array<i32>} : memref<8x128xf32, #tpu.memory_space<vmem>>, vector<1x16xf32>,
      %swap3A_107 = vector.shape_cast %swap3A_106 : vector<1x16xf32> to vector<16xf32>
      %swap3A_108 = vector.shape_cast %scan3A_66#6 : vector<16xf32> to vector<1x16xf32>
      tpu.vector_store %arg6[%swap3A_104, %swap3A_105], %swap3A_108 {strides = array<i32>} : memref<8x128xf32, #tpu.memory_space<vmem>>, vector<1x16xf32>,
      %swap3A_109 = arith.constant 0 : i32
      %swap3A_110 = arith.index_cast %swap3A_109 : i32 to index
      %swap3A_111 = arith.constant 112 : index
      %swap3A_112 = tpu.vector_load %arg6[%swap3A_110, %swap3A_111] {strides = array<i32>} : memref<8x128xf32, #tpu.memory_space<vmem>>, vector<1x16xf32>,
      %swap3A_113 = vector.shape_cast %swap3A_112 : vector<1x16xf32> to vector<16xf32>
      %swap3A_114 = vector.shape_cast %scan3A_66#7 : vector<16xf32> to vector<1x16xf32>
      tpu.vector_store %arg6[%swap3A_110, %swap3A_111], %swap3A_114 {strides = array<i32>} : memref<8x128xf32, #tpu.memory_space<vmem>>, vector<1x16xf32>,
      %broadcast_in_dim3A_115 = arith.constant 0.000000e+00 : f32
      %broadcast_in_dim3A_116 = vector.broadcast %broadcast_in_dim3A_115 : f32 to vector<16xf32>
      %broadcast_in_dim3A_117 = arith.constant 0.000000e+00 : f32
      %broadcast_in_dim3A_118 = vector.broadcast %broadcast_in_dim3A_117 : f32 to vector<16xf32>
      %broadcast_in_dim3A_119 = arith.constant 0.000000e+00 : f32
      %broadcast_in_dim3A_120 = vector.broadcast %broadcast_in_dim3A_119 : f32 to vector<16xf32>
      %broadcast_in_dim3A_121 = arith.constant 0.000000e+00 : f32
      %broadcast_in_dim3A_122 = vector.broadcast %broadcast_in_dim3A_121 : f32 to vector<16xf32>
      %broadcast_in_dim3A_123 = arith.constant 0.000000e+00 : f32
      %broadcast_in_dim3A_124 = vector.broadcast %broadcast_in_dim3A_123 : f32 to vector<16xf32>
      %broadcast_in_dim3A_125 = arith.constant 0.000000e+00 : f32
      %broadcast_in_dim3A_126 = vector.broadcast %broadcast_in_dim3A_125 : f32 to vector<16xf32>
      %broadcast_in_dim3A_127 = arith.constant 0.000000e+00 : f32
      %broadcast_in_dim3A_128 = vector.broadcast %broadcast_in_dim3A_127 : f32 to vector<16xf32>
      %broadcast_in_dim3A_129 = arith.constant 0.000000e+00 : f32
      %broadcast_in_dim3A_130 = vector.broadcast %broadcast_in_dim3A_129 : f32 to vector<16xf32>
      %scan3A_131 = arith.constant 0 : i32
      %scan3A_132 = arith.constant 32 : i32
      %scan3A_133 = arith.addi %scan3A_131, %scan3A_132 : i32
      %scan3A_134 = arith.constant 4 : i32
      %scan3A_135:8 = scf.for %scan3A_608 = %scan3A_131 to %scan3A_133 step %scan3A_134 iter_args(%scan3A_609 = %broadcast_in_dim3A_116, %scan3A_610 = %broadcast_in_dim3A_118, %scan3A_611 = %broadcast_in_dim3A_120, %scan3A_612 = %broadcast_in_dim3A_122, %scan3A_613 = %broadcast_in_dim3A_124, %scan3A_614 = %broadcast_in_dim3A_126, %scan3A_615 = %broadcast_in_dim3A_128, %scan3A_616 = %broadcast_in_dim3A_130) -> (vector<16xf32>, vector<16xf32>, vector<16xf32>, vector<16xf32>, vector<16xf32>, vector<16xf32>, vector<16xf32>, vector<16xf32>)  : i32 {
        %add3A_617 = arith.constant 32 : i32
        %add3A_618 = arith.addi %add3A_617, %scan3A_608 : i32
        %get3A = arith.index_cast %add3A_618 : i32 to index
        %get3A_619 = arith.constant 0 : index
        %get3A_620 = tpu.vector_load %arg4[%get3A, %get3A_619] {strides = array<i32>} : memref<256x128xf32, #tpu.memory_space<vmem>>, vector<1x16xf32>,
        %get3A_621 = vector.shape_cast %get3A_620 : vector<1x16xf32> to vector<16xf32>
        %add3A_622 = arith.addf %scan3A_609, %get3A_621 : vector<16xf32>
        %add3A_623 = arith.constant 32 : i32
        %add3A_624 = arith.addi %add3A_623, %scan3A_608 : i32
        %get3A_625 = arith.index_cast %add3A_624 : i32 to index
        %get3A_626 = arith.constant 16 : index
        %get3A_627 = tpu.vector_load %arg4[%get3A_625, %get3A_626] {strides = array<i32>} : memref<256x128xf32, #tpu.memory_space<vmem>>, vector<1x16xf32>,
        %get3A_628 = vector.shape_cast %get3A_627 : vector<1x16xf32> to vector<16xf32>
        %add3A_629 = arith.addf %scan3A_610, %get3A_628 : vector<16xf32>
        %add3A_630 = arith.constant 32 : i32
        %add3A_631 = arith.addi %add3A_630, %scan3A_608 : i32
        %get3A_632 = arith.index_cast %add3A_631 : i32 to index
        %get3A_633 = arith.constant 32 : index
        %get3A_634 = tpu.vector_load %arg4[%get3A_632, %get3A_633] {strides = array<i32>} : memref<256x128xf32, #tpu.memory_space<vmem>>, vector<1x16xf32>,
        %get3A_635 = vector.shape_cast %get3A_634 : vector<1x16xf32> to vector<16xf32>
        %add3A_636 = arith.addf %scan3A_611, %get3A_635 : vector<16xf32>
        %add3A_637 = arith.constant 32 : i32
        %add3A_638 = arith.addi %add3A_637, %scan3A_608 : i32
        %get3A_639 = arith.index_cast %add3A_638 : i32 to index
        %get3A_640 = arith.constant 48 : index
        %get3A_641 = tpu.vector_load %arg4[%get3A_639, %get3A_640] {strides = array<i32>} : memref<256x128xf32, #tpu.memory_space<vmem>>, vector<1x16xf32>,
        %get3A_642 = vector.shape_cast %get3A_641 : vector<1x16xf32> to vector<16xf32>
        %add3A_643 = arith.addf %scan3A_612, %get3A_642 : vector<16xf32>
        %add3A_644 = arith.constant 32 : i32
        %add3A_645 = arith.addi %add3A_644, %scan3A_608 : i32
        %get3A_646 = arith.index_cast %add3A_645 : i32 to index
        %get3A_647 = arith.constant 64 : index
        %get3A_648 = tpu.vector_load %arg4[%get3A_646, %get3A_647] {strides = array<i32>} : memref<256x128xf32, #tpu.memory_space<vmem>>, vector<1x16xf32>,
        %get3A_649 = vector.shape_cast %get3A_648 : vector<1x16xf32> to vector<16xf32>
        %add3A_650 = arith.addf %scan3A_613, %get3A_649 : vector<16xf32>
        %add3A_651 = arith.constant 32 : i32
        %add3A_652 = arith.addi %add3A_651, %scan3A_608 : i32
        %get3A_653 = arith.index_cast %add3A_652 : i32 to index
        %get3A_654 = arith.constant 80 : index
        %get3A_655 = tpu.vector_load %arg4[%get3A_653, %get3A_654] {strides = array<i32>} : memref<256x128xf32, #tpu.memory_space<vmem>>, vector<1x16xf32>,
        %get3A_656 = vector.shape_cast %get3A_655 : vector<1x16xf32> to vector<16xf32>
        %add3A_657 = arith.addf %scan3A_614, %get3A_656 : vector<16xf32>
        %add3A_658 = arith.constant 32 : i32
        %add3A_659 = arith.addi %add3A_658, %scan3A_608 : i32
        %get3A_660 = arith.index_cast %add3A_659 : i32 to index
        %get3A_661 = arith.constant 96 : index
        %get3A_662 = tpu.vector_load %arg4[%get3A_660, %get3A_661] {strides = array<i32>} : memref<256x128xf32, #tpu.memory_space<vmem>>, vector<1x16xf32>,
        %get3A_663 = vector.shape_cast %get3A_662 : vector<1x16xf32> to vector<16xf32>
        %add3A_664 = arith.addf %scan3A_615, %get3A_663 : vector<16xf32>
        %add3A_665 = arith.constant 32 : i32
        %add3A_666 = arith.addi %add3A_665, %scan3A_608 : i32
        %get3A_667 = arith.index_cast %add3A_666 : i32 to index
        %get3A_668 = arith.constant 112 : index
        %get3A_669 = tpu.vector_load %arg4[%get3A_667, %get3A_668] {strides = array<i32>} : memref<256x128xf32, #tpu.memory_space<vmem>>, vector<1x16xf32>,
        %get3A_670 = vector.shape_cast %get3A_669 : vector<1x16xf32> to vector<16xf32>
        %add3A_671 = arith.addf %scan3A_616, %get3A_670 : vector<16xf32>
        %scan3A_672 = arith.constant 1 : i32
        %scan3A_673 = arith.addi %scan3A_608, %scan3A_672 : i32
        %add3A_674 = arith.constant 32 : i32
        %add3A_675 = arith.addi %add3A_674, %scan3A_673 : i32
        %get3A_676 = arith.index_cast %add3A_675 : i32 to index
        %get3A_677 = arith.constant 0 : index
        %get3A_678 = tpu.vector_load %arg4[%get3A_676, %get3A_677] {strides = array<i32>} : memref<256x128xf32, #tpu.memory_space<vmem>>, vector<1x16xf32>,
        %get3A_679 = vector.shape_cast %get3A_678 : vector<1x16xf32> to vector<16xf32>
        %add3A_680 = arith.addf %add3A_622, %get3A_679 : vector<16xf32>
        %add3A_681 = arith.constant 32 : i32
        %add3A_682 = arith.addi %add3A_681, %scan3A_673 : i32
        %get3A_683 = arith.index_cast %add3A_682 : i32 to index
        %get3A_684 = arith.constant 16 : index
        %get3A_685 = tpu.vector_load %arg4[%get3A_683, %get3A_684] {strides = array<i32>} : memref<256x128xf32, #tpu.memory_space<vmem>>, vector<1x16xf32>,
        %get3A_686 = vector.shape_cast %get3A_685 : vector<1x16xf32> to vector<16xf32>
        %add3A_687 = arith.addf %add3A_629, %get3A_686 : vector<16xf32>
        %add3A_688 = arith.constant 32 : i32
        %add3A_689 = arith.addi %add3A_688, %scan3A_673 : i32
        %get3A_690 = arith.index_cast %add3A_689 : i32 to index
        %get3A_691 = arith.constant 32 : index
        %get3A_692 = tpu.vector_load %arg4[%get3A_690, %get3A_691] {strides = array<i32>} : memref<256x128xf32, #tpu.memory_space<vmem>>, vector<1x16xf32>,
        %get3A_693 = vector.shape_cast %get3A_692 : vector<1x16xf32> to vector<16xf32>
        %add3A_694 = arith.addf %add3A_636, %get3A_693 : vector<16xf32>
        %add3A_695 = arith.constant 32 : i32
        %add3A_696 = arith.addi %add3A_695, %scan3A_673 : i32
        %get3A_697 = arith.index_cast %add3A_696 : i32 to index
        %get3A_698 = arith.constant 48 : index
        %get3A_699 = tpu.vector_load %arg4[%get3A_697, %get3A_698] {strides = array<i32>} : memref<256x128xf32, #tpu.memory_space<vmem>>, vector<1x16xf32>,
        %get3A_700 = vector.shape_cast %get3A_699 : vector<1x16xf32> to vector<16xf32>
        %add3A_701 = arith.addf %add3A_643, %get3A_700 : vector<16xf32>
        %add3A_702 = arith.constant 32 : i32
        %add3A_703 = arith.addi %add3A_702, %scan3A_673 : i32
        %get3A_704 = arith.index_cast %add3A_703 : i32 to index
        %get3A_705 = arith.constant 64 : index
        %get3A_706 = tpu.vector_load %arg4[%get3A_704, %get3A_705] {strides = array<i32>} : memref<256x128xf32, #tpu.memory_space<vmem>>, vector<1x16xf32>,
        %get3A_707 = vector.shape_cast %get3A_706 : vector<1x16xf32> to vector<16xf32>
        %add3A_708 = arith.addf %add3A_650, %get3A_707 : vector<16xf32>
        %add3A_709 = arith.constant 32 : i32
        %add3A_710 = arith.addi %add3A_709, %scan3A_673 : i32
        %get3A_711 = arith.index_cast %add3A_710 : i32 to index
        %get3A_712 = arith.constant 80 : index
        %get3A_713 = tpu.vector_load %arg4[%get3A_711, %get3A_712] {strides = array<i32>} : memref<256x128xf32, #tpu.memory_space<vmem>>, vector<1x16xf32>,
        %get3A_714 = vector.shape_cast %get3A_713 : vector<1x16xf32> to vector<16xf32>
        %add3A_715 = arith.addf %add3A_657, %get3A_714 : vector<16xf32>
        %add3A_716 = arith.constant 32 : i32
        %add3A_717 = arith.addi %add3A_716, %scan3A_673 : i32
        %get3A_718 = arith.index_cast %add3A_717 : i32 to index
        %get3A_719 = arith.constant 96 : index
        %get3A_720 = tpu.vector_load %arg4[%get3A_718, %get3A_719] {strides = array<i32>} : memref<256x128xf32, #tpu.memory_space<vmem>>, vector<1x16xf32>,
        %get3A_721 = vector.shape_cast %get3A_720 : vector<1x16xf32> to vector<16xf32>
        %add3A_722 = arith.addf %add3A_664, %get3A_721 : vector<16xf32>
        %add3A_723 = arith.constant 32 : i32
        %add3A_724 = arith.addi %add3A_723, %scan3A_673 : i32
        %get3A_725 = arith.index_cast %add3A_724 : i32 to index
        %get3A_726 = arith.constant 112 : index
        %get3A_727 = tpu.vector_load %arg4[%get3A_725, %get3A_726] {strides = array<i32>} : memref<256x128xf32, #tpu.memory_space<vmem>>, vector<1x16xf32>,
        %get3A_728 = vector.shape_cast %get3A_727 : vector<1x16xf32> to vector<16xf32>
        %add3A_729 = arith.addf %add3A_671, %get3A_728 : vector<16xf32>
        %scan3A_730 = arith.constant 2 : i32
        %scan3A_731 = arith.addi %scan3A_608, %scan3A_730 : i32
        %add3A_732 = arith.constant 32 : i32
        %add3A_733 = arith.addi %add3A_732, %scan3A_731 : i32
        %get3A_734 = arith.index_cast %add3A_733 : i32 to index
        %get3A_735 = arith.constant 0 : index
        %get3A_736 = tpu.vector_load %arg4[%get3A_734, %get3A_735] {strides = array<i32>} : memref<256x128xf32, #tpu.memory_space<vmem>>, vector<1x16xf32>,
        %get3A_737 = vector.shape_cast %get3A_736 : vector<1x16xf32> to vector<16xf32>
        %add3A_738 = arith.addf %add3A_680, %get3A_737 : vector<16xf32>
        %add3A_739 = arith.constant 32 : i32
        %add3A_740 = arith.addi %add3A_739, %scan3A_731 : i32
        %get3A_741 = arith.index_cast %add3A_740 : i32 to index
        %get3A_742 = arith.constant 16 : index
        %get3A_743 = tpu.vector_load %arg4[%get3A_741, %get3A_742] {strides = array<i32>} : memref<256x128xf32, #tpu.memory_space<vmem>>, vector<1x16xf32>,
        %get3A_744 = vector.shape_cast %get3A_743 : vector<1x16xf32> to vector<16xf32>
        %add3A_745 = arith.addf %add3A_687, %get3A_744 : vector<16xf32>
        %add3A_746 = arith.constant 32 : i32
        %add3A_747 = arith.addi %add3A_746, %scan3A_731 : i32
        %get3A_748 = arith.index_cast %add3A_747 : i32 to index
        %get3A_749 = arith.constant 32 : index
        %get3A_750 = tpu.vector_load %arg4[%get3A_748, %get3A_749] {strides = array<i32>} : memref<256x128xf32, #tpu.memory_space<vmem>>, vector<1x16xf32>,
        %get3A_751 = vector.shape_cast %get3A_750 : vector<1x16xf32> to vector<16xf32>
        %add3A_752 = arith.addf %add3A_694, %get3A_751 : vector<16xf32>
        %add3A_753 = arith.constant 32 : i32
        %add3A_754 = arith.addi %add3A_753, %scan3A_731 : i32
        %get3A_755 = arith.index_cast %add3A_754 : i32 to index
        %get3A_756 = arith.constant 48 : index
        %get3A_757 = tpu.vector_load %arg4[%get3A_755, %get3A_756] {strides = array<i32>} : memref<256x128xf32, #tpu.memory_space<vmem>>, vector<1x16xf32>,
        %get3A_758 = vector.shape_cast %get3A_757 : vector<1x16xf32> to vector<16xf32>
        %add3A_759 = arith.addf %add3A_701, %get3A_758 : vector<16xf32>
        %add3A_760 = arith.constant 32 : i32
        %add3A_761 = arith.addi %add3A_760, %scan3A_731 : i32
        %get3A_762 = arith.index_cast %add3A_761 : i32 to index
        %get3A_763 = arith.constant 64 : index
        %get3A_764 = tpu.vector_load %arg4[%get3A_762, %get3A_763] {strides = array<i32>} : memref<256x128xf32, #tpu.memory_space<vmem>>, vector<1x16xf32>,
        %get3A_765 = vector.shape_cast %get3A_764 : vector<1x16xf32> to vector<16xf32>
        %add3A_766 = arith.addf %add3A_708, %get3A_765 : vector<16xf32>
        %add3A_767 = arith.constant 32 : i32
        %add3A_768 = arith.addi %add3A_767, %scan3A_731 : i32
        %get3A_769 = arith.index_cast %add3A_768 : i32 to index
        %get3A_770 = arith.constant 80 : index
        %get3A_771 = tpu.vector_load %arg4[%get3A_769, %get3A_770] {strides = array<i32>} : memref<256x128xf32, #tpu.memory_space<vmem>>, vector<1x16xf32>,
        %get3A_772 = vector.shape_cast %get3A_771 : vector<1x16xf32> to vector<16xf32>
        %add3A_773 = arith.addf %add3A_715, %get3A_772 : vector<16xf32>
        %add3A_774 = arith.constant 32 : i32
        %add3A_775 = arith.addi %add3A_774, %scan3A_731 : i32
        %get3A_776 = arith.index_cast %add3A_775 : i32 to index
        %get3A_777 = arith.constant 96 : index
        %get3A_778 = tpu.vector_load %arg4[%get3A_776, %get3A_777] {strides = array<i32>} : memref<256x128xf32, #tpu.memory_space<vmem>>, vector<1x16xf32>,
        %get3A_779 = vector.shape_cast %get3A_778 : vector<1x16xf32> to vector<16xf32>
        %add3A_780 = arith.addf %add3A_722, %get3A_779 : vector<16xf32>
        %add3A_781 = arith.constant 32 : i32
        %add3A_782 = arith.addi %add3A_781, %scan3A_731 : i32
        %get3A_783 = arith.index_cast %add3A_782 : i32 to index
        %get3A_784 = arith.constant 112 : index
        %get3A_785 = tpu.vector_load %arg4[%get3A_783, %get3A_784] {strides = array<i32>} : memref<256x128xf32, #tpu.memory_space<vmem>>, vector<1x16xf32>,
        %get3A_786 = vector.shape_cast %get3A_785 : vector<1x16xf32> to vector<16xf32>
        %add3A_787 = arith.addf %add3A_729, %get3A_786 : vector<16xf32>
        %scan3A_788 = arith.constant 3 : i32
        %scan3A_789 = arith.addi %scan3A_608, %scan3A_788 : i32
        %add3A_790 = arith.constant 32 : i32
        %add3A_791 = arith.addi %add3A_790, %scan3A_789 : i32
        %get3A_792 = arith.index_cast %add3A_791 : i32 to index
        %get3A_793 = arith.constant 0 : index
        %get3A_794 = tpu.vector_load %arg4[%get3A_792, %get3A_793] {strides = array<i32>} : memref<256x128xf32, #tpu.memory_space<vmem>>, vector<1x16xf32>,
        %get3A_795 = vector.shape_cast %get3A_794 : vector<1x16xf32> to vector<16xf32>
        %add3A_796 = arith.addf %add3A_738, %get3A_795 : vector<16xf32>
        %add3A_797 = arith.constant 32 : i32
        %add3A_798 = arith.addi %add3A_797, %scan3A_789 : i32
        %get3A_799 = arith.index_cast %add3A_798 : i32 to index
        %get3A_800 = arith.constant 16 : index
        %get3A_801 = tpu.vector_load %arg4[%get3A_799, %get3A_800] {strides = array<i32>} : memref<256x128xf32, #tpu.memory_space<vmem>>, vector<1x16xf32>,
        %get3A_802 = vector.shape_cast %get3A_801 : vector<1x16xf32> to vector<16xf32>
        %add3A_803 = arith.addf %add3A_745, %get3A_802 : vector<16xf32>
        %add3A_804 = arith.constant 32 : i32
        %add3A_805 = arith.addi %add3A_804, %scan3A_789 : i32
        %get3A_806 = arith.index_cast %add3A_805 : i32 to index
        %get3A_807 = arith.constant 32 : index
        %get3A_808 = tpu.vector_load %arg4[%get3A_806, %get3A_807] {strides = array<i32>} : memref<256x128xf32, #tpu.memory_space<vmem>>, vector<1x16xf32>,
        %get3A_809 = vector.shape_cast %get3A_808 : vector<1x16xf32> to vector<16xf32>
        %add3A_810 = arith.addf %add3A_752, %get3A_809 : vector<16xf32>
        %add3A_811 = arith.constant 32 : i32
        %add3A_812 = arith.addi %add3A_811, %scan3A_789 : i32
        %get3A_813 = arith.index_cast %add3A_812 : i32 to index
        %get3A_814 = arith.constant 48 : index
        %get3A_815 = tpu.vector_load %arg4[%get3A_813, %get3A_814] {strides = array<i32>} : memref<256x128xf32, #tpu.memory_space<vmem>>, vector<1x16xf32>,
        %get3A_816 = vector.shape_cast %get3A_815 : vector<1x16xf32> to vector<16xf32>
        %add3A_817 = arith.addf %add3A_759, %get3A_816 : vector<16xf32>
        %add3A_818 = arith.constant 32 : i32
        %add3A_819 = arith.addi %add3A_818, %scan3A_789 : i32
        %get3A_820 = arith.index_cast %add3A_819 : i32 to index
        %get3A_821 = arith.constant 64 : index
        %get3A_822 = tpu.vector_load %arg4[%get3A_820, %get3A_821] {strides = array<i32>} : memref<256x128xf32, #tpu.memory_space<vmem>>, vector<1x16xf32>,
        %get3A_823 = vector.shape_cast %get3A_822 : vector<1x16xf32> to vector<16xf32>
        %add3A_824 = arith.addf %add3A_766, %get3A_823 : vector<16xf32>
        %add3A_825 = arith.constant 32 : i32
        %add3A_826 = arith.addi %add3A_825, %scan3A_789 : i32
        %get3A_827 = arith.index_cast %add3A_826 : i32 to index
        %get3A_828 = arith.constant 80 : index
        %get3A_829 = tpu.vector_load %arg4[%get3A_827, %get3A_828] {strides = array<i32>} : memref<256x128xf32, #tpu.memory_space<vmem>>, vector<1x16xf32>,
        %get3A_830 = vector.shape_cast %get3A_829 : vector<1x16xf32> to vector<16xf32>
        %add3A_831 = arith.addf %add3A_773, %get3A_830 : vector<16xf32>
        %add3A_832 = arith.constant 32 : i32
        %add3A_833 = arith.addi %add3A_832, %scan3A_789 : i32
        %get3A_834 = arith.index_cast %add3A_833 : i32 to index
        %get3A_835 = arith.constant 96 : index
        %get3A_836 = tpu.vector_load %arg4[%get3A_834, %get3A_835] {strides = array<i32>} : memref<256x128xf32, #tpu.memory_space<vmem>>, vector<1x16xf32>,
        %get3A_837 = vector.shape_cast %get3A_836 : vector<1x16xf32> to vector<16xf32>
        %add3A_838 = arith.addf %add3A_780, %get3A_837 : vector<16xf32>
        %add3A_839 = arith.constant 32 : i32
        %add3A_840 = arith.addi %add3A_839, %scan3A_789 : i32
        %get3A_841 = arith.index_cast %add3A_840 : i32 to index
        %get3A_842 = arith.constant 112 : index
        %get3A_843 = tpu.vector_load %arg4[%get3A_841, %get3A_842] {strides = array<i32>} : memref<256x128xf32, #tpu.memory_space<vmem>>, vector<1x16xf32>,
        %get3A_844 = vector.shape_cast %get3A_843 : vector<1x16xf32> to vector<16xf32>
        %add3A_845 = arith.addf %add3A_787, %get3A_844 : vector<16xf32>
        scf.yield %add3A_796, %add3A_803, %add3A_810, %add3A_817, %add3A_824, %add3A_831, %add3A_838, %add3A_845 : vector<16xf32>, vector<16xf32>, vector<16xf32>, vector<16xf32>, vector<16xf32>, vector<16xf32>, vector<16xf32>, vector<16xf32>
      }
      %scan3A_136 = arith.constant 32 : i32
      %swap3A_137 = arith.constant 1 : i32
      %swap3A_138 = arith.index_cast %swap3A_137 : i32 to index
      %swap3A_139 = arith.constant 0 : index
      %swap3A_140 = tpu.vector_load %arg6[%swap3A_138, %swap3A_139] {strides = array<i32>} : memref<8x128xf32, #tpu.memory_space<vmem>>, vector<1x16xf32>,
      %swap3A_141 = vector.shape_cast %swap3A_140 : vector<1x16xf32> to vector<16xf32>
      %swap3A_142 = vector.shape_cast %scan3A_135#0 : vector<16xf32> to vector<1x16xf32>
      tpu.vector_store %arg6[%swap3A_138, %swap3A_139], %swap3A_142 {strides = array<i32>} : memref<8x128xf32, #tpu.memory_space<vmem>>, vector<1x16xf32>,
      %swap3A_143 = arith.constant 1 : i32
      %swap3A_144 = arith.index_cast %swap3A_143 : i32 to index
      %swap3A_145 = arith.constant 16 : index
      %swap3A_146 = tpu.vector_load %arg6[%swap3A_144, %swap3A_145] {strides = array<i32>} : memref<8x128xf32, #tpu.memory_space<vmem>>, vector<1x16xf32>,
      %swap3A_147 = vector.shape_cast %swap3A_146 : vector<1x16xf32> to vector<16xf32>
      %swap3A_148 = vector.shape_cast %scan3A_135#1 : vector<16xf32> to vector<1x16xf32>
      tpu.vector_store %arg6[%swap3A_144, %swap3A_145], %swap3A_148 {strides = array<i32>} : memref<8x128xf32, #tpu.memory_space<vmem>>, vector<1x16xf32>,
      %swap3A_149 = arith.constant 1 : i32
      %swap3A_150 = arith.index_cast %swap3A_149 : i32 to index
      %swap3A_151 = arith.constant 32 : index
      %swap3A_152 = tpu.vector_load %arg6[%swap3A_150, %swap3A_151] {strides = array<i32>} : memref<8x128xf32, #tpu.memory_space<vmem>>, vector<1x16xf32>,
      %swap3A_153 = vector.shape_cast %swap3A_152 : vector<1x16xf32> to vector<16xf32>
      %swap3A_154 = vector.shape_cast %scan3A_135#2 : vector<16xf32> to vector<1x16xf32>
      tpu.vector_store %arg6[%swap3A_150, %swap3A_151], %swap3A_154 {strides = array<i32>} : memref<8x128xf32, #tpu.memory_space<vmem>>, vector<1x16xf32>,
      %swap3A_155 = arith.constant 1 : i32
      %swap3A_156 = arith.index_cast %swap3A_155 : i32 to index
      %swap3A_157 = arith.constant 48 : index
      %swap3A_158 = tpu.vector_load %arg6[%swap3A_156, %swap3A_157] {strides = array<i32>} : memref<8x128xf32, #tpu.memory_space<vmem>>, vector<1x16xf32>,
      %swap3A_159 = vector.shape_cast %swap3A_158 : vector<1x16xf32> to vector<16xf32>
      %swap3A_160 = vector.shape_cast %scan3A_135#3 : vector<16xf32> to vector<1x16xf32>
      tpu.vector_store %arg6[%swap3A_156, %swap3A_157], %swap3A_160 {strides = array<i32>} : memref<8x128xf32, #tpu.memory_space<vmem>>, vector<1x16xf32>,
      %swap3A_161 = arith.constant 1 : i32
      %swap3A_162 = arith.index_cast %swap3A_161 : i32 to index
      %swap3A_163 = arith.constant 64 : index
      %swap3A_164 = tpu.vector_load %arg6[%swap3A_162, %swap3A_163] {strides = array<i32>} : memref<8x128xf32, #tpu.memory_space<vmem>>, vector<1x16xf32>,
      %swap3A_165 = vector.shape_cast %swap3A_164 : vector<1x16xf32> to vector<16xf32>
      %swap3A_166 = vector.shape_cast %scan3A_135#4 : vector<16xf32> to vector<1x16xf32>
      tpu.vector_store %arg6[%swap3A_162, %swap3A_163], %swap3A_166 {strides = array<i32>} : memref<8x128xf32, #tpu.memory_space<vmem>>, vector<1x16xf32>,
      %swap3A_167 = arith.constant 1 : i32
      %swap3A_168 = arith.index_cast %swap3A_167 : i32 to index
      %swap3A_169 = arith.constant 80 : index
      %swap3A_170 = tpu.vector_load %arg6[%swap3A_168, %swap3A_169] {strides = array<i32>} : memref<8x128xf32, #tpu.memory_space<vmem>>, vector<1x16xf32>,
      %swap3A_171 = vector.shape_cast %swap3A_170 : vector<1x16xf32> to vector<16xf32>
      %swap3A_172 = vector.shape_cast %scan3A_135#5 : vector<16xf32> to vector<1x16xf32>
      tpu.vector_store %arg6[%swap3A_168, %swap3A_169], %swap3A_172 {strides = array<i32>} : memref<8x128xf32, #tpu.memory_space<vmem>>, vector<1x16xf32>,
      %swap3A_173 = arith.constant 1 : i32
      %swap3A_174 = arith.index_cast %swap3A_173 : i32 to index
      %swap3A_175 = arith.constant 96 : index
      %swap3A_176 = tpu.vector_load %arg6[%swap3A_174, %swap3A_175] {strides = array<i32>} : memref<8x128xf32, #tpu.memory_space<vmem>>, vector<1x16xf32>,
      %swap3A_177 = vector.shape_cast %swap3A_176 : vector<1x16xf32> to vector<16xf32>
      %swap3A_178 = vector.shape_cast %scan3A_135#6 : vector<16xf32> to vector<1x16xf32>
      tpu.vector_store %arg6[%swap3A_174, %swap3A_175], %swap3A_178 {strides = array<i32>} : memref<8x128xf32, #tpu.memory_space<vmem>>, vector<1x16xf32>,
      %swap3A_179 = arith.constant 1 : i32
      %swap3A_180 = arith.index_cast %swap3A_179 : i32 to index
      %swap3A_181 = arith.constant 112 : index
      %swap3A_182 = tpu.vector_load %arg6[%swap3A_180, %swap3A_181] {strides = array<i32>} : memref<8x128xf32, #tpu.memory_space<vmem>>, vector<1x16xf32>,
      %swap3A_183 = vector.shape_cast %swap3A_182 : vector<1x16xf32> to vector<16xf32>
      %swap3A_184 = vector.shape_cast %scan3A_135#7 : vector<16xf32> to vector<1x16xf32>
      tpu.vector_store %arg6[%swap3A_180, %swap3A_181], %swap3A_184 {strides = array<i32>} : memref<8x128xf32, #tpu.memory_space<vmem>>, vector<1x16xf32>,
      %broadcast_in_dim3A_185 = arith.constant 0.000000e+00 : f32
      %broadcast_in_dim3A_186 = vector.broadcast %broadcast_in_dim3A_185 : f32 to vector<16xf32>
      %broadcast_in_dim3A_187 = arith.constant 0.000000e+00 : f32
      %broadcast_in_dim3A_188 = vector.broadcast %broadcast_in_dim3A_187 : f32 to vector<16xf32>
      %broadcast_in_dim3A_189 = arith.constant 0.000000e+00 : f32
      %broadcast_in_dim3A_190 = vector.broadcast %broadcast_in_dim3A_189 : f32 to vector<16xf32>
      %broadcast_in_dim3A_191 = arith.constant 0.000000e+00 : f32
      %broadcast_in_dim3A_192 = vector.broadcast %broadcast_in_dim3A_191 : f32 to vector<16xf32>
      %broadcast_in_dim3A_193 = arith.constant 0.000000e+00 : f32
      %broadcast_in_dim3A_194 = vector.broadcast %broadcast_in_dim3A_193 : f32 to vector<16xf32>
      %broadcast_in_dim3A_195 = arith.constant 0.000000e+00 : f32
      %broadcast_in_dim3A_196 = vector.broadcast %broadcast_in_dim3A_195 : f32 to vector<16xf32>
      %broadcast_in_dim3A_197 = arith.constant 0.000000e+00 : f32
      %broadcast_in_dim3A_198 = vector.broadcast %broadcast_in_dim3A_197 : f32 to vector<16xf32>
      %broadcast_in_dim3A_199 = arith.constant 0.000000e+00 : f32
      %broadcast_in_dim3A_200 = vector.broadcast %broadcast_in_dim3A_199 : f32 to vector<16xf32>
      %scan3A_201 = arith.constant 0 : i32
      %scan3A_202 = arith.constant 32 : i32
      %scan3A_203 = arith.addi %scan3A_201, %scan3A_202 : i32
      %scan3A_204 = arith.constant 4 : i32
      %scan3A_205:8 = scf.for %scan3A_608 = %scan3A_201 to %scan3A_203 step %scan3A_204 iter_args(%scan3A_609 = %broadcast_in_dim3A_186, %scan3A_610 = %broadcast_in_dim3A_188, %scan3A_611 = %broadcast_in_dim3A_190, %scan3A_612 = %broadcast_in_dim3A_192, %scan3A_613 = %broadcast_in_dim3A_194, %scan3A_614 = %broadcast_in_dim3A_196, %scan3A_615 = %broadcast_in_dim3A_198, %scan3A_616 = %broadcast_in_dim3A_200) -> (vector<16xf32>, vector<16xf32>, vector<16xf32>, vector<16xf32>, vector<16xf32>, vector<16xf32>, vector<16xf32>, vector<16xf32>)  : i32 {
        %add3A_617 = arith.constant 64 : i32
        %add3A_618 = arith.addi %add3A_617, %scan3A_608 : i32
        %get3A = arith.index_cast %add3A_618 : i32 to index
        %get3A_619 = arith.constant 0 : index
        %get3A_620 = tpu.vector_load %arg4[%get3A, %get3A_619] {strides = array<i32>} : memref<256x128xf32, #tpu.memory_space<vmem>>, vector<1x16xf32>,
        %get3A_621 = vector.shape_cast %get3A_620 : vector<1x16xf32> to vector<16xf32>
        %add3A_622 = arith.addf %scan3A_609, %get3A_621 : vector<16xf32>
        %add3A_623 = arith.constant 64 : i32
        %add3A_624 = arith.addi %add3A_623, %scan3A_608 : i32
        %get3A_625 = arith.index_cast %add3A_624 : i32 to index
        %get3A_626 = arith.constant 16 : index
        %get3A_627 = tpu.vector_load %arg4[%get3A_625, %get3A_626] {strides = array<i32>} : memref<256x128xf32, #tpu.memory_space<vmem>>, vector<1x16xf32>,
        %get3A_628 = vector.shape_cast %get3A_627 : vector<1x16xf32> to vector<16xf32>
        %add3A_629 = arith.addf %scan3A_610, %get3A_628 : vector<16xf32>
        %add3A_630 = arith.constant 64 : i32
        %add3A_631 = arith.addi %add3A_630, %scan3A_608 : i32
        %get3A_632 = arith.index_cast %add3A_631 : i32 to index
        %get3A_633 = arith.constant 32 : index
        %get3A_634 = tpu.vector_load %arg4[%get3A_632, %get3A_633] {strides = array<i32>} : memref<256x128xf32, #tpu.memory_space<vmem>>, vector<1x16xf32>,
        %get3A_635 = vector.shape_cast %get3A_634 : vector<1x16xf32> to vector<16xf32>
        %add3A_636 = arith.addf %scan3A_611, %get3A_635 : vector<16xf32>
        %add3A_637 = arith.constant 64 : i32
        %add3A_638 = arith.addi %add3A_637, %scan3A_608 : i32
        %get3A_639 = arith.index_cast %add3A_638 : i32 to index
        %get3A_640 = arith.constant 48 : index
        %get3A_641 = tpu.vector_load %arg4[%get3A_639, %get3A_640] {strides = array<i32>} : memref<256x128xf32, #tpu.memory_space<vmem>>, vector<1x16xf32>,
        %get3A_642 = vector.shape_cast %get3A_641 : vector<1x16xf32> to vector<16xf32>
        %add3A_643 = arith.addf %scan3A_612, %get3A_642 : vector<16xf32>
        %add3A_644 = arith.constant 64 : i32
        %add3A_645 = arith.addi %add3A_644, %scan3A_608 : i32
        %get3A_646 = arith.index_cast %add3A_645 : i32 to index
        %get3A_647 = arith.constant 64 : index
        %get3A_648 = tpu.vector_load %arg4[%get3A_646, %get3A_647] {strides = array<i32>} : memref<256x128xf32, #tpu.memory_space<vmem>>, vector<1x16xf32>,
        %get3A_649 = vector.shape_cast %get3A_648 : vector<1x16xf32> to vector<16xf32>
        %add3A_650 = arith.addf %scan3A_613, %get3A_649 : vector<16xf32>
        %add3A_651 = arith.constant 64 : i32
        %add3A_652 = arith.addi %add3A_651, %scan3A_608 : i32
        %get3A_653 = arith.index_cast %add3A_652 : i32 to index
        %get3A_654 = arith.constant 80 : index
        %get3A_655 = tpu.vector_load %arg4[%get3A_653, %get3A_654] {strides = array<i32>} : memref<256x128xf32, #tpu.memory_space<vmem>>, vector<1x16xf32>,
        %get3A_656 = vector.shape_cast %get3A_655 : vector<1x16xf32> to vector<16xf32>
        %add3A_657 = arith.addf %scan3A_614, %get3A_656 : vector<16xf32>
        %add3A_658 = arith.constant 64 : i32
        %add3A_659 = arith.addi %add3A_658, %scan3A_608 : i32
        %get3A_660 = arith.index_cast %add3A_659 : i32 to index
        %get3A_661 = arith.constant 96 : index
        %get3A_662 = tpu.vector_load %arg4[%get3A_660, %get3A_661] {strides = array<i32>} : memref<256x128xf32, #tpu.memory_space<vmem>>, vector<1x16xf32>,
        %get3A_663 = vector.shape_cast %get3A_662 : vector<1x16xf32> to vector<16xf32>
        %add3A_664 = arith.addf %scan3A_615, %get3A_663 : vector<16xf32>
        %add3A_665 = arith.constant 64 : i32
        %add3A_666 = arith.addi %add3A_665, %scan3A_608 : i32
        %get3A_667 = arith.index_cast %add3A_666 : i32 to index
        %get3A_668 = arith.constant 112 : index
        %get3A_669 = tpu.vector_load %arg4[%get3A_667, %get3A_668] {strides = array<i32>} : memref<256x128xf32, #tpu.memory_space<vmem>>, vector<1x16xf32>,
        %get3A_670 = vector.shape_cast %get3A_669 : vector<1x16xf32> to vector<16xf32>
        %add3A_671 = arith.addf %scan3A_616, %get3A_670 : vector<16xf32>
        %scan3A_672 = arith.constant 1 : i32
        %scan3A_673 = arith.addi %scan3A_608, %scan3A_672 : i32
        %add3A_674 = arith.constant 64 : i32
        %add3A_675 = arith.addi %add3A_674, %scan3A_673 : i32
        %get3A_676 = arith.index_cast %add3A_675 : i32 to index
        %get3A_677 = arith.constant 0 : index
        %get3A_678 = tpu.vector_load %arg4[%get3A_676, %get3A_677] {strides = array<i32>} : memref<256x128xf32, #tpu.memory_space<vmem>>, vector<1x16xf32>,
        %get3A_679 = vector.shape_cast %get3A_678 : vector<1x16xf32> to vector<16xf32>
        %add3A_680 = arith.addf %add3A_622, %get3A_679 : vector<16xf32>
        %add3A_681 = arith.constant 64 : i32
        %add3A_682 = arith.addi %add3A_681, %scan3A_673 : i32
        %get3A_683 = arith.index_cast %add3A_682 : i32 to index
        %get3A_684 = arith.constant 16 : index
        %get3A_685 = tpu.vector_load %arg4[%get3A_683, %get3A_684] {strides = array<i32>} : memref<256x128xf32, #tpu.memory_space<vmem>>, vector<1x16xf32>,
        %get3A_686 = vector.shape_cast %get3A_685 : vector<1x16xf32> to vector<16xf32>
        %add3A_687 = arith.addf %add3A_629, %get3A_686 : vector<16xf32>
        %add3A_688 = arith.constant 64 : i32
        %add3A_689 = arith.addi %add3A_688, %scan3A_673 : i32
        %get3A_690 = arith.index_cast %add3A_689 : i32 to index
        %get3A_691 = arith.constant 32 : index
        %get3A_692 = tpu.vector_load %arg4[%get3A_690, %get3A_691] {strides = array<i32>} : memref<256x128xf32, #tpu.memory_space<vmem>>, vector<1x16xf32>,
        %get3A_693 = vector.shape_cast %get3A_692 : vector<1x16xf32> to vector<16xf32>
        %add3A_694 = arith.addf %add3A_636, %get3A_693 : vector<16xf32>
        %add3A_695 = arith.constant 64 : i32
        %add3A_696 = arith.addi %add3A_695, %scan3A_673 : i32
        %get3A_697 = arith.index_cast %add3A_696 : i32 to index
        %get3A_698 = arith.constant 48 : index
        %get3A_699 = tpu.vector_load %arg4[%get3A_697, %get3A_698] {strides = array<i32>} : memref<256x128xf32, #tpu.memory_space<vmem>>, vector<1x16xf32>,
        %get3A_700 = vector.shape_cast %get3A_699 : vector<1x16xf32> to vector<16xf32>
        %add3A_701 = arith.addf %add3A_643, %get3A_700 : vector<16xf32>
        %add3A_702 = arith.constant 64 : i32
        %add3A_703 = arith.addi %add3A_702, %scan3A_673 : i32
        %get3A_704 = arith.index_cast %add3A_703 : i32 to index
        %get3A_705 = arith.constant 64 : index
        %get3A_706 = tpu.vector_load %arg4[%get3A_704, %get3A_705] {strides = array<i32>} : memref<256x128xf32, #tpu.memory_space<vmem>>, vector<1x16xf32>,
        %get3A_707 = vector.shape_cast %get3A_706 : vector<1x16xf32> to vector<16xf32>
        %add3A_708 = arith.addf %add3A_650, %get3A_707 : vector<16xf32>
        %add3A_709 = arith.constant 64 : i32
        %add3A_710 = arith.addi %add3A_709, %scan3A_673 : i32
        %get3A_711 = arith.index_cast %add3A_710 : i32 to index
        %get3A_712 = arith.constant 80 : index
        %get3A_713 = tpu.vector_load %arg4[%get3A_711, %get3A_712] {strides = array<i32>} : memref<256x128xf32, #tpu.memory_space<vmem>>, vector<1x16xf32>,
        %get3A_714 = vector.shape_cast %get3A_713 : vector<1x16xf32> to vector<16xf32>
        %add3A_715 = arith.addf %add3A_657, %get3A_714 : vector<16xf32>
        %add3A_716 = arith.constant 64 : i32
        %add3A_717 = arith.addi %add3A_716, %scan3A_673 : i32
        %get3A_718 = arith.index_cast %add3A_717 : i32 to index
        %get3A_719 = arith.constant 96 : index
        %get3A_720 = tpu.vector_load %arg4[%get3A_718, %get3A_719] {strides = array<i32>} : memref<256x128xf32, #tpu.memory_space<vmem>>, vector<1x16xf32>,
        %get3A_721 = vector.shape_cast %get3A_720 : vector<1x16xf32> to vector<16xf32>
        %add3A_722 = arith.addf %add3A_664, %get3A_721 : vector<16xf32>
        %add3A_723 = arith.constant 64 : i32
        %add3A_724 = arith.addi %add3A_723, %scan3A_673 : i32
        %get3A_725 = arith.index_cast %add3A_724 : i32 to index
        %get3A_726 = arith.constant 112 : index
        %get3A_727 = tpu.vector_load %arg4[%get3A_725, %get3A_726] {strides = array<i32>} : memref<256x128xf32, #tpu.memory_space<vmem>>, vector<1x16xf32>,
        %get3A_728 = vector.shape_cast %get3A_727 : vector<1x16xf32> to vector<16xf32>
        %add3A_729 = arith.addf %add3A_671, %get3A_728 : vector<16xf32>
        %scan3A_730 = arith.constant 2 : i32
        %scan3A_731 = arith.addi %scan3A_608, %scan3A_730 : i32
        %add3A_732 = arith.constant 64 : i32
        %add3A_733 = arith.addi %add3A_732, %scan3A_731 : i32
        %get3A_734 = arith.index_cast %add3A_733 : i32 to index
        %get3A_735 = arith.constant 0 : index
        %get3A_736 = tpu.vector_load %arg4[%get3A_734, %get3A_735] {strides = array<i32>} : memref<256x128xf32, #tpu.memory_space<vmem>>, vector<1x16xf32>,
        %get3A_737 = vector.shape_cast %get3A_736 : vector<1x16xf32> to vector<16xf32>
        %add3A_738 = arith.addf %add3A_680, %get3A_737 : vector<16xf32>
        %add3A_739 = arith.constant 64 : i32
        %add3A_740 = arith.addi %add3A_739, %scan3A_731 : i32
        %get3A_741 = arith.index_cast %add3A_740 : i32 to index
        %get3A_742 = arith.constant 16 : index
        %get3A_743 = tpu.vector_load %arg4[%get3A_741, %get3A_742] {strides = array<i32>} : memref<256x128xf32, #tpu.memory_space<vmem>>, vector<1x16xf32>,
        %get3A_744 = vector.shape_cast %get3A_743 : vector<1x16xf32> to vector<16xf32>
        %add3A_745 = arith.addf %add3A_687, %get3A_744 : vector<16xf32>
        %add3A_746 = arith.constant 64 : i32
        %add3A_747 = arith.addi %add3A_746, %scan3A_731 : i32
        %get3A_748 = arith.index_cast %add3A_747 : i32 to index
        %get3A_749 = arith.constant 32 : index
        %get3A_750 = tpu.vector_load %arg4[%get3A_748, %get3A_749] {strides = array<i32>} : memref<256x128xf32, #tpu.memory_space<vmem>>, vector<1x16xf32>,
        %get3A_751 = vector.shape_cast %get3A_750 : vector<1x16xf32> to vector<16xf32>
        %add3A_752 = arith.addf %add3A_694, %get3A_751 : vector<16xf32>
        %add3A_753 = arith.constant 64 : i32
        %add3A_754 = arith.addi %add3A_753, %scan3A_731 : i32
        %get3A_755 = arith.index_cast %add3A_754 : i32 to index
        %get3A_756 = arith.constant 48 : index
        %get3A_757 = tpu.vector_load %arg4[%get3A_755, %get3A_756] {strides = array<i32>} : memref<256x128xf32, #tpu.memory_space<vmem>>, vector<1x16xf32>,
        %get3A_758 = vector.shape_cast %get3A_757 : vector<1x16xf32> to vector<16xf32>
        %add3A_759 = arith.addf %add3A_701, %get3A_758 : vector<16xf32>
        %add3A_760 = arith.constant 64 : i32
        %add3A_761 = arith.addi %add3A_760, %scan3A_731 : i32
        %get3A_762 = arith.index_cast %add3A_761 : i32 to index
        %get3A_763 = arith.constant 64 : index
        %get3A_764 = tpu.vector_load %arg4[%get3A_762, %get3A_763] {strides = array<i32>} : memref<256x128xf32, #tpu.memory_space<vmem>>, vector<1x16xf32>,
        %get3A_765 = vector.shape_cast %get3A_764 : vector<1x16xf32> to vector<16xf32>
        %add3A_766 = arith.addf %add3A_708, %get3A_765 : vector<16xf32>
        %add3A_767 = arith.constant 64 : i32
        %add3A_768 = arith.addi %add3A_767, %scan3A_731 : i32
        %get3A_769 = arith.index_cast %add3A_768 : i32 to index
        %get3A_770 = arith.constant 80 : index
        %get3A_771 = tpu.vector_load %arg4[%get3A_769, %get3A_770] {strides = array<i32>} : memref<256x128xf32, #tpu.memory_space<vmem>>, vector<1x16xf32>,
        %get3A_772 = vector.shape_cast %get3A_771 : vector<1x16xf32> to vector<16xf32>
        %add3A_773 = arith.addf %add3A_715, %get3A_772 : vector<16xf32>
        %add3A_774 = arith.constant 64 : i32
        %add3A_775 = arith.addi %add3A_774, %scan3A_731 : i32
        %get3A_776 = arith.index_cast %add3A_775 : i32 to index
        %get3A_777 = arith.constant 96 : index
        %get3A_778 = tpu.vector_load %arg4[%get3A_776, %get3A_777] {strides = array<i32>} : memref<256x128xf32, #tpu.memory_space<vmem>>, vector<1x16xf32>,
        %get3A_779 = vector.shape_cast %get3A_778 : vector<1x16xf32> to vector<16xf32>
        %add3A_780 = arith.addf %add3A_722, %get3A_779 : vector<16xf32>
        %add3A_781 = arith.constant 64 : i32
        %add3A_782 = arith.addi %add3A_781, %scan3A_731 : i32
        %get3A_783 = arith.index_cast %add3A_782 : i32 to index
        %get3A_784 = arith.constant 112 : index
        %get3A_785 = tpu.vector_load %arg4[%get3A_783, %get3A_784] {strides = array<i32>} : memref<256x128xf32, #tpu.memory_space<vmem>>, vector<1x16xf32>,
        %get3A_786 = vector.shape_cast %get3A_785 : vector<1x16xf32> to vector<16xf32>
        %add3A_787 = arith.addf %add3A_729, %get3A_786 : vector<16xf32>
        %scan3A_788 = arith.constant 3 : i32
        %scan3A_789 = arith.addi %scan3A_608, %scan3A_788 : i32
        %add3A_790 = arith.constant 64 : i32
        %add3A_791 = arith.addi %add3A_790, %scan3A_789 : i32
        %get3A_792 = arith.index_cast %add3A_791 : i32 to index
        %get3A_793 = arith.constant 0 : index
        %get3A_794 = tpu.vector_load %arg4[%get3A_792, %get3A_793] {strides = array<i32>} : memref<256x128xf32, #tpu.memory_space<vmem>>, vector<1x16xf32>,
        %get3A_795 = vector.shape_cast %get3A_794 : vector<1x16xf32> to vector<16xf32>
        %add3A_796 = arith.addf %add3A_738, %get3A_795 : vector<16xf32>
        %add3A_797 = arith.constant 64 : i32
        %add3A_798 = arith.addi %add3A_797, %scan3A_789 : i32
        %get3A_799 = arith.index_cast %add3A_798 : i32 to index
        %get3A_800 = arith.constant 16 : index
        %get3A_801 = tpu.vector_load %arg4[%get3A_799, %get3A_800] {strides = array<i32>} : memref<256x128xf32, #tpu.memory_space<vmem>>, vector<1x16xf32>,
        %get3A_802 = vector.shape_cast %get3A_801 : vector<1x16xf32> to vector<16xf32>
        %add3A_803 = arith.addf %add3A_745, %get3A_802 : vector<16xf32>
        %add3A_804 = arith.constant 64 : i32
        %add3A_805 = arith.addi %add3A_804, %scan3A_789 : i32
        %get3A_806 = arith.index_cast %add3A_805 : i32 to index
        %get3A_807 = arith.constant 32 : index
        %get3A_808 = tpu.vector_load %arg4[%get3A_806, %get3A_807] {strides = array<i32>} : memref<256x128xf32, #tpu.memory_space<vmem>>, vector<1x16xf32>,
        %get3A_809 = vector.shape_cast %get3A_808 : vector<1x16xf32> to vector<16xf32>
        %add3A_810 = arith.addf %add3A_752, %get3A_809 : vector<16xf32>
        %add3A_811 = arith.constant 64 : i32
        %add3A_812 = arith.addi %add3A_811, %scan3A_789 : i32
        %get3A_813 = arith.index_cast %add3A_812 : i32 to index
        %get3A_814 = arith.constant 48 : index
        %get3A_815 = tpu.vector_load %arg4[%get3A_813, %get3A_814] {strides = array<i32>} : memref<256x128xf32, #tpu.memory_space<vmem>>, vector<1x16xf32>,
        %get3A_816 = vector.shape_cast %get3A_815 : vector<1x16xf32> to vector<16xf32>
        %add3A_817 = arith.addf %add3A_759, %get3A_816 : vector<16xf32>
        %add3A_818 = arith.constant 64 : i32
        %add3A_819 = arith.addi %add3A_818, %scan3A_789 : i32
        %get3A_820 = arith.index_cast %add3A_819 : i32 to index
        %get3A_821 = arith.constant 64 : index
        %get3A_822 = tpu.vector_load %arg4[%get3A_820, %get3A_821] {strides = array<i32>} : memref<256x128xf32, #tpu.memory_space<vmem>>, vector<1x16xf32>,
        %get3A_823 = vector.shape_cast %get3A_822 : vector<1x16xf32> to vector<16xf32>
        %add3A_824 = arith.addf %add3A_766, %get3A_823 : vector<16xf32>
        %add3A_825 = arith.constant 64 : i32
        %add3A_826 = arith.addi %add3A_825, %scan3A_789 : i32
        %get3A_827 = arith.index_cast %add3A_826 : i32 to index
        %get3A_828 = arith.constant 80 : index
        %get3A_829 = tpu.vector_load %arg4[%get3A_827, %get3A_828] {strides = array<i32>} : memref<256x128xf32, #tpu.memory_space<vmem>>, vector<1x16xf32>,
        %get3A_830 = vector.shape_cast %get3A_829 : vector<1x16xf32> to vector<16xf32>
        %add3A_831 = arith.addf %add3A_773, %get3A_830 : vector<16xf32>
        %add3A_832 = arith.constant 64 : i32
        %add3A_833 = arith.addi %add3A_832, %scan3A_789 : i32
        %get3A_834 = arith.index_cast %add3A_833 : i32 to index
        %get3A_835 = arith.constant 96 : index
        %get3A_836 = tpu.vector_load %arg4[%get3A_834, %get3A_835] {strides = array<i32>} : memref<256x128xf32, #tpu.memory_space<vmem>>, vector<1x16xf32>,
        %get3A_837 = vector.shape_cast %get3A_836 : vector<1x16xf32> to vector<16xf32>
        %add3A_838 = arith.addf %add3A_780, %get3A_837 : vector<16xf32>
        %add3A_839 = arith.constant 64 : i32
        %add3A_840 = arith.addi %add3A_839, %scan3A_789 : i32
        %get3A_841 = arith.index_cast %add3A_840 : i32 to index
        %get3A_842 = arith.constant 112 : index
        %get3A_843 = tpu.vector_load %arg4[%get3A_841, %get3A_842] {strides = array<i32>} : memref<256x128xf32, #tpu.memory_space<vmem>>, vector<1x16xf32>,
        %get3A_844 = vector.shape_cast %get3A_843 : vector<1x16xf32> to vector<16xf32>
        %add3A_845 = arith.addf %add3A_787, %get3A_844 : vector<16xf32>
        scf.yield %add3A_796, %add3A_803, %add3A_810, %add3A_817, %add3A_824, %add3A_831, %add3A_838, %add3A_845 : vector<16xf32>, vector<16xf32>, vector<16xf32>, vector<16xf32>, vector<16xf32>, vector<16xf32>, vector<16xf32>, vector<16xf32>
      }
      %scan3A_206 = arith.constant 32 : i32
      %swap3A_207 = arith.constant 2 : i32
      %swap3A_208 = arith.index_cast %swap3A_207 : i32 to index
      %swap3A_209 = arith.constant 0 : index
      %swap3A_210 = tpu.vector_load %arg6[%swap3A_208, %swap3A_209] {strides = array<i32>} : memref<8x128xf32, #tpu.memory_space<vmem>>, vector<1x16xf32>,
      %swap3A_211 = vector.shape_cast %swap3A_210 : vector<1x16xf32> to vector<16xf32>
      %swap3A_212 = vector.shape_cast %scan3A_205#0 : vector<16xf32> to vector<1x16xf32>
      tpu.vector_store %arg6[%swap3A_208, %swap3A_209], %swap3A_212 {strides = array<i32>} : memref<8x128xf32, #tpu.memory_space<vmem>>, vector<1x16xf32>,
      %swap3A_213 = arith.constant 2 : i32
      %swap3A_214 = arith.index_cast %swap3A_213 : i32 to index
      %swap3A_215 = arith.constant 16 : index
      %swap3A_216 = tpu.vector_load %arg6[%swap3A_214, %swap3A_215] {strides = array<i32>} : memref<8x128xf32, #tpu.memory_space<vmem>>, vector<1x16xf32>,
      %swap3A_217 = vector.shape_cast %swap3A_216 : vector<1x16xf32> to vector<16xf32>
      %swap3A_218 = vector.shape_cast %scan3A_205#1 : vector<16xf32> to vector<1x16xf32>
      tpu.vector_store %arg6[%swap3A_214, %swap3A_215], %swap3A_218 {strides = array<i32>} : memref<8x128xf32, #tpu.memory_space<vmem>>, vector<1x16xf32>,
      %swap3A_219 = arith.constant 2 : i32
      %swap3A_220 = arith.index_cast %swap3A_219 : i32 to index
      %swap3A_221 = arith.constant 32 : index
      %swap3A_222 = tpu.vector_load %arg6[%swap3A_220, %swap3A_221] {strides = array<i32>} : memref<8x128xf32, #tpu.memory_space<vmem>>, vector<1x16xf32>,
      %swap3A_223 = vector.shape_cast %swap3A_222 : vector<1x16xf32> to vector<16xf32>
      %swap3A_224 = vector.shape_cast %scan3A_205#2 : vector<16xf32> to vector<1x16xf32>
      tpu.vector_store %arg6[%swap3A_220, %swap3A_221], %swap3A_224 {strides = array<i32>} : memref<8x128xf32, #tpu.memory_space<vmem>>, vector<1x16xf32>,
      %swap3A_225 = arith.constant 2 : i32
      %swap3A_226 = arith.index_cast %swap3A_225 : i32 to index
      %swap3A_227 = arith.constant 48 : index
      %swap3A_228 = tpu.vector_load %arg6[%swap3A_226, %swap3A_227] {strides = array<i32>} : memref<8x128xf32, #tpu.memory_space<vmem>>, vector<1x16xf32>,
      %swap3A_229 = vector.shape_cast %swap3A_228 : vector<1x16xf32> to vector<16xf32>
      %swap3A_230 = vector.shape_cast %scan3A_205#3 : vector<16xf32> to vector<1x16xf32>
      tpu.vector_store %arg6[%swap3A_226, %swap3A_227], %swap3A_230 {strides = array<i32>} : memref<8x128xf32, #tpu.memory_space<vmem>>, vector<1x16xf32>,
      %swap3A_231 = arith.constant 2 : i32
      %swap3A_232 = arith.index_cast %swap3A_231 : i32 to index
      %swap3A_233 = arith.constant 64 : index
      %swap3A_234 = tpu.vector_load %arg6[%swap3A_232, %swap3A_233] {strides = array<i32>} : memref<8x128xf32, #tpu.memory_space<vmem>>, vector<1x16xf32>,
      %swap3A_235 = vector.shape_cast %swap3A_234 : vector<1x16xf32> to vector<16xf32>
      %swap3A_236 = vector.shape_cast %scan3A_205#4 : vector<16xf32> to vector<1x16xf32>
      tpu.vector_store %arg6[%swap3A_232, %swap3A_233], %swap3A_236 {strides = array<i32>} : memref<8x128xf32, #tpu.memory_space<vmem>>, vector<1x16xf32>,
      %swap3A_237 = arith.constant 2 : i32
      %swap3A_238 = arith.index_cast %swap3A_237 : i32 to index
      %swap3A_239 = arith.constant 80 : index
      %swap3A_240 = tpu.vector_load %arg6[%swap3A_238, %swap3A_239] {strides = array<i32>} : memref<8x128xf32, #tpu.memory_space<vmem>>, vector<1x16xf32>,
      %swap3A_241 = vector.shape_cast %swap3A_240 : vector<1x16xf32> to vector<16xf32>
      %swap3A_242 = vector.shape_cast %scan3A_205#5 : vector<16xf32> to vector<1x16xf32>
      tpu.vector_store %arg6[%swap3A_238, %swap3A_239], %swap3A_242 {strides = array<i32>} : memref<8x128xf32, #tpu.memory_space<vmem>>, vector<1x16xf32>,
      %swap3A_243 = arith.constant 2 : i32
      %swap3A_244 = arith.index_cast %swap3A_243 : i32 to index
      %swap3A_245 = arith.constant 96 : index
      %swap3A_246 = tpu.vector_load %arg6[%swap3A_244, %swap3A_245] {strides = array<i32>} : memref<8x128xf32, #tpu.memory_space<vmem>>, vector<1x16xf32>,
      %swap3A_247 = vector.shape_cast %swap3A_246 : vector<1x16xf32> to vector<16xf32>
      %swap3A_248 = vector.shape_cast %scan3A_205#6 : vector<16xf32> to vector<1x16xf32>
      tpu.vector_store %arg6[%swap3A_244, %swap3A_245], %swap3A_248 {strides = array<i32>} : memref<8x128xf32, #tpu.memory_space<vmem>>, vector<1x16xf32>,
      %swap3A_249 = arith.constant 2 : i32
      %swap3A_250 = arith.index_cast %swap3A_249 : i32 to index
      %swap3A_251 = arith.constant 112 : index
      %swap3A_252 = tpu.vector_load %arg6[%swap3A_250, %swap3A_251] {strides = array<i32>} : memref<8x128xf32, #tpu.memory_space<vmem>>, vector<1x16xf32>,
      %swap3A_253 = vector.shape_cast %swap3A_252 : vector<1x16xf32> to vector<16xf32>
      %swap3A_254 = vector.shape_cast %scan3A_205#7 : vector<16xf32> to vector<1x16xf32>
      tpu.vector_store %arg6[%swap3A_250, %swap3A_251], %swap3A_254 {strides = array<i32>} : memref<8x128xf32, #tpu.memory_space<vmem>>, vector<1x16xf32>,
      %broadcast_in_dim3A_255 = arith.constant 0.000000e+00 : f32
      %broadcast_in_dim3A_256 = vector.broadcast %broadcast_in_dim3A_255 : f32 to vector<16xf32>
      %broadcast_in_dim3A_257 = arith.constant 0.000000e+00 : f32
      %broadcast_in_dim3A_258 = vector.broadcast %broadcast_in_dim3A_257 : f32 to vector<16xf32>
      %broadcast_in_dim3A_259 = arith.constant 0.000000e+00 : f32
      %broadcast_in_dim3A_260 = vector.broadcast %broadcast_in_dim3A_259 : f32 to vector<16xf32>
      %broadcast_in_dim3A_261 = arith.constant 0.000000e+00 : f32
      %broadcast_in_dim3A_262 = vector.broadcast %broadcast_in_dim3A_261 : f32 to vector<16xf32>
      %broadcast_in_dim3A_263 = arith.constant 0.000000e+00 : f32
      %broadcast_in_dim3A_264 = vector.broadcast %broadcast_in_dim3A_263 : f32 to vector<16xf32>
      %broadcast_in_dim3A_265 = arith.constant 0.000000e+00 : f32
      %broadcast_in_dim3A_266 = vector.broadcast %broadcast_in_dim3A_265 : f32 to vector<16xf32>
      %broadcast_in_dim3A_267 = arith.constant 0.000000e+00 : f32
      %broadcast_in_dim3A_268 = vector.broadcast %broadcast_in_dim3A_267 : f32 to vector<16xf32>
      %broadcast_in_dim3A_269 = arith.constant 0.000000e+00 : f32
      %broadcast_in_dim3A_270 = vector.broadcast %broadcast_in_dim3A_269 : f32 to vector<16xf32>
      %scan3A_271 = arith.constant 0 : i32
      %scan3A_272 = arith.constant 32 : i32
      %scan3A_273 = arith.addi %scan3A_271, %scan3A_272 : i32
      %scan3A_274 = arith.constant 4 : i32
      %scan3A_275:8 = scf.for %scan3A_608 = %scan3A_271 to %scan3A_273 step %scan3A_274 iter_args(%scan3A_609 = %broadcast_in_dim3A_256, %scan3A_610 = %broadcast_in_dim3A_258, %scan3A_611 = %broadcast_in_dim3A_260, %scan3A_612 = %broadcast_in_dim3A_262, %scan3A_613 = %broadcast_in_dim3A_264, %scan3A_614 = %broadcast_in_dim3A_266, %scan3A_615 = %broadcast_in_dim3A_268, %scan3A_616 = %broadcast_in_dim3A_270) -> (vector<16xf32>, vector<16xf32>, vector<16xf32>, vector<16xf32>, vector<16xf32>, vector<16xf32>, vector<16xf32>, vector<16xf32>)  : i32 {
        %add3A_617 = arith.constant 96 : i32
        %add3A_618 = arith.addi %add3A_617, %scan3A_608 : i32
        %get3A = arith.index_cast %add3A_618 : i32 to index
        %get3A_619 = arith.constant 0 : index
        %get3A_620 = tpu.vector_load %arg4[%get3A, %get3A_619] {strides = array<i32>} : memref<256x128xf32, #tpu.memory_space<vmem>>, vector<1x16xf32>,
        %get3A_621 = vector.shape_cast %get3A_620 : vector<1x16xf32> to vector<16xf32>
        %add3A_622 = arith.addf %scan3A_609, %get3A_621 : vector<16xf32>
        %add3A_623 = arith.constant 96 : i32
        %add3A_624 = arith.addi %add3A_623, %scan3A_608 : i32
        %get3A_625 = arith.index_cast %add3A_624 : i32 to index
        %get3A_626 = arith.constant 16 : index
        %get3A_627 = tpu.vector_load %arg4[%get3A_625, %get3A_626] {strides = array<i32>} : memref<256x128xf32, #tpu.memory_space<vmem>>, vector<1x16xf32>,
        %get3A_628 = vector.shape_cast %get3A_627 : vector<1x16xf32> to vector<16xf32>
        %add3A_629 = arith.addf %scan3A_610, %get3A_628 : vector<16xf32>
        %add3A_630 = arith.constant 96 : i32
        %add3A_631 = arith.addi %add3A_630, %scan3A_608 : i32
        %get3A_632 = arith.index_cast %add3A_631 : i32 to index
        %get3A_633 = arith.constant 32 : index
        %get3A_634 = tpu.vector_load %arg4[%get3A_632, %get3A_633] {strides = array<i32>} : memref<256x128xf32, #tpu.memory_space<vmem>>, vector<1x16xf32>,
        %get3A_635 = vector.shape_cast %get3A_634 : vector<1x16xf32> to vector<16xf32>
        %add3A_636 = arith.addf %scan3A_611, %get3A_635 : vector<16xf32>
        %add3A_637 = arith.constant 96 : i32
        %add3A_638 = arith.addi %add3A_637, %scan3A_608 : i32
        %get3A_639 = arith.index_cast %add3A_638 : i32 to index
        %get3A_640 = arith.constant 48 : index
        %get3A_641 = tpu.vector_load %arg4[%get3A_639, %get3A_640] {strides = array<i32>} : memref<256x128xf32, #tpu.memory_space<vmem>>, vector<1x16xf32>,
        %get3A_642 = vector.shape_cast %get3A_641 : vector<1x16xf32> to vector<16xf32>
        %add3A_643 = arith.addf %scan3A_612, %get3A_642 : vector<16xf32>
        %add3A_644 = arith.constant 96 : i32
        %add3A_645 = arith.addi %add3A_644, %scan3A_608 : i32
        %get3A_646 = arith.index_cast %add3A_645 : i32 to index
        %get3A_647 = arith.constant 64 : index
        %get3A_648 = tpu.vector_load %arg4[%get3A_646, %get3A_647] {strides = array<i32>} : memref<256x128xf32, #tpu.memory_space<vmem>>, vector<1x16xf32>,
        %get3A_649 = vector.shape_cast %get3A_648 : vector<1x16xf32> to vector<16xf32>
        %add3A_650 = arith.addf %scan3A_613, %get3A_649 : vector<16xf32>
        %add3A_651 = arith.constant 96 : i32
        %add3A_652 = arith.addi %add3A_651, %scan3A_608 : i32
        %get3A_653 = arith.index_cast %add3A_652 : i32 to index
        %get3A_654 = arith.constant 80 : index
        %get3A_655 = tpu.vector_load %arg4[%get3A_653, %get3A_654] {strides = array<i32>} : memref<256x128xf32, #tpu.memory_space<vmem>>, vector<1x16xf32>,
        %get3A_656 = vector.shape_cast %get3A_655 : vector<1x16xf32> to vector<16xf32>
        %add3A_657 = arith.addf %scan3A_614, %get3A_656 : vector<16xf32>
        %add3A_658 = arith.constant 96 : i32
        %add3A_659 = arith.addi %add3A_658, %scan3A_608 : i32
        %get3A_660 = arith.index_cast %add3A_659 : i32 to index
        %get3A_661 = arith.constant 96 : index
        %get3A_662 = tpu.vector_load %arg4[%get3A_660, %get3A_661] {strides = array<i32>} : memref<256x128xf32, #tpu.memory_space<vmem>>, vector<1x16xf32>,
        %get3A_663 = vector.shape_cast %get3A_662 : vector<1x16xf32> to vector<16xf32>
        %add3A_664 = arith.addf %scan3A_615, %get3A_663 : vector<16xf32>
        %add3A_665 = arith.constant 96 : i32
        %add3A_666 = arith.addi %add3A_665, %scan3A_608 : i32
        %get3A_667 = arith.index_cast %add3A_666 : i32 to index
        %get3A_668 = arith.constant 112 : index
        %get3A_669 = tpu.vector_load %arg4[%get3A_667, %get3A_668] {strides = array<i32>} : memref<256x128xf32, #tpu.memory_space<vmem>>, vector<1x16xf32>,
        %get3A_670 = vector.shape_cast %get3A_669 : vector<1x16xf32> to vector<16xf32>
        %add3A_671 = arith.addf %scan3A_616, %get3A_670 : vector<16xf32>
        %scan3A_672 = arith.constant 1 : i32
        %scan3A_673 = arith.addi %scan3A_608, %scan3A_672 : i32
        %add3A_674 = arith.constant 96 : i32
        %add3A_675 = arith.addi %add3A_674, %scan3A_673 : i32
        %get3A_676 = arith.index_cast %add3A_675 : i32 to index
        %get3A_677 = arith.constant 0 : index
        %get3A_678 = tpu.vector_load %arg4[%get3A_676, %get3A_677] {strides = array<i32>} : memref<256x128xf32, #tpu.memory_space<vmem>>, vector<1x16xf32>,
        %get3A_679 = vector.shape_cast %get3A_678 : vector<1x16xf32> to vector<16xf32>
        %add3A_680 = arith.addf %add3A_622, %get3A_679 : vector<16xf32>
        %add3A_681 = arith.constant 96 : i32
        %add3A_682 = arith.addi %add3A_681, %scan3A_673 : i32
        %get3A_683 = arith.index_cast %add3A_682 : i32 to index
        %get3A_684 = arith.constant 16 : index
        %get3A_685 = tpu.vector_load %arg4[%get3A_683, %get3A_684] {strides = array<i32>} : memref<256x128xf32, #tpu.memory_space<vmem>>, vector<1x16xf32>,
        %get3A_686 = vector.shape_cast %get3A_685 : vector<1x16xf32> to vector<16xf32>
        %add3A_687 = arith.addf %add3A_629, %get3A_686 : vector<16xf32>
        %add3A_688 = arith.constant 96 : i32
        %add3A_689 = arith.addi %add3A_688, %scan3A_673 : i32
        %get3A_690 = arith.index_cast %add3A_689 : i32 to index
        %get3A_691 = arith.constant 32 : index
        %get3A_692 = tpu.vector_load %arg4[%get3A_690, %get3A_691] {strides = array<i32>} : memref<256x128xf32, #tpu.memory_space<vmem>>, vector<1x16xf32>,
        %get3A_693 = vector.shape_cast %get3A_692 : vector<1x16xf32> to vector<16xf32>
        %add3A_694 = arith.addf %add3A_636, %get3A_693 : vector<16xf32>
        %add3A_695 = arith.constant 96 : i32
        %add3A_696 = arith.addi %add3A_695, %scan3A_673 : i32
        %get3A_697 = arith.index_cast %add3A_696 : i32 to index
        %get3A_698 = arith.constant 48 : index
        %get3A_699 = tpu.vector_load %arg4[%get3A_697, %get3A_698] {strides = array<i32>} : memref<256x128xf32, #tpu.memory_space<vmem>>, vector<1x16xf32>,
        %get3A_700 = vector.shape_cast %get3A_699 : vector<1x16xf32> to vector<16xf32>
        %add3A_701 = arith.addf %add3A_643, %get3A_700 : vector<16xf32>
        %add3A_702 = arith.constant 96 : i32
        %add3A_703 = arith.addi %add3A_702, %scan3A_673 : i32
        %get3A_704 = arith.index_cast %add3A_703 : i32 to index
        %get3A_705 = arith.constant 64 : index
        %get3A_706 = tpu.vector_load %arg4[%get3A_704, %get3A_705] {strides = array<i32>} : memref<256x128xf32, #tpu.memory_space<vmem>>, vector<1x16xf32>,
        %get3A_707 = vector.shape_cast %get3A_706 : vector<1x16xf32> to vector<16xf32>
        %add3A_708 = arith.addf %add3A_650, %get3A_707 : vector<16xf32>
        %add3A_709 = arith.constant 96 : i32
        %add3A_710 = arith.addi %add3A_709, %scan3A_673 : i32
        %get3A_711 = arith.index_cast %add3A_710 : i32 to index
        %get3A_712 = arith.constant 80 : index
        %get3A_713 = tpu.vector_load %arg4[%get3A_711, %get3A_712] {strides = array<i32>} : memref<256x128xf32, #tpu.memory_space<vmem>>, vector<1x16xf32>,
        %get3A_714 = vector.shape_cast %get3A_713 : vector<1x16xf32> to vector<16xf32>
        %add3A_715 = arith.addf %add3A_657, %get3A_714 : vector<16xf32>
        %add3A_716 = arith.constant 96 : i32
        %add3A_717 = arith.addi %add3A_716, %scan3A_673 : i32
        %get3A_718 = arith.index_cast %add3A_717 : i32 to index
        %get3A_719 = arith.constant 96 : index
        %get3A_720 = tpu.vector_load %arg4[%get3A_718, %get3A_719] {strides = array<i32>} : memref<256x128xf32, #tpu.memory_space<vmem>>, vector<1x16xf32>,
        %get3A_721 = vector.shape_cast %get3A_720 : vector<1x16xf32> to vector<16xf32>
        %add3A_722 = arith.addf %add3A_664, %get3A_721 : vector<16xf32>
        %add3A_723 = arith.constant 96 : i32
        %add3A_724 = arith.addi %add3A_723, %scan3A_673 : i32
        %get3A_725 = arith.index_cast %add3A_724 : i32 to index
        %get3A_726 = arith.constant 112 : index
        %get3A_727 = tpu.vector_load %arg4[%get3A_725, %get3A_726] {strides = array<i32>} : memref<256x128xf32, #tpu.memory_space<vmem>>, vector<1x16xf32>,
        %get3A_728 = vector.shape_cast %get3A_727 : vector<1x16xf32> to vector<16xf32>
        %add3A_729 = arith.addf %add3A_671, %get3A_728 : vector<16xf32>
        %scan3A_730 = arith.constant 2 : i32
        %scan3A_731 = arith.addi %scan3A_608, %scan3A_730 : i32
        %add3A_732 = arith.constant 96 : i32
        %add3A_733 = arith.addi %add3A_732, %scan3A_731 : i32
        %get3A_734 = arith.index_cast %add3A_733 : i32 to index
        %get3A_735 = arith.constant 0 : index
        %get3A_736 = tpu.vector_load %arg4[%get3A_734, %get3A_735] {strides = array<i32>} : memref<256x128xf32, #tpu.memory_space<vmem>>, vector<1x16xf32>,
        %get3A_737 = vector.shape_cast %get3A_736 : vector<1x16xf32> to vector<16xf32>
        %add3A_738 = arith.addf %add3A_680, %get3A_737 : vector<16xf32>
        %add3A_739 = arith.constant 96 : i32
        %add3A_740 = arith.addi %add3A_739, %scan3A_731 : i32
        %get3A_741 = arith.index_cast %add3A_740 : i32 to index
        %get3A_742 = arith.constant 16 : index
        %get3A_743 = tpu.vector_load %arg4[%get3A_741, %get3A_742] {strides = array<i32>} : memref<256x128xf32, #tpu.memory_space<vmem>>, vector<1x16xf32>,
        %get3A_744 = vector.shape_cast %get3A_743 : vector<1x16xf32> to vector<16xf32>
        %add3A_745 = arith.addf %add3A_687, %get3A_744 : vector<16xf32>
        %add3A_746 = arith.constant 96 : i32
        %add3A_747 = arith.addi %add3A_746, %scan3A_731 : i32
        %get3A_748 = arith.index_cast %add3A_747 : i32 to index
        %get3A_749 = arith.constant 32 : index
        %get3A_750 = tpu.vector_load %arg4[%get3A_748, %get3A_749] {strides = array<i32>} : memref<256x128xf32, #tpu.memory_space<vmem>>, vector<1x16xf32>,
        %get3A_751 = vector.shape_cast %get3A_750 : vector<1x16xf32> to vector<16xf32>
        %add3A_752 = arith.addf %add3A_694, %get3A_751 : vector<16xf32>
        %add3A_753 = arith.constant 96 : i32
        %add3A_754 = arith.addi %add3A_753, %scan3A_731 : i32
        %get3A_755 = arith.index_cast %add3A_754 : i32 to index
        %get3A_756 = arith.constant 48 : index
        %get3A_757 = tpu.vector_load %arg4[%get3A_755, %get3A_756] {strides = array<i32>} : memref<256x128xf32, #tpu.memory_space<vmem>>, vector<1x16xf32>,
        %get3A_758 = vector.shape_cast %get3A_757 : vector<1x16xf32> to vector<16xf32>
        %add3A_759 = arith.addf %add3A_701, %get3A_758 : vector<16xf32>
        %add3A_760 = arith.constant 96 : i32
        %add3A_761 = arith.addi %add3A_760, %scan3A_731 : i32
        %get3A_762 = arith.index_cast %add3A_761 : i32 to index
        %get3A_763 = arith.constant 64 : index
        %get3A_764 = tpu.vector_load %arg4[%get3A_762, %get3A_763] {strides = array<i32>} : memref<256x128xf32, #tpu.memory_space<vmem>>, vector<1x16xf32>,
        %get3A_765 = vector.shape_cast %get3A_764 : vector<1x16xf32> to vector<16xf32>
        %add3A_766 = arith.addf %add3A_708, %get3A_765 : vector<16xf32>
        %add3A_767 = arith.constant 96 : i32
        %add3A_768 = arith.addi %add3A_767, %scan3A_731 : i32
        %get3A_769 = arith.index_cast %add3A_768 : i32 to index
        %get3A_770 = arith.constant 80 : index
        %get3A_771 = tpu.vector_load %arg4[%get3A_769, %get3A_770] {strides = array<i32>} : memref<256x128xf32, #tpu.memory_space<vmem>>, vector<1x16xf32>,
        %get3A_772 = vector.shape_cast %get3A_771 : vector<1x16xf32> to vector<16xf32>
        %add3A_773 = arith.addf %add3A_715, %get3A_772 : vector<16xf32>
        %add3A_774 = arith.constant 96 : i32
        %add3A_775 = arith.addi %add3A_774, %scan3A_731 : i32
        %get3A_776 = arith.index_cast %add3A_775 : i32 to index
        %get3A_777 = arith.constant 96 : index
        %get3A_778 = tpu.vector_load %arg4[%get3A_776, %get3A_777] {strides = array<i32>} : memref<256x128xf32, #tpu.memory_space<vmem>>, vector<1x16xf32>,
        %get3A_779 = vector.shape_cast %get3A_778 : vector<1x16xf32> to vector<16xf32>
        %add3A_780 = arith.addf %add3A_722, %get3A_779 : vector<16xf32>
        %add3A_781 = arith.constant 96 : i32
        %add3A_782 = arith.addi %add3A_781, %scan3A_731 : i32
        %get3A_783 = arith.index_cast %add3A_782 : i32 to index
        %get3A_784 = arith.constant 112 : index
        %get3A_785 = tpu.vector_load %arg4[%get3A_783, %get3A_784] {strides = array<i32>} : memref<256x128xf32, #tpu.memory_space<vmem>>, vector<1x16xf32>,
        %get3A_786 = vector.shape_cast %get3A_785 : vector<1x16xf32> to vector<16xf32>
        %add3A_787 = arith.addf %add3A_729, %get3A_786 : vector<16xf32>
        %scan3A_788 = arith.constant 3 : i32
        %scan3A_789 = arith.addi %scan3A_608, %scan3A_788 : i32
        %add3A_790 = arith.constant 96 : i32
        %add3A_791 = arith.addi %add3A_790, %scan3A_789 : i32
        %get3A_792 = arith.index_cast %add3A_791 : i32 to index
        %get3A_793 = arith.constant 0 : index
        %get3A_794 = tpu.vector_load %arg4[%get3A_792, %get3A_793] {strides = array<i32>} : memref<256x128xf32, #tpu.memory_space<vmem>>, vector<1x16xf32>,
        %get3A_795 = vector.shape_cast %get3A_794 : vector<1x16xf32> to vector<16xf32>
        %add3A_796 = arith.addf %add3A_738, %get3A_795 : vector<16xf32>
        %add3A_797 = arith.constant 96 : i32
        %add3A_798 = arith.addi %add3A_797, %scan3A_789 : i32
        %get3A_799 = arith.index_cast %add3A_798 : i32 to index
        %get3A_800 = arith.constant 16 : index
        %get3A_801 = tpu.vector_load %arg4[%get3A_799, %get3A_800] {strides = array<i32>} : memref<256x128xf32, #tpu.memory_space<vmem>>, vector<1x16xf32>,
        %get3A_802 = vector.shape_cast %get3A_801 : vector<1x16xf32> to vector<16xf32>
        %add3A_803 = arith.addf %add3A_745, %get3A_802 : vector<16xf32>
        %add3A_804 = arith.constant 96 : i32
        %add3A_805 = arith.addi %add3A_804, %scan3A_789 : i32
        %get3A_806 = arith.index_cast %add3A_805 : i32 to index
        %get3A_807 = arith.constant 32 : index
        %get3A_808 = tpu.vector_load %arg4[%get3A_806, %get3A_807] {strides = array<i32>} : memref<256x128xf32, #tpu.memory_space<vmem>>, vector<1x16xf32>,
        %get3A_809 = vector.shape_cast %get3A_808 : vector<1x16xf32> to vector<16xf32>
        %add3A_810 = arith.addf %add3A_752, %get3A_809 : vector<16xf32>
        %add3A_811 = arith.constant 96 : i32
        %add3A_812 = arith.addi %add3A_811, %scan3A_789 : i32
        %get3A_813 = arith.index_cast %add3A_812 : i32 to index
        %get3A_814 = arith.constant 48 : index
        %get3A_815 = tpu.vector_load %arg4[%get3A_813, %get3A_814] {strides = array<i32>} : memref<256x128xf32, #tpu.memory_space<vmem>>, vector<1x16xf32>,
        %get3A_816 = vector.shape_cast %get3A_815 : vector<1x16xf32> to vector<16xf32>
        %add3A_817 = arith.addf %add3A_759, %get3A_816 : vector<16xf32>
        %add3A_818 = arith.constant 96 : i32
        %add3A_819 = arith.addi %add3A_818, %scan3A_789 : i32
        %get3A_820 = arith.index_cast %add3A_819 : i32 to index
        %get3A_821 = arith.constant 64 : index
        %get3A_822 = tpu.vector_load %arg4[%get3A_820, %get3A_821] {strides = array<i32>} : memref<256x128xf32, #tpu.memory_space<vmem>>, vector<1x16xf32>,
        %get3A_823 = vector.shape_cast %get3A_822 : vector<1x16xf32> to vector<16xf32>
        %add3A_824 = arith.addf %add3A_766, %get3A_823 : vector<16xf32>
        %add3A_825 = arith.constant 96 : i32
        %add3A_826 = arith.addi %add3A_825, %scan3A_789 : i32
        %get3A_827 = arith.index_cast %add3A_826 : i32 to index
        %get3A_828 = arith.constant 80 : index
        %get3A_829 = tpu.vector_load %arg4[%get3A_827, %get3A_828] {strides = array<i32>} : memref<256x128xf32, #tpu.memory_space<vmem>>, vector<1x16xf32>,
        %get3A_830 = vector.shape_cast %get3A_829 : vector<1x16xf32> to vector<16xf32>
        %add3A_831 = arith.addf %add3A_773, %get3A_830 : vector<16xf32>
        %add3A_832 = arith.constant 96 : i32
        %add3A_833 = arith.addi %add3A_832, %scan3A_789 : i32
        %get3A_834 = arith.index_cast %add3A_833 : i32 to index
        %get3A_835 = arith.constant 96 : index
        %get3A_836 = tpu.vector_load %arg4[%get3A_834, %get3A_835] {strides = array<i32>} : memref<256x128xf32, #tpu.memory_space<vmem>>, vector<1x16xf32>,
        %get3A_837 = vector.shape_cast %get3A_836 : vector<1x16xf32> to vector<16xf32>
        %add3A_838 = arith.addf %add3A_780, %get3A_837 : vector<16xf32>
        %add3A_839 = arith.constant 96 : i32
        %add3A_840 = arith.addi %add3A_839, %scan3A_789 : i32
        %get3A_841 = arith.index_cast %add3A_840 : i32 to index
        %get3A_842 = arith.constant 112 : index
        %get3A_843 = tpu.vector_load %arg4[%get3A_841, %get3A_842] {strides = array<i32>} : memref<256x128xf32, #tpu.memory_space<vmem>>, vector<1x16xf32>,
        %get3A_844 = vector.shape_cast %get3A_843 : vector<1x16xf32> to vector<16xf32>
        %add3A_845 = arith.addf %add3A_787, %get3A_844 : vector<16xf32>
        scf.yield %add3A_796, %add3A_803, %add3A_810, %add3A_817, %add3A_824, %add3A_831, %add3A_838, %add3A_845 : vector<16xf32>, vector<16xf32>, vector<16xf32>, vector<16xf32>, vector<16xf32>, vector<16xf32>, vector<16xf32>, vector<16xf32>
      }
      %scan3A_276 = arith.constant 32 : i32
      %swap3A_277 = arith.constant 3 : i32
      %swap3A_278 = arith.index_cast %swap3A_277 : i32 to index
      %swap3A_279 = arith.constant 0 : index
      %swap3A_280 = tpu.vector_load %arg6[%swap3A_278, %swap3A_279] {strides = array<i32>} : memref<8x128xf32, #tpu.memory_space<vmem>>, vector<1x16xf32>,
      %swap3A_281 = vector.shape_cast %swap3A_280 : vector<1x16xf32> to vector<16xf32>
      %swap3A_282 = vector.shape_cast %scan3A_275#0 : vector<16xf32> to vector<1x16xf32>
      tpu.vector_store %arg6[%swap3A_278, %swap3A_279], %swap3A_282 {strides = array<i32>} : memref<8x128xf32, #tpu.memory_space<vmem>>, vector<1x16xf32>,
      %swap3A_283 = arith.constant 3 : i32
      %swap3A_284 = arith.index_cast %swap3A_283 : i32 to index
      %swap3A_285 = arith.constant 16 : index
      %swap3A_286 = tpu.vector_load %arg6[%swap3A_284, %swap3A_285] {strides = array<i32>} : memref<8x128xf32, #tpu.memory_space<vmem>>, vector<1x16xf32>,
      %swap3A_287 = vector.shape_cast %swap3A_286 : vector<1x16xf32> to vector<16xf32>
      %swap3A_288 = vector.shape_cast %scan3A_275#1 : vector<16xf32> to vector<1x16xf32>
      tpu.vector_store %arg6[%swap3A_284, %swap3A_285], %swap3A_288 {strides = array<i32>} : memref<8x128xf32, #tpu.memory_space<vmem>>, vector<1x16xf32>,
      %swap3A_289 = arith.constant 3 : i32
      %swap3A_290 = arith.index_cast %swap3A_289 : i32 to index
      %swap3A_291 = arith.constant 32 : index
      %swap3A_292 = tpu.vector_load %arg6[%swap3A_290, %swap3A_291] {strides = array<i32>} : memref<8x128xf32, #tpu.memory_space<vmem>>, vector<1x16xf32>,
      %swap3A_293 = vector.shape_cast %swap3A_292 : vector<1x16xf32> to vector<16xf32>
      %swap3A_294 = vector.shape_cast %scan3A_275#2 : vector<16xf32> to vector<1x16xf32>
      tpu.vector_store %arg6[%swap3A_290, %swap3A_291], %swap3A_294 {strides = array<i32>} : memref<8x128xf32, #tpu.memory_space<vmem>>, vector<1x16xf32>,
      %swap3A_295 = arith.constant 3 : i32
      %swap3A_296 = arith.index_cast %swap3A_295 : i32 to index
      %swap3A_297 = arith.constant 48 : index
      %swap3A_298 = tpu.vector_load %arg6[%swap3A_296, %swap3A_297] {strides = array<i32>} : memref<8x128xf32, #tpu.memory_space<vmem>>, vector<1x16xf32>,
      %swap3A_299 = vector.shape_cast %swap3A_298 : vector<1x16xf32> to vector<16xf32>
      %swap3A_300 = vector.shape_cast %scan3A_275#3 : vector<16xf32> to vector<1x16xf32>
      tpu.vector_store %arg6[%swap3A_296, %swap3A_297], %swap3A_300 {strides = array<i32>} : memref<8x128xf32, #tpu.memory_space<vmem>>, vector<1x16xf32>,
      %swap3A_301 = arith.constant 3 : i32
      %swap3A_302 = arith.index_cast %swap3A_301 : i32 to index
      %swap3A_303 = arith.constant 64 : index
      %swap3A_304 = tpu.vector_load %arg6[%swap3A_302, %swap3A_303] {strides = array<i32>} : memref<8x128xf32, #tpu.memory_space<vmem>>, vector<1x16xf32>,
      %swap3A_305 = vector.shape_cast %swap3A_304 : vector<1x16xf32> to vector<16xf32>
      %swap3A_306 = vector.shape_cast %scan3A_275#4 : vector<16xf32> to vector<1x16xf32>
      tpu.vector_store %arg6[%swap3A_302, %swap3A_303], %swap3A_306 {strides = array<i32>} : memref<8x128xf32, #tpu.memory_space<vmem>>, vector<1x16xf32>,
      %swap3A_307 = arith.constant 3 : i32
      %swap3A_308 = arith.index_cast %swap3A_307 : i32 to index
      %swap3A_309 = arith.constant 80 : index
      %swap3A_310 = tpu.vector_load %arg6[%swap3A_308, %swap3A_309] {strides = array<i32>} : memref<8x128xf32, #tpu.memory_space<vmem>>, vector<1x16xf32>,
      %swap3A_311 = vector.shape_cast %swap3A_310 : vector<1x16xf32> to vector<16xf32>
      %swap3A_312 = vector.shape_cast %scan3A_275#5 : vector<16xf32> to vector<1x16xf32>
      tpu.vector_store %arg6[%swap3A_308, %swap3A_309], %swap3A_312 {strides = array<i32>} : memref<8x128xf32, #tpu.memory_space<vmem>>, vector<1x16xf32>,
      %swap3A_313 = arith.constant 3 : i32
      %swap3A_314 = arith.index_cast %swap3A_313 : i32 to index
      %swap3A_315 = arith.constant 96 : index
      %swap3A_316 = tpu.vector_load %arg6[%swap3A_314, %swap3A_315] {strides = array<i32>} : memref<8x128xf32, #tpu.memory_space<vmem>>, vector<1x16xf32>,
      %swap3A_317 = vector.shape_cast %swap3A_316 : vector<1x16xf32> to vector<16xf32>
      %swap3A_318 = vector.shape_cast %scan3A_275#6 : vector<16xf32> to vector<1x16xf32>
      tpu.vector_store %arg6[%swap3A_314, %swap3A_315], %swap3A_318 {strides = array<i32>} : memref<8x128xf32, #tpu.memory_space<vmem>>, vector<1x16xf32>,
      %swap3A_319 = arith.constant 3 : i32
      %swap3A_320 = arith.index_cast %swap3A_319 : i32 to index
      %swap3A_321 = arith.constant 112 : index
      %swap3A_322 = tpu.vector_load %arg6[%swap3A_320, %swap3A_321] {strides = array<i32>} : memref<8x128xf32, #tpu.memory_space<vmem>>, vector<1x16xf32>,
      %swap3A_323 = vector.shape_cast %swap3A_322 : vector<1x16xf32> to vector<16xf32>
      %swap3A_324 = vector.shape_cast %scan3A_275#7 : vector<16xf32> to vector<1x16xf32>
      tpu.vector_store %arg6[%swap3A_320, %swap3A_321], %swap3A_324 {strides = array<i32>} : memref<8x128xf32, #tpu.memory_space<vmem>>, vector<1x16xf32>,
      %broadcast_in_dim3A_325 = arith.constant 0.000000e+00 : f32
      %broadcast_in_dim3A_326 = vector.broadcast %broadcast_in_dim3A_325 : f32 to vector<16xf32>
      %broadcast_in_dim3A_327 = arith.constant 0.000000e+00 : f32
      %broadcast_in_dim3A_328 = vector.broadcast %broadcast_in_dim3A_327 : f32 to vector<16xf32>
      %broadcast_in_dim3A_329 = arith.constant 0.000000e+00 : f32
      %broadcast_in_dim3A_330 = vector.broadcast %broadcast_in_dim3A_329 : f32 to vector<16xf32>
      %broadcast_in_dim3A_331 = arith.constant 0.000000e+00 : f32
      %broadcast_in_dim3A_332 = vector.broadcast %broadcast_in_dim3A_331 : f32 to vector<16xf32>
      %broadcast_in_dim3A_333 = arith.constant 0.000000e+00 : f32
      %broadcast_in_dim3A_334 = vector.broadcast %broadcast_in_dim3A_333 : f32 to vector<16xf32>
      %broadcast_in_dim3A_335 = arith.constant 0.000000e+00 : f32
      %broadcast_in_dim3A_336 = vector.broadcast %broadcast_in_dim3A_335 : f32 to vector<16xf32>
      %broadcast_in_dim3A_337 = arith.constant 0.000000e+00 : f32
      %broadcast_in_dim3A_338 = vector.broadcast %broadcast_in_dim3A_337 : f32 to vector<16xf32>
      %broadcast_in_dim3A_339 = arith.constant 0.000000e+00 : f32
      %broadcast_in_dim3A_340 = vector.broadcast %broadcast_in_dim3A_339 : f32 to vector<16xf32>
      %scan3A_341 = arith.constant 0 : i32
      %scan3A_342 = arith.constant 32 : i32
      %scan3A_343 = arith.addi %scan3A_341, %scan3A_342 : i32
      %scan3A_344 = arith.constant 4 : i32
      %scan3A_345:8 = scf.for %scan3A_608 = %scan3A_341 to %scan3A_343 step %scan3A_344 iter_args(%scan3A_609 = %broadcast_in_dim3A_326, %scan3A_610 = %broadcast_in_dim3A_328, %scan3A_611 = %broadcast_in_dim3A_330, %scan3A_612 = %broadcast_in_dim3A_332, %scan3A_613 = %broadcast_in_dim3A_334, %scan3A_614 = %broadcast_in_dim3A_336, %scan3A_615 = %broadcast_in_dim3A_338, %scan3A_616 = %broadcast_in_dim3A_340) -> (vector<16xf32>, vector<16xf32>, vector<16xf32>, vector<16xf32>, vector<16xf32>, vector<16xf32>, vector<16xf32>, vector<16xf32>)  : i32 {
        %add3A_617 = arith.constant 128 : i32
        %add3A_618 = arith.addi %add3A_617, %scan3A_608 : i32
        %get3A = arith.index_cast %add3A_618 : i32 to index
        %get3A_619 = arith.constant 0 : index
        %get3A_620 = tpu.vector_load %arg4[%get3A, %get3A_619] {strides = array<i32>} : memref<256x128xf32, #tpu.memory_space<vmem>>, vector<1x16xf32>,
        %get3A_621 = vector.shape_cast %get3A_620 : vector<1x16xf32> to vector<16xf32>
        %add3A_622 = arith.addf %scan3A_609, %get3A_621 : vector<16xf32>
        %add3A_623 = arith.constant 128 : i32
        %add3A_624 = arith.addi %add3A_623, %scan3A_608 : i32
        %get3A_625 = arith.index_cast %add3A_624 : i32 to index
        %get3A_626 = arith.constant 16 : index
        %get3A_627 = tpu.vector_load %arg4[%get3A_625, %get3A_626] {strides = array<i32>} : memref<256x128xf32, #tpu.memory_space<vmem>>, vector<1x16xf32>,
        %get3A_628 = vector.shape_cast %get3A_627 : vector<1x16xf32> to vector<16xf32>
        %add3A_629 = arith.addf %scan3A_610, %get3A_628 : vector<16xf32>
        %add3A_630 = arith.constant 128 : i32
        %add3A_631 = arith.addi %add3A_630, %scan3A_608 : i32
        %get3A_632 = arith.index_cast %add3A_631 : i32 to index
        %get3A_633 = arith.constant 32 : index
        %get3A_634 = tpu.vector_load %arg4[%get3A_632, %get3A_633] {strides = array<i32>} : memref<256x128xf32, #tpu.memory_space<vmem>>, vector<1x16xf32>,
        %get3A_635 = vector.shape_cast %get3A_634 : vector<1x16xf32> to vector<16xf32>
        %add3A_636 = arith.addf %scan3A_611, %get3A_635 : vector<16xf32>
        %add3A_637 = arith.constant 128 : i32
        %add3A_638 = arith.addi %add3A_637, %scan3A_608 : i32
        %get3A_639 = arith.index_cast %add3A_638 : i32 to index
        %get3A_640 = arith.constant 48 : index
        %get3A_641 = tpu.vector_load %arg4[%get3A_639, %get3A_640] {strides = array<i32>} : memref<256x128xf32, #tpu.memory_space<vmem>>, vector<1x16xf32>,
        %get3A_642 = vector.shape_cast %get3A_641 : vector<1x16xf32> to vector<16xf32>
        %add3A_643 = arith.addf %scan3A_612, %get3A_642 : vector<16xf32>
        %add3A_644 = arith.constant 128 : i32
        %add3A_645 = arith.addi %add3A_644, %scan3A_608 : i32
        %get3A_646 = arith.index_cast %add3A_645 : i32 to index
        %get3A_647 = arith.constant 64 : index
        %get3A_648 = tpu.vector_load %arg4[%get3A_646, %get3A_647] {strides = array<i32>} : memref<256x128xf32, #tpu.memory_space<vmem>>, vector<1x16xf32>,
        %get3A_649 = vector.shape_cast %get3A_648 : vector<1x16xf32> to vector<16xf32>
        %add3A_650 = arith.addf %scan3A_613, %get3A_649 : vector<16xf32>
        %add3A_651 = arith.constant 128 : i32
        %add3A_652 = arith.addi %add3A_651, %scan3A_608 : i32
        %get3A_653 = arith.index_cast %add3A_652 : i32 to index
        %get3A_654 = arith.constant 80 : index
        %get3A_655 = tpu.vector_load %arg4[%get3A_653, %get3A_654] {strides = array<i32>} : memref<256x128xf32, #tpu.memory_space<vmem>>, vector<1x16xf32>,
        %get3A_656 = vector.shape_cast %get3A_655 : vector<1x16xf32> to vector<16xf32>
        %add3A_657 = arith.addf %scan3A_614, %get3A_656 : vector<16xf32>
        %add3A_658 = arith.constant 128 : i32
        %add3A_659 = arith.addi %add3A_658, %scan3A_608 : i32
        %get3A_660 = arith.index_cast %add3A_659 : i32 to index
        %get3A_661 = arith.constant 96 : index
        %get3A_662 = tpu.vector_load %arg4[%get3A_660, %get3A_661] {strides = array<i32>} : memref<256x128xf32, #tpu.memory_space<vmem>>, vector<1x16xf32>,
        %get3A_663 = vector.shape_cast %get3A_662 : vector<1x16xf32> to vector<16xf32>
        %add3A_664 = arith.addf %scan3A_615, %get3A_663 : vector<16xf32>
        %add3A_665 = arith.constant 128 : i32
        %add3A_666 = arith.addi %add3A_665, %scan3A_608 : i32
        %get3A_667 = arith.index_cast %add3A_666 : i32 to index
        %get3A_668 = arith.constant 112 : index
        %get3A_669 = tpu.vector_load %arg4[%get3A_667, %get3A_668] {strides = array<i32>} : memref<256x128xf32, #tpu.memory_space<vmem>>, vector<1x16xf32>,
        %get3A_670 = vector.shape_cast %get3A_669 : vector<1x16xf32> to vector<16xf32>
        %add3A_671 = arith.addf %scan3A_616, %get3A_670 : vector<16xf32>
        %scan3A_672 = arith.constant 1 : i32
        %scan3A_673 = arith.addi %scan3A_608, %scan3A_672 : i32
        %add3A_674 = arith.constant 128 : i32
        %add3A_675 = arith.addi %add3A_674, %scan3A_673 : i32
        %get3A_676 = arith.index_cast %add3A_675 : i32 to index
        %get3A_677 = arith.constant 0 : index
        %get3A_678 = tpu.vector_load %arg4[%get3A_676, %get3A_677] {strides = array<i32>} : memref<256x128xf32, #tpu.memory_space<vmem>>, vector<1x16xf32>,
        %get3A_679 = vector.shape_cast %get3A_678 : vector<1x16xf32> to vector<16xf32>
        %add3A_680 = arith.addf %add3A_622, %get3A_679 : vector<16xf32>
        %add3A_681 = arith.constant 128 : i32
        %add3A_682 = arith.addi %add3A_681, %scan3A_673 : i32
        %get3A_683 = arith.index_cast %add3A_682 : i32 to index
        %get3A_684 = arith.constant 16 : index
        %get3A_685 = tpu.vector_load %arg4[%get3A_683, %get3A_684] {strides = array<i32>} : memref<256x128xf32, #tpu.memory_space<vmem>>, vector<1x16xf32>,
        %get3A_686 = vector.shape_cast %get3A_685 : vector<1x16xf32> to vector<16xf32>
        %add3A_687 = arith.addf %add3A_629, %get3A_686 : vector<16xf32>
        %add3A_688 = arith.constant 128 : i32
        %add3A_689 = arith.addi %add3A_688, %scan3A_673 : i32
        %get3A_690 = arith.index_cast %add3A_689 : i32 to index
        %get3A_691 = arith.constant 32 : index
        %get3A_692 = tpu.vector_load %arg4[%get3A_690, %get3A_691] {strides = array<i32>} : memref<256x128xf32, #tpu.memory_space<vmem>>, vector<1x16xf32>,
        %get3A_693 = vector.shape_cast %get3A_692 : vector<1x16xf32> to vector<16xf32>
        %add3A_694 = arith.addf %add3A_636, %get3A_693 : vector<16xf32>
        %add3A_695 = arith.constant 128 : i32
        %add3A_696 = arith.addi %add3A_695, %scan3A_673 : i32
        %get3A_697 = arith.index_cast %add3A_696 : i32 to index
        %get3A_698 = arith.constant 48 : index
        %get3A_699 = tpu.vector_load %arg4[%get3A_697, %get3A_698] {strides = array<i32>} : memref<256x128xf32, #tpu.memory_space<vmem>>, vector<1x16xf32>,
        %get3A_700 = vector.shape_cast %get3A_699 : vector<1x16xf32> to vector<16xf32>
        %add3A_701 = arith.addf %add3A_643, %get3A_700 : vector<16xf32>
        %add3A_702 = arith.constant 128 : i32
        %add3A_703 = arith.addi %add3A_702, %scan3A_673 : i32
        %get3A_704 = arith.index_cast %add3A_703 : i32 to index
        %get3A_705 = arith.constant 64 : index
        %get3A_706 = tpu.vector_load %arg4[%get3A_704, %get3A_705] {strides = array<i32>} : memref<256x128xf32, #tpu.memory_space<vmem>>, vector<1x16xf32>,
        %get3A_707 = vector.shape_cast %get3A_706 : vector<1x16xf32> to vector<16xf32>
        %add3A_708 = arith.addf %add3A_650, %get3A_707 : vector<16xf32>
        %add3A_709 = arith.constant 128 : i32
        %add3A_710 = arith.addi %add3A_709, %scan3A_673 : i32
        %get3A_711 = arith.index_cast %add3A_710 : i32 to index
        %get3A_712 = arith.constant 80 : index
        %get3A_713 = tpu.vector_load %arg4[%get3A_711, %get3A_712] {strides = array<i32>} : memref<256x128xf32, #tpu.memory_space<vmem>>, vector<1x16xf32>,
        %get3A_714 = vector.shape_cast %get3A_713 : vector<1x16xf32> to vector<16xf32>
        %add3A_715 = arith.addf %add3A_657, %get3A_714 : vector<16xf32>
        %add3A_716 = arith.constant 128 : i32
        %add3A_717 = arith.addi %add3A_716, %scan3A_673 : i32
        %get3A_718 = arith.index_cast %add3A_717 : i32 to index
        %get3A_719 = arith.constant 96 : index
        %get3A_720 = tpu.vector_load %arg4[%get3A_718, %get3A_719] {strides = array<i32>} : memref<256x128xf32, #tpu.memory_space<vmem>>, vector<1x16xf32>,
        %get3A_721 = vector.shape_cast %get3A_720 : vector<1x16xf32> to vector<16xf32>
        %add3A_722 = arith.addf %add3A_664, %get3A_721 : vector<16xf32>
        %add3A_723 = arith.constant 128 : i32
        %add3A_724 = arith.addi %add3A_723, %scan3A_673 : i32
        %get3A_725 = arith.index_cast %add3A_724 : i32 to index
        %get3A_726 = arith.constant 112 : index
        %get3A_727 = tpu.vector_load %arg4[%get3A_725, %get3A_726] {strides = array<i32>} : memref<256x128xf32, #tpu.memory_space<vmem>>, vector<1x16xf32>,
        %get3A_728 = vector.shape_cast %get3A_727 : vector<1x16xf32> to vector<16xf32>
        %add3A_729 = arith.addf %add3A_671, %get3A_728 : vector<16xf32>
        %scan3A_730 = arith.constant 2 : i32
        %scan3A_731 = arith.addi %scan3A_608, %scan3A_730 : i32
        %add3A_732 = arith.constant 128 : i32
        %add3A_733 = arith.addi %add3A_732, %scan3A_731 : i32
        %get3A_734 = arith.index_cast %add3A_733 : i32 to index
        %get3A_735 = arith.constant 0 : index
        %get3A_736 = tpu.vector_load %arg4[%get3A_734, %get3A_735] {strides = array<i32>} : memref<256x128xf32, #tpu.memory_space<vmem>>, vector<1x16xf32>,
        %get3A_737 = vector.shape_cast %get3A_736 : vector<1x16xf32> to vector<16xf32>
        %add3A_738 = arith.addf %add3A_680, %get3A_737 : vector<16xf32>
        %add3A_739 = arith.constant 128 : i32
        %add3A_740 = arith.addi %add3A_739, %scan3A_731 : i32
        %get3A_741 = arith.index_cast %add3A_740 : i32 to index
        %get3A_742 = arith.constant 16 : index
        %get3A_743 = tpu.vector_load %arg4[%get3A_741, %get3A_742] {strides = array<i32>} : memref<256x128xf32, #tpu.memory_space<vmem>>, vector<1x16xf32>,
        %get3A_744 = vector.shape_cast %get3A_743 : vector<1x16xf32> to vector<16xf32>
        %add3A_745 = arith.addf %add3A_687, %get3A_744 : vector<16xf32>
        %add3A_746 = arith.constant 128 : i32
        %add3A_747 = arith.addi %add3A_746, %scan3A_731 : i32
        %get3A_748 = arith.index_cast %add3A_747 : i32 to index
        %get3A_749 = arith.constant 32 : index
        %get3A_750 = tpu.vector_load %arg4[%get3A_748, %get3A_749] {strides = array<i32>} : memref<256x128xf32, #tpu.memory_space<vmem>>, vector<1x16xf32>,
        %get3A_751 = vector.shape_cast %get3A_750 : vector<1x16xf32> to vector<16xf32>
        %add3A_752 = arith.addf %add3A_694, %get3A_751 : vector<16xf32>
        %add3A_753 = arith.constant 128 : i32
        %add3A_754 = arith.addi %add3A_753, %scan3A_731 : i32
        %get3A_755 = arith.index_cast %add3A_754 : i32 to index
        %get3A_756 = arith.constant 48 : index
        %get3A_757 = tpu.vector_load %arg4[%get3A_755, %get3A_756] {strides = array<i32>} : memref<256x128xf32, #tpu.memory_space<vmem>>, vector<1x16xf32>,
        %get3A_758 = vector.shape_cast %get3A_757 : vector<1x16xf32> to vector<16xf32>
        %add3A_759 = arith.addf %add3A_701, %get3A_758 : vector<16xf32>
        %add3A_760 = arith.constant 128 : i32
        %add3A_761 = arith.addi %add3A_760, %scan3A_731 : i32
        %get3A_762 = arith.index_cast %add3A_761 : i32 to index
        %get3A_763 = arith.constant 64 : index
        %get3A_764 = tpu.vector_load %arg4[%get3A_762, %get3A_763] {strides = array<i32>} : memref<256x128xf32, #tpu.memory_space<vmem>>, vector<1x16xf32>,
        %get3A_765 = vector.shape_cast %get3A_764 : vector<1x16xf32> to vector<16xf32>
        %add3A_766 = arith.addf %add3A_708, %get3A_765 : vector<16xf32>
        %add3A_767 = arith.constant 128 : i32
        %add3A_768 = arith.addi %add3A_767, %scan3A_731 : i32
        %get3A_769 = arith.index_cast %add3A_768 : i32 to index
        %get3A_770 = arith.constant 80 : index
        %get3A_771 = tpu.vector_load %arg4[%get3A_769, %get3A_770] {strides = array<i32>} : memref<256x128xf32, #tpu.memory_space<vmem>>, vector<1x16xf32>,
        %get3A_772 = vector.shape_cast %get3A_771 : vector<1x16xf32> to vector<16xf32>
        %add3A_773 = arith.addf %add3A_715, %get3A_772 : vector<16xf32>
        %add3A_774 = arith.constant 128 : i32
        %add3A_775 = arith.addi %add3A_774, %scan3A_731 : i32
        %get3A_776 = arith.index_cast %add3A_775 : i32 to index
        %get3A_777 = arith.constant 96 : index
        %get3A_778 = tpu.vector_load %arg4[%get3A_776, %get3A_777] {strides = array<i32>} : memref<256x128xf32, #tpu.memory_space<vmem>>, vector<1x16xf32>,
        %get3A_779 = vector.shape_cast %get3A_778 : vector<1x16xf32> to vector<16xf32>
        %add3A_780 = arith.addf %add3A_722, %get3A_779 : vector<16xf32>
        %add3A_781 = arith.constant 128 : i32
        %add3A_782 = arith.addi %add3A_781, %scan3A_731 : i32
        %get3A_783 = arith.index_cast %add3A_782 : i32 to index
        %get3A_784 = arith.constant 112 : index
        %get3A_785 = tpu.vector_load %arg4[%get3A_783, %get3A_784] {strides = array<i32>} : memref<256x128xf32, #tpu.memory_space<vmem>>, vector<1x16xf32>,
        %get3A_786 = vector.shape_cast %get3A_785 : vector<1x16xf32> to vector<16xf32>
        %add3A_787 = arith.addf %add3A_729, %get3A_786 : vector<16xf32>
        %scan3A_788 = arith.constant 3 : i32
        %scan3A_789 = arith.addi %scan3A_608, %scan3A_788 : i32
        %add3A_790 = arith.constant 128 : i32
        %add3A_791 = arith.addi %add3A_790, %scan3A_789 : i32
        %get3A_792 = arith.index_cast %add3A_791 : i32 to index
        %get3A_793 = arith.constant 0 : index
        %get3A_794 = tpu.vector_load %arg4[%get3A_792, %get3A_793] {strides = array<i32>} : memref<256x128xf32, #tpu.memory_space<vmem>>, vector<1x16xf32>,
        %get3A_795 = vector.shape_cast %get3A_794 : vector<1x16xf32> to vector<16xf32>
        %add3A_796 = arith.addf %add3A_738, %get3A_795 : vector<16xf32>
        %add3A_797 = arith.constant 128 : i32
        %add3A_798 = arith.addi %add3A_797, %scan3A_789 : i32
        %get3A_799 = arith.index_cast %add3A_798 : i32 to index
        %get3A_800 = arith.constant 16 : index
        %get3A_801 = tpu.vector_load %arg4[%get3A_799, %get3A_800] {strides = array<i32>} : memref<256x128xf32, #tpu.memory_space<vmem>>, vector<1x16xf32>,
        %get3A_802 = vector.shape_cast %get3A_801 : vector<1x16xf32> to vector<16xf32>
        %add3A_803 = arith.addf %add3A_745, %get3A_802 : vector<16xf32>
        %add3A_804 = arith.constant 128 : i32
        %add3A_805 = arith.addi %add3A_804, %scan3A_789 : i32
        %get3A_806 = arith.index_cast %add3A_805 : i32 to index
        %get3A_807 = arith.constant 32 : index
        %get3A_808 = tpu.vector_load %arg4[%get3A_806, %get3A_807] {strides = array<i32>} : memref<256x128xf32, #tpu.memory_space<vmem>>, vector<1x16xf32>,
        %get3A_809 = vector.shape_cast %get3A_808 : vector<1x16xf32> to vector<16xf32>
        %add3A_810 = arith.addf %add3A_752, %get3A_809 : vector<16xf32>
        %add3A_811 = arith.constant 128 : i32
        %add3A_812 = arith.addi %add3A_811, %scan3A_789 : i32
        %get3A_813 = arith.index_cast %add3A_812 : i32 to index
        %get3A_814 = arith.constant 48 : index
        %get3A_815 = tpu.vector_load %arg4[%get3A_813, %get3A_814] {strides = array<i32>} : memref<256x128xf32, #tpu.memory_space<vmem>>, vector<1x16xf32>,
        %get3A_816 = vector.shape_cast %get3A_815 : vector<1x16xf32> to vector<16xf32>
        %add3A_817 = arith.addf %add3A_759, %get3A_816 : vector<16xf32>
        %add3A_818 = arith.constant 128 : i32
        %add3A_819 = arith.addi %add3A_818, %scan3A_789 : i32
        %get3A_820 = arith.index_cast %add3A_819 : i32 to index
        %get3A_821 = arith.constant 64 : index
        %get3A_822 = tpu.vector_load %arg4[%get3A_820, %get3A_821] {strides = array<i32>} : memref<256x128xf32, #tpu.memory_space<vmem>>, vector<1x16xf32>,
        %get3A_823 = vector.shape_cast %get3A_822 : vector<1x16xf32> to vector<16xf32>
        %add3A_824 = arith.addf %add3A_766, %get3A_823 : vector<16xf32>
        %add3A_825 = arith.constant 128 : i32
        %add3A_826 = arith.addi %add3A_825, %scan3A_789 : i32
        %get3A_827 = arith.index_cast %add3A_826 : i32 to index
        %get3A_828 = arith.constant 80 : index
        %get3A_829 = tpu.vector_load %arg4[%get3A_827, %get3A_828] {strides = array<i32>} : memref<256x128xf32, #tpu.memory_space<vmem>>, vector<1x16xf32>,
        %get3A_830 = vector.shape_cast %get3A_829 : vector<1x16xf32> to vector<16xf32>
        %add3A_831 = arith.addf %add3A_773, %get3A_830 : vector<16xf32>
        %add3A_832 = arith.constant 128 : i32
        %add3A_833 = arith.addi %add3A_832, %scan3A_789 : i32
        %get3A_834 = arith.index_cast %add3A_833 : i32 to index
        %get3A_835 = arith.constant 96 : index
        %get3A_836 = tpu.vector_load %arg4[%get3A_834, %get3A_835] {strides = array<i32>} : memref<256x128xf32, #tpu.memory_space<vmem>>, vector<1x16xf32>,
        %get3A_837 = vector.shape_cast %get3A_836 : vector<1x16xf32> to vector<16xf32>
        %add3A_838 = arith.addf %add3A_780, %get3A_837 : vector<16xf32>
        %add3A_839 = arith.constant 128 : i32
        %add3A_840 = arith.addi %add3A_839, %scan3A_789 : i32
        %get3A_841 = arith.index_cast %add3A_840 : i32 to index
        %get3A_842 = arith.constant 112 : index
        %get3A_843 = tpu.vector_load %arg4[%get3A_841, %get3A_842] {strides = array<i32>} : memref<256x128xf32, #tpu.memory_space<vmem>>, vector<1x16xf32>,
        %get3A_844 = vector.shape_cast %get3A_843 : vector<1x16xf32> to vector<16xf32>
        %add3A_845 = arith.addf %add3A_787, %get3A_844 : vector<16xf32>
        scf.yield %add3A_796, %add3A_803, %add3A_810, %add3A_817, %add3A_824, %add3A_831, %add3A_838, %add3A_845 : vector<16xf32>, vector<16xf32>, vector<16xf32>, vector<16xf32>, vector<16xf32>, vector<16xf32>, vector<16xf32>, vector<16xf32>
      }
      %scan3A_346 = arith.constant 32 : i32
      %swap3A_347 = arith.constant 4 : i32
      %swap3A_348 = arith.index_cast %swap3A_347 : i32 to index
      %swap3A_349 = arith.constant 0 : index
      %swap3A_350 = tpu.vector_load %arg6[%swap3A_348, %swap3A_349] {strides = array<i32>} : memref<8x128xf32, #tpu.memory_space<vmem>>, vector<1x16xf32>,
      %swap3A_351 = vector.shape_cast %swap3A_350 : vector<1x16xf32> to vector<16xf32>
      %swap3A_352 = vector.shape_cast %scan3A_345#0 : vector<16xf32> to vector<1x16xf32>
      tpu.vector_store %arg6[%swap3A_348, %swap3A_349], %swap3A_352 {strides = array<i32>} : memref<8x128xf32, #tpu.memory_space<vmem>>, vector<1x16xf32>,
      %swap3A_353 = arith.constant 4 : i32
      %swap3A_354 = arith.index_cast %swap3A_353 : i32 to index
      %swap3A_355 = arith.constant 16 : index
      %swap3A_356 = tpu.vector_load %arg6[%swap3A_354, %swap3A_355] {strides = array<i32>} : memref<8x128xf32, #tpu.memory_space<vmem>>, vector<1x16xf32>,
      %swap3A_357 = vector.shape_cast %swap3A_356 : vector<1x16xf32> to vector<16xf32>
      %swap3A_358 = vector.shape_cast %scan3A_345#1 : vector<16xf32> to vector<1x16xf32>
      tpu.vector_store %arg6[%swap3A_354, %swap3A_355], %swap3A_358 {strides = array<i32>} : memref<8x128xf32, #tpu.memory_space<vmem>>, vector<1x16xf32>,
      %swap3A_359 = arith.constant 4 : i32
      %swap3A_360 = arith.index_cast %swap3A_359 : i32 to index
      %swap3A_361 = arith.constant 32 : index
      %swap3A_362 = tpu.vector_load %arg6[%swap3A_360, %swap3A_361] {strides = array<i32>} : memref<8x128xf32, #tpu.memory_space<vmem>>, vector<1x16xf32>,
      %swap3A_363 = vector.shape_cast %swap3A_362 : vector<1x16xf32> to vector<16xf32>
      %swap3A_364 = vector.shape_cast %scan3A_345#2 : vector<16xf32> to vector<1x16xf32>
      tpu.vector_store %arg6[%swap3A_360, %swap3A_361], %swap3A_364 {strides = array<i32>} : memref<8x128xf32, #tpu.memory_space<vmem>>, vector<1x16xf32>,
      %swap3A_365 = arith.constant 4 : i32
      %swap3A_366 = arith.index_cast %swap3A_365 : i32 to index
      %swap3A_367 = arith.constant 48 : index
      %swap3A_368 = tpu.vector_load %arg6[%swap3A_366, %swap3A_367] {strides = array<i32>} : memref<8x128xf32, #tpu.memory_space<vmem>>, vector<1x16xf32>,
      %swap3A_369 = vector.shape_cast %swap3A_368 : vector<1x16xf32> to vector<16xf32>
      %swap3A_370 = vector.shape_cast %scan3A_345#3 : vector<16xf32> to vector<1x16xf32>
      tpu.vector_store %arg6[%swap3A_366, %swap3A_367], %swap3A_370 {strides = array<i32>} : memref<8x128xf32, #tpu.memory_space<vmem>>, vector<1x16xf32>,
      %swap3A_371 = arith.constant 4 : i32
      %swap3A_372 = arith.index_cast %swap3A_371 : i32 to index
      %swap3A_373 = arith.constant 64 : index
      %swap3A_374 = tpu.vector_load %arg6[%swap3A_372, %swap3A_373] {strides = array<i32>} : memref<8x128xf32, #tpu.memory_space<vmem>>, vector<1x16xf32>,
      %swap3A_375 = vector.shape_cast %swap3A_374 : vector<1x16xf32> to vector<16xf32>
      %swap3A_376 = vector.shape_cast %scan3A_345#4 : vector<16xf32> to vector<1x16xf32>
      tpu.vector_store %arg6[%swap3A_372, %swap3A_373], %swap3A_376 {strides = array<i32>} : memref<8x128xf32, #tpu.memory_space<vmem>>, vector<1x16xf32>,
      %swap3A_377 = arith.constant 4 : i32
      %swap3A_378 = arith.index_cast %swap3A_377 : i32 to index
      %swap3A_379 = arith.constant 80 : index
      %swap3A_380 = tpu.vector_load %arg6[%swap3A_378, %swap3A_379] {strides = array<i32>} : memref<8x128xf32, #tpu.memory_space<vmem>>, vector<1x16xf32>,
      %swap3A_381 = vector.shape_cast %swap3A_380 : vector<1x16xf32> to vector<16xf32>
      %swap3A_382 = vector.shape_cast %scan3A_345#5 : vector<16xf32> to vector<1x16xf32>
      tpu.vector_store %arg6[%swap3A_378, %swap3A_379], %swap3A_382 {strides = array<i32>} : memref<8x128xf32, #tpu.memory_space<vmem>>, vector<1x16xf32>,
      %swap3A_383 = arith.constant 4 : i32
      %swap3A_384 = arith.index_cast %swap3A_383 : i32 to index
      %swap3A_385 = arith.constant 96 : index
      %swap3A_386 = tpu.vector_load %arg6[%swap3A_384, %swap3A_385] {strides = array<i32>} : memref<8x128xf32, #tpu.memory_space<vmem>>, vector<1x16xf32>,
      %swap3A_387 = vector.shape_cast %swap3A_386 : vector<1x16xf32> to vector<16xf32>
      %swap3A_388 = vector.shape_cast %scan3A_345#6 : vector<16xf32> to vector<1x16xf32>
      tpu.vector_store %arg6[%swap3A_384, %swap3A_385], %swap3A_388 {strides = array<i32>} : memref<8x128xf32, #tpu.memory_space<vmem>>, vector<1x16xf32>,
      %swap3A_389 = arith.constant 4 : i32
      %swap3A_390 = arith.index_cast %swap3A_389 : i32 to index
      %swap3A_391 = arith.constant 112 : index
      %swap3A_392 = tpu.vector_load %arg6[%swap3A_390, %swap3A_391] {strides = array<i32>} : memref<8x128xf32, #tpu.memory_space<vmem>>, vector<1x16xf32>,
      %swap3A_393 = vector.shape_cast %swap3A_392 : vector<1x16xf32> to vector<16xf32>
      %swap3A_394 = vector.shape_cast %scan3A_345#7 : vector<16xf32> to vector<1x16xf32>
      tpu.vector_store %arg6[%swap3A_390, %swap3A_391], %swap3A_394 {strides = array<i32>} : memref<8x128xf32, #tpu.memory_space<vmem>>, vector<1x16xf32>,
      %broadcast_in_dim3A_395 = arith.constant 0.000000e+00 : f32
      %broadcast_in_dim3A_396 = vector.broadcast %broadcast_in_dim3A_395 : f32 to vector<16xf32>
      %broadcast_in_dim3A_397 = arith.constant 0.000000e+00 : f32
      %broadcast_in_dim3A_398 = vector.broadcast %broadcast_in_dim3A_397 : f32 to vector<16xf32>
      %broadcast_in_dim3A_399 = arith.constant 0.000000e+00 : f32
      %broadcast_in_dim3A_400 = vector.broadcast %broadcast_in_dim3A_399 : f32 to vector<16xf32>
      %broadcast_in_dim3A_401 = arith.constant 0.000000e+00 : f32
      %broadcast_in_dim3A_402 = vector.broadcast %broadcast_in_dim3A_401 : f32 to vector<16xf32>
      %broadcast_in_dim3A_403 = arith.constant 0.000000e+00 : f32
      %broadcast_in_dim3A_404 = vector.broadcast %broadcast_in_dim3A_403 : f32 to vector<16xf32>
      %broadcast_in_dim3A_405 = arith.constant 0.000000e+00 : f32
      %broadcast_in_dim3A_406 = vector.broadcast %broadcast_in_dim3A_405 : f32 to vector<16xf32>
      %broadcast_in_dim3A_407 = arith.constant 0.000000e+00 : f32
      %broadcast_in_dim3A_408 = vector.broadcast %broadcast_in_dim3A_407 : f32 to vector<16xf32>
      %broadcast_in_dim3A_409 = arith.constant 0.000000e+00 : f32
      %broadcast_in_dim3A_410 = vector.broadcast %broadcast_in_dim3A_409 : f32 to vector<16xf32>
      %scan3A_411 = arith.constant 0 : i32
      %scan3A_412 = arith.constant 32 : i32
      %scan3A_413 = arith.addi %scan3A_411, %scan3A_412 : i32
      %scan3A_414 = arith.constant 4 : i32
      %scan3A_415:8 = scf.for %scan3A_608 = %scan3A_411 to %scan3A_413 step %scan3A_414 iter_args(%scan3A_609 = %broadcast_in_dim3A_396, %scan3A_610 = %broadcast_in_dim3A_398, %scan3A_611 = %broadcast_in_dim3A_400, %scan3A_612 = %broadcast_in_dim3A_402, %scan3A_613 = %broadcast_in_dim3A_404, %scan3A_614 = %broadcast_in_dim3A_406, %scan3A_615 = %broadcast_in_dim3A_408, %scan3A_616 = %broadcast_in_dim3A_410) -> (vector<16xf32>, vector<16xf32>, vector<16xf32>, vector<16xf32>, vector<16xf32>, vector<16xf32>, vector<16xf32>, vector<16xf32>)  : i32 {
        %add3A_617 = arith.constant 160 : i32
        %add3A_618 = arith.addi %add3A_617, %scan3A_608 : i32
        %get3A = arith.index_cast %add3A_618 : i32 to index
        %get3A_619 = arith.constant 0 : index
        %get3A_620 = tpu.vector_load %arg4[%get3A, %get3A_619] {strides = array<i32>} : memref<256x128xf32, #tpu.memory_space<vmem>>, vector<1x16xf32>,
        %get3A_621 = vector.shape_cast %get3A_620 : vector<1x16xf32> to vector<16xf32>
        %add3A_622 = arith.addf %scan3A_609, %get3A_621 : vector<16xf32>
        %add3A_623 = arith.constant 160 : i32
        %add3A_624 = arith.addi %add3A_623, %scan3A_608 : i32
        %get3A_625 = arith.index_cast %add3A_624 : i32 to index
        %get3A_626 = arith.constant 16 : index
        %get3A_627 = tpu.vector_load %arg4[%get3A_625, %get3A_626] {strides = array<i32>} : memref<256x128xf32, #tpu.memory_space<vmem>>, vector<1x16xf32>,
        %get3A_628 = vector.shape_cast %get3A_627 : vector<1x16xf32> to vector<16xf32>
        %add3A_629 = arith.addf %scan3A_610, %get3A_628 : vector<16xf32>
        %add3A_630 = arith.constant 160 : i32
        %add3A_631 = arith.addi %add3A_630, %scan3A_608 : i32
        %get3A_632 = arith.index_cast %add3A_631 : i32 to index
        %get3A_633 = arith.constant 32 : index
        %get3A_634 = tpu.vector_load %arg4[%get3A_632, %get3A_633] {strides = array<i32>} : memref<256x128xf32, #tpu.memory_space<vmem>>, vector<1x16xf32>,
        %get3A_635 = vector.shape_cast %get3A_634 : vector<1x16xf32> to vector<16xf32>
        %add3A_636 = arith.addf %scan3A_611, %get3A_635 : vector<16xf32>
        %add3A_637 = arith.constant 160 : i32
        %add3A_638 = arith.addi %add3A_637, %scan3A_608 : i32
        %get3A_639 = arith.index_cast %add3A_638 : i32 to index
        %get3A_640 = arith.constant 48 : index
        %get3A_641 = tpu.vector_load %arg4[%get3A_639, %get3A_640] {strides = array<i32>} : memref<256x128xf32, #tpu.memory_space<vmem>>, vector<1x16xf32>,
        %get3A_642 = vector.shape_cast %get3A_641 : vector<1x16xf32> to vector<16xf32>
        %add3A_643 = arith.addf %scan3A_612, %get3A_642 : vector<16xf32>
        %add3A_644 = arith.constant 160 : i32
        %add3A_645 = arith.addi %add3A_644, %scan3A_608 : i32
        %get3A_646 = arith.index_cast %add3A_645 : i32 to index
        %get3A_647 = arith.constant 64 : index
        %get3A_648 = tpu.vector_load %arg4[%get3A_646, %get3A_647] {strides = array<i32>} : memref<256x128xf32, #tpu.memory_space<vmem>>, vector<1x16xf32>,
        %get3A_649 = vector.shape_cast %get3A_648 : vector<1x16xf32> to vector<16xf32>
        %add3A_650 = arith.addf %scan3A_613, %get3A_649 : vector<16xf32>
        %add3A_651 = arith.constant 160 : i32
        %add3A_652 = arith.addi %add3A_651, %scan3A_608 : i32
        %get3A_653 = arith.index_cast %add3A_652 : i32 to index
        %get3A_654 = arith.constant 80 : index
        %get3A_655 = tpu.vector_load %arg4[%get3A_653, %get3A_654] {strides = array<i32>} : memref<256x128xf32, #tpu.memory_space<vmem>>, vector<1x16xf32>,
        %get3A_656 = vector.shape_cast %get3A_655 : vector<1x16xf32> to vector<16xf32>
        %add3A_657 = arith.addf %scan3A_614, %get3A_656 : vector<16xf32>
        %add3A_658 = arith.constant 160 : i32
        %add3A_659 = arith.addi %add3A_658, %scan3A_608 : i32
        %get3A_660 = arith.index_cast %add3A_659 : i32 to index
        %get3A_661 = arith.constant 96 : index
        %get3A_662 = tpu.vector_load %arg4[%get3A_660, %get3A_661] {strides = array<i32>} : memref<256x128xf32, #tpu.memory_space<vmem>>, vector<1x16xf32>,
        %get3A_663 = vector.shape_cast %get3A_662 : vector<1x16xf32> to vector<16xf32>
        %add3A_664 = arith.addf %scan3A_615, %get3A_663 : vector<16xf32>
        %add3A_665 = arith.constant 160 : i32
        %add3A_666 = arith.addi %add3A_665, %scan3A_608 : i32
        %get3A_667 = arith.index_cast %add3A_666 : i32 to index
        %get3A_668 = arith.constant 112 : index
        %get3A_669 = tpu.vector_load %arg4[%get3A_667, %get3A_668] {strides = array<i32>} : memref<256x128xf32, #tpu.memory_space<vmem>>, vector<1x16xf32>,
        %get3A_670 = vector.shape_cast %get3A_669 : vector<1x16xf32> to vector<16xf32>
        %add3A_671 = arith.addf %scan3A_616, %get3A_670 : vector<16xf32>
        %scan3A_672 = arith.constant 1 : i32
        %scan3A_673 = arith.addi %scan3A_608, %scan3A_672 : i32
        %add3A_674 = arith.constant 160 : i32
        %add3A_675 = arith.addi %add3A_674, %scan3A_673 : i32
        %get3A_676 = arith.index_cast %add3A_675 : i32 to index
        %get3A_677 = arith.constant 0 : index
        %get3A_678 = tpu.vector_load %arg4[%get3A_676, %get3A_677] {strides = array<i32>} : memref<256x128xf32, #tpu.memory_space<vmem>>, vector<1x16xf32>,
        %get3A_679 = vector.shape_cast %get3A_678 : vector<1x16xf32> to vector<16xf32>
        %add3A_680 = arith.addf %add3A_622, %get3A_679 : vector<16xf32>
        %add3A_681 = arith.constant 160 : i32
        %add3A_682 = arith.addi %add3A_681, %scan3A_673 : i32
        %get3A_683 = arith.index_cast %add3A_682 : i32 to index
        %get3A_684 = arith.constant 16 : index
        %get3A_685 = tpu.vector_load %arg4[%get3A_683, %get3A_684] {strides = array<i32>} : memref<256x128xf32, #tpu.memory_space<vmem>>, vector<1x16xf32>,
        %get3A_686 = vector.shape_cast %get3A_685 : vector<1x16xf32> to vector<16xf32>
        %add3A_687 = arith.addf %add3A_629, %get3A_686 : vector<16xf32>
        %add3A_688 = arith.constant 160 : i32
        %add3A_689 = arith.addi %add3A_688, %scan3A_673 : i32
        %get3A_690 = arith.index_cast %add3A_689 : i32 to index
        %get3A_691 = arith.constant 32 : index
        %get3A_692 = tpu.vector_load %arg4[%get3A_690, %get3A_691] {strides = array<i32>} : memref<256x128xf32, #tpu.memory_space<vmem>>, vector<1x16xf32>,
        %get3A_693 = vector.shape_cast %get3A_692 : vector<1x16xf32> to vector<16xf32>
        %add3A_694 = arith.addf %add3A_636, %get3A_693 : vector<16xf32>
        %add3A_695 = arith.constant 160 : i32
        %add3A_696 = arith.addi %add3A_695, %scan3A_673 : i32
        %get3A_697 = arith.index_cast %add3A_696 : i32 to index
        %get3A_698 = arith.constant 48 : index
        %get3A_699 = tpu.vector_load %arg4[%get3A_697, %get3A_698] {strides = array<i32>} : memref<256x128xf32, #tpu.memory_space<vmem>>, vector<1x16xf32>,
        %get3A_700 = vector.shape_cast %get3A_699 : vector<1x16xf32> to vector<16xf32>
        %add3A_701 = arith.addf %add3A_643, %get3A_700 : vector<16xf32>
        %add3A_702 = arith.constant 160 : i32
        %add3A_703 = arith.addi %add3A_702, %scan3A_673 : i32
        %get3A_704 = arith.index_cast %add3A_703 : i32 to index
        %get3A_705 = arith.constant 64 : index
        %get3A_706 = tpu.vector_load %arg4[%get3A_704, %get3A_705] {strides = array<i32>} : memref<256x128xf32, #tpu.memory_space<vmem>>, vector<1x16xf32>,
        %get3A_707 = vector.shape_cast %get3A_706 : vector<1x16xf32> to vector<16xf32>
        %add3A_708 = arith.addf %add3A_650, %get3A_707 : vector<16xf32>
        %add3A_709 = arith.constant 160 : i32
        %add3A_710 = arith.addi %add3A_709, %scan3A_673 : i32
        %get3A_711 = arith.index_cast %add3A_710 : i32 to index
        %get3A_712 = arith.constant 80 : index
        %get3A_713 = tpu.vector_load %arg4[%get3A_711, %get3A_712] {strides = array<i32>} : memref<256x128xf32, #tpu.memory_space<vmem>>, vector<1x16xf32>,
        %get3A_714 = vector.shape_cast %get3A_713 : vector<1x16xf32> to vector<16xf32>
        %add3A_715 = arith.addf %add3A_657, %get3A_714 : vector<16xf32>
        %add3A_716 = arith.constant 160 : i32
        %add3A_717 = arith.addi %add3A_716, %scan3A_673 : i32
        %get3A_718 = arith.index_cast %add3A_717 : i32 to index
        %get3A_719 = arith.constant 96 : index
        %get3A_720 = tpu.vector_load %arg4[%get3A_718, %get3A_719] {strides = array<i32>} : memref<256x128xf32, #tpu.memory_space<vmem>>, vector<1x16xf32>,
        %get3A_721 = vector.shape_cast %get3A_720 : vector<1x16xf32> to vector<16xf32>
        %add3A_722 = arith.addf %add3A_664, %get3A_721 : vector<16xf32>
        %add3A_723 = arith.constant 160 : i32
        %add3A_724 = arith.addi %add3A_723, %scan3A_673 : i32
        %get3A_725 = arith.index_cast %add3A_724 : i32 to index
        %get3A_726 = arith.constant 112 : index
        %get3A_727 = tpu.vector_load %arg4[%get3A_725, %get3A_726] {strides = array<i32>} : memref<256x128xf32, #tpu.memory_space<vmem>>, vector<1x16xf32>,
        %get3A_728 = vector.shape_cast %get3A_727 : vector<1x16xf32> to vector<16xf32>
        %add3A_729 = arith.addf %add3A_671, %get3A_728 : vector<16xf32>
        %scan3A_730 = arith.constant 2 : i32
        %scan3A_731 = arith.addi %scan3A_608, %scan3A_730 : i32
        %add3A_732 = arith.constant 160 : i32
        %add3A_733 = arith.addi %add3A_732, %scan3A_731 : i32
        %get3A_734 = arith.index_cast %add3A_733 : i32 to index
        %get3A_735 = arith.constant 0 : index
        %get3A_736 = tpu.vector_load %arg4[%get3A_734, %get3A_735] {strides = array<i32>} : memref<256x128xf32, #tpu.memory_space<vmem>>, vector<1x16xf32>,
        %get3A_737 = vector.shape_cast %get3A_736 : vector<1x16xf32> to vector<16xf32>
        %add3A_738 = arith.addf %add3A_680, %get3A_737 : vector<16xf32>
        %add3A_739 = arith.constant 160 : i32
        %add3A_740 = arith.addi %add3A_739, %scan3A_731 : i32
        %get3A_741 = arith.index_cast %add3A_740 : i32 to index
        %get3A_742 = arith.constant 16 : index
        %get3A_743 = tpu.vector_load %arg4[%get3A_741, %get3A_742] {strides = array<i32>} : memref<256x128xf32, #tpu.memory_space<vmem>>, vector<1x16xf32>,
        %get3A_744 = vector.shape_cast %get3A_743 : vector<1x16xf32> to vector<16xf32>
        %add3A_745 = arith.addf %add3A_687, %get3A_744 : vector<16xf32>
        %add3A_746 = arith.constant 160 : i32
        %add3A_747 = arith.addi %add3A_746, %scan3A_731 : i32
        %get3A_748 = arith.index_cast %add3A_747 : i32 to index
        %get3A_749 = arith.constant 32 : index
        %get3A_750 = tpu.vector_load %arg4[%get3A_748, %get3A_749] {strides = array<i32>} : memref<256x128xf32, #tpu.memory_space<vmem>>, vector<1x16xf32>,
        %get3A_751 = vector.shape_cast %get3A_750 : vector<1x16xf32> to vector<16xf32>
        %add3A_752 = arith.addf %add3A_694, %get3A_751 : vector<16xf32>
        %add3A_753 = arith.constant 160 : i32
        %add3A_754 = arith.addi %add3A_753, %scan3A_731 : i32
        %get3A_755 = arith.index_cast %add3A_754 : i32 to index
        %get3A_756 = arith.constant 48 : index
        %get3A_757 = tpu.vector_load %arg4[%get3A_755, %get3A_756] {strides = array<i32>} : memref<256x128xf32, #tpu.memory_space<vmem>>, vector<1x16xf32>,
        %get3A_758 = vector.shape_cast %get3A_757 : vector<1x16xf32> to vector<16xf32>
        %add3A_759 = arith.addf %add3A_701, %get3A_758 : vector<16xf32>
        %add3A_760 = arith.constant 160 : i32
        %add3A_761 = arith.addi %add3A_760, %scan3A_731 : i32
        %get3A_762 = arith.index_cast %add3A_761 : i32 to index
        %get3A_763 = arith.constant 64 : index
        %get3A_764 = tpu.vector_load %arg4[%get3A_762, %get3A_763] {strides = array<i32>} : memref<256x128xf32, #tpu.memory_space<vmem>>, vector<1x16xf32>,
        %get3A_765 = vector.shape_cast %get3A_764 : vector<1x16xf32> to vector<16xf32>
        %add3A_766 = arith.addf %add3A_708, %get3A_765 : vector<16xf32>
        %add3A_767 = arith.constant 160 : i32
        %add3A_768 = arith.addi %add3A_767, %scan3A_731 : i32
        %get3A_769 = arith.index_cast %add3A_768 : i32 to index
        %get3A_770 = arith.constant 80 : index
        %get3A_771 = tpu.vector_load %arg4[%get3A_769, %get3A_770] {strides = array<i32>} : memref<256x128xf32, #tpu.memory_space<vmem>>, vector<1x16xf32>,
        %get3A_772 = vector.shape_cast %get3A_771 : vector<1x16xf32> to vector<16xf32>
        %add3A_773 = arith.addf %add3A_715, %get3A_772 : vector<16xf32>
        %add3A_774 = arith.constant 160 : i32
        %add3A_775 = arith.addi %add3A_774, %scan3A_731 : i32
        %get3A_776 = arith.index_cast %add3A_775 : i32 to index
        %get3A_777 = arith.constant 96 : index
        %get3A_778 = tpu.vector_load %arg4[%get3A_776, %get3A_777] {strides = array<i32>} : memref<256x128xf32, #tpu.memory_space<vmem>>, vector<1x16xf32>,
        %get3A_779 = vector.shape_cast %get3A_778 : vector<1x16xf32> to vector<16xf32>
        %add3A_780 = arith.addf %add3A_722, %get3A_779 : vector<16xf32>
        %add3A_781 = arith.constant 160 : i32
        %add3A_782 = arith.addi %add3A_781, %scan3A_731 : i32
        %get3A_783 = arith.index_cast %add3A_782 : i32 to index
        %get3A_784 = arith.constant 112 : index
        %get3A_785 = tpu.vector_load %arg4[%get3A_783, %get3A_784] {strides = array<i32>} : memref<256x128xf32, #tpu.memory_space<vmem>>, vector<1x16xf32>,
        %get3A_786 = vector.shape_cast %get3A_785 : vector<1x16xf32> to vector<16xf32>
        %add3A_787 = arith.addf %add3A_729, %get3A_786 : vector<16xf32>
        %scan3A_788 = arith.constant 3 : i32
        %scan3A_789 = arith.addi %scan3A_608, %scan3A_788 : i32
        %add3A_790 = arith.constant 160 : i32
        %add3A_791 = arith.addi %add3A_790, %scan3A_789 : i32
        %get3A_792 = arith.index_cast %add3A_791 : i32 to index
        %get3A_793 = arith.constant 0 : index
        %get3A_794 = tpu.vector_load %arg4[%get3A_792, %get3A_793] {strides = array<i32>} : memref<256x128xf32, #tpu.memory_space<vmem>>, vector<1x16xf32>,
        %get3A_795 = vector.shape_cast %get3A_794 : vector<1x16xf32> to vector<16xf32>
        %add3A_796 = arith.addf %add3A_738, %get3A_795 : vector<16xf32>
        %add3A_797 = arith.constant 160 : i32
        %add3A_798 = arith.addi %add3A_797, %scan3A_789 : i32
        %get3A_799 = arith.index_cast %add3A_798 : i32 to index
        %get3A_800 = arith.constant 16 : index
        %get3A_801 = tpu.vector_load %arg4[%get3A_799, %get3A_800] {strides = array<i32>} : memref<256x128xf32, #tpu.memory_space<vmem>>, vector<1x16xf32>,
        %get3A_802 = vector.shape_cast %get3A_801 : vector<1x16xf32> to vector<16xf32>
        %add3A_803 = arith.addf %add3A_745, %get3A_802 : vector<16xf32>
        %add3A_804 = arith.constant 160 : i32
        %add3A_805 = arith.addi %add3A_804, %scan3A_789 : i32
        %get3A_806 = arith.index_cast %add3A_805 : i32 to index
        %get3A_807 = arith.constant 32 : index
        %get3A_808 = tpu.vector_load %arg4[%get3A_806, %get3A_807] {strides = array<i32>} : memref<256x128xf32, #tpu.memory_space<vmem>>, vector<1x16xf32>,
        %get3A_809 = vector.shape_cast %get3A_808 : vector<1x16xf32> to vector<16xf32>
        %add3A_810 = arith.addf %add3A_752, %get3A_809 : vector<16xf32>
        %add3A_811 = arith.constant 160 : i32
        %add3A_812 = arith.addi %add3A_811, %scan3A_789 : i32
        %get3A_813 = arith.index_cast %add3A_812 : i32 to index
        %get3A_814 = arith.constant 48 : index
        %get3A_815 = tpu.vector_load %arg4[%get3A_813, %get3A_814] {strides = array<i32>} : memref<256x128xf32, #tpu.memory_space<vmem>>, vector<1x16xf32>,
        %get3A_816 = vector.shape_cast %get3A_815 : vector<1x16xf32> to vector<16xf32>
        %add3A_817 = arith.addf %add3A_759, %get3A_816 : vector<16xf32>
        %add3A_818 = arith.constant 160 : i32
        %add3A_819 = arith.addi %add3A_818, %scan3A_789 : i32
        %get3A_820 = arith.index_cast %add3A_819 : i32 to index
        %get3A_821 = arith.constant 64 : index
        %get3A_822 = tpu.vector_load %arg4[%get3A_820, %get3A_821] {strides = array<i32>} : memref<256x128xf32, #tpu.memory_space<vmem>>, vector<1x16xf32>,
        %get3A_823 = vector.shape_cast %get3A_822 : vector<1x16xf32> to vector<16xf32>
        %add3A_824 = arith.addf %add3A_766, %get3A_823 : vector<16xf32>
        %add3A_825 = arith.constant 160 : i32
        %add3A_826 = arith.addi %add3A_825, %scan3A_789 : i32
        %get3A_827 = arith.index_cast %add3A_826 : i32 to index
        %get3A_828 = arith.constant 80 : index
        %get3A_829 = tpu.vector_load %arg4[%get3A_827, %get3A_828] {strides = array<i32>} : memref<256x128xf32, #tpu.memory_space<vmem>>, vector<1x16xf32>,
        %get3A_830 = vector.shape_cast %get3A_829 : vector<1x16xf32> to vector<16xf32>
        %add3A_831 = arith.addf %add3A_773, %get3A_830 : vector<16xf32>
        %add3A_832 = arith.constant 160 : i32
        %add3A_833 = arith.addi %add3A_832, %scan3A_789 : i32
        %get3A_834 = arith.index_cast %add3A_833 : i32 to index
        %get3A_835 = arith.constant 96 : index
        %get3A_836 = tpu.vector_load %arg4[%get3A_834, %get3A_835] {strides = array<i32>} : memref<256x128xf32, #tpu.memory_space<vmem>>, vector<1x16xf32>,
        %get3A_837 = vector.shape_cast %get3A_836 : vector<1x16xf32> to vector<16xf32>
        %add3A_838 = arith.addf %add3A_780, %get3A_837 : vector<16xf32>
        %add3A_839 = arith.constant 160 : i32
        %add3A_840 = arith.addi %add3A_839, %scan3A_789 : i32
        %get3A_841 = arith.index_cast %add3A_840 : i32 to index
        %get3A_842 = arith.constant 112 : index
        %get3A_843 = tpu.vector_load %arg4[%get3A_841, %get3A_842] {strides = array<i32>} : memref<256x128xf32, #tpu.memory_space<vmem>>, vector<1x16xf32>,
        %get3A_844 = vector.shape_cast %get3A_843 : vector<1x16xf32> to vector<16xf32>
        %add3A_845 = arith.addf %add3A_787, %get3A_844 : vector<16xf32>
        scf.yield %add3A_796, %add3A_803, %add3A_810, %add3A_817, %add3A_824, %add3A_831, %add3A_838, %add3A_845 : vector<16xf32>, vector<16xf32>, vector<16xf32>, vector<16xf32>, vector<16xf32>, vector<16xf32>, vector<16xf32>, vector<16xf32>
      }
      %scan3A_416 = arith.constant 32 : i32
      %swap3A_417 = arith.constant 5 : i32
      %swap3A_418 = arith.index_cast %swap3A_417 : i32 to index
      %swap3A_419 = arith.constant 0 : index
      %swap3A_420 = tpu.vector_load %arg6[%swap3A_418, %swap3A_419] {strides = array<i32>} : memref<8x128xf32, #tpu.memory_space<vmem>>, vector<1x16xf32>,
      %swap3A_421 = vector.shape_cast %swap3A_420 : vector<1x16xf32> to vector<16xf32>
      %swap3A_422 = vector.shape_cast %scan3A_415#0 : vector<16xf32> to vector<1x16xf32>
      tpu.vector_store %arg6[%swap3A_418, %swap3A_419], %swap3A_422 {strides = array<i32>} : memref<8x128xf32, #tpu.memory_space<vmem>>, vector<1x16xf32>,
      %swap3A_423 = arith.constant 5 : i32
      %swap3A_424 = arith.index_cast %swap3A_423 : i32 to index
      %swap3A_425 = arith.constant 16 : index
      %swap3A_426 = tpu.vector_load %arg6[%swap3A_424, %swap3A_425] {strides = array<i32>} : memref<8x128xf32, #tpu.memory_space<vmem>>, vector<1x16xf32>,
      %swap3A_427 = vector.shape_cast %swap3A_426 : vector<1x16xf32> to vector<16xf32>
      %swap3A_428 = vector.shape_cast %scan3A_415#1 : vector<16xf32> to vector<1x16xf32>
      tpu.vector_store %arg6[%swap3A_424, %swap3A_425], %swap3A_428 {strides = array<i32>} : memref<8x128xf32, #tpu.memory_space<vmem>>, vector<1x16xf32>,
      %swap3A_429 = arith.constant 5 : i32
      %swap3A_430 = arith.index_cast %swap3A_429 : i32 to index
      %swap3A_431 = arith.constant 32 : index
      %swap3A_432 = tpu.vector_load %arg6[%swap3A_430, %swap3A_431] {strides = array<i32>} : memref<8x128xf32, #tpu.memory_space<vmem>>, vector<1x16xf32>,
      %swap3A_433 = vector.shape_cast %swap3A_432 : vector<1x16xf32> to vector<16xf32>
      %swap3A_434 = vector.shape_cast %scan3A_415#2 : vector<16xf32> to vector<1x16xf32>
      tpu.vector_store %arg6[%swap3A_430, %swap3A_431], %swap3A_434 {strides = array<i32>} : memref<8x128xf32, #tpu.memory_space<vmem>>, vector<1x16xf32>,
      %swap3A_435 = arith.constant 5 : i32
      %swap3A_436 = arith.index_cast %swap3A_435 : i32 to index
      %swap3A_437 = arith.constant 48 : index
      %swap3A_438 = tpu.vector_load %arg6[%swap3A_436, %swap3A_437] {strides = array<i32>} : memref<8x128xf32, #tpu.memory_space<vmem>>, vector<1x16xf32>,
      %swap3A_439 = vector.shape_cast %swap3A_438 : vector<1x16xf32> to vector<16xf32>
      %swap3A_440 = vector.shape_cast %scan3A_415#3 : vector<16xf32> to vector<1x16xf32>
      tpu.vector_store %arg6[%swap3A_436, %swap3A_437], %swap3A_440 {strides = array<i32>} : memref<8x128xf32, #tpu.memory_space<vmem>>, vector<1x16xf32>,
      %swap3A_441 = arith.constant 5 : i32
      %swap3A_442 = arith.index_cast %swap3A_441 : i32 to index
      %swap3A_443 = arith.constant 64 : index
      %swap3A_444 = tpu.vector_load %arg6[%swap3A_442, %swap3A_443] {strides = array<i32>} : memref<8x128xf32, #tpu.memory_space<vmem>>, vector<1x16xf32>,
      %swap3A_445 = vector.shape_cast %swap3A_444 : vector<1x16xf32> to vector<16xf32>
      %swap3A_446 = vector.shape_cast %scan3A_415#4 : vector<16xf32> to vector<1x16xf32>
      tpu.vector_store %arg6[%swap3A_442, %swap3A_443], %swap3A_446 {strides = array<i32>} : memref<8x128xf32, #tpu.memory_space<vmem>>, vector<1x16xf32>,
      %swap3A_447 = arith.constant 5 : i32
      %swap3A_448 = arith.index_cast %swap3A_447 : i32 to index
      %swap3A_449 = arith.constant 80 : index
      %swap3A_450 = tpu.vector_load %arg6[%swap3A_448, %swap3A_449] {strides = array<i32>} : memref<8x128xf32, #tpu.memory_space<vmem>>, vector<1x16xf32>,
      %swap3A_451 = vector.shape_cast %swap3A_450 : vector<1x16xf32> to vector<16xf32>
      %swap3A_452 = vector.shape_cast %scan3A_415#5 : vector<16xf32> to vector<1x16xf32>
      tpu.vector_store %arg6[%swap3A_448, %swap3A_449], %swap3A_452 {strides = array<i32>} : memref<8x128xf32, #tpu.memory_space<vmem>>, vector<1x16xf32>,
      %swap3A_453 = arith.constant 5 : i32
      %swap3A_454 = arith.index_cast %swap3A_453 : i32 to index
      %swap3A_455 = arith.constant 96 : index
      %swap3A_456 = tpu.vector_load %arg6[%swap3A_454, %swap3A_455] {strides = array<i32>} : memref<8x128xf32, #tpu.memory_space<vmem>>, vector<1x16xf32>,
      %swap3A_457 = vector.shape_cast %swap3A_456 : vector<1x16xf32> to vector<16xf32>
      %swap3A_458 = vector.shape_cast %scan3A_415#6 : vector<16xf32> to vector<1x16xf32>
      tpu.vector_store %arg6[%swap3A_454, %swap3A_455], %swap3A_458 {strides = array<i32>} : memref<8x128xf32, #tpu.memory_space<vmem>>, vector<1x16xf32>,
      %swap3A_459 = arith.constant 5 : i32
      %swap3A_460 = arith.index_cast %swap3A_459 : i32 to index
      %swap3A_461 = arith.constant 112 : index
      %swap3A_462 = tpu.vector_load %arg6[%swap3A_460, %swap3A_461] {strides = array<i32>} : memref<8x128xf32, #tpu.memory_space<vmem>>, vector<1x16xf32>,
      %swap3A_463 = vector.shape_cast %swap3A_462 : vector<1x16xf32> to vector<16xf32>
      %swap3A_464 = vector.shape_cast %scan3A_415#7 : vector<16xf32> to vector<1x16xf32>
      tpu.vector_store %arg6[%swap3A_460, %swap3A_461], %swap3A_464 {strides = array<i32>} : memref<8x128xf32, #tpu.memory_space<vmem>>, vector<1x16xf32>,
      %broadcast_in_dim3A_465 = arith.constant 0.000000e+00 : f32
      %broadcast_in_dim3A_466 = vector.broadcast %broadcast_in_dim3A_465 : f32 to vector<16xf32>
      %broadcast_in_dim3A_467 = arith.constant 0.000000e+00 : f32
      %broadcast_in_dim3A_468 = vector.broadcast %broadcast_in_dim3A_467 : f32 to vector<16xf32>
      %broadcast_in_dim3A_469 = arith.constant 0.000000e+00 : f32
      %broadcast_in_dim3A_470 = vector.broadcast %broadcast_in_dim3A_469 : f32 to vector<16xf32>
      %broadcast_in_dim3A_471 = arith.constant 0.000000e+00 : f32
      %broadcast_in_dim3A_472 = vector.broadcast %broadcast_in_dim3A_471 : f32 to vector<16xf32>
      %broadcast_in_dim3A_473 = arith.constant 0.000000e+00 : f32
      %broadcast_in_dim3A_474 = vector.broadcast %broadcast_in_dim3A_473 : f32 to vector<16xf32>
      %broadcast_in_dim3A_475 = arith.constant 0.000000e+00 : f32
      %broadcast_in_dim3A_476 = vector.broadcast %broadcast_in_dim3A_475 : f32 to vector<16xf32>
      %broadcast_in_dim3A_477 = arith.constant 0.000000e+00 : f32
      %broadcast_in_dim3A_478 = vector.broadcast %broadcast_in_dim3A_477 : f32 to vector<16xf32>
      %broadcast_in_dim3A_479 = arith.constant 0.000000e+00 : f32
      %broadcast_in_dim3A_480 = vector.broadcast %broadcast_in_dim3A_479 : f32 to vector<16xf32>
      %scan3A_481 = arith.constant 0 : i32
      %scan3A_482 = arith.constant 32 : i32
      %scan3A_483 = arith.addi %scan3A_481, %scan3A_482 : i32
      %scan3A_484 = arith.constant 4 : i32
      %scan3A_485:8 = scf.for %scan3A_608 = %scan3A_481 to %scan3A_483 step %scan3A_484 iter_args(%scan3A_609 = %broadcast_in_dim3A_466, %scan3A_610 = %broadcast_in_dim3A_468, %scan3A_611 = %broadcast_in_dim3A_470, %scan3A_612 = %broadcast_in_dim3A_472, %scan3A_613 = %broadcast_in_dim3A_474, %scan3A_614 = %broadcast_in_dim3A_476, %scan3A_615 = %broadcast_in_dim3A_478, %scan3A_616 = %broadcast_in_dim3A_480) -> (vector<16xf32>, vector<16xf32>, vector<16xf32>, vector<16xf32>, vector<16xf32>, vector<16xf32>, vector<16xf32>, vector<16xf32>)  : i32 {
        %add3A_617 = arith.constant 192 : i32
        %add3A_618 = arith.addi %add3A_617, %scan3A_608 : i32
        %get3A = arith.index_cast %add3A_618 : i32 to index
        %get3A_619 = arith.constant 0 : index
        %get3A_620 = tpu.vector_load %arg4[%get3A, %get3A_619] {strides = array<i32>} : memref<256x128xf32, #tpu.memory_space<vmem>>, vector<1x16xf32>,
        %get3A_621 = vector.shape_cast %get3A_620 : vector<1x16xf32> to vector<16xf32>
        %add3A_622 = arith.addf %scan3A_609, %get3A_621 : vector<16xf32>
        %add3A_623 = arith.constant 192 : i32
        %add3A_624 = arith.addi %add3A_623, %scan3A_608 : i32
        %get3A_625 = arith.index_cast %add3A_624 : i32 to index
        %get3A_626 = arith.constant 16 : index
        %get3A_627 = tpu.vector_load %arg4[%get3A_625, %get3A_626] {strides = array<i32>} : memref<256x128xf32, #tpu.memory_space<vmem>>, vector<1x16xf32>,
        %get3A_628 = vector.shape_cast %get3A_627 : vector<1x16xf32> to vector<16xf32>
        %add3A_629 = arith.addf %scan3A_610, %get3A_628 : vector<16xf32>
        %add3A_630 = arith.constant 192 : i32
        %add3A_631 = arith.addi %add3A_630, %scan3A_608 : i32
        %get3A_632 = arith.index_cast %add3A_631 : i32 to index
        %get3A_633 = arith.constant 32 : index
        %get3A_634 = tpu.vector_load %arg4[%get3A_632, %get3A_633] {strides = array<i32>} : memref<256x128xf32, #tpu.memory_space<vmem>>, vector<1x16xf32>,
        %get3A_635 = vector.shape_cast %get3A_634 : vector<1x16xf32> to vector<16xf32>
        %add3A_636 = arith.addf %scan3A_611, %get3A_635 : vector<16xf32>
        %add3A_637 = arith.constant 192 : i32
        %add3A_638 = arith.addi %add3A_637, %scan3A_608 : i32
        %get3A_639 = arith.index_cast %add3A_638 : i32 to index
        %get3A_640 = arith.constant 48 : index
        %get3A_641 = tpu.vector_load %arg4[%get3A_639, %get3A_640] {strides = array<i32>} : memref<256x128xf32, #tpu.memory_space<vmem>>, vector<1x16xf32>,
        %get3A_642 = vector.shape_cast %get3A_641 : vector<1x16xf32> to vector<16xf32>
        %add3A_643 = arith.addf %scan3A_612, %get3A_642 : vector<16xf32>
        %add3A_644 = arith.constant 192 : i32
        %add3A_645 = arith.addi %add3A_644, %scan3A_608 : i32
        %get3A_646 = arith.index_cast %add3A_645 : i32 to index
        %get3A_647 = arith.constant 64 : index
        %get3A_648 = tpu.vector_load %arg4[%get3A_646, %get3A_647] {strides = array<i32>} : memref<256x128xf32, #tpu.memory_space<vmem>>, vector<1x16xf32>,
        %get3A_649 = vector.shape_cast %get3A_648 : vector<1x16xf32> to vector<16xf32>
        %add3A_650 = arith.addf %scan3A_613, %get3A_649 : vector<16xf32>
        %add3A_651 = arith.constant 192 : i32
        %add3A_652 = arith.addi %add3A_651, %scan3A_608 : i32
        %get3A_653 = arith.index_cast %add3A_652 : i32 to index
        %get3A_654 = arith.constant 80 : index
        %get3A_655 = tpu.vector_load %arg4[%get3A_653, %get3A_654] {strides = array<i32>} : memref<256x128xf32, #tpu.memory_space<vmem>>, vector<1x16xf32>,
        %get3A_656 = vector.shape_cast %get3A_655 : vector<1x16xf32> to vector<16xf32>
        %add3A_657 = arith.addf %scan3A_614, %get3A_656 : vector<16xf32>
        %add3A_658 = arith.constant 192 : i32
        %add3A_659 = arith.addi %add3A_658, %scan3A_608 : i32
        %get3A_660 = arith.index_cast %add3A_659 : i32 to index
        %get3A_661 = arith.constant 96 : index
        %get3A_662 = tpu.vector_load %arg4[%get3A_660, %get3A_661] {strides = array<i32>} : memref<256x128xf32, #tpu.memory_space<vmem>>, vector<1x16xf32>,
        %get3A_663 = vector.shape_cast %get3A_662 : vector<1x16xf32> to vector<16xf32>
        %add3A_664 = arith.addf %scan3A_615, %get3A_663 : vector<16xf32>
        %add3A_665 = arith.constant 192 : i32
        %add3A_666 = arith.addi %add3A_665, %scan3A_608 : i32
        %get3A_667 = arith.index_cast %add3A_666 : i32 to index
        %get3A_668 = arith.constant 112 : index
        %get3A_669 = tpu.vector_load %arg4[%get3A_667, %get3A_668] {strides = array<i32>} : memref<256x128xf32, #tpu.memory_space<vmem>>, vector<1x16xf32>,
        %get3A_670 = vector.shape_cast %get3A_669 : vector<1x16xf32> to vector<16xf32>
        %add3A_671 = arith.addf %scan3A_616, %get3A_670 : vector<16xf32>
        %scan3A_672 = arith.constant 1 : i32
        %scan3A_673 = arith.addi %scan3A_608, %scan3A_672 : i32
        %add3A_674 = arith.constant 192 : i32
        %add3A_675 = arith.addi %add3A_674, %scan3A_673 : i32
        %get3A_676 = arith.index_cast %add3A_675 : i32 to index
        %get3A_677 = arith.constant 0 : index
        %get3A_678 = tpu.vector_load %arg4[%get3A_676, %get3A_677] {strides = array<i32>} : memref<256x128xf32, #tpu.memory_space<vmem>>, vector<1x16xf32>,
        %get3A_679 = vector.shape_cast %get3A_678 : vector<1x16xf32> to vector<16xf32>
        %add3A_680 = arith.addf %add3A_622, %get3A_679 : vector<16xf32>
        %add3A_681 = arith.constant 192 : i32
        %add3A_682 = arith.addi %add3A_681, %scan3A_673 : i32
        %get3A_683 = arith.index_cast %add3A_682 : i32 to index
        %get3A_684 = arith.constant 16 : index
        %get3A_685 = tpu.vector_load %arg4[%get3A_683, %get3A_684] {strides = array<i32>} : memref<256x128xf32, #tpu.memory_space<vmem>>, vector<1x16xf32>,
        %get3A_686 = vector.shape_cast %get3A_685 : vector<1x16xf32> to vector<16xf32>
        %add3A_687 = arith.addf %add3A_629, %get3A_686 : vector<16xf32>
        %add3A_688 = arith.constant 192 : i32
        %add3A_689 = arith.addi %add3A_688, %scan3A_673 : i32
        %get3A_690 = arith.index_cast %add3A_689 : i32 to index
        %get3A_691 = arith.constant 32 : index
        %get3A_692 = tpu.vector_load %arg4[%get3A_690, %get3A_691] {strides = array<i32>} : memref<256x128xf32, #tpu.memory_space<vmem>>, vector<1x16xf32>,
        %get3A_693 = vector.shape_cast %get3A_692 : vector<1x16xf32> to vector<16xf32>
        %add3A_694 = arith.addf %add3A_636, %get3A_693 : vector<16xf32>
        %add3A_695 = arith.constant 192 : i32
        %add3A_696 = arith.addi %add3A_695, %scan3A_673 : i32
        %get3A_697 = arith.index_cast %add3A_696 : i32 to index
        %get3A_698 = arith.constant 48 : index
        %get3A_699 = tpu.vector_load %arg4[%get3A_697, %get3A_698] {strides = array<i32>} : memref<256x128xf32, #tpu.memory_space<vmem>>, vector<1x16xf32>,
        %get3A_700 = vector.shape_cast %get3A_699 : vector<1x16xf32> to vector<16xf32>
        %add3A_701 = arith.addf %add3A_643, %get3A_700 : vector<16xf32>
        %add3A_702 = arith.constant 192 : i32
        %add3A_703 = arith.addi %add3A_702, %scan3A_673 : i32
        %get3A_704 = arith.index_cast %add3A_703 : i32 to index
        %get3A_705 = arith.constant 64 : index
        %get3A_706 = tpu.vector_load %arg4[%get3A_704, %get3A_705] {strides = array<i32>} : memref<256x128xf32, #tpu.memory_space<vmem>>, vector<1x16xf32>,
        %get3A_707 = vector.shape_cast %get3A_706 : vector<1x16xf32> to vector<16xf32>
        %add3A_708 = arith.addf %add3A_650, %get3A_707 : vector<16xf32>
        %add3A_709 = arith.constant 192 : i32
        %add3A_710 = arith.addi %add3A_709, %scan3A_673 : i32
        %get3A_711 = arith.index_cast %add3A_710 : i32 to index
        %get3A_712 = arith.constant 80 : index
        %get3A_713 = tpu.vector_load %arg4[%get3A_711, %get3A_712] {strides = array<i32>} : memref<256x128xf32, #tpu.memory_space<vmem>>, vector<1x16xf32>,
        %get3A_714 = vector.shape_cast %get3A_713 : vector<1x16xf32> to vector<16xf32>
        %add3A_715 = arith.addf %add3A_657, %get3A_714 : vector<16xf32>
        %add3A_716 = arith.constant 192 : i32
        %add3A_717 = arith.addi %add3A_716, %scan3A_673 : i32
        %get3A_718 = arith.index_cast %add3A_717 : i32 to index
        %get3A_719 = arith.constant 96 : index
        %get3A_720 = tpu.vector_load %arg4[%get3A_718, %get3A_719] {strides = array<i32>} : memref<256x128xf32, #tpu.memory_space<vmem>>, vector<1x16xf32>,
        %get3A_721 = vector.shape_cast %get3A_720 : vector<1x16xf32> to vector<16xf32>
        %add3A_722 = arith.addf %add3A_664, %get3A_721 : vector<16xf32>
        %add3A_723 = arith.constant 192 : i32
        %add3A_724 = arith.addi %add3A_723, %scan3A_673 : i32
        %get3A_725 = arith.index_cast %add3A_724 : i32 to index
        %get3A_726 = arith.constant 112 : index
        %get3A_727 = tpu.vector_load %arg4[%get3A_725, %get3A_726] {strides = array<i32>} : memref<256x128xf32, #tpu.memory_space<vmem>>, vector<1x16xf32>,
        %get3A_728 = vector.shape_cast %get3A_727 : vector<1x16xf32> to vector<16xf32>
        %add3A_729 = arith.addf %add3A_671, %get3A_728 : vector<16xf32>
        %scan3A_730 = arith.constant 2 : i32
        %scan3A_731 = arith.addi %scan3A_608, %scan3A_730 : i32
        %add3A_732 = arith.constant 192 : i32
        %add3A_733 = arith.addi %add3A_732, %scan3A_731 : i32
        %get3A_734 = arith.index_cast %add3A_733 : i32 to index
        %get3A_735 = arith.constant 0 : index
        %get3A_736 = tpu.vector_load %arg4[%get3A_734, %get3A_735] {strides = array<i32>} : memref<256x128xf32, #tpu.memory_space<vmem>>, vector<1x16xf32>,
        %get3A_737 = vector.shape_cast %get3A_736 : vector<1x16xf32> to vector<16xf32>
        %add3A_738 = arith.addf %add3A_680, %get3A_737 : vector<16xf32>
        %add3A_739 = arith.constant 192 : i32
        %add3A_740 = arith.addi %add3A_739, %scan3A_731 : i32
        %get3A_741 = arith.index_cast %add3A_740 : i32 to index
        %get3A_742 = arith.constant 16 : index
        %get3A_743 = tpu.vector_load %arg4[%get3A_741, %get3A_742] {strides = array<i32>} : memref<256x128xf32, #tpu.memory_space<vmem>>, vector<1x16xf32>,
        %get3A_744 = vector.shape_cast %get3A_743 : vector<1x16xf32> to vector<16xf32>
        %add3A_745 = arith.addf %add3A_687, %get3A_744 : vector<16xf32>
        %add3A_746 = arith.constant 192 : i32
        %add3A_747 = arith.addi %add3A_746, %scan3A_731 : i32
        %get3A_748 = arith.index_cast %add3A_747 : i32 to index
        %get3A_749 = arith.constant 32 : index
        %get3A_750 = tpu.vector_load %arg4[%get3A_748, %get3A_749] {strides = array<i32>} : memref<256x128xf32, #tpu.memory_space<vmem>>, vector<1x16xf32>,
        %get3A_751 = vector.shape_cast %get3A_750 : vector<1x16xf32> to vector<16xf32>
        %add3A_752 = arith.addf %add3A_694, %get3A_751 : vector<16xf32>
        %add3A_753 = arith.constant 192 : i32
        %add3A_754 = arith.addi %add3A_753, %scan3A_731 : i32
        %get3A_755 = arith.index_cast %add3A_754 : i32 to index
        %get3A_756 = arith.constant 48 : index
        %get3A_757 = tpu.vector_load %arg4[%get3A_755, %get3A_756] {strides = array<i32>} : memref<256x128xf32, #tpu.memory_space<vmem>>, vector<1x16xf32>,
        %get3A_758 = vector.shape_cast %get3A_757 : vector<1x16xf32> to vector<16xf32>
        %add3A_759 = arith.addf %add3A_701, %get3A_758 : vector<16xf32>
        %add3A_760 = arith.constant 192 : i32
        %add3A_761 = arith.addi %add3A_760, %scan3A_731 : i32
        %get3A_762 = arith.index_cast %add3A_761 : i32 to index
        %get3A_763 = arith.constant 64 : index
        %get3A_764 = tpu.vector_load %arg4[%get3A_762, %get3A_763] {strides = array<i32>} : memref<256x128xf32, #tpu.memory_space<vmem>>, vector<1x16xf32>,
        %get3A_765 = vector.shape_cast %get3A_764 : vector<1x16xf32> to vector<16xf32>
        %add3A_766 = arith.addf %add3A_708, %get3A_765 : vector<16xf32>
        %add3A_767 = arith.constant 192 : i32
        %add3A_768 = arith.addi %add3A_767, %scan3A_731 : i32
        %get3A_769 = arith.index_cast %add3A_768 : i32 to index
        %get3A_770 = arith.constant 80 : index
        %get3A_771 = tpu.vector_load %arg4[%get3A_769, %get3A_770] {strides = array<i32>} : memref<256x128xf32, #tpu.memory_space<vmem>>, vector<1x16xf32>,
        %get3A_772 = vector.shape_cast %get3A_771 : vector<1x16xf32> to vector<16xf32>
        %add3A_773 = arith.addf %add3A_715, %get3A_772 : vector<16xf32>
        %add3A_774 = arith.constant 192 : i32
        %add3A_775 = arith.addi %add3A_774, %scan3A_731 : i32
        %get3A_776 = arith.index_cast %add3A_775 : i32 to index
        %get3A_777 = arith.constant 96 : index
        %get3A_778 = tpu.vector_load %arg4[%get3A_776, %get3A_777] {strides = array<i32>} : memref<256x128xf32, #tpu.memory_space<vmem>>, vector<1x16xf32>,
        %get3A_779 = vector.shape_cast %get3A_778 : vector<1x16xf32> to vector<16xf32>
        %add3A_780 = arith.addf %add3A_722, %get3A_779 : vector<16xf32>
        %add3A_781 = arith.constant 192 : i32
        %add3A_782 = arith.addi %add3A_781, %scan3A_731 : i32
        %get3A_783 = arith.index_cast %add3A_782 : i32 to index
        %get3A_784 = arith.constant 112 : index
        %get3A_785 = tpu.vector_load %arg4[%get3A_783, %get3A_784] {strides = array<i32>} : memref<256x128xf32, #tpu.memory_space<vmem>>, vector<1x16xf32>,
        %get3A_786 = vector.shape_cast %get3A_785 : vector<1x16xf32> to vector<16xf32>
        %add3A_787 = arith.addf %add3A_729, %get3A_786 : vector<16xf32>
        %scan3A_788 = arith.constant 3 : i32
        %scan3A_789 = arith.addi %scan3A_608, %scan3A_788 : i32
        %add3A_790 = arith.constant 192 : i32
        %add3A_791 = arith.addi %add3A_790, %scan3A_789 : i32
        %get3A_792 = arith.index_cast %add3A_791 : i32 to index
        %get3A_793 = arith.constant 0 : index
        %get3A_794 = tpu.vector_load %arg4[%get3A_792, %get3A_793] {strides = array<i32>} : memref<256x128xf32, #tpu.memory_space<vmem>>, vector<1x16xf32>,
        %get3A_795 = vector.shape_cast %get3A_794 : vector<1x16xf32> to vector<16xf32>
        %add3A_796 = arith.addf %add3A_738, %get3A_795 : vector<16xf32>
        %add3A_797 = arith.constant 192 : i32
        %add3A_798 = arith.addi %add3A_797, %scan3A_789 : i32
        %get3A_799 = arith.index_cast %add3A_798 : i32 to index
        %get3A_800 = arith.constant 16 : index
        %get3A_801 = tpu.vector_load %arg4[%get3A_799, %get3A_800] {strides = array<i32>} : memref<256x128xf32, #tpu.memory_space<vmem>>, vector<1x16xf32>,
        %get3A_802 = vector.shape_cast %get3A_801 : vector<1x16xf32> to vector<16xf32>
        %add3A_803 = arith.addf %add3A_745, %get3A_802 : vector<16xf32>
        %add3A_804 = arith.constant 192 : i32
        %add3A_805 = arith.addi %add3A_804, %scan3A_789 : i32
        %get3A_806 = arith.index_cast %add3A_805 : i32 to index
        %get3A_807 = arith.constant 32 : index
        %get3A_808 = tpu.vector_load %arg4[%get3A_806, %get3A_807] {strides = array<i32>} : memref<256x128xf32, #tpu.memory_space<vmem>>, vector<1x16xf32>,
        %get3A_809 = vector.shape_cast %get3A_808 : vector<1x16xf32> to vector<16xf32>
        %add3A_810 = arith.addf %add3A_752, %get3A_809 : vector<16xf32>
        %add3A_811 = arith.constant 192 : i32
        %add3A_812 = arith.addi %add3A_811, %scan3A_789 : i32
        %get3A_813 = arith.index_cast %add3A_812 : i32 to index
        %get3A_814 = arith.constant 48 : index
        %get3A_815 = tpu.vector_load %arg4[%get3A_813, %get3A_814] {strides = array<i32>} : memref<256x128xf32, #tpu.memory_space<vmem>>, vector<1x16xf32>,
        %get3A_816 = vector.shape_cast %get3A_815 : vector<1x16xf32> to vector<16xf32>
        %add3A_817 = arith.addf %add3A_759, %get3A_816 : vector<16xf32>
        %add3A_818 = arith.constant 192 : i32
        %add3A_819 = arith.addi %add3A_818, %scan3A_789 : i32
        %get3A_820 = arith.index_cast %add3A_819 : i32 to index
        %get3A_821 = arith.constant 64 : index
        %get3A_822 = tpu.vector_load %arg4[%get3A_820, %get3A_821] {strides = array<i32>} : memref<256x128xf32, #tpu.memory_space<vmem>>, vector<1x16xf32>,
        %get3A_823 = vector.shape_cast %get3A_822 : vector<1x16xf32> to vector<16xf32>
        %add3A_824 = arith.addf %add3A_766, %get3A_823 : vector<16xf32>
        %add3A_825 = arith.constant 192 : i32
        %add3A_826 = arith.addi %add3A_825, %scan3A_789 : i32
        %get3A_827 = arith.index_cast %add3A_826 : i32 to index
        %get3A_828 = arith.constant 80 : index
        %get3A_829 = tpu.vector_load %arg4[%get3A_827, %get3A_828] {strides = array<i32>} : memref<256x128xf32, #tpu.memory_space<vmem>>, vector<1x16xf32>,
        %get3A_830 = vector.shape_cast %get3A_829 : vector<1x16xf32> to vector<16xf32>
        %add3A_831 = arith.addf %add3A_773, %get3A_830 : vector<16xf32>
        %add3A_832 = arith.constant 192 : i32
        %add3A_833 = arith.addi %add3A_832, %scan3A_789 : i32
        %get3A_834 = arith.index_cast %add3A_833 : i32 to index
        %get3A_835 = arith.constant 96 : index
        %get3A_836 = tpu.vector_load %arg4[%get3A_834, %get3A_835] {strides = array<i32>} : memref<256x128xf32, #tpu.memory_space<vmem>>, vector<1x16xf32>,
        %get3A_837 = vector.shape_cast %get3A_836 : vector<1x16xf32> to vector<16xf32>
        %add3A_838 = arith.addf %add3A_780, %get3A_837 : vector<16xf32>
        %add3A_839 = arith.constant 192 : i32
        %add3A_840 = arith.addi %add3A_839, %scan3A_789 : i32
        %get3A_841 = arith.index_cast %add3A_840 : i32 to index
        %get3A_842 = arith.constant 112 : index
        %get3A_843 = tpu.vector_load %arg4[%get3A_841, %get3A_842] {strides = array<i32>} : memref<256x128xf32, #tpu.memory_space<vmem>>, vector<1x16xf32>,
        %get3A_844 = vector.shape_cast %get3A_843 : vector<1x16xf32> to vector<16xf32>
        %add3A_845 = arith.addf %add3A_787, %get3A_844 : vector<16xf32>
        scf.yield %add3A_796, %add3A_803, %add3A_810, %add3A_817, %add3A_824, %add3A_831, %add3A_838, %add3A_845 : vector<16xf32>, vector<16xf32>, vector<16xf32>, vector<16xf32>, vector<16xf32>, vector<16xf32>, vector<16xf32>, vector<16xf32>
      }
      %scan3A_486 = arith.constant 32 : i32
      %swap3A_487 = arith.constant 6 : i32
      %swap3A_488 = arith.index_cast %swap3A_487 : i32 to index
      %swap3A_489 = arith.constant 0 : index
      %swap3A_490 = tpu.vector_load %arg6[%swap3A_488, %swap3A_489] {strides = array<i32>} : memref<8x128xf32, #tpu.memory_space<vmem>>, vector<1x16xf32>,
      %swap3A_491 = vector.shape_cast %swap3A_490 : vector<1x16xf32> to vector<16xf32>
      %swap3A_492 = vector.shape_cast %scan3A_485#0 : vector<16xf32> to vector<1x16xf32>
      tpu.vector_store %arg6[%swap3A_488, %swap3A_489], %swap3A_492 {strides = array<i32>} : memref<8x128xf32, #tpu.memory_space<vmem>>, vector<1x16xf32>,
      %swap3A_493 = arith.constant 6 : i32
      %swap3A_494 = arith.index_cast %swap3A_493 : i32 to index
      %swap3A_495 = arith.constant 16 : index
      %swap3A_496 = tpu.vector_load %arg6[%swap3A_494, %swap3A_495] {strides = array<i32>} : memref<8x128xf32, #tpu.memory_space<vmem>>, vector<1x16xf32>,
      %swap3A_497 = vector.shape_cast %swap3A_496 : vector<1x16xf32> to vector<16xf32>
      %swap3A_498 = vector.shape_cast %scan3A_485#1 : vector<16xf32> to vector<1x16xf32>
      tpu.vector_store %arg6[%swap3A_494, %swap3A_495], %swap3A_498 {strides = array<i32>} : memref<8x128xf32, #tpu.memory_space<vmem>>, vector<1x16xf32>,
      %swap3A_499 = arith.constant 6 : i32
      %swap3A_500 = arith.index_cast %swap3A_499 : i32 to index
      %swap3A_501 = arith.constant 32 : index
      %swap3A_502 = tpu.vector_load %arg6[%swap3A_500, %swap3A_501] {strides = array<i32>} : memref<8x128xf32, #tpu.memory_space<vmem>>, vector<1x16xf32>,
      %swap3A_503 = vector.shape_cast %swap3A_502 : vector<1x16xf32> to vector<16xf32>
      %swap3A_504 = vector.shape_cast %scan3A_485#2 : vector<16xf32> to vector<1x16xf32>
      tpu.vector_store %arg6[%swap3A_500, %swap3A_501], %swap3A_504 {strides = array<i32>} : memref<8x128xf32, #tpu.memory_space<vmem>>, vector<1x16xf32>,
      %swap3A_505 = arith.constant 6 : i32
      %swap3A_506 = arith.index_cast %swap3A_505 : i32 to index
      %swap3A_507 = arith.constant 48 : index
      %swap3A_508 = tpu.vector_load %arg6[%swap3A_506, %swap3A_507] {strides = array<i32>} : memref<8x128xf32, #tpu.memory_space<vmem>>, vector<1x16xf32>,
      %swap3A_509 = vector.shape_cast %swap3A_508 : vector<1x16xf32> to vector<16xf32>
      %swap3A_510 = vector.shape_cast %scan3A_485#3 : vector<16xf32> to vector<1x16xf32>
      tpu.vector_store %arg6[%swap3A_506, %swap3A_507], %swap3A_510 {strides = array<i32>} : memref<8x128xf32, #tpu.memory_space<vmem>>, vector<1x16xf32>,
      %swap3A_511 = arith.constant 6 : i32
      %swap3A_512 = arith.index_cast %swap3A_511 : i32 to index
      %swap3A_513 = arith.constant 64 : index
      %swap3A_514 = tpu.vector_load %arg6[%swap3A_512, %swap3A_513] {strides = array<i32>} : memref<8x128xf32, #tpu.memory_space<vmem>>, vector<1x16xf32>,
      %swap3A_515 = vector.shape_cast %swap3A_514 : vector<1x16xf32> to vector<16xf32>
      %swap3A_516 = vector.shape_cast %scan3A_485#4 : vector<16xf32> to vector<1x16xf32>
      tpu.vector_store %arg6[%swap3A_512, %swap3A_513], %swap3A_516 {strides = array<i32>} : memref<8x128xf32, #tpu.memory_space<vmem>>, vector<1x16xf32>,
      %swap3A_517 = arith.constant 6 : i32
      %swap3A_518 = arith.index_cast %swap3A_517 : i32 to index
      %swap3A_519 = arith.constant 80 : index
      %swap3A_520 = tpu.vector_load %arg6[%swap3A_518, %swap3A_519] {strides = array<i32>} : memref<8x128xf32, #tpu.memory_space<vmem>>, vector<1x16xf32>,
      %swap3A_521 = vector.shape_cast %swap3A_520 : vector<1x16xf32> to vector<16xf32>
      %swap3A_522 = vector.shape_cast %scan3A_485#5 : vector<16xf32> to vector<1x16xf32>
      tpu.vector_store %arg6[%swap3A_518, %swap3A_519], %swap3A_522 {strides = array<i32>} : memref<8x128xf32, #tpu.memory_space<vmem>>, vector<1x16xf32>,
      %swap3A_523 = arith.constant 6 : i32
      %swap3A_524 = arith.index_cast %swap3A_523 : i32 to index
      %swap3A_525 = arith.constant 96 : index
      %swap3A_526 = tpu.vector_load %arg6[%swap3A_524, %swap3A_525] {strides = array<i32>} : memref<8x128xf32, #tpu.memory_space<vmem>>, vector<1x16xf32>,
      %swap3A_527 = vector.shape_cast %swap3A_526 : vector<1x16xf32> to vector<16xf32>
      %swap3A_528 = vector.shape_cast %scan3A_485#6 : vector<16xf32> to vector<1x16xf32>
      tpu.vector_store %arg6[%swap3A_524, %swap3A_525], %swap3A_528 {strides = array<i32>} : memref<8x128xf32, #tpu.memory_space<vmem>>, vector<1x16xf32>,
      %swap3A_529 = arith.constant 6 : i32
      %swap3A_530 = arith.index_cast %swap3A_529 : i32 to index
      %swap3A_531 = arith.constant 112 : index
      %swap3A_532 = tpu.vector_load %arg6[%swap3A_530, %swap3A_531] {strides = array<i32>} : memref<8x128xf32, #tpu.memory_space<vmem>>, vector<1x16xf32>,
      %swap3A_533 = vector.shape_cast %swap3A_532 : vector<1x16xf32> to vector<16xf32>
      %swap3A_534 = vector.shape_cast %scan3A_485#7 : vector<16xf32> to vector<1x16xf32>
      tpu.vector_store %arg6[%swap3A_530, %swap3A_531], %swap3A_534 {strides = array<i32>} : memref<8x128xf32, #tpu.memory_space<vmem>>, vector<1x16xf32>,
      %broadcast_in_dim3A_535 = arith.constant 0.000000e+00 : f32
      %broadcast_in_dim3A_536 = vector.broadcast %broadcast_in_dim3A_535 : f32 to vector<16xf32>
      %broadcast_in_dim3A_537 = arith.constant 0.000000e+00 : f32
      %broadcast_in_dim3A_538 = vector.broadcast %broadcast_in_dim3A_537 : f32 to vector<16xf32>
      %broadcast_in_dim3A_539 = arith.constant 0.000000e+00 : f32
      %broadcast_in_dim3A_540 = vector.broadcast %broadcast_in_dim3A_539 : f32 to vector<16xf32>
      %broadcast_in_dim3A_541 = arith.constant 0.000000e+00 : f32
      %broadcast_in_dim3A_542 = vector.broadcast %broadcast_in_dim3A_541 : f32 to vector<16xf32>
      %broadcast_in_dim3A_543 = arith.constant 0.000000e+00 : f32
      %broadcast_in_dim3A_544 = vector.broadcast %broadcast_in_dim3A_543 : f32 to vector<16xf32>
      %broadcast_in_dim3A_545 = arith.constant 0.000000e+00 : f32
      %broadcast_in_dim3A_546 = vector.broadcast %broadcast_in_dim3A_545 : f32 to vector<16xf32>
      %broadcast_in_dim3A_547 = arith.constant 0.000000e+00 : f32
      %broadcast_in_dim3A_548 = vector.broadcast %broadcast_in_dim3A_547 : f32 to vector<16xf32>
      %broadcast_in_dim3A_549 = arith.constant 0.000000e+00 : f32
      %broadcast_in_dim3A_550 = vector.broadcast %broadcast_in_dim3A_549 : f32 to vector<16xf32>
      %scan3A_551 = arith.constant 0 : i32
      %scan3A_552 = arith.constant 32 : i32
      %scan3A_553 = arith.addi %scan3A_551, %scan3A_552 : i32
      %scan3A_554 = arith.constant 4 : i32
      %scan3A_555:8 = scf.for %scan3A_608 = %scan3A_551 to %scan3A_553 step %scan3A_554 iter_args(%scan3A_609 = %broadcast_in_dim3A_536, %scan3A_610 = %broadcast_in_dim3A_538, %scan3A_611 = %broadcast_in_dim3A_540, %scan3A_612 = %broadcast_in_dim3A_542, %scan3A_613 = %broadcast_in_dim3A_544, %scan3A_614 = %broadcast_in_dim3A_546, %scan3A_615 = %broadcast_in_dim3A_548, %scan3A_616 = %broadcast_in_dim3A_550) -> (vector<16xf32>, vector<16xf32>, vector<16xf32>, vector<16xf32>, vector<16xf32>, vector<16xf32>, vector<16xf32>, vector<16xf32>)  : i32 {
        %add3A_617 = arith.constant 224 : i32
        %add3A_618 = arith.addi %add3A_617, %scan3A_608 : i32
        %get3A = arith.index_cast %add3A_618 : i32 to index
        %get3A_619 = arith.constant 0 : index
        %get3A_620 = tpu.vector_load %arg4[%get3A, %get3A_619] {strides = array<i32>} : memref<256x128xf32, #tpu.memory_space<vmem>>, vector<1x16xf32>,
        %get3A_621 = vector.shape_cast %get3A_620 : vector<1x16xf32> to vector<16xf32>
        %add3A_622 = arith.addf %scan3A_609, %get3A_621 : vector<16xf32>
        %add3A_623 = arith.constant 224 : i32
        %add3A_624 = arith.addi %add3A_623, %scan3A_608 : i32
        %get3A_625 = arith.index_cast %add3A_624 : i32 to index
        %get3A_626 = arith.constant 16 : index
        %get3A_627 = tpu.vector_load %arg4[%get3A_625, %get3A_626] {strides = array<i32>} : memref<256x128xf32, #tpu.memory_space<vmem>>, vector<1x16xf32>,
        %get3A_628 = vector.shape_cast %get3A_627 : vector<1x16xf32> to vector<16xf32>
        %add3A_629 = arith.addf %scan3A_610, %get3A_628 : vector<16xf32>
        %add3A_630 = arith.constant 224 : i32
        %add3A_631 = arith.addi %add3A_630, %scan3A_608 : i32
        %get3A_632 = arith.index_cast %add3A_631 : i32 to index
        %get3A_633 = arith.constant 32 : index
        %get3A_634 = tpu.vector_load %arg4[%get3A_632, %get3A_633] {strides = array<i32>} : memref<256x128xf32, #tpu.memory_space<vmem>>, vector<1x16xf32>,
        %get3A_635 = vector.shape_cast %get3A_634 : vector<1x16xf32> to vector<16xf32>
        %add3A_636 = arith.addf %scan3A_611, %get3A_635 : vector<16xf32>
        %add3A_637 = arith.constant 224 : i32
        %add3A_638 = arith.addi %add3A_637, %scan3A_608 : i32
        %get3A_639 = arith.index_cast %add3A_638 : i32 to index
        %get3A_640 = arith.constant 48 : index
        %get3A_641 = tpu.vector_load %arg4[%get3A_639, %get3A_640] {strides = array<i32>} : memref<256x128xf32, #tpu.memory_space<vmem>>, vector<1x16xf32>,
        %get3A_642 = vector.shape_cast %get3A_641 : vector<1x16xf32> to vector<16xf32>
        %add3A_643 = arith.addf %scan3A_612, %get3A_642 : vector<16xf32>
        %add3A_644 = arith.constant 224 : i32
        %add3A_645 = arith.addi %add3A_644, %scan3A_608 : i32
        %get3A_646 = arith.index_cast %add3A_645 : i32 to index
        %get3A_647 = arith.constant 64 : index
        %get3A_648 = tpu.vector_load %arg4[%get3A_646, %get3A_647] {strides = array<i32>} : memref<256x128xf32, #tpu.memory_space<vmem>>, vector<1x16xf32>,
        %get3A_649 = vector.shape_cast %get3A_648 : vector<1x16xf32> to vector<16xf32>
        %add3A_650 = arith.addf %scan3A_613, %get3A_649 : vector<16xf32>
        %add3A_651 = arith.constant 224 : i32
        %add3A_652 = arith.addi %add3A_651, %scan3A_608 : i32
        %get3A_653 = arith.index_cast %add3A_652 : i32 to index
        %get3A_654 = arith.constant 80 : index
        %get3A_655 = tpu.vector_load %arg4[%get3A_653, %get3A_654] {strides = array<i32>} : memref<256x128xf32, #tpu.memory_space<vmem>>, vector<1x16xf32>,
        %get3A_656 = vector.shape_cast %get3A_655 : vector<1x16xf32> to vector<16xf32>
        %add3A_657 = arith.addf %scan3A_614, %get3A_656 : vector<16xf32>
        %add3A_658 = arith.constant 224 : i32
        %add3A_659 = arith.addi %add3A_658, %scan3A_608 : i32
        %get3A_660 = arith.index_cast %add3A_659 : i32 to index
        %get3A_661 = arith.constant 96 : index
        %get3A_662 = tpu.vector_load %arg4[%get3A_660, %get3A_661] {strides = array<i32>} : memref<256x128xf32, #tpu.memory_space<vmem>>, vector<1x16xf32>,
        %get3A_663 = vector.shape_cast %get3A_662 : vector<1x16xf32> to vector<16xf32>
        %add3A_664 = arith.addf %scan3A_615, %get3A_663 : vector<16xf32>
        %add3A_665 = arith.constant 224 : i32
        %add3A_666 = arith.addi %add3A_665, %scan3A_608 : i32
        %get3A_667 = arith.index_cast %add3A_666 : i32 to index
        %get3A_668 = arith.constant 112 : index
        %get3A_669 = tpu.vector_load %arg4[%get3A_667, %get3A_668] {strides = array<i32>} : memref<256x128xf32, #tpu.memory_space<vmem>>, vector<1x16xf32>,
        %get3A_670 = vector.shape_cast %get3A_669 : vector<1x16xf32> to vector<16xf32>
        %add3A_671 = arith.addf %scan3A_616, %get3A_670 : vector<16xf32>
        %scan3A_672 = arith.constant 1 : i32
        %scan3A_673 = arith.addi %scan3A_608, %scan3A_672 : i32
        %add3A_674 = arith.constant 224 : i32
        %add3A_675 = arith.addi %add3A_674, %scan3A_673 : i32
        %get3A_676 = arith.index_cast %add3A_675 : i32 to index
        %get3A_677 = arith.constant 0 : index
        %get3A_678 = tpu.vector_load %arg4[%get3A_676, %get3A_677] {strides = array<i32>} : memref<256x128xf32, #tpu.memory_space<vmem>>, vector<1x16xf32>,
        %get3A_679 = vector.shape_cast %get3A_678 : vector<1x16xf32> to vector<16xf32>
        %add3A_680 = arith.addf %add3A_622, %get3A_679 : vector<16xf32>
        %add3A_681 = arith.constant 224 : i32
        %add3A_682 = arith.addi %add3A_681, %scan3A_673 : i32
        %get3A_683 = arith.index_cast %add3A_682 : i32 to index
        %get3A_684 = arith.constant 16 : index
        %get3A_685 = tpu.vector_load %arg4[%get3A_683, %get3A_684] {strides = array<i32>} : memref<256x128xf32, #tpu.memory_space<vmem>>, vector<1x16xf32>,
        %get3A_686 = vector.shape_cast %get3A_685 : vector<1x16xf32> to vector<16xf32>
        %add3A_687 = arith.addf %add3A_629, %get3A_686 : vector<16xf32>
        %add3A_688 = arith.constant 224 : i32
        %add3A_689 = arith.addi %add3A_688, %scan3A_673 : i32
        %get3A_690 = arith.index_cast %add3A_689 : i32 to index
        %get3A_691 = arith.constant 32 : index
        %get3A_692 = tpu.vector_load %arg4[%get3A_690, %get3A_691] {strides = array<i32>} : memref<256x128xf32, #tpu.memory_space<vmem>>, vector<1x16xf32>,
        %get3A_693 = vector.shape_cast %get3A_692 : vector<1x16xf32> to vector<16xf32>
        %add3A_694 = arith.addf %add3A_636, %get3A_693 : vector<16xf32>
        %add3A_695 = arith.constant 224 : i32
        %add3A_696 = arith.addi %add3A_695, %scan3A_673 : i32
        %get3A_697 = arith.index_cast %add3A_696 : i32 to index
        %get3A_698 = arith.constant 48 : index
        %get3A_699 = tpu.vector_load %arg4[%get3A_697, %get3A_698] {strides = array<i32>} : memref<256x128xf32, #tpu.memory_space<vmem>>, vector<1x16xf32>,
        %get3A_700 = vector.shape_cast %get3A_699 : vector<1x16xf32> to vector<16xf32>
        %add3A_701 = arith.addf %add3A_643, %get3A_700 : vector<16xf32>
        %add3A_702 = arith.constant 224 : i32
        %add3A_703 = arith.addi %add3A_702, %scan3A_673 : i32
        %get3A_704 = arith.index_cast %add3A_703 : i32 to index
        %get3A_705 = arith.constant 64 : index
        %get3A_706 = tpu.vector_load %arg4[%get3A_704, %get3A_705] {strides = array<i32>} : memref<256x128xf32, #tpu.memory_space<vmem>>, vector<1x16xf32>,
        %get3A_707 = vector.shape_cast %get3A_706 : vector<1x16xf32> to vector<16xf32>
        %add3A_708 = arith.addf %add3A_650, %get3A_707 : vector<16xf32>
        %add3A_709 = arith.constant 224 : i32
        %add3A_710 = arith.addi %add3A_709, %scan3A_673 : i32
        %get3A_711 = arith.index_cast %add3A_710 : i32 to index
        %get3A_712 = arith.constant 80 : index
        %get3A_713 = tpu.vector_load %arg4[%get3A_711, %get3A_712] {strides = array<i32>} : memref<256x128xf32, #tpu.memory_space<vmem>>, vector<1x16xf32>,
        %get3A_714 = vector.shape_cast %get3A_713 : vector<1x16xf32> to vector<16xf32>
        %add3A_715 = arith.addf %add3A_657, %get3A_714 : vector<16xf32>
        %add3A_716 = arith.constant 224 : i32
        %add3A_717 = arith.addi %add3A_716, %scan3A_673 : i32
        %get3A_718 = arith.index_cast %add3A_717 : i32 to index
        %get3A_719 = arith.constant 96 : index
        %get3A_720 = tpu.vector_load %arg4[%get3A_718, %get3A_719] {strides = array<i32>} : memref<256x128xf32, #tpu.memory_space<vmem>>, vector<1x16xf32>,
        %get3A_721 = vector.shape_cast %get3A_720 : vector<1x16xf32> to vector<16xf32>
        %add3A_722 = arith.addf %add3A_664, %get3A_721 : vector<16xf32>
        %add3A_723 = arith.constant 224 : i32
        %add3A_724 = arith.addi %add3A_723, %scan3A_673 : i32
        %get3A_725 = arith.index_cast %add3A_724 : i32 to index
        %get3A_726 = arith.constant 112 : index
        %get3A_727 = tpu.vector_load %arg4[%get3A_725, %get3A_726] {strides = array<i32>} : memref<256x128xf32, #tpu.memory_space<vmem>>, vector<1x16xf32>,
        %get3A_728 = vector.shape_cast %get3A_727 : vector<1x16xf32> to vector<16xf32>
        %add3A_729 = arith.addf %add3A_671, %get3A_728 : vector<16xf32>
        %scan3A_730 = arith.constant 2 : i32
        %scan3A_731 = arith.addi %scan3A_608, %scan3A_730 : i32
        %add3A_732 = arith.constant 224 : i32
        %add3A_733 = arith.addi %add3A_732, %scan3A_731 : i32
        %get3A_734 = arith.index_cast %add3A_733 : i32 to index
        %get3A_735 = arith.constant 0 : index
        %get3A_736 = tpu.vector_load %arg4[%get3A_734, %get3A_735] {strides = array<i32>} : memref<256x128xf32, #tpu.memory_space<vmem>>, vector<1x16xf32>,
        %get3A_737 = vector.shape_cast %get3A_736 : vector<1x16xf32> to vector<16xf32>
        %add3A_738 = arith.addf %add3A_680, %get3A_737 : vector<16xf32>
        %add3A_739 = arith.constant 224 : i32
        %add3A_740 = arith.addi %add3A_739, %scan3A_731 : i32
        %get3A_741 = arith.index_cast %add3A_740 : i32 to index
        %get3A_742 = arith.constant 16 : index
        %get3A_743 = tpu.vector_load %arg4[%get3A_741, %get3A_742] {strides = array<i32>} : memref<256x128xf32, #tpu.memory_space<vmem>>, vector<1x16xf32>,
        %get3A_744 = vector.shape_cast %get3A_743 : vector<1x16xf32> to vector<16xf32>
        %add3A_745 = arith.addf %add3A_687, %get3A_744 : vector<16xf32>
        %add3A_746 = arith.constant 224 : i32
        %add3A_747 = arith.addi %add3A_746, %scan3A_731 : i32
        %get3A_748 = arith.index_cast %add3A_747 : i32 to index
        %get3A_749 = arith.constant 32 : index
        %get3A_750 = tpu.vector_load %arg4[%get3A_748, %get3A_749] {strides = array<i32>} : memref<256x128xf32, #tpu.memory_space<vmem>>, vector<1x16xf32>,
        %get3A_751 = vector.shape_cast %get3A_750 : vector<1x16xf32> to vector<16xf32>
        %add3A_752 = arith.addf %add3A_694, %get3A_751 : vector<16xf32>
        %add3A_753 = arith.constant 224 : i32
        %add3A_754 = arith.addi %add3A_753, %scan3A_731 : i32
        %get3A_755 = arith.index_cast %add3A_754 : i32 to index
        %get3A_756 = arith.constant 48 : index
        %get3A_757 = tpu.vector_load %arg4[%get3A_755, %get3A_756] {strides = array<i32>} : memref<256x128xf32, #tpu.memory_space<vmem>>, vector<1x16xf32>,
        %get3A_758 = vector.shape_cast %get3A_757 : vector<1x16xf32> to vector<16xf32>
        %add3A_759 = arith.addf %add3A_701, %get3A_758 : vector<16xf32>
        %add3A_760 = arith.constant 224 : i32
        %add3A_761 = arith.addi %add3A_760, %scan3A_731 : i32
        %get3A_762 = arith.index_cast %add3A_761 : i32 to index
        %get3A_763 = arith.constant 64 : index
        %get3A_764 = tpu.vector_load %arg4[%get3A_762, %get3A_763] {strides = array<i32>} : memref<256x128xf32, #tpu.memory_space<vmem>>, vector<1x16xf32>,
        %get3A_765 = vector.shape_cast %get3A_764 : vector<1x16xf32> to vector<16xf32>
        %add3A_766 = arith.addf %add3A_708, %get3A_765 : vector<16xf32>
        %add3A_767 = arith.constant 224 : i32
        %add3A_768 = arith.addi %add3A_767, %scan3A_731 : i32
        %get3A_769 = arith.index_cast %add3A_768 : i32 to index
        %get3A_770 = arith.constant 80 : index
        %get3A_771 = tpu.vector_load %arg4[%get3A_769, %get3A_770] {strides = array<i32>} : memref<256x128xf32, #tpu.memory_space<vmem>>, vector<1x16xf32>,
        %get3A_772 = vector.shape_cast %get3A_771 : vector<1x16xf32> to vector<16xf32>
        %add3A_773 = arith.addf %add3A_715, %get3A_772 : vector<16xf32>
        %add3A_774 = arith.constant 224 : i32
        %add3A_775 = arith.addi %add3A_774, %scan3A_731 : i32
        %get3A_776 = arith.index_cast %add3A_775 : i32 to index
        %get3A_777 = arith.constant 96 : index
        %get3A_778 = tpu.vector_load %arg4[%get3A_776, %get3A_777] {strides = array<i32>} : memref<256x128xf32, #tpu.memory_space<vmem>>, vector<1x16xf32>,
        %get3A_779 = vector.shape_cast %get3A_778 : vector<1x16xf32> to vector<16xf32>
        %add3A_780 = arith.addf %add3A_722, %get3A_779 : vector<16xf32>
        %add3A_781 = arith.constant 224 : i32
        %add3A_782 = arith.addi %add3A_781, %scan3A_731 : i32
        %get3A_783 = arith.index_cast %add3A_782 : i32 to index
        %get3A_784 = arith.constant 112 : index
        %get3A_785 = tpu.vector_load %arg4[%get3A_783, %get3A_784] {strides = array<i32>} : memref<256x128xf32, #tpu.memory_space<vmem>>, vector<1x16xf32>,
        %get3A_786 = vector.shape_cast %get3A_785 : vector<1x16xf32> to vector<16xf32>
        %add3A_787 = arith.addf %add3A_729, %get3A_786 : vector<16xf32>
        %scan3A_788 = arith.constant 3 : i32
        %scan3A_789 = arith.addi %scan3A_608, %scan3A_788 : i32
        %add3A_790 = arith.constant 224 : i32
        %add3A_791 = arith.addi %add3A_790, %scan3A_789 : i32
        %get3A_792 = arith.index_cast %add3A_791 : i32 to index
        %get3A_793 = arith.constant 0 : index
        %get3A_794 = tpu.vector_load %arg4[%get3A_792, %get3A_793] {strides = array<i32>} : memref<256x128xf32, #tpu.memory_space<vmem>>, vector<1x16xf32>,
        %get3A_795 = vector.shape_cast %get3A_794 : vector<1x16xf32> to vector<16xf32>
        %add3A_796 = arith.addf %add3A_738, %get3A_795 : vector<16xf32>
        %add3A_797 = arith.constant 224 : i32
        %add3A_798 = arith.addi %add3A_797, %scan3A_789 : i32
        %get3A_799 = arith.index_cast %add3A_798 : i32 to index
        %get3A_800 = arith.constant 16 : index
        %get3A_801 = tpu.vector_load %arg4[%get3A_799, %get3A_800] {strides = array<i32>} : memref<256x128xf32, #tpu.memory_space<vmem>>, vector<1x16xf32>,
        %get3A_802 = vector.shape_cast %get3A_801 : vector<1x16xf32> to vector<16xf32>
        %add3A_803 = arith.addf %add3A_745, %get3A_802 : vector<16xf32>
        %add3A_804 = arith.constant 224 : i32
        %add3A_805 = arith.addi %add3A_804, %scan3A_789 : i32
        %get3A_806 = arith.index_cast %add3A_805 : i32 to index
        %get3A_807 = arith.constant 32 : index
        %get3A_808 = tpu.vector_load %arg4[%get3A_806, %get3A_807] {strides = array<i32>} : memref<256x128xf32, #tpu.memory_space<vmem>>, vector<1x16xf32>,
        %get3A_809 = vector.shape_cast %get3A_808 : vector<1x16xf32> to vector<16xf32>
        %add3A_810 = arith.addf %add3A_752, %get3A_809 : vector<16xf32>
        %add3A_811 = arith.constant 224 : i32
        %add3A_812 = arith.addi %add3A_811, %scan3A_789 : i32
        %get3A_813 = arith.index_cast %add3A_812 : i32 to index
        %get3A_814 = arith.constant 48 : index
        %get3A_815 = tpu.vector_load %arg4[%get3A_813, %get3A_814] {strides = array<i32>} : memref<256x128xf32, #tpu.memory_space<vmem>>, vector<1x16xf32>,
        %get3A_816 = vector.shape_cast %get3A_815 : vector<1x16xf32> to vector<16xf32>
        %add3A_817 = arith.addf %add3A_759, %get3A_816 : vector<16xf32>
        %add3A_818 = arith.constant 224 : i32
        %add3A_819 = arith.addi %add3A_818, %scan3A_789 : i32
        %get3A_820 = arith.index_cast %add3A_819 : i32 to index
        %get3A_821 = arith.constant 64 : index
        %get3A_822 = tpu.vector_load %arg4[%get3A_820, %get3A_821] {strides = array<i32>} : memref<256x128xf32, #tpu.memory_space<vmem>>, vector<1x16xf32>,
        %get3A_823 = vector.shape_cast %get3A_822 : vector<1x16xf32> to vector<16xf32>
        %add3A_824 = arith.addf %add3A_766, %get3A_823 : vector<16xf32>
        %add3A_825 = arith.constant 224 : i32
        %add3A_826 = arith.addi %add3A_825, %scan3A_789 : i32
        %get3A_827 = arith.index_cast %add3A_826 : i32 to index
        %get3A_828 = arith.constant 80 : index
        %get3A_829 = tpu.vector_load %arg4[%get3A_827, %get3A_828] {strides = array<i32>} : memref<256x128xf32, #tpu.memory_space<vmem>>, vector<1x16xf32>,
        %get3A_830 = vector.shape_cast %get3A_829 : vector<1x16xf32> to vector<16xf32>
        %add3A_831 = arith.addf %add3A_773, %get3A_830 : vector<16xf32>
        %add3A_832 = arith.constant 224 : i32
        %add3A_833 = arith.addi %add3A_832, %scan3A_789 : i32
        %get3A_834 = arith.index_cast %add3A_833 : i32 to index
        %get3A_835 = arith.constant 96 : index
        %get3A_836 = tpu.vector_load %arg4[%get3A_834, %get3A_835] {strides = array<i32>} : memref<256x128xf32, #tpu.memory_space<vmem>>, vector<1x16xf32>,
        %get3A_837 = vector.shape_cast %get3A_836 : vector<1x16xf32> to vector<16xf32>
        %add3A_838 = arith.addf %add3A_780, %get3A_837 : vector<16xf32>
        %add3A_839 = arith.constant 224 : i32
        %add3A_840 = arith.addi %add3A_839, %scan3A_789 : i32
        %get3A_841 = arith.index_cast %add3A_840 : i32 to index
        %get3A_842 = arith.constant 112 : index
        %get3A_843 = tpu.vector_load %arg4[%get3A_841, %get3A_842] {strides = array<i32>} : memref<256x128xf32, #tpu.memory_space<vmem>>, vector<1x16xf32>,
        %get3A_844 = vector.shape_cast %get3A_843 : vector<1x16xf32> to vector<16xf32>
        %add3A_845 = arith.addf %add3A_787, %get3A_844 : vector<16xf32>
        scf.yield %add3A_796, %add3A_803, %add3A_810, %add3A_817, %add3A_824, %add3A_831, %add3A_838, %add3A_845 : vector<16xf32>, vector<16xf32>, vector<16xf32>, vector<16xf32>, vector<16xf32>, vector<16xf32>, vector<16xf32>, vector<16xf32>
      }
      %scan3A_556 = arith.constant 32 : i32
      %swap3A_557 = arith.constant 7 : i32
      %swap3A_558 = arith.index_cast %swap3A_557 : i32 to index
      %swap3A_559 = arith.constant 0 : index
      %swap3A_560 = tpu.vector_load %arg6[%swap3A_558, %swap3A_559] {strides = array<i32>} : memref<8x128xf32, #tpu.memory_space<vmem>>, vector<1x16xf32>,
      %swap3A_561 = vector.shape_cast %swap3A_560 : vector<1x16xf32> to vector<16xf32>
      %swap3A_562 = vector.shape_cast %scan3A_555#0 : vector<16xf32> to vector<1x16xf32>
      tpu.vector_store %arg6[%swap3A_558, %swap3A_559], %swap3A_562 {strides = array<i32>} : memref<8x128xf32, #tpu.memory_space<vmem>>, vector<1x16xf32>,
      %swap3A_563 = arith.constant 7 : i32
      %swap3A_564 = arith.index_cast %swap3A_563 : i32 to index
      %swap3A_565 = arith.constant 16 : index
      %swap3A_566 = tpu.vector_load %arg6[%swap3A_564, %swap3A_565] {strides = array<i32>} : memref<8x128xf32, #tpu.memory_space<vmem>>, vector<1x16xf32>,
      %swap3A_567 = vector.shape_cast %swap3A_566 : vector<1x16xf32> to vector<16xf32>
      %swap3A_568 = vector.shape_cast %scan3A_555#1 : vector<16xf32> to vector<1x16xf32>
      tpu.vector_store %arg6[%swap3A_564, %swap3A_565], %swap3A_568 {strides = array<i32>} : memref<8x128xf32, #tpu.memory_space<vmem>>, vector<1x16xf32>,
      %swap3A_569 = arith.constant 7 : i32
      %swap3A_570 = arith.index_cast %swap3A_569 : i32 to index
      %swap3A_571 = arith.constant 32 : index
      %swap3A_572 = tpu.vector_load %arg6[%swap3A_570, %swap3A_571] {strides = array<i32>} : memref<8x128xf32, #tpu.memory_space<vmem>>, vector<1x16xf32>,
      %swap3A_573 = vector.shape_cast %swap3A_572 : vector<1x16xf32> to vector<16xf32>
      %swap3A_574 = vector.shape_cast %scan3A_555#2 : vector<16xf32> to vector<1x16xf32>
      tpu.vector_store %arg6[%swap3A_570, %swap3A_571], %swap3A_574 {strides = array<i32>} : memref<8x128xf32, #tpu.memory_space<vmem>>, vector<1x16xf32>,
      %swap3A_575 = arith.constant 7 : i32
      %swap3A_576 = arith.index_cast %swap3A_575 : i32 to index
      %swap3A_577 = arith.constant 48 : index
      %swap3A_578 = tpu.vector_load %arg6[%swap3A_576, %swap3A_577] {strides = array<i32>} : memref<8x128xf32, #tpu.memory_space<vmem>>, vector<1x16xf32>,
      %swap3A_579 = vector.shape_cast %swap3A_578 : vector<1x16xf32> to vector<16xf32>
      %swap3A_580 = vector.shape_cast %scan3A_555#3 : vector<16xf32> to vector<1x16xf32>
      tpu.vector_store %arg6[%swap3A_576, %swap3A_577], %swap3A_580 {strides = array<i32>} : memref<8x128xf32, #tpu.memory_space<vmem>>, vector<1x16xf32>,
      %swap3A_581 = arith.constant 7 : i32
      %swap3A_582 = arith.index_cast %swap3A_581 : i32 to index
      %swap3A_583 = arith.constant 64 : index
      %swap3A_584 = tpu.vector_load %arg6[%swap3A_582, %swap3A_583] {strides = array<i32>} : memref<8x128xf32, #tpu.memory_space<vmem>>, vector<1x16xf32>,
      %swap3A_585 = vector.shape_cast %swap3A_584 : vector<1x16xf32> to vector<16xf32>
      %swap3A_586 = vector.shape_cast %scan3A_555#4 : vector<16xf32> to vector<1x16xf32>
      tpu.vector_store %arg6[%swap3A_582, %swap3A_583], %swap3A_586 {strides = array<i32>} : memref<8x128xf32, #tpu.memory_space<vmem>>, vector<1x16xf32>,
      %swap3A_587 = arith.constant 7 : i32
      %swap3A_588 = arith.index_cast %swap3A_587 : i32 to index
      %swap3A_589 = arith.constant 80 : index
      %swap3A_590 = tpu.vector_load %arg6[%swap3A_588, %swap3A_589] {strides = array<i32>} : memref<8x128xf32, #tpu.memory_space<vmem>>, vector<1x16xf32>,
      %swap3A_591 = vector.shape_cast %swap3A_590 : vector<1x16xf32> to vector<16xf32>
      %swap3A_592 = vector.shape_cast %scan3A_555#5 : vector<16xf32> to vector<1x16xf32>
      tpu.vector_store %arg6[%swap3A_588, %swap3A_589], %swap3A_592 {strides = array<i32>} : memref<8x128xf32, #tpu.memory_space<vmem>>, vector<1x16xf32>,
      %swap3A_593 = arith.constant 7 : i32
      %swap3A_594 = arith.index_cast %swap3A_593 : i32 to index
      %swap3A_595 = arith.constant 96 : index
      %swap3A_596 = tpu.vector_load %arg6[%swap3A_594, %swap3A_595] {strides = array<i32>} : memref<8x128xf32, #tpu.memory_space<vmem>>, vector<1x16xf32>,
      %swap3A_597 = vector.shape_cast %swap3A_596 : vector<1x16xf32> to vector<16xf32>
      %swap3A_598 = vector.shape_cast %scan3A_555#6 : vector<16xf32> to vector<1x16xf32>
      tpu.vector_store %arg6[%swap3A_594, %swap3A_595], %swap3A_598 {strides = array<i32>} : memref<8x128xf32, #tpu.memory_space<vmem>>, vector<1x16xf32>,
      %swap3A_599 = arith.constant 7 : i32
      %swap3A_600 = arith.index_cast %swap3A_599 : i32 to index
      %swap3A_601 = arith.constant 112 : index
      %swap3A_602 = tpu.vector_load %arg6[%swap3A_600, %swap3A_601] {strides = array<i32>} : memref<8x128xf32, #tpu.memory_space<vmem>>, vector<1x16xf32>,
      %swap3A_603 = vector.shape_cast %swap3A_602 : vector<1x16xf32> to vector<16xf32>
      %swap3A_604 = vector.shape_cast %scan3A_555#7 : vector<16xf32> to vector<1x16xf32>
      tpu.vector_store %arg6[%swap3A_600, %swap3A_601], %swap3A_604 {strides = array<i32>} : memref<8x128xf32, #tpu.memory_space<vmem>>, vector<1x16xf32>,
      %sub3A = arith.constant 1200 : i32
      %sub3A_605 = arith.subi %add3A_14, %sub3A : i32
      %mul3A_606 = arith.constant 8 : i32
      %mul3A_607 = arith.muli %sub3A_605, %mul3A_606 : i32
      "tpu.region"() ({
        %run_scoped3A = tpu.sem_alloc : memref<!tpu.dma_semaphore, #tpu.memory_space<semaphore_mem>>
        %dma_start3A = arith.constant 0 : i32
        %dma_start3A_608 = tpu.memref_slice %arg3[%mul3A_607, %dma_start3A] : memref<400x128xf32, #tpu.memory_space<hbm>> -> memref<8x128xf32, #tpu.memory_space<hbm>>
        %dma_start3A_609 = arith.constant 0 : i32
        %dma_start3A_610 = tpu.memref_slice %arg3[%mul3A_607, %dma_start3A_609] : memref<400x128xf32, #tpu.memory_space<hbm>> -> memref<8x128xf32, #tpu.memory_space<hbm>>
        tpu.enqueue_dma source(%arg6 : memref<8x128xf32, #tpu.memory_space<vmem>>) target(%dma_start3A_610 : memref<8x128xf32, #tpu.memory_space<hbm>>) target_semaphore(%run_scoped3A : memref<!tpu.dma_semaphore, #tpu.memory_space<semaphore_mem>>)
        %dma_wait3A_611 = arith.constant 0 : i32
        %dma_wait3A_612 = tpu.memref_slice %arg3[%mul3A_607, %dma_wait3A_611] : memref<400x128xf32, #tpu.memory_space<hbm>> -> memref<8x128xf32, #tpu.memory_space<hbm>>
        %dma_wait3A_613 = arith.constant 0 : i32
        %dma_wait3A_614 = tpu.memref_slice %arg3[%mul3A_607, %dma_wait3A_613] : memref<400x128xf32, #tpu.memory_space<hbm>> -> memref<8x128xf32, #tpu.memory_space<hbm>>
        tpu.wait_dma2 semaphore(%run_scoped3A : memref<!tpu.dma_semaphore, #tpu.memory_space<semaphore_mem>>) src(%arg6 : memref<8x128xf32, #tpu.memory_space<vmem>>) dst(%dma_wait3A_614 : memref<8x128xf32, #tpu.memory_space<hbm>>)
        tpu.yield
      }) : () -> ()
    } else {
    }
    %add3A_20 = arith.constant 1200 : i32
    %add3A_21 = arith.addi %add3A_20, %add3A : i32
    %mul3A_22 = arith.constant 2 : i32
    %mul3A_23 = arith.muli %mul3A_22, %scan3A_5 : i32
    %add3A_24 = arith.constant 1 : i32
    %add3A_25 = arith.addi %mul3A_23, %add3A_24 : i32
    %mul3A_26 = arith.constant 32 : i32
    %mul3A_27 = arith.muli %mul3A_26, %add3A_25 : i32
    %add3A_28 = arith.addi %add3A_21, %mul3A_27 : i32
    %lt3A_29 = arith.constant 1250 : i32
    %lt3A_30 = arith.cmpi slt, %add3A_28, %lt3A_29 : i32
    %convert_element_type3A_31 = arith.extui %lt3A_30 : i1 to i32
    %cond3A_32 = arith.constant 0 : i32
    %cond3A_33 = arith.cmpi ne, %convert_element_type3A_31, %cond3A_32 : i32
    scf.if %cond3A_33 {
      %mul3A_35 = arith.constant 256 : i32
      %mul3A_36 = arith.muli %add3A_28, %mul3A_35 : i32
      %dma_wait3A = arith.constant 0 : i32
      %dma_wait3A_37 = tpu.memref_slice %arg2[%mul3A_36, %dma_wait3A] : memref<320000x128xf32, #tpu.memory_space<hbm>> -> memref<256x128xf32, #tpu.memory_space<hbm>>
      %dma_wait3A_38 = arith.constant 0 : i32
      %dma_wait3A_39 = tpu.memref_slice %arg2[%mul3A_36, %dma_wait3A_38] : memref<320000x128xf32, #tpu.memory_space<hbm>> -> memref<256x128xf32, #tpu.memory_space<hbm>>
      tpu.wait_dma2 semaphore(%arg8 : memref<!tpu.dma_semaphore, #tpu.memory_space<semaphore_mem>>) src(%dma_wait3A_39 : memref<256x128xf32, #tpu.memory_space<hbm>>) dst(%arg5 : memref<256x128xf32, #tpu.memory_space<vmem>>)
      %add3A_40 = arith.constant 32 : i32
      %add3A_41 = arith.addi %add3A_28, %add3A_40 : i32
      %lt3A_42 = arith.constant 1250 : i32
      %lt3A_43 = arith.cmpi slt, %add3A_41, %lt3A_42 : i32
      %convert_element_type3A_44 = arith.extui %lt3A_43 : i1 to i32
      %cond3A_45 = arith.constant 0 : i32
      %cond3A_46 = arith.cmpi ne, %convert_element_type3A_44, %cond3A_45 : i32
      scf.if %cond3A_46 {
        %mul3A_608 = arith.constant 256 : i32
        %mul3A_609 = arith.muli %add3A_41, %mul3A_608 : i32
        %dma_start3A = arith.constant 0 : i32
        %dma_start3A_610 = tpu.memref_slice %arg2[%mul3A_609, %dma_start3A] : memref<320000x128xf32, #tpu.memory_space<hbm>> -> memref<256x128xf32, #tpu.memory_space<hbm>>
        %dma_start3A_611 = arith.constant 0 : i32
        %dma_start3A_612 = tpu.memref_slice %arg2[%mul3A_609, %dma_start3A_611] : memref<320000x128xf32, #tpu.memory_space<hbm>> -> memref<256x128xf32, #tpu.memory_space<hbm>>
        tpu.enqueue_dma source(%dma_start3A_612 : memref<256x128xf32, #tpu.memory_space<hbm>>) target(%arg4 : memref<256x128xf32, #tpu.memory_space<vmem>>) target_semaphore(%arg7 : memref<!tpu.dma_semaphore, #tpu.memory_space<semaphore_mem>>)
      } else {
      }
      %broadcast_in_dim3A = arith.constant 0.000000e+00 : f32
      %broadcast_in_dim3A_47 = vector.broadcast %broadcast_in_dim3A : f32 to vector<16xf32>
      %broadcast_in_dim3A_48 = arith.constant 0.000000e+00 : f32
      %broadcast_in_dim3A_49 = vector.broadcast %broadcast_in_dim3A_48 : f32 to vector<16xf32>
      %broadcast_in_dim3A_50 = arith.constant 0.000000e+00 : f32
      %broadcast_in_dim3A_51 = vector.broadcast %broadcast_in_dim3A_50 : f32 to vector<16xf32>
      %broadcast_in_dim3A_52 = arith.constant 0.000000e+00 : f32
      %broadcast_in_dim3A_53 = vector.broadcast %broadcast_in_dim3A_52 : f32 to vector<16xf32>
      %broadcast_in_dim3A_54 = arith.constant 0.000000e+00 : f32
      %broadcast_in_dim3A_55 = vector.broadcast %broadcast_in_dim3A_54 : f32 to vector<16xf32>
      %broadcast_in_dim3A_56 = arith.constant 0.000000e+00 : f32
      %broadcast_in_dim3A_57 = vector.broadcast %broadcast_in_dim3A_56 : f32 to vector<16xf32>
      %broadcast_in_dim3A_58 = arith.constant 0.000000e+00 : f32
      %broadcast_in_dim3A_59 = vector.broadcast %broadcast_in_dim3A_58 : f32 to vector<16xf32>
      %broadcast_in_dim3A_60 = arith.constant 0.000000e+00 : f32
      %broadcast_in_dim3A_61 = vector.broadcast %broadcast_in_dim3A_60 : f32 to vector<16xf32>
      %scan3A_62 = arith.constant 0 : i32
      %scan3A_63 = arith.constant 32 : i32
      %scan3A_64 = arith.addi %scan3A_62, %scan3A_63 : i32
      %scan3A_65 = arith.constant 4 : i32
      %scan3A_66:8 = scf.for %scan3A_608 = %scan3A_62 to %scan3A_64 step %scan3A_65 iter_args(%scan3A_609 = %broadcast_in_dim3A_47, %scan3A_610 = %broadcast_in_dim3A_49, %scan3A_611 = %broadcast_in_dim3A_51, %scan3A_612 = %broadcast_in_dim3A_53, %scan3A_613 = %broadcast_in_dim3A_55, %scan3A_614 = %broadcast_in_dim3A_57, %scan3A_615 = %broadcast_in_dim3A_59, %scan3A_616 = %broadcast_in_dim3A_61) -> (vector<16xf32>, vector<16xf32>, vector<16xf32>, vector<16xf32>, vector<16xf32>, vector<16xf32>, vector<16xf32>, vector<16xf32>)  : i32 {
        %add3A_617 = arith.constant 0 : i32
        %add3A_618 = arith.addi %add3A_617, %scan3A_608 : i32
        %get3A = arith.index_cast %add3A_618 : i32 to index
        %get3A_619 = arith.constant 0 : index
        %get3A_620 = tpu.vector_load %arg5[%get3A, %get3A_619] {strides = array<i32>} : memref<256x128xf32, #tpu.memory_space<vmem>>, vector<1x16xf32>,
        %get3A_621 = vector.shape_cast %get3A_620 : vector<1x16xf32> to vector<16xf32>
        %add3A_622 = arith.addf %scan3A_609, %get3A_621 : vector<16xf32>
        %add3A_623 = arith.constant 0 : i32
        %add3A_624 = arith.addi %add3A_623, %scan3A_608 : i32
        %get3A_625 = arith.index_cast %add3A_624 : i32 to index
        %get3A_626 = arith.constant 16 : index
        %get3A_627 = tpu.vector_load %arg5[%get3A_625, %get3A_626] {strides = array<i32>} : memref<256x128xf32, #tpu.memory_space<vmem>>, vector<1x16xf32>,
        %get3A_628 = vector.shape_cast %get3A_627 : vector<1x16xf32> to vector<16xf32>
        %add3A_629 = arith.addf %scan3A_610, %get3A_628 : vector<16xf32>
        %add3A_630 = arith.constant 0 : i32
        %add3A_631 = arith.addi %add3A_630, %scan3A_608 : i32
        %get3A_632 = arith.index_cast %add3A_631 : i32 to index
        %get3A_633 = arith.constant 32 : index
        %get3A_634 = tpu.vector_load %arg5[%get3A_632, %get3A_633] {strides = array<i32>} : memref<256x128xf32, #tpu.memory_space<vmem>>, vector<1x16xf32>,
        %get3A_635 = vector.shape_cast %get3A_634 : vector<1x16xf32> to vector<16xf32>
        %add3A_636 = arith.addf %scan3A_611, %get3A_635 : vector<16xf32>
        %add3A_637 = arith.constant 0 : i32
        %add3A_638 = arith.addi %add3A_637, %scan3A_608 : i32
        %get3A_639 = arith.index_cast %add3A_638 : i32 to index
        %get3A_640 = arith.constant 48 : index
        %get3A_641 = tpu.vector_load %arg5[%get3A_639, %get3A_640] {strides = array<i32>} : memref<256x128xf32, #tpu.memory_space<vmem>>, vector<1x16xf32>,
        %get3A_642 = vector.shape_cast %get3A_641 : vector<1x16xf32> to vector<16xf32>
        %add3A_643 = arith.addf %scan3A_612, %get3A_642 : vector<16xf32>
        %add3A_644 = arith.constant 0 : i32
        %add3A_645 = arith.addi %add3A_644, %scan3A_608 : i32
        %get3A_646 = arith.index_cast %add3A_645 : i32 to index
        %get3A_647 = arith.constant 64 : index
        %get3A_648 = tpu.vector_load %arg5[%get3A_646, %get3A_647] {strides = array<i32>} : memref<256x128xf32, #tpu.memory_space<vmem>>, vector<1x16xf32>,
        %get3A_649 = vector.shape_cast %get3A_648 : vector<1x16xf32> to vector<16xf32>
        %add3A_650 = arith.addf %scan3A_613, %get3A_649 : vector<16xf32>
        %add3A_651 = arith.constant 0 : i32
        %add3A_652 = arith.addi %add3A_651, %scan3A_608 : i32
        %get3A_653 = arith.index_cast %add3A_652 : i32 to index
        %get3A_654 = arith.constant 80 : index
        %get3A_655 = tpu.vector_load %arg5[%get3A_653, %get3A_654] {strides = array<i32>} : memref<256x128xf32, #tpu.memory_space<vmem>>, vector<1x16xf32>,
        %get3A_656 = vector.shape_cast %get3A_655 : vector<1x16xf32> to vector<16xf32>
        %add3A_657 = arith.addf %scan3A_614, %get3A_656 : vector<16xf32>
        %add3A_658 = arith.constant 0 : i32
        %add3A_659 = arith.addi %add3A_658, %scan3A_608 : i32
        %get3A_660 = arith.index_cast %add3A_659 : i32 to index
        %get3A_661 = arith.constant 96 : index
        %get3A_662 = tpu.vector_load %arg5[%get3A_660, %get3A_661] {strides = array<i32>} : memref<256x128xf32, #tpu.memory_space<vmem>>, vector<1x16xf32>,
        %get3A_663 = vector.shape_cast %get3A_662 : vector<1x16xf32> to vector<16xf32>
        %add3A_664 = arith.addf %scan3A_615, %get3A_663 : vector<16xf32>
        %add3A_665 = arith.constant 0 : i32
        %add3A_666 = arith.addi %add3A_665, %scan3A_608 : i32
        %get3A_667 = arith.index_cast %add3A_666 : i32 to index
        %get3A_668 = arith.constant 112 : index
        %get3A_669 = tpu.vector_load %arg5[%get3A_667, %get3A_668] {strides = array<i32>} : memref<256x128xf32, #tpu.memory_space<vmem>>, vector<1x16xf32>,
        %get3A_670 = vector.shape_cast %get3A_669 : vector<1x16xf32> to vector<16xf32>
        %add3A_671 = arith.addf %scan3A_616, %get3A_670 : vector<16xf32>
        %scan3A_672 = arith.constant 1 : i32
        %scan3A_673 = arith.addi %scan3A_608, %scan3A_672 : i32
        %add3A_674 = arith.constant 0 : i32
        %add3A_675 = arith.addi %add3A_674, %scan3A_673 : i32
        %get3A_676 = arith.index_cast %add3A_675 : i32 to index
        %get3A_677 = arith.constant 0 : index
        %get3A_678 = tpu.vector_load %arg5[%get3A_676, %get3A_677] {strides = array<i32>} : memref<256x128xf32, #tpu.memory_space<vmem>>, vector<1x16xf32>,
        %get3A_679 = vector.shape_cast %get3A_678 : vector<1x16xf32> to vector<16xf32>
        %add3A_680 = arith.addf %add3A_622, %get3A_679 : vector<16xf32>
        %add3A_681 = arith.constant 0 : i32
        %add3A_682 = arith.addi %add3A_681, %scan3A_673 : i32
        %get3A_683 = arith.index_cast %add3A_682 : i32 to index
        %get3A_684 = arith.constant 16 : index
        %get3A_685 = tpu.vector_load %arg5[%get3A_683, %get3A_684] {strides = array<i32>} : memref<256x128xf32, #tpu.memory_space<vmem>>, vector<1x16xf32>,
        %get3A_686 = vector.shape_cast %get3A_685 : vector<1x16xf32> to vector<16xf32>
        %add3A_687 = arith.addf %add3A_629, %get3A_686 : vector<16xf32>
        %add3A_688 = arith.constant 0 : i32
        %add3A_689 = arith.addi %add3A_688, %scan3A_673 : i32
        %get3A_690 = arith.index_cast %add3A_689 : i32 to index
        %get3A_691 = arith.constant 32 : index
        %get3A_692 = tpu.vector_load %arg5[%get3A_690, %get3A_691] {strides = array<i32>} : memref<256x128xf32, #tpu.memory_space<vmem>>, vector<1x16xf32>,
        %get3A_693 = vector.shape_cast %get3A_692 : vector<1x16xf32> to vector<16xf32>
        %add3A_694 = arith.addf %add3A_636, %get3A_693 : vector<16xf32>
        %add3A_695 = arith.constant 0 : i32
        %add3A_696 = arith.addi %add3A_695, %scan3A_673 : i32
        %get3A_697 = arith.index_cast %add3A_696 : i32 to index
        %get3A_698 = arith.constant 48 : index
        %get3A_699 = tpu.vector_load %arg5[%get3A_697, %get3A_698] {strides = array<i32>} : memref<256x128xf32, #tpu.memory_space<vmem>>, vector<1x16xf32>,
        %get3A_700 = vector.shape_cast %get3A_699 : vector<1x16xf32> to vector<16xf32>
        %add3A_701 = arith.addf %add3A_643, %get3A_700 : vector<16xf32>
        %add3A_702 = arith.constant 0 : i32
        %add3A_703 = arith.addi %add3A_702, %scan3A_673 : i32
        %get3A_704 = arith.index_cast %add3A_703 : i32 to index
        %get3A_705 = arith.constant 64 : index
        %get3A_706 = tpu.vector_load %arg5[%get3A_704, %get3A_705] {strides = array<i32>} : memref<256x128xf32, #tpu.memory_space<vmem>>, vector<1x16xf32>,
        %get3A_707 = vector.shape_cast %get3A_706 : vector<1x16xf32> to vector<16xf32>
        %add3A_708 = arith.addf %add3A_650, %get3A_707 : vector<16xf32>
        %add3A_709 = arith.constant 0 : i32
        %add3A_710 = arith.addi %add3A_709, %scan3A_673 : i32
        %get3A_711 = arith.index_cast %add3A_710 : i32 to index
        %get3A_712 = arith.constant 80 : index
        %get3A_713 = tpu.vector_load %arg5[%get3A_711, %get3A_712] {strides = array<i32>} : memref<256x128xf32, #tpu.memory_space<vmem>>, vector<1x16xf32>,
        %get3A_714 = vector.shape_cast %get3A_713 : vector<1x16xf32> to vector<16xf32>
        %add3A_715 = arith.addf %add3A_657, %get3A_714 : vector<16xf32>
        %add3A_716 = arith.constant 0 : i32
        %add3A_717 = arith.addi %add3A_716, %scan3A_673 : i32
        %get3A_718 = arith.index_cast %add3A_717 : i32 to index
        %get3A_719 = arith.constant 96 : index
        %get3A_720 = tpu.vector_load %arg5[%get3A_718, %get3A_719] {strides = array<i32>} : memref<256x128xf32, #tpu.memory_space<vmem>>, vector<1x16xf32>,
        %get3A_721 = vector.shape_cast %get3A_720 : vector<1x16xf32> to vector<16xf32>
        %add3A_722 = arith.addf %add3A_664, %get3A_721 : vector<16xf32>
        %add3A_723 = arith.constant 0 : i32
        %add3A_724 = arith.addi %add3A_723, %scan3A_673 : i32
        %get3A_725 = arith.index_cast %add3A_724 : i32 to index
        %get3A_726 = arith.constant 112 : index
        %get3A_727 = tpu.vector_load %arg5[%get3A_725, %get3A_726] {strides = array<i32>} : memref<256x128xf32, #tpu.memory_space<vmem>>, vector<1x16xf32>,
        %get3A_728 = vector.shape_cast %get3A_727 : vector<1x16xf32> to vector<16xf32>
        %add3A_729 = arith.addf %add3A_671, %get3A_728 : vector<16xf32>
        %scan3A_730 = arith.constant 2 : i32
        %scan3A_731 = arith.addi %scan3A_608, %scan3A_730 : i32
        %add3A_732 = arith.constant 0 : i32
        %add3A_733 = arith.addi %add3A_732, %scan3A_731 : i32
        %get3A_734 = arith.index_cast %add3A_733 : i32 to index
        %get3A_735 = arith.constant 0 : index
        %get3A_736 = tpu.vector_load %arg5[%get3A_734, %get3A_735] {strides = array<i32>} : memref<256x128xf32, #tpu.memory_space<vmem>>, vector<1x16xf32>,
        %get3A_737 = vector.shape_cast %get3A_736 : vector<1x16xf32> to vector<16xf32>
        %add3A_738 = arith.addf %add3A_680, %get3A_737 : vector<16xf32>
        %add3A_739 = arith.constant 0 : i32
        %add3A_740 = arith.addi %add3A_739, %scan3A_731 : i32
        %get3A_741 = arith.index_cast %add3A_740 : i32 to index
        %get3A_742 = arith.constant 16 : index
        %get3A_743 = tpu.vector_load %arg5[%get3A_741, %get3A_742] {strides = array<i32>} : memref<256x128xf32, #tpu.memory_space<vmem>>, vector<1x16xf32>,
        %get3A_744 = vector.shape_cast %get3A_743 : vector<1x16xf32> to vector<16xf32>
        %add3A_745 = arith.addf %add3A_687, %get3A_744 : vector<16xf32>
        %add3A_746 = arith.constant 0 : i32
        %add3A_747 = arith.addi %add3A_746, %scan3A_731 : i32
        %get3A_748 = arith.index_cast %add3A_747 : i32 to index
        %get3A_749 = arith.constant 32 : index
        %get3A_750 = tpu.vector_load %arg5[%get3A_748, %get3A_749] {strides = array<i32>} : memref<256x128xf32, #tpu.memory_space<vmem>>, vector<1x16xf32>,
        %get3A_751 = vector.shape_cast %get3A_750 : vector<1x16xf32> to vector<16xf32>
        %add3A_752 = arith.addf %add3A_694, %get3A_751 : vector<16xf32>
        %add3A_753 = arith.constant 0 : i32
        %add3A_754 = arith.addi %add3A_753, %scan3A_731 : i32
        %get3A_755 = arith.index_cast %add3A_754 : i32 to index
        %get3A_756 = arith.constant 48 : index
        %get3A_757 = tpu.vector_load %arg5[%get3A_755, %get3A_756] {strides = array<i32>} : memref<256x128xf32, #tpu.memory_space<vmem>>, vector<1x16xf32>,
        %get3A_758 = vector.shape_cast %get3A_757 : vector<1x16xf32> to vector<16xf32>
        %add3A_759 = arith.addf %add3A_701, %get3A_758 : vector<16xf32>
        %add3A_760 = arith.constant 0 : i32
        %add3A_761 = arith.addi %add3A_760, %scan3A_731 : i32
        %get3A_762 = arith.index_cast %add3A_761 : i32 to index
        %get3A_763 = arith.constant 64 : index
        %get3A_764 = tpu.vector_load %arg5[%get3A_762, %get3A_763] {strides = array<i32>} : memref<256x128xf32, #tpu.memory_space<vmem>>, vector<1x16xf32>,
        %get3A_765 = vector.shape_cast %get3A_764 : vector<1x16xf32> to vector<16xf32>
        %add3A_766 = arith.addf %add3A_708, %get3A_765 : vector<16xf32>
        %add3A_767 = arith.constant 0 : i32
        %add3A_768 = arith.addi %add3A_767, %scan3A_731 : i32
        %get3A_769 = arith.index_cast %add3A_768 : i32 to index
        %get3A_770 = arith.constant 80 : index
        %get3A_771 = tpu.vector_load %arg5[%get3A_769, %get3A_770] {strides = array<i32>} : memref<256x128xf32, #tpu.memory_space<vmem>>, vector<1x16xf32>,
        %get3A_772 = vector.shape_cast %get3A_771 : vector<1x16xf32> to vector<16xf32>
        %add3A_773 = arith.addf %add3A_715, %get3A_772 : vector<16xf32>
        %add3A_774 = arith.constant 0 : i32
        %add3A_775 = arith.addi %add3A_774, %scan3A_731 : i32
        %get3A_776 = arith.index_cast %add3A_775 : i32 to index
        %get3A_777 = arith.constant 96 : index
        %get3A_778 = tpu.vector_load %arg5[%get3A_776, %get3A_777] {strides = array<i32>} : memref<256x128xf32, #tpu.memory_space<vmem>>, vector<1x16xf32>,
        %get3A_779 = vector.shape_cast %get3A_778 : vector<1x16xf32> to vector<16xf32>
        %add3A_780 = arith.addf %add3A_722, %get3A_779 : vector<16xf32>
        %add3A_781 = arith.constant 0 : i32
        %add3A_782 = arith.addi %add3A_781, %scan3A_731 : i32
        %get3A_783 = arith.index_cast %add3A_782 : i32 to index
        %get3A_784 = arith.constant 112 : index
        %get3A_785 = tpu.vector_load %arg5[%get3A_783, %get3A_784] {strides = array<i32>} : memref<256x128xf32, #tpu.memory_space<vmem>>, vector<1x16xf32>,
        %get3A_786 = vector.shape_cast %get3A_785 : vector<1x16xf32> to vector<16xf32>
        %add3A_787 = arith.addf %add3A_729, %get3A_786 : vector<16xf32>
        %scan3A_788 = arith.constant 3 : i32
        %scan3A_789 = arith.addi %scan3A_608, %scan3A_788 : i32
        %add3A_790 = arith.constant 0 : i32
        %add3A_791 = arith.addi %add3A_790, %scan3A_789 : i32
        %get3A_792 = arith.index_cast %add3A_791 : i32 to index
        %get3A_793 = arith.constant 0 : index
        %get3A_794 = tpu.vector_load %arg5[%get3A_792, %get3A_793] {strides = array<i32>} : memref<256x128xf32, #tpu.memory_space<vmem>>, vector<1x16xf32>,
        %get3A_795 = vector.shape_cast %get3A_794 : vector<1x16xf32> to vector<16xf32>
        %add3A_796 = arith.addf %add3A_738, %get3A_795 : vector<16xf32>
        %add3A_797 = arith.constant 0 : i32
        %add3A_798 = arith.addi %add3A_797, %scan3A_789 : i32
        %get3A_799 = arith.index_cast %add3A_798 : i32 to index
        %get3A_800 = arith.constant 16 : index
        %get3A_801 = tpu.vector_load %arg5[%get3A_799, %get3A_800] {strides = array<i32>} : memref<256x128xf32, #tpu.memory_space<vmem>>, vector<1x16xf32>,
        %get3A_802 = vector.shape_cast %get3A_801 : vector<1x16xf32> to vector<16xf32>
        %add3A_803 = arith.addf %add3A_745, %get3A_802 : vector<16xf32>
        %add3A_804 = arith.constant 0 : i32
        %add3A_805 = arith.addi %add3A_804, %scan3A_789 : i32
        %get3A_806 = arith.index_cast %add3A_805 : i32 to index
        %get3A_807 = arith.constant 32 : index
        %get3A_808 = tpu.vector_load %arg5[%get3A_806, %get3A_807] {strides = array<i32>} : memref<256x128xf32, #tpu.memory_space<vmem>>, vector<1x16xf32>,
        %get3A_809 = vector.shape_cast %get3A_808 : vector<1x16xf32> to vector<16xf32>
        %add3A_810 = arith.addf %add3A_752, %get3A_809 : vector<16xf32>
        %add3A_811 = arith.constant 0 : i32
        %add3A_812 = arith.addi %add3A_811, %scan3A_789 : i32
        %get3A_813 = arith.index_cast %add3A_812 : i32 to index
        %get3A_814 = arith.constant 48 : index
        %get3A_815 = tpu.vector_load %arg5[%get3A_813, %get3A_814] {strides = array<i32>} : memref<256x128xf32, #tpu.memory_space<vmem>>, vector<1x16xf32>,
        %get3A_816 = vector.shape_cast %get3A_815 : vector<1x16xf32> to vector<16xf32>
        %add3A_817 = arith.addf %add3A_759, %get3A_816 : vector<16xf32>
        %add3A_818 = arith.constant 0 : i32
        %add3A_819 = arith.addi %add3A_818, %scan3A_789 : i32
        %get3A_820 = arith.index_cast %add3A_819 : i32 to index
        %get3A_821 = arith.constant 64 : index
        %get3A_822 = tpu.vector_load %arg5[%get3A_820, %get3A_821] {strides = array<i32>} : memref<256x128xf32, #tpu.memory_space<vmem>>, vector<1x16xf32>,
        %get3A_823 = vector.shape_cast %get3A_822 : vector<1x16xf32> to vector<16xf32>
        %add3A_824 = arith.addf %add3A_766, %get3A_823 : vector<16xf32>
        %add3A_825 = arith.constant 0 : i32
        %add3A_826 = arith.addi %add3A_825, %scan3A_789 : i32
        %get3A_827 = arith.index_cast %add3A_826 : i32 to index
        %get3A_828 = arith.constant 80 : index
        %get3A_829 = tpu.vector_load %arg5[%get3A_827, %get3A_828] {strides = array<i32>} : memref<256x128xf32, #tpu.memory_space<vmem>>, vector<1x16xf32>,
        %get3A_830 = vector.shape_cast %get3A_829 : vector<1x16xf32> to vector<16xf32>
        %add3A_831 = arith.addf %add3A_773, %get3A_830 : vector<16xf32>
        %add3A_832 = arith.constant 0 : i32
        %add3A_833 = arith.addi %add3A_832, %scan3A_789 : i32
        %get3A_834 = arith.index_cast %add3A_833 : i32 to index
        %get3A_835 = arith.constant 96 : index
        %get3A_836 = tpu.vector_load %arg5[%get3A_834, %get3A_835] {strides = array<i32>} : memref<256x128xf32, #tpu.memory_space<vmem>>, vector<1x16xf32>,
        %get3A_837 = vector.shape_cast %get3A_836 : vector<1x16xf32> to vector<16xf32>
        %add3A_838 = arith.addf %add3A_780, %get3A_837 : vector<16xf32>
        %add3A_839 = arith.constant 0 : i32
        %add3A_840 = arith.addi %add3A_839, %scan3A_789 : i32
        %get3A_841 = arith.index_cast %add3A_840 : i32 to index
        %get3A_842 = arith.constant 112 : index
        %get3A_843 = tpu.vector_load %arg5[%get3A_841, %get3A_842] {strides = array<i32>} : memref<256x128xf32, #tpu.memory_space<vmem>>, vector<1x16xf32>,
        %get3A_844 = vector.shape_cast %get3A_843 : vector<1x16xf32> to vector<16xf32>
        %add3A_845 = arith.addf %add3A_787, %get3A_844 : vector<16xf32>
        scf.yield %add3A_796, %add3A_803, %add3A_810, %add3A_817, %add3A_824, %add3A_831, %add3A_838, %add3A_845 : vector<16xf32>, vector<16xf32>, vector<16xf32>, vector<16xf32>, vector<16xf32>, vector<16xf32>, vector<16xf32>, vector<16xf32>
      }
      %scan3A_67 = arith.constant 32 : i32
      %swap3A = arith.constant 0 : i32
      %swap3A_68 = arith.index_cast %swap3A : i32 to index
      %swap3A_69 = arith.constant 0 : index
      %swap3A_70 = tpu.vector_load %arg6[%swap3A_68, %swap3A_69] {strides = array<i32>} : memref<8x128xf32, #tpu.memory_space<vmem>>, vector<1x16xf32>,
      %swap3A_71 = vector.shape_cast %swap3A_70 : vector<1x16xf32> to vector<16xf32>
      %swap3A_72 = vector.shape_cast %scan3A_66#0 : vector<16xf32> to vector<1x16xf32>
      tpu.vector_store %arg6[%swap3A_68, %swap3A_69], %swap3A_72 {strides = array<i32>} : memref<8x128xf32, #tpu.memory_space<vmem>>, vector<1x16xf32>,
      %swap3A_73 = arith.constant 0 : i32
      %swap3A_74 = arith.index_cast %swap3A_73 : i32 to index
      %swap3A_75 = arith.constant 16 : index
      %swap3A_76 = tpu.vector_load %arg6[%swap3A_74, %swap3A_75] {strides = array<i32>} : memref<8x128xf32, #tpu.memory_space<vmem>>, vector<1x16xf32>,
      %swap3A_77 = vector.shape_cast %swap3A_76 : vector<1x16xf32> to vector<16xf32>
      %swap3A_78 = vector.shape_cast %scan3A_66#1 : vector<16xf32> to vector<1x16xf32>
      tpu.vector_store %arg6[%swap3A_74, %swap3A_75], %swap3A_78 {strides = array<i32>} : memref<8x128xf32, #tpu.memory_space<vmem>>, vector<1x16xf32>,
      %swap3A_79 = arith.constant 0 : i32
      %swap3A_80 = arith.index_cast %swap3A_79 : i32 to index
      %swap3A_81 = arith.constant 32 : index
      %swap3A_82 = tpu.vector_load %arg6[%swap3A_80, %swap3A_81] {strides = array<i32>} : memref<8x128xf32, #tpu.memory_space<vmem>>, vector<1x16xf32>,
      %swap3A_83 = vector.shape_cast %swap3A_82 : vector<1x16xf32> to vector<16xf32>
      %swap3A_84 = vector.shape_cast %scan3A_66#2 : vector<16xf32> to vector<1x16xf32>
      tpu.vector_store %arg6[%swap3A_80, %swap3A_81], %swap3A_84 {strides = array<i32>} : memref<8x128xf32, #tpu.memory_space<vmem>>, vector<1x16xf32>,
      %swap3A_85 = arith.constant 0 : i32
      %swap3A_86 = arith.index_cast %swap3A_85 : i32 to index
      %swap3A_87 = arith.constant 48 : index
      %swap3A_88 = tpu.vector_load %arg6[%swap3A_86, %swap3A_87] {strides = array<i32>} : memref<8x128xf32, #tpu.memory_space<vmem>>, vector<1x16xf32>,
      %swap3A_89 = vector.shape_cast %swap3A_88 : vector<1x16xf32> to vector<16xf32>
      %swap3A_90 = vector.shape_cast %scan3A_66#3 : vector<16xf32> to vector<1x16xf32>
      tpu.vector_store %arg6[%swap3A_86, %swap3A_87], %swap3A_90 {strides = array<i32>} : memref<8x128xf32, #tpu.memory_space<vmem>>, vector<1x16xf32>,
      %swap3A_91 = arith.constant 0 : i32
      %swap3A_92 = arith.index_cast %swap3A_91 : i32 to index
      %swap3A_93 = arith.constant 64 : index
      %swap3A_94 = tpu.vector_load %arg6[%swap3A_92, %swap3A_93] {strides = array<i32>} : memref<8x128xf32, #tpu.memory_space<vmem>>, vector<1x16xf32>,
      %swap3A_95 = vector.shape_cast %swap3A_94 : vector<1x16xf32> to vector<16xf32>
      %swap3A_96 = vector.shape_cast %scan3A_66#4 : vector<16xf32> to vector<1x16xf32>
      tpu.vector_store %arg6[%swap3A_92, %swap3A_93], %swap3A_96 {strides = array<i32>} : memref<8x128xf32, #tpu.memory_space<vmem>>, vector<1x16xf32>,
      %swap3A_97 = arith.constant 0 : i32
      %swap3A_98 = arith.index_cast %swap3A_97 : i32 to index
      %swap3A_99 = arith.constant 80 : index
      %swap3A_100 = tpu.vector_load %arg6[%swap3A_98, %swap3A_99] {strides = array<i32>} : memref<8x128xf32, #tpu.memory_space<vmem>>, vector<1x16xf32>,
      %swap3A_101 = vector.shape_cast %swap3A_100 : vector<1x16xf32> to vector<16xf32>
      %swap3A_102 = vector.shape_cast %scan3A_66#5 : vector<16xf32> to vector<1x16xf32>
      tpu.vector_store %arg6[%swap3A_98, %swap3A_99], %swap3A_102 {strides = array<i32>} : memref<8x128xf32, #tpu.memory_space<vmem>>, vector<1x16xf32>,
      %swap3A_103 = arith.constant 0 : i32
      %swap3A_104 = arith.index_cast %swap3A_103 : i32 to index
      %swap3A_105 = arith.constant 96 : index
      %swap3A_106 = tpu.vector_load %arg6[%swap3A_104, %swap3A_105] {strides = array<i32>} : memref<8x128xf32, #tpu.memory_space<vmem>>, vector<1x16xf32>,
      %swap3A_107 = vector.shape_cast %swap3A_106 : vector<1x16xf32> to vector<16xf32>
      %swap3A_108 = vector.shape_cast %scan3A_66#6 : vector<16xf32> to vector<1x16xf32>
      tpu.vector_store %arg6[%swap3A_104, %swap3A_105], %swap3A_108 {strides = array<i32>} : memref<8x128xf32, #tpu.memory_space<vmem>>, vector<1x16xf32>,
      %swap3A_109 = arith.constant 0 : i32
      %swap3A_110 = arith.index_cast %swap3A_109 : i32 to index
      %swap3A_111 = arith.constant 112 : index
      %swap3A_112 = tpu.vector_load %arg6[%swap3A_110, %swap3A_111] {strides = array<i32>} : memref<8x128xf32, #tpu.memory_space<vmem>>, vector<1x16xf32>,
      %swap3A_113 = vector.shape_cast %swap3A_112 : vector<1x16xf32> to vector<16xf32>
      %swap3A_114 = vector.shape_cast %scan3A_66#7 : vector<16xf32> to vector<1x16xf32>
      tpu.vector_store %arg6[%swap3A_110, %swap3A_111], %swap3A_114 {strides = array<i32>} : memref<8x128xf32, #tpu.memory_space<vmem>>, vector<1x16xf32>,
      %broadcast_in_dim3A_115 = arith.constant 0.000000e+00 : f32
      %broadcast_in_dim3A_116 = vector.broadcast %broadcast_in_dim3A_115 : f32 to vector<16xf32>
      %broadcast_in_dim3A_117 = arith.constant 0.000000e+00 : f32
      %broadcast_in_dim3A_118 = vector.broadcast %broadcast_in_dim3A_117 : f32 to vector<16xf32>
      %broadcast_in_dim3A_119 = arith.constant 0.000000e+00 : f32
      %broadcast_in_dim3A_120 = vector.broadcast %broadcast_in_dim3A_119 : f32 to vector<16xf32>
      %broadcast_in_dim3A_121 = arith.constant 0.000000e+00 : f32
      %broadcast_in_dim3A_122 = vector.broadcast %broadcast_in_dim3A_121 : f32 to vector<16xf32>
      %broadcast_in_dim3A_123 = arith.constant 0.000000e+00 : f32
      %broadcast_in_dim3A_124 = vector.broadcast %broadcast_in_dim3A_123 : f32 to vector<16xf32>
      %broadcast_in_dim3A_125 = arith.constant 0.000000e+00 : f32
      %broadcast_in_dim3A_126 = vector.broadcast %broadcast_in_dim3A_125 : f32 to vector<16xf32>
      %broadcast_in_dim3A_127 = arith.constant 0.000000e+00 : f32
      %broadcast_in_dim3A_128 = vector.broadcast %broadcast_in_dim3A_127 : f32 to vector<16xf32>
      %broadcast_in_dim3A_129 = arith.constant 0.000000e+00 : f32
      %broadcast_in_dim3A_130 = vector.broadcast %broadcast_in_dim3A_129 : f32 to vector<16xf32>
      %scan3A_131 = arith.constant 0 : i32
      %scan3A_132 = arith.constant 32 : i32
      %scan3A_133 = arith.addi %scan3A_131, %scan3A_132 : i32
      %scan3A_134 = arith.constant 4 : i32
      %scan3A_135:8 = scf.for %scan3A_608 = %scan3A_131 to %scan3A_133 step %scan3A_134 iter_args(%scan3A_609 = %broadcast_in_dim3A_116, %scan3A_610 = %broadcast_in_dim3A_118, %scan3A_611 = %broadcast_in_dim3A_120, %scan3A_612 = %broadcast_in_dim3A_122, %scan3A_613 = %broadcast_in_dim3A_124, %scan3A_614 = %broadcast_in_dim3A_126, %scan3A_615 = %broadcast_in_dim3A_128, %scan3A_616 = %broadcast_in_dim3A_130) -> (vector<16xf32>, vector<16xf32>, vector<16xf32>, vector<16xf32>, vector<16xf32>, vector<16xf32>, vector<16xf32>, vector<16xf32>)  : i32 {
        %add3A_617 = arith.constant 32 : i32
        %add3A_618 = arith.addi %add3A_617, %scan3A_608 : i32
        %get3A = arith.index_cast %add3A_618 : i32 to index
        %get3A_619 = arith.constant 0 : index
        %get3A_620 = tpu.vector_load %arg5[%get3A, %get3A_619] {strides = array<i32>} : memref<256x128xf32, #tpu.memory_space<vmem>>, vector<1x16xf32>,
        %get3A_621 = vector.shape_cast %get3A_620 : vector<1x16xf32> to vector<16xf32>
        %add3A_622 = arith.addf %scan3A_609, %get3A_621 : vector<16xf32>
        %add3A_623 = arith.constant 32 : i32
        %add3A_624 = arith.addi %add3A_623, %scan3A_608 : i32
        %get3A_625 = arith.index_cast %add3A_624 : i32 to index
        %get3A_626 = arith.constant 16 : index
        %get3A_627 = tpu.vector_load %arg5[%get3A_625, %get3A_626] {strides = array<i32>} : memref<256x128xf32, #tpu.memory_space<vmem>>, vector<1x16xf32>,
        %get3A_628 = vector.shape_cast %get3A_627 : vector<1x16xf32> to vector<16xf32>
        %add3A_629 = arith.addf %scan3A_610, %get3A_628 : vector<16xf32>
        %add3A_630 = arith.constant 32 : i32
        %add3A_631 = arith.addi %add3A_630, %scan3A_608 : i32
        %get3A_632 = arith.index_cast %add3A_631 : i32 to index
        %get3A_633 = arith.constant 32 : index
        %get3A_634 = tpu.vector_load %arg5[%get3A_632, %get3A_633] {strides = array<i32>} : memref<256x128xf32, #tpu.memory_space<vmem>>, vector<1x16xf32>,
        %get3A_635 = vector.shape_cast %get3A_634 : vector<1x16xf32> to vector<16xf32>
        %add3A_636 = arith.addf %scan3A_611, %get3A_635 : vector<16xf32>
        %add3A_637 = arith.constant 32 : i32
        %add3A_638 = arith.addi %add3A_637, %scan3A_608 : i32
        %get3A_639 = arith.index_cast %add3A_638 : i32 to index
        %get3A_640 = arith.constant 48 : index
        %get3A_641 = tpu.vector_load %arg5[%get3A_639, %get3A_640] {strides = array<i32>} : memref<256x128xf32, #tpu.memory_space<vmem>>, vector<1x16xf32>,
        %get3A_642 = vector.shape_cast %get3A_641 : vector<1x16xf32> to vector<16xf32>
        %add3A_643 = arith.addf %scan3A_612, %get3A_642 : vector<16xf32>
        %add3A_644 = arith.constant 32 : i32
        %add3A_645 = arith.addi %add3A_644, %scan3A_608 : i32
        %get3A_646 = arith.index_cast %add3A_645 : i32 to index
        %get3A_647 = arith.constant 64 : index
        %get3A_648 = tpu.vector_load %arg5[%get3A_646, %get3A_647] {strides = array<i32>} : memref<256x128xf32, #tpu.memory_space<vmem>>, vector<1x16xf32>,
        %get3A_649 = vector.shape_cast %get3A_648 : vector<1x16xf32> to vector<16xf32>
        %add3A_650 = arith.addf %scan3A_613, %get3A_649 : vector<16xf32>
        %add3A_651 = arith.constant 32 : i32
        %add3A_652 = arith.addi %add3A_651, %scan3A_608 : i32
        %get3A_653 = arith.index_cast %add3A_652 : i32 to index
        %get3A_654 = arith.constant 80 : index
        %get3A_655 = tpu.vector_load %arg5[%get3A_653, %get3A_654] {strides = array<i32>} : memref<256x128xf32, #tpu.memory_space<vmem>>, vector<1x16xf32>,
        %get3A_656 = vector.shape_cast %get3A_655 : vector<1x16xf32> to vector<16xf32>
        %add3A_657 = arith.addf %scan3A_614, %get3A_656 : vector<16xf32>
        %add3A_658 = arith.constant 32 : i32
        %add3A_659 = arith.addi %add3A_658, %scan3A_608 : i32
        %get3A_660 = arith.index_cast %add3A_659 : i32 to index
        %get3A_661 = arith.constant 96 : index
        %get3A_662 = tpu.vector_load %arg5[%get3A_660, %get3A_661] {strides = array<i32>} : memref<256x128xf32, #tpu.memory_space<vmem>>, vector<1x16xf32>,
        %get3A_663 = vector.shape_cast %get3A_662 : vector<1x16xf32> to vector<16xf32>
        %add3A_664 = arith.addf %scan3A_615, %get3A_663 : vector<16xf32>
        %add3A_665 = arith.constant 32 : i32
        %add3A_666 = arith.addi %add3A_665, %scan3A_608 : i32
        %get3A_667 = arith.index_cast %add3A_666 : i32 to index
        %get3A_668 = arith.constant 112 : index
        %get3A_669 = tpu.vector_load %arg5[%get3A_667, %get3A_668] {strides = array<i32>} : memref<256x128xf32, #tpu.memory_space<vmem>>, vector<1x16xf32>,
        %get3A_670 = vector.shape_cast %get3A_669 : vector<1x16xf32> to vector<16xf32>
        %add3A_671 = arith.addf %scan3A_616, %get3A_670 : vector<16xf32>
        %scan3A_672 = arith.constant 1 : i32
        %scan3A_673 = arith.addi %scan3A_608, %scan3A_672 : i32
        %add3A_674 = arith.constant 32 : i32
        %add3A_675 = arith.addi %add3A_674, %scan3A_673 : i32
        %get3A_676 = arith.index_cast %add3A_675 : i32 to index
        %get3A_677 = arith.constant 0 : index
        %get3A_678 = tpu.vector_load %arg5[%get3A_676, %get3A_677] {strides = array<i32>} : memref<256x128xf32, #tpu.memory_space<vmem>>, vector<1x16xf32>,
        %get3A_679 = vector.shape_cast %get3A_678 : vector<1x16xf32> to vector<16xf32>
        %add3A_680 = arith.addf %add3A_622, %get3A_679 : vector<16xf32>
        %add3A_681 = arith.constant 32 : i32
        %add3A_682 = arith.addi %add3A_681, %scan3A_673 : i32
        %get3A_683 = arith.index_cast %add3A_682 : i32 to index
        %get3A_684 = arith.constant 16 : index
        %get3A_685 = tpu.vector_load %arg5[%get3A_683, %get3A_684] {strides = array<i32>} : memref<256x128xf32, #tpu.memory_space<vmem>>, vector<1x16xf32>,
        %get3A_686 = vector.shape_cast %get3A_685 : vector<1x16xf32> to vector<16xf32>
        %add3A_687 = arith.addf %add3A_629, %get3A_686 : vector<16xf32>
        %add3A_688 = arith.constant 32 : i32
        %add3A_689 = arith.addi %add3A_688, %scan3A_673 : i32
        %get3A_690 = arith.index_cast %add3A_689 : i32 to index
        %get3A_691 = arith.constant 32 : index
        %get3A_692 = tpu.vector_load %arg5[%get3A_690, %get3A_691] {strides = array<i32>} : memref<256x128xf32, #tpu.memory_space<vmem>>, vector<1x16xf32>,
        %get3A_693 = vector.shape_cast %get3A_692 : vector<1x16xf32> to vector<16xf32>
        %add3A_694 = arith.addf %add3A_636, %get3A_693 : vector<16xf32>
        %add3A_695 = arith.constant 32 : i32
        %add3A_696 = arith.addi %add3A_695, %scan3A_673 : i32
        %get3A_697 = arith.index_cast %add3A_696 : i32 to index
        %get3A_698 = arith.constant 48 : index
        %get3A_699 = tpu.vector_load %arg5[%get3A_697, %get3A_698] {strides = array<i32>} : memref<256x128xf32, #tpu.memory_space<vmem>>, vector<1x16xf32>,
        %get3A_700 = vector.shape_cast %get3A_699 : vector<1x16xf32> to vector<16xf32>
        %add3A_701 = arith.addf %add3A_643, %get3A_700 : vector<16xf32>
        %add3A_702 = arith.constant 32 : i32
        %add3A_703 = arith.addi %add3A_702, %scan3A_673 : i32
        %get3A_704 = arith.index_cast %add3A_703 : i32 to index
        %get3A_705 = arith.constant 64 : index
        %get3A_706 = tpu.vector_load %arg5[%get3A_704, %get3A_705] {strides = array<i32>} : memref<256x128xf32, #tpu.memory_space<vmem>>, vector<1x16xf32>,
        %get3A_707 = vector.shape_cast %get3A_706 : vector<1x16xf32> to vector<16xf32>
        %add3A_708 = arith.addf %add3A_650, %get3A_707 : vector<16xf32>
        %add3A_709 = arith.constant 32 : i32
        %add3A_710 = arith.addi %add3A_709, %scan3A_673 : i32
        %get3A_711 = arith.index_cast %add3A_710 : i32 to index
        %get3A_712 = arith.constant 80 : index
        %get3A_713 = tpu.vector_load %arg5[%get3A_711, %get3A_712] {strides = array<i32>} : memref<256x128xf32, #tpu.memory_space<vmem>>, vector<1x16xf32>,
        %get3A_714 = vector.shape_cast %get3A_713 : vector<1x16xf32> to vector<16xf32>
        %add3A_715 = arith.addf %add3A_657, %get3A_714 : vector<16xf32>
        %add3A_716 = arith.constant 32 : i32
        %add3A_717 = arith.addi %add3A_716, %scan3A_673 : i32
        %get3A_718 = arith.index_cast %add3A_717 : i32 to index
        %get3A_719 = arith.constant 96 : index
        %get3A_720 = tpu.vector_load %arg5[%get3A_718, %get3A_719] {strides = array<i32>} : memref<256x128xf32, #tpu.memory_space<vmem>>, vector<1x16xf32>,
        %get3A_721 = vector.shape_cast %get3A_720 : vector<1x16xf32> to vector<16xf32>
        %add3A_722 = arith.addf %add3A_664, %get3A_721 : vector<16xf32>
        %add3A_723 = arith.constant 32 : i32
        %add3A_724 = arith.addi %add3A_723, %scan3A_673 : i32
        %get3A_725 = arith.index_cast %add3A_724 : i32 to index
        %get3A_726 = arith.constant 112 : index
        %get3A_727 = tpu.vector_load %arg5[%get3A_725, %get3A_726] {strides = array<i32>} : memref<256x128xf32, #tpu.memory_space<vmem>>, vector<1x16xf32>,
        %get3A_728 = vector.shape_cast %get3A_727 : vector<1x16xf32> to vector<16xf32>
        %add3A_729 = arith.addf %add3A_671, %get3A_728 : vector<16xf32>
        %scan3A_730 = arith.constant 2 : i32
        %scan3A_731 = arith.addi %scan3A_608, %scan3A_730 : i32
        %add3A_732 = arith.constant 32 : i32
        %add3A_733 = arith.addi %add3A_732, %scan3A_731 : i32
        %get3A_734 = arith.index_cast %add3A_733 : i32 to index
        %get3A_735 = arith.constant 0 : index
        %get3A_736 = tpu.vector_load %arg5[%get3A_734, %get3A_735] {strides = array<i32>} : memref<256x128xf32, #tpu.memory_space<vmem>>, vector<1x16xf32>,
        %get3A_737 = vector.shape_cast %get3A_736 : vector<1x16xf32> to vector<16xf32>
        %add3A_738 = arith.addf %add3A_680, %get3A_737 : vector<16xf32>
        %add3A_739 = arith.constant 32 : i32
        %add3A_740 = arith.addi %add3A_739, %scan3A_731 : i32
        %get3A_741 = arith.index_cast %add3A_740 : i32 to index
        %get3A_742 = arith.constant 16 : index
        %get3A_743 = tpu.vector_load %arg5[%get3A_741, %get3A_742] {strides = array<i32>} : memref<256x128xf32, #tpu.memory_space<vmem>>, vector<1x16xf32>,
        %get3A_744 = vector.shape_cast %get3A_743 : vector<1x16xf32> to vector<16xf32>
        %add3A_745 = arith.addf %add3A_687, %get3A_744 : vector<16xf32>
        %add3A_746 = arith.constant 32 : i32
        %add3A_747 = arith.addi %add3A_746, %scan3A_731 : i32
        %get3A_748 = arith.index_cast %add3A_747 : i32 to index
        %get3A_749 = arith.constant 32 : index
        %get3A_750 = tpu.vector_load %arg5[%get3A_748, %get3A_749] {strides = array<i32>} : memref<256x128xf32, #tpu.memory_space<vmem>>, vector<1x16xf32>,
        %get3A_751 = vector.shape_cast %get3A_750 : vector<1x16xf32> to vector<16xf32>
        %add3A_752 = arith.addf %add3A_694, %get3A_751 : vector<16xf32>
        %add3A_753 = arith.constant 32 : i32
        %add3A_754 = arith.addi %add3A_753, %scan3A_731 : i32
        %get3A_755 = arith.index_cast %add3A_754 : i32 to index
        %get3A_756 = arith.constant 48 : index
        %get3A_757 = tpu.vector_load %arg5[%get3A_755, %get3A_756] {strides = array<i32>} : memref<256x128xf32, #tpu.memory_space<vmem>>, vector<1x16xf32>,
        %get3A_758 = vector.shape_cast %get3A_757 : vector<1x16xf32> to vector<16xf32>
        %add3A_759 = arith.addf %add3A_701, %get3A_758 : vector<16xf32>
        %add3A_760 = arith.constant 32 : i32
        %add3A_761 = arith.addi %add3A_760, %scan3A_731 : i32
        %get3A_762 = arith.index_cast %add3A_761 : i32 to index
        %get3A_763 = arith.constant 64 : index
        %get3A_764 = tpu.vector_load %arg5[%get3A_762, %get3A_763] {strides = array<i32>} : memref<256x128xf32, #tpu.memory_space<vmem>>, vector<1x16xf32>,
        %get3A_765 = vector.shape_cast %get3A_764 : vector<1x16xf32> to vector<16xf32>
        %add3A_766 = arith.addf %add3A_708, %get3A_765 : vector<16xf32>
        %add3A_767 = arith.constant 32 : i32
        %add3A_768 = arith.addi %add3A_767, %scan3A_731 : i32
        %get3A_769 = arith.index_cast %add3A_768 : i32 to index
        %get3A_770 = arith.constant 80 : index
        %get3A_771 = tpu.vector_load %arg5[%get3A_769, %get3A_770] {strides = array<i32>} : memref<256x128xf32, #tpu.memory_space<vmem>>, vector<1x16xf32>,
        %get3A_772 = vector.shape_cast %get3A_771 : vector<1x16xf32> to vector<16xf32>
        %add3A_773 = arith.addf %add3A_715, %get3A_772 : vector<16xf32>
        %add3A_774 = arith.constant 32 : i32
        %add3A_775 = arith.addi %add3A_774, %scan3A_731 : i32
        %get3A_776 = arith.index_cast %add3A_775 : i32 to index
        %get3A_777 = arith.constant 96 : index
        %get3A_778 = tpu.vector_load %arg5[%get3A_776, %get3A_777] {strides = array<i32>} : memref<256x128xf32, #tpu.memory_space<vmem>>, vector<1x16xf32>,
        %get3A_779 = vector.shape_cast %get3A_778 : vector<1x16xf32> to vector<16xf32>
        %add3A_780 = arith.addf %add3A_722, %get3A_779 : vector<16xf32>
        %add3A_781 = arith.constant 32 : i32
        %add3A_782 = arith.addi %add3A_781, %scan3A_731 : i32
        %get3A_783 = arith.index_cast %add3A_782 : i32 to index
        %get3A_784 = arith.constant 112 : index
        %get3A_785 = tpu.vector_load %arg5[%get3A_783, %get3A_784] {strides = array<i32>} : memref<256x128xf32, #tpu.memory_space<vmem>>, vector<1x16xf32>,
        %get3A_786 = vector.shape_cast %get3A_785 : vector<1x16xf32> to vector<16xf32>
        %add3A_787 = arith.addf %add3A_729, %get3A_786 : vector<16xf32>
        %scan3A_788 = arith.constant 3 : i32
        %scan3A_789 = arith.addi %scan3A_608, %scan3A_788 : i32
        %add3A_790 = arith.constant 32 : i32
        %add3A_791 = arith.addi %add3A_790, %scan3A_789 : i32
        %get3A_792 = arith.index_cast %add3A_791 : i32 to index
        %get3A_793 = arith.constant 0 : index
        %get3A_794 = tpu.vector_load %arg5[%get3A_792, %get3A_793] {strides = array<i32>} : memref<256x128xf32, #tpu.memory_space<vmem>>, vector<1x16xf32>,
        %get3A_795 = vector.shape_cast %get3A_794 : vector<1x16xf32> to vector<16xf32>
        %add3A_796 = arith.addf %add3A_738, %get3A_795 : vector<16xf32>
        %add3A_797 = arith.constant 32 : i32
        %add3A_798 = arith.addi %add3A_797, %scan3A_789 : i32
        %get3A_799 = arith.index_cast %add3A_798 : i32 to index
        %get3A_800 = arith.constant 16 : index
        %get3A_801 = tpu.vector_load %arg5[%get3A_799, %get3A_800] {strides = array<i32>} : memref<256x128xf32, #tpu.memory_space<vmem>>, vector<1x16xf32>,
        %get3A_802 = vector.shape_cast %get3A_801 : vector<1x16xf32> to vector<16xf32>
        %add3A_803 = arith.addf %add3A_745, %get3A_802 : vector<16xf32>
        %add3A_804 = arith.constant 32 : i32
        %add3A_805 = arith.addi %add3A_804, %scan3A_789 : i32
        %get3A_806 = arith.index_cast %add3A_805 : i32 to index
        %get3A_807 = arith.constant 32 : index
        %get3A_808 = tpu.vector_load %arg5[%get3A_806, %get3A_807] {strides = array<i32>} : memref<256x128xf32, #tpu.memory_space<vmem>>, vector<1x16xf32>,
        %get3A_809 = vector.shape_cast %get3A_808 : vector<1x16xf32> to vector<16xf32>
        %add3A_810 = arith.addf %add3A_752, %get3A_809 : vector<16xf32>
        %add3A_811 = arith.constant 32 : i32
        %add3A_812 = arith.addi %add3A_811, %scan3A_789 : i32
        %get3A_813 = arith.index_cast %add3A_812 : i32 to index
        %get3A_814 = arith.constant 48 : index
        %get3A_815 = tpu.vector_load %arg5[%get3A_813, %get3A_814] {strides = array<i32>} : memref<256x128xf32, #tpu.memory_space<vmem>>, vector<1x16xf32>,
        %get3A_816 = vector.shape_cast %get3A_815 : vector<1x16xf32> to vector<16xf32>
        %add3A_817 = arith.addf %add3A_759, %get3A_816 : vector<16xf32>
        %add3A_818 = arith.constant 32 : i32
        %add3A_819 = arith.addi %add3A_818, %scan3A_789 : i32
        %get3A_820 = arith.index_cast %add3A_819 : i32 to index
        %get3A_821 = arith.constant 64 : index
        %get3A_822 = tpu.vector_load %arg5[%get3A_820, %get3A_821] {strides = array<i32>} : memref<256x128xf32, #tpu.memory_space<vmem>>, vector<1x16xf32>,
        %get3A_823 = vector.shape_cast %get3A_822 : vector<1x16xf32> to vector<16xf32>
        %add3A_824 = arith.addf %add3A_766, %get3A_823 : vector<16xf32>
        %add3A_825 = arith.constant 32 : i32
        %add3A_826 = arith.addi %add3A_825, %scan3A_789 : i32
        %get3A_827 = arith.index_cast %add3A_826 : i32 to index
        %get3A_828 = arith.constant 80 : index
        %get3A_829 = tpu.vector_load %arg5[%get3A_827, %get3A_828] {strides = array<i32>} : memref<256x128xf32, #tpu.memory_space<vmem>>, vector<1x16xf32>,
        %get3A_830 = vector.shape_cast %get3A_829 : vector<1x16xf32> to vector<16xf32>
        %add3A_831 = arith.addf %add3A_773, %get3A_830 : vector<16xf32>
        %add3A_832 = arith.constant 32 : i32
        %add3A_833 = arith.addi %add3A_832, %scan3A_789 : i32
        %get3A_834 = arith.index_cast %add3A_833 : i32 to index
        %get3A_835 = arith.constant 96 : index
        %get3A_836 = tpu.vector_load %arg5[%get3A_834, %get3A_835] {strides = array<i32>} : memref<256x128xf32, #tpu.memory_space<vmem>>, vector<1x16xf32>,
        %get3A_837 = vector.shape_cast %get3A_836 : vector<1x16xf32> to vector<16xf32>
        %add3A_838 = arith.addf %add3A_780, %get3A_837 : vector<16xf32>
        %add3A_839 = arith.constant 32 : i32
        %add3A_840 = arith.addi %add3A_839, %scan3A_789 : i32
        %get3A_841 = arith.index_cast %add3A_840 : i32 to index
        %get3A_842 = arith.constant 112 : index
        %get3A_843 = tpu.vector_load %arg5[%get3A_841, %get3A_842] {strides = array<i32>} : memref<256x128xf32, #tpu.memory_space<vmem>>, vector<1x16xf32>,
        %get3A_844 = vector.shape_cast %get3A_843 : vector<1x16xf32> to vector<16xf32>
        %add3A_845 = arith.addf %add3A_787, %get3A_844 : vector<16xf32>
        scf.yield %add3A_796, %add3A_803, %add3A_810, %add3A_817, %add3A_824, %add3A_831, %add3A_838, %add3A_845 : vector<16xf32>, vector<16xf32>, vector<16xf32>, vector<16xf32>, vector<16xf32>, vector<16xf32>, vector<16xf32>, vector<16xf32>
      }
      %scan3A_136 = arith.constant 32 : i32
      %swap3A_137 = arith.constant 1 : i32
      %swap3A_138 = arith.index_cast %swap3A_137 : i32 to index
      %swap3A_139 = arith.constant 0 : index
      %swap3A_140 = tpu.vector_load %arg6[%swap3A_138, %swap3A_139] {strides = array<i32>} : memref<8x128xf32, #tpu.memory_space<vmem>>, vector<1x16xf32>,
      %swap3A_141 = vector.shape_cast %swap3A_140 : vector<1x16xf32> to vector<16xf32>
      %swap3A_142 = vector.shape_cast %scan3A_135#0 : vector<16xf32> to vector<1x16xf32>
      tpu.vector_store %arg6[%swap3A_138, %swap3A_139], %swap3A_142 {strides = array<i32>} : memref<8x128xf32, #tpu.memory_space<vmem>>, vector<1x16xf32>,
      %swap3A_143 = arith.constant 1 : i32
      %swap3A_144 = arith.index_cast %swap3A_143 : i32 to index
      %swap3A_145 = arith.constant 16 : index
      %swap3A_146 = tpu.vector_load %arg6[%swap3A_144, %swap3A_145] {strides = array<i32>} : memref<8x128xf32, #tpu.memory_space<vmem>>, vector<1x16xf32>,
      %swap3A_147 = vector.shape_cast %swap3A_146 : vector<1x16xf32> to vector<16xf32>
      %swap3A_148 = vector.shape_cast %scan3A_135#1 : vector<16xf32> to vector<1x16xf32>
      tpu.vector_store %arg6[%swap3A_144, %swap3A_145], %swap3A_148 {strides = array<i32>} : memref<8x128xf32, #tpu.memory_space<vmem>>, vector<1x16xf32>,
      %swap3A_149 = arith.constant 1 : i32
      %swap3A_150 = arith.index_cast %swap3A_149 : i32 to index
      %swap3A_151 = arith.constant 32 : index
      %swap3A_152 = tpu.vector_load %arg6[%swap3A_150, %swap3A_151] {strides = array<i32>} : memref<8x128xf32, #tpu.memory_space<vmem>>, vector<1x16xf32>,
      %swap3A_153 = vector.shape_cast %swap3A_152 : vector<1x16xf32> to vector<16xf32>
      %swap3A_154 = vector.shape_cast %scan3A_135#2 : vector<16xf32> to vector<1x16xf32>
      tpu.vector_store %arg6[%swap3A_150, %swap3A_151], %swap3A_154 {strides = array<i32>} : memref<8x128xf32, #tpu.memory_space<vmem>>, vector<1x16xf32>,
      %swap3A_155 = arith.constant 1 : i32
      %swap3A_156 = arith.index_cast %swap3A_155 : i32 to index
      %swap3A_157 = arith.constant 48 : index
      %swap3A_158 = tpu.vector_load %arg6[%swap3A_156, %swap3A_157] {strides = array<i32>} : memref<8x128xf32, #tpu.memory_space<vmem>>, vector<1x16xf32>,
      %swap3A_159 = vector.shape_cast %swap3A_158 : vector<1x16xf32> to vector<16xf32>
      %swap3A_160 = vector.shape_cast %scan3A_135#3 : vector<16xf32> to vector<1x16xf32>
      tpu.vector_store %arg6[%swap3A_156, %swap3A_157], %swap3A_160 {strides = array<i32>} : memref<8x128xf32, #tpu.memory_space<vmem>>, vector<1x16xf32>,
      %swap3A_161 = arith.constant 1 : i32
      %swap3A_162 = arith.index_cast %swap3A_161 : i32 to index
      %swap3A_163 = arith.constant 64 : index
      %swap3A_164 = tpu.vector_load %arg6[%swap3A_162, %swap3A_163] {strides = array<i32>} : memref<8x128xf32, #tpu.memory_space<vmem>>, vector<1x16xf32>,
      %swap3A_165 = vector.shape_cast %swap3A_164 : vector<1x16xf32> to vector<16xf32>
      %swap3A_166 = vector.shape_cast %scan3A_135#4 : vector<16xf32> to vector<1x16xf32>
      tpu.vector_store %arg6[%swap3A_162, %swap3A_163], %swap3A_166 {strides = array<i32>} : memref<8x128xf32, #tpu.memory_space<vmem>>, vector<1x16xf32>,
      %swap3A_167 = arith.constant 1 : i32
      %swap3A_168 = arith.index_cast %swap3A_167 : i32 to index
      %swap3A_169 = arith.constant 80 : index
      %swap3A_170 = tpu.vector_load %arg6[%swap3A_168, %swap3A_169] {strides = array<i32>} : memref<8x128xf32, #tpu.memory_space<vmem>>, vector<1x16xf32>,
      %swap3A_171 = vector.shape_cast %swap3A_170 : vector<1x16xf32> to vector<16xf32>
      %swap3A_172 = vector.shape_cast %scan3A_135#5 : vector<16xf32> to vector<1x16xf32>
      tpu.vector_store %arg6[%swap3A_168, %swap3A_169], %swap3A_172 {strides = array<i32>} : memref<8x128xf32, #tpu.memory_space<vmem>>, vector<1x16xf32>,
      %swap3A_173 = arith.constant 1 : i32
      %swap3A_174 = arith.index_cast %swap3A_173 : i32 to index
      %swap3A_175 = arith.constant 96 : index
      %swap3A_176 = tpu.vector_load %arg6[%swap3A_174, %swap3A_175] {strides = array<i32>} : memref<8x128xf32, #tpu.memory_space<vmem>>, vector<1x16xf32>,
      %swap3A_177 = vector.shape_cast %swap3A_176 : vector<1x16xf32> to vector<16xf32>
      %swap3A_178 = vector.shape_cast %scan3A_135#6 : vector<16xf32> to vector<1x16xf32>
      tpu.vector_store %arg6[%swap3A_174, %swap3A_175], %swap3A_178 {strides = array<i32>} : memref<8x128xf32, #tpu.memory_space<vmem>>, vector<1x16xf32>,
      %swap3A_179 = arith.constant 1 : i32
      %swap3A_180 = arith.index_cast %swap3A_179 : i32 to index
      %swap3A_181 = arith.constant 112 : index
      %swap3A_182 = tpu.vector_load %arg6[%swap3A_180, %swap3A_181] {strides = array<i32>} : memref<8x128xf32, #tpu.memory_space<vmem>>, vector<1x16xf32>,
      %swap3A_183 = vector.shape_cast %swap3A_182 : vector<1x16xf32> to vector<16xf32>
      %swap3A_184 = vector.shape_cast %scan3A_135#7 : vector<16xf32> to vector<1x16xf32>
      tpu.vector_store %arg6[%swap3A_180, %swap3A_181], %swap3A_184 {strides = array<i32>} : memref<8x128xf32, #tpu.memory_space<vmem>>, vector<1x16xf32>,
      %broadcast_in_dim3A_185 = arith.constant 0.000000e+00 : f32
      %broadcast_in_dim3A_186 = vector.broadcast %broadcast_in_dim3A_185 : f32 to vector<16xf32>
      %broadcast_in_dim3A_187 = arith.constant 0.000000e+00 : f32
      %broadcast_in_dim3A_188 = vector.broadcast %broadcast_in_dim3A_187 : f32 to vector<16xf32>
      %broadcast_in_dim3A_189 = arith.constant 0.000000e+00 : f32
      %broadcast_in_dim3A_190 = vector.broadcast %broadcast_in_dim3A_189 : f32 to vector<16xf32>
      %broadcast_in_dim3A_191 = arith.constant 0.000000e+00 : f32
      %broadcast_in_dim3A_192 = vector.broadcast %broadcast_in_dim3A_191 : f32 to vector<16xf32>
      %broadcast_in_dim3A_193 = arith.constant 0.000000e+00 : f32
      %broadcast_in_dim3A_194 = vector.broadcast %broadcast_in_dim3A_193 : f32 to vector<16xf32>
      %broadcast_in_dim3A_195 = arith.constant 0.000000e+00 : f32
      %broadcast_in_dim3A_196 = vector.broadcast %broadcast_in_dim3A_195 : f32 to vector<16xf32>
      %broadcast_in_dim3A_197 = arith.constant 0.000000e+00 : f32
      %broadcast_in_dim3A_198 = vector.broadcast %broadcast_in_dim3A_197 : f32 to vector<16xf32>
      %broadcast_in_dim3A_199 = arith.constant 0.000000e+00 : f32
      %broadcast_in_dim3A_200 = vector.broadcast %broadcast_in_dim3A_199 : f32 to vector<16xf32>
      %scan3A_201 = arith.constant 0 : i32
      %scan3A_202 = arith.constant 32 : i32
      %scan3A_203 = arith.addi %scan3A_201, %scan3A_202 : i32
      %scan3A_204 = arith.constant 4 : i32
      %scan3A_205:8 = scf.for %scan3A_608 = %scan3A_201 to %scan3A_203 step %scan3A_204 iter_args(%scan3A_609 = %broadcast_in_dim3A_186, %scan3A_610 = %broadcast_in_dim3A_188, %scan3A_611 = %broadcast_in_dim3A_190, %scan3A_612 = %broadcast_in_dim3A_192, %scan3A_613 = %broadcast_in_dim3A_194, %scan3A_614 = %broadcast_in_dim3A_196, %scan3A_615 = %broadcast_in_dim3A_198, %scan3A_616 = %broadcast_in_dim3A_200) -> (vector<16xf32>, vector<16xf32>, vector<16xf32>, vector<16xf32>, vector<16xf32>, vector<16xf32>, vector<16xf32>, vector<16xf32>)  : i32 {
        %add3A_617 = arith.constant 64 : i32
        %add3A_618 = arith.addi %add3A_617, %scan3A_608 : i32
        %get3A = arith.index_cast %add3A_618 : i32 to index
        %get3A_619 = arith.constant 0 : index
        %get3A_620 = tpu.vector_load %arg5[%get3A, %get3A_619] {strides = array<i32>} : memref<256x128xf32, #tpu.memory_space<vmem>>, vector<1x16xf32>,
        %get3A_621 = vector.shape_cast %get3A_620 : vector<1x16xf32> to vector<16xf32>
        %add3A_622 = arith.addf %scan3A_609, %get3A_621 : vector<16xf32>
        %add3A_623 = arith.constant 64 : i32
        %add3A_624 = arith.addi %add3A_623, %scan3A_608 : i32
        %get3A_625 = arith.index_cast %add3A_624 : i32 to index
        %get3A_626 = arith.constant 16 : index
        %get3A_627 = tpu.vector_load %arg5[%get3A_625, %get3A_626] {strides = array<i32>} : memref<256x128xf32, #tpu.memory_space<vmem>>, vector<1x16xf32>,
        %get3A_628 = vector.shape_cast %get3A_627 : vector<1x16xf32> to vector<16xf32>
        %add3A_629 = arith.addf %scan3A_610, %get3A_628 : vector<16xf32>
        %add3A_630 = arith.constant 64 : i32
        %add3A_631 = arith.addi %add3A_630, %scan3A_608 : i32
        %get3A_632 = arith.index_cast %add3A_631 : i32 to index
        %get3A_633 = arith.constant 32 : index
        %get3A_634 = tpu.vector_load %arg5[%get3A_632, %get3A_633] {strides = array<i32>} : memref<256x128xf32, #tpu.memory_space<vmem>>, vector<1x16xf32>,
        %get3A_635 = vector.shape_cast %get3A_634 : vector<1x16xf32> to vector<16xf32>
        %add3A_636 = arith.addf %scan3A_611, %get3A_635 : vector<16xf32>
        %add3A_637 = arith.constant 64 : i32
        %add3A_638 = arith.addi %add3A_637, %scan3A_608 : i32
        %get3A_639 = arith.index_cast %add3A_638 : i32 to index
        %get3A_640 = arith.constant 48 : index
        %get3A_641 = tpu.vector_load %arg5[%get3A_639, %get3A_640] {strides = array<i32>} : memref<256x128xf32, #tpu.memory_space<vmem>>, vector<1x16xf32>,
        %get3A_642 = vector.shape_cast %get3A_641 : vector<1x16xf32> to vector<16xf32>
        %add3A_643 = arith.addf %scan3A_612, %get3A_642 : vector<16xf32>
        %add3A_644 = arith.constant 64 : i32
        %add3A_645 = arith.addi %add3A_644, %scan3A_608 : i32
        %get3A_646 = arith.index_cast %add3A_645 : i32 to index
        %get3A_647 = arith.constant 64 : index
        %get3A_648 = tpu.vector_load %arg5[%get3A_646, %get3A_647] {strides = array<i32>} : memref<256x128xf32, #tpu.memory_space<vmem>>, vector<1x16xf32>,
        %get3A_649 = vector.shape_cast %get3A_648 : vector<1x16xf32> to vector<16xf32>
        %add3A_650 = arith.addf %scan3A_613, %get3A_649 : vector<16xf32>
        %add3A_651 = arith.constant 64 : i32
        %add3A_652 = arith.addi %add3A_651, %scan3A_608 : i32
        %get3A_653 = arith.index_cast %add3A_652 : i32 to index
        %get3A_654 = arith.constant 80 : index
        %get3A_655 = tpu.vector_load %arg5[%get3A_653, %get3A_654] {strides = array<i32>} : memref<256x128xf32, #tpu.memory_space<vmem>>, vector<1x16xf32>,
        %get3A_656 = vector.shape_cast %get3A_655 : vector<1x16xf32> to vector<16xf32>
        %add3A_657 = arith.addf %scan3A_614, %get3A_656 : vector<16xf32>
        %add3A_658 = arith.constant 64 : i32
        %add3A_659 = arith.addi %add3A_658, %scan3A_608 : i32
        %get3A_660 = arith.index_cast %add3A_659 : i32 to index
        %get3A_661 = arith.constant 96 : index
        %get3A_662 = tpu.vector_load %arg5[%get3A_660, %get3A_661] {strides = array<i32>} : memref<256x128xf32, #tpu.memory_space<vmem>>, vector<1x16xf32>,
        %get3A_663 = vector.shape_cast %get3A_662 : vector<1x16xf32> to vector<16xf32>
        %add3A_664 = arith.addf %scan3A_615, %get3A_663 : vector<16xf32>
        %add3A_665 = arith.constant 64 : i32
        %add3A_666 = arith.addi %add3A_665, %scan3A_608 : i32
        %get3A_667 = arith.index_cast %add3A_666 : i32 to index
        %get3A_668 = arith.constant 112 : index
        %get3A_669 = tpu.vector_load %arg5[%get3A_667, %get3A_668] {strides = array<i32>} : memref<256x128xf32, #tpu.memory_space<vmem>>, vector<1x16xf32>,
        %get3A_670 = vector.shape_cast %get3A_669 : vector<1x16xf32> to vector<16xf32>
        %add3A_671 = arith.addf %scan3A_616, %get3A_670 : vector<16xf32>
        %scan3A_672 = arith.constant 1 : i32
        %scan3A_673 = arith.addi %scan3A_608, %scan3A_672 : i32
        %add3A_674 = arith.constant 64 : i32
        %add3A_675 = arith.addi %add3A_674, %scan3A_673 : i32
        %get3A_676 = arith.index_cast %add3A_675 : i32 to index
        %get3A_677 = arith.constant 0 : index
        %get3A_678 = tpu.vector_load %arg5[%get3A_676, %get3A_677] {strides = array<i32>} : memref<256x128xf32, #tpu.memory_space<vmem>>, vector<1x16xf32>,
        %get3A_679 = vector.shape_cast %get3A_678 : vector<1x16xf32> to vector<16xf32>
        %add3A_680 = arith.addf %add3A_622, %get3A_679 : vector<16xf32>
        %add3A_681 = arith.constant 64 : i32
        %add3A_682 = arith.addi %add3A_681, %scan3A_673 : i32
        %get3A_683 = arith.index_cast %add3A_682 : i32 to index
        %get3A_684 = arith.constant 16 : index
        %get3A_685 = tpu.vector_load %arg5[%get3A_683, %get3A_684] {strides = array<i32>} : memref<256x128xf32, #tpu.memory_space<vmem>>, vector<1x16xf32>,
        %get3A_686 = vector.shape_cast %get3A_685 : vector<1x16xf32> to vector<16xf32>
        %add3A_687 = arith.addf %add3A_629, %get3A_686 : vector<16xf32>
        %add3A_688 = arith.constant 64 : i32
        %add3A_689 = arith.addi %add3A_688, %scan3A_673 : i32
        %get3A_690 = arith.index_cast %add3A_689 : i32 to index
        %get3A_691 = arith.constant 32 : index
        %get3A_692 = tpu.vector_load %arg5[%get3A_690, %get3A_691] {strides = array<i32>} : memref<256x128xf32, #tpu.memory_space<vmem>>, vector<1x16xf32>,
        %get3A_693 = vector.shape_cast %get3A_692 : vector<1x16xf32> to vector<16xf32>
        %add3A_694 = arith.addf %add3A_636, %get3A_693 : vector<16xf32>
        %add3A_695 = arith.constant 64 : i32
        %add3A_696 = arith.addi %add3A_695, %scan3A_673 : i32
        %get3A_697 = arith.index_cast %add3A_696 : i32 to index
        %get3A_698 = arith.constant 48 : index
        %get3A_699 = tpu.vector_load %arg5[%get3A_697, %get3A_698] {strides = array<i32>} : memref<256x128xf32, #tpu.memory_space<vmem>>, vector<1x16xf32>,
        %get3A_700 = vector.shape_cast %get3A_699 : vector<1x16xf32> to vector<16xf32>
        %add3A_701 = arith.addf %add3A_643, %get3A_700 : vector<16xf32>
        %add3A_702 = arith.constant 64 : i32
        %add3A_703 = arith.addi %add3A_702, %scan3A_673 : i32
        %get3A_704 = arith.index_cast %add3A_703 : i32 to index
        %get3A_705 = arith.constant 64 : index
        %get3A_706 = tpu.vector_load %arg5[%get3A_704, %get3A_705] {strides = array<i32>} : memref<256x128xf32, #tpu.memory_space<vmem>>, vector<1x16xf32>,
        %get3A_707 = vector.shape_cast %get3A_706 : vector<1x16xf32> to vector<16xf32>
        %add3A_708 = arith.addf %add3A_650, %get3A_707 : vector<16xf32>
        %add3A_709 = arith.constant 64 : i32
        %add3A_710 = arith.addi %add3A_709, %scan3A_673 : i32
        %get3A_711 = arith.index_cast %add3A_710 : i32 to index
        %get3A_712 = arith.constant 80 : index
        %get3A_713 = tpu.vector_load %arg5[%get3A_711, %get3A_712] {strides = array<i32>} : memref<256x128xf32, #tpu.memory_space<vmem>>, vector<1x16xf32>,
        %get3A_714 = vector.shape_cast %get3A_713 : vector<1x16xf32> to vector<16xf32>
        %add3A_715 = arith.addf %add3A_657, %get3A_714 : vector<16xf32>
        %add3A_716 = arith.constant 64 : i32
        %add3A_717 = arith.addi %add3A_716, %scan3A_673 : i32
        %get3A_718 = arith.index_cast %add3A_717 : i32 to index
        %get3A_719 = arith.constant 96 : index
        %get3A_720 = tpu.vector_load %arg5[%get3A_718, %get3A_719] {strides = array<i32>} : memref<256x128xf32, #tpu.memory_space<vmem>>, vector<1x16xf32>,
        %get3A_721 = vector.shape_cast %get3A_720 : vector<1x16xf32> to vector<16xf32>
        %add3A_722 = arith.addf %add3A_664, %get3A_721 : vector<16xf32>
        %add3A_723 = arith.constant 64 : i32
        %add3A_724 = arith.addi %add3A_723, %scan3A_673 : i32
        %get3A_725 = arith.index_cast %add3A_724 : i32 to index
        %get3A_726 = arith.constant 112 : index
        %get3A_727 = tpu.vector_load %arg5[%get3A_725, %get3A_726] {strides = array<i32>} : memref<256x128xf32, #tpu.memory_space<vmem>>, vector<1x16xf32>,
        %get3A_728 = vector.shape_cast %get3A_727 : vector<1x16xf32> to vector<16xf32>
        %add3A_729 = arith.addf %add3A_671, %get3A_728 : vector<16xf32>
        %scan3A_730 = arith.constant 2 : i32
        %scan3A_731 = arith.addi %scan3A_608, %scan3A_730 : i32
        %add3A_732 = arith.constant 64 : i32
        %add3A_733 = arith.addi %add3A_732, %scan3A_731 : i32
        %get3A_734 = arith.index_cast %add3A_733 : i32 to index
        %get3A_735 = arith.constant 0 : index
        %get3A_736 = tpu.vector_load %arg5[%get3A_734, %get3A_735] {strides = array<i32>} : memref<256x128xf32, #tpu.memory_space<vmem>>, vector<1x16xf32>,
        %get3A_737 = vector.shape_cast %get3A_736 : vector<1x16xf32> to vector<16xf32>
        %add3A_738 = arith.addf %add3A_680, %get3A_737 : vector<16xf32>
        %add3A_739 = arith.constant 64 : i32
        %add3A_740 = arith.addi %add3A_739, %scan3A_731 : i32
        %get3A_741 = arith.index_cast %add3A_740 : i32 to index
        %get3A_742 = arith.constant 16 : index
        %get3A_743 = tpu.vector_load %arg5[%get3A_741, %get3A_742] {strides = array<i32>} : memref<256x128xf32, #tpu.memory_space<vmem>>, vector<1x16xf32>,
        %get3A_744 = vector.shape_cast %get3A_743 : vector<1x16xf32> to vector<16xf32>
        %add3A_745 = arith.addf %add3A_687, %get3A_744 : vector<16xf32>
        %add3A_746 = arith.constant 64 : i32
        %add3A_747 = arith.addi %add3A_746, %scan3A_731 : i32
        %get3A_748 = arith.index_cast %add3A_747 : i32 to index
        %get3A_749 = arith.constant 32 : index
        %get3A_750 = tpu.vector_load %arg5[%get3A_748, %get3A_749] {strides = array<i32>} : memref<256x128xf32, #tpu.memory_space<vmem>>, vector<1x16xf32>,
        %get3A_751 = vector.shape_cast %get3A_750 : vector<1x16xf32> to vector<16xf32>
        %add3A_752 = arith.addf %add3A_694, %get3A_751 : vector<16xf32>
        %add3A_753 = arith.constant 64 : i32
        %add3A_754 = arith.addi %add3A_753, %scan3A_731 : i32
        %get3A_755 = arith.index_cast %add3A_754 : i32 to index
        %get3A_756 = arith.constant 48 : index
        %get3A_757 = tpu.vector_load %arg5[%get3A_755, %get3A_756] {strides = array<i32>} : memref<256x128xf32, #tpu.memory_space<vmem>>, vector<1x16xf32>,
        %get3A_758 = vector.shape_cast %get3A_757 : vector<1x16xf32> to vector<16xf32>
        %add3A_759 = arith.addf %add3A_701, %get3A_758 : vector<16xf32>
        %add3A_760 = arith.constant 64 : i32
        %add3A_761 = arith.addi %add3A_760, %scan3A_731 : i32
        %get3A_762 = arith.index_cast %add3A_761 : i32 to index
        %get3A_763 = arith.constant 64 : index
        %get3A_764 = tpu.vector_load %arg5[%get3A_762, %get3A_763] {strides = array<i32>} : memref<256x128xf32, #tpu.memory_space<vmem>>, vector<1x16xf32>,
        %get3A_765 = vector.shape_cast %get3A_764 : vector<1x16xf32> to vector<16xf32>
        %add3A_766 = arith.addf %add3A_708, %get3A_765 : vector<16xf32>
        %add3A_767 = arith.constant 64 : i32
        %add3A_768 = arith.addi %add3A_767, %scan3A_731 : i32
        %get3A_769 = arith.index_cast %add3A_768 : i32 to index
        %get3A_770 = arith.constant 80 : index
        %get3A_771 = tpu.vector_load %arg5[%get3A_769, %get3A_770] {strides = array<i32>} : memref<256x128xf32, #tpu.memory_space<vmem>>, vector<1x16xf32>,
        %get3A_772 = vector.shape_cast %get3A_771 : vector<1x16xf32> to vector<16xf32>
        %add3A_773 = arith.addf %add3A_715, %get3A_772 : vector<16xf32>
        %add3A_774 = arith.constant 64 : i32
        %add3A_775 = arith.addi %add3A_774, %scan3A_731 : i32
        %get3A_776 = arith.index_cast %add3A_775 : i32 to index
        %get3A_777 = arith.constant 96 : index
        %get3A_778 = tpu.vector_load %arg5[%get3A_776, %get3A_777] {strides = array<i32>} : memref<256x128xf32, #tpu.memory_space<vmem>>, vector<1x16xf32>,
        %get3A_779 = vector.shape_cast %get3A_778 : vector<1x16xf32> to vector<16xf32>
        %add3A_780 = arith.addf %add3A_722, %get3A_779 : vector<16xf32>
        %add3A_781 = arith.constant 64 : i32
        %add3A_782 = arith.addi %add3A_781, %scan3A_731 : i32
        %get3A_783 = arith.index_cast %add3A_782 : i32 to index
        %get3A_784 = arith.constant 112 : index
        %get3A_785 = tpu.vector_load %arg5[%get3A_783, %get3A_784] {strides = array<i32>} : memref<256x128xf32, #tpu.memory_space<vmem>>, vector<1x16xf32>,
        %get3A_786 = vector.shape_cast %get3A_785 : vector<1x16xf32> to vector<16xf32>
        %add3A_787 = arith.addf %add3A_729, %get3A_786 : vector<16xf32>
        %scan3A_788 = arith.constant 3 : i32
        %scan3A_789 = arith.addi %scan3A_608, %scan3A_788 : i32
        %add3A_790 = arith.constant 64 : i32
        %add3A_791 = arith.addi %add3A_790, %scan3A_789 : i32
        %get3A_792 = arith.index_cast %add3A_791 : i32 to index
        %get3A_793 = arith.constant 0 : index
        %get3A_794 = tpu.vector_load %arg5[%get3A_792, %get3A_793] {strides = array<i32>} : memref<256x128xf32, #tpu.memory_space<vmem>>, vector<1x16xf32>,
        %get3A_795 = vector.shape_cast %get3A_794 : vector<1x16xf32> to vector<16xf32>
        %add3A_796 = arith.addf %add3A_738, %get3A_795 : vector<16xf32>
        %add3A_797 = arith.constant 64 : i32
        %add3A_798 = arith.addi %add3A_797, %scan3A_789 : i32
        %get3A_799 = arith.index_cast %add3A_798 : i32 to index
        %get3A_800 = arith.constant 16 : index
        %get3A_801 = tpu.vector_load %arg5[%get3A_799, %get3A_800] {strides = array<i32>} : memref<256x128xf32, #tpu.memory_space<vmem>>, vector<1x16xf32>,
        %get3A_802 = vector.shape_cast %get3A_801 : vector<1x16xf32> to vector<16xf32>
        %add3A_803 = arith.addf %add3A_745, %get3A_802 : vector<16xf32>
        %add3A_804 = arith.constant 64 : i32
        %add3A_805 = arith.addi %add3A_804, %scan3A_789 : i32
        %get3A_806 = arith.index_cast %add3A_805 : i32 to index
        %get3A_807 = arith.constant 32 : index
        %get3A_808 = tpu.vector_load %arg5[%get3A_806, %get3A_807] {strides = array<i32>} : memref<256x128xf32, #tpu.memory_space<vmem>>, vector<1x16xf32>,
        %get3A_809 = vector.shape_cast %get3A_808 : vector<1x16xf32> to vector<16xf32>
        %add3A_810 = arith.addf %add3A_752, %get3A_809 : vector<16xf32>
        %add3A_811 = arith.constant 64 : i32
        %add3A_812 = arith.addi %add3A_811, %scan3A_789 : i32
        %get3A_813 = arith.index_cast %add3A_812 : i32 to index
        %get3A_814 = arith.constant 48 : index
        %get3A_815 = tpu.vector_load %arg5[%get3A_813, %get3A_814] {strides = array<i32>} : memref<256x128xf32, #tpu.memory_space<vmem>>, vector<1x16xf32>,
        %get3A_816 = vector.shape_cast %get3A_815 : vector<1x16xf32> to vector<16xf32>
        %add3A_817 = arith.addf %add3A_759, %get3A_816 : vector<16xf32>
        %add3A_818 = arith.constant 64 : i32
        %add3A_819 = arith.addi %add3A_818, %scan3A_789 : i32
        %get3A_820 = arith.index_cast %add3A_819 : i32 to index
        %get3A_821 = arith.constant 64 : index
        %get3A_822 = tpu.vector_load %arg5[%get3A_820, %get3A_821] {strides = array<i32>} : memref<256x128xf32, #tpu.memory_space<vmem>>, vector<1x16xf32>,
        %get3A_823 = vector.shape_cast %get3A_822 : vector<1x16xf32> to vector<16xf32>
        %add3A_824 = arith.addf %add3A_766, %get3A_823 : vector<16xf32>
        %add3A_825 = arith.constant 64 : i32
        %add3A_826 = arith.addi %add3A_825, %scan3A_789 : i32
        %get3A_827 = arith.index_cast %add3A_826 : i32 to index
        %get3A_828 = arith.constant 80 : index
        %get3A_829 = tpu.vector_load %arg5[%get3A_827, %get3A_828] {strides = array<i32>} : memref<256x128xf32, #tpu.memory_space<vmem>>, vector<1x16xf32>,
        %get3A_830 = vector.shape_cast %get3A_829 : vector<1x16xf32> to vector<16xf32>
        %add3A_831 = arith.addf %add3A_773, %get3A_830 : vector<16xf32>
        %add3A_832 = arith.constant 64 : i32
        %add3A_833 = arith.addi %add3A_832, %scan3A_789 : i32
        %get3A_834 = arith.index_cast %add3A_833 : i32 to index
        %get3A_835 = arith.constant 96 : index
        %get3A_836 = tpu.vector_load %arg5[%get3A_834, %get3A_835] {strides = array<i32>} : memref<256x128xf32, #tpu.memory_space<vmem>>, vector<1x16xf32>,
        %get3A_837 = vector.shape_cast %get3A_836 : vector<1x16xf32> to vector<16xf32>
        %add3A_838 = arith.addf %add3A_780, %get3A_837 : vector<16xf32>
        %add3A_839 = arith.constant 64 : i32
        %add3A_840 = arith.addi %add3A_839, %scan3A_789 : i32
        %get3A_841 = arith.index_cast %add3A_840 : i32 to index
        %get3A_842 = arith.constant 112 : index
        %get3A_843 = tpu.vector_load %arg5[%get3A_841, %get3A_842] {strides = array<i32>} : memref<256x128xf32, #tpu.memory_space<vmem>>, vector<1x16xf32>,
        %get3A_844 = vector.shape_cast %get3A_843 : vector<1x16xf32> to vector<16xf32>
        %add3A_845 = arith.addf %add3A_787, %get3A_844 : vector<16xf32>
        scf.yield %add3A_796, %add3A_803, %add3A_810, %add3A_817, %add3A_824, %add3A_831, %add3A_838, %add3A_845 : vector<16xf32>, vector<16xf32>, vector<16xf32>, vector<16xf32>, vector<16xf32>, vector<16xf32>, vector<16xf32>, vector<16xf32>
      }
      %scan3A_206 = arith.constant 32 : i32
      %swap3A_207 = arith.constant 2 : i32
      %swap3A_208 = arith.index_cast %swap3A_207 : i32 to index
      %swap3A_209 = arith.constant 0 : index
      %swap3A_210 = tpu.vector_load %arg6[%swap3A_208, %swap3A_209] {strides = array<i32>} : memref<8x128xf32, #tpu.memory_space<vmem>>, vector<1x16xf32>,
      %swap3A_211 = vector.shape_cast %swap3A_210 : vector<1x16xf32> to vector<16xf32>
      %swap3A_212 = vector.shape_cast %scan3A_205#0 : vector<16xf32> to vector<1x16xf32>
      tpu.vector_store %arg6[%swap3A_208, %swap3A_209], %swap3A_212 {strides = array<i32>} : memref<8x128xf32, #tpu.memory_space<vmem>>, vector<1x16xf32>,
      %swap3A_213 = arith.constant 2 : i32
      %swap3A_214 = arith.index_cast %swap3A_213 : i32 to index
      %swap3A_215 = arith.constant 16 : index
      %swap3A_216 = tpu.vector_load %arg6[%swap3A_214, %swap3A_215] {strides = array<i32>} : memref<8x128xf32, #tpu.memory_space<vmem>>, vector<1x16xf32>,
      %swap3A_217 = vector.shape_cast %swap3A_216 : vector<1x16xf32> to vector<16xf32>
      %swap3A_218 = vector.shape_cast %scan3A_205#1 : vector<16xf32> to vector<1x16xf32>
      tpu.vector_store %arg6[%swap3A_214, %swap3A_215], %swap3A_218 {strides = array<i32>} : memref<8x128xf32, #tpu.memory_space<vmem>>, vector<1x16xf32>,
      %swap3A_219 = arith.constant 2 : i32
      %swap3A_220 = arith.index_cast %swap3A_219 : i32 to index
      %swap3A_221 = arith.constant 32 : index
      %swap3A_222 = tpu.vector_load %arg6[%swap3A_220, %swap3A_221] {strides = array<i32>} : memref<8x128xf32, #tpu.memory_space<vmem>>, vector<1x16xf32>,
      %swap3A_223 = vector.shape_cast %swap3A_222 : vector<1x16xf32> to vector<16xf32>
      %swap3A_224 = vector.shape_cast %scan3A_205#2 : vector<16xf32> to vector<1x16xf32>
      tpu.vector_store %arg6[%swap3A_220, %swap3A_221], %swap3A_224 {strides = array<i32>} : memref<8x128xf32, #tpu.memory_space<vmem>>, vector<1x16xf32>,
      %swap3A_225 = arith.constant 2 : i32
      %swap3A_226 = arith.index_cast %swap3A_225 : i32 to index
      %swap3A_227 = arith.constant 48 : index
      %swap3A_228 = tpu.vector_load %arg6[%swap3A_226, %swap3A_227] {strides = array<i32>} : memref<8x128xf32, #tpu.memory_space<vmem>>, vector<1x16xf32>,
      %swap3A_229 = vector.shape_cast %swap3A_228 : vector<1x16xf32> to vector<16xf32>
      %swap3A_230 = vector.shape_cast %scan3A_205#3 : vector<16xf32> to vector<1x16xf32>
      tpu.vector_store %arg6[%swap3A_226, %swap3A_227], %swap3A_230 {strides = array<i32>} : memref<8x128xf32, #tpu.memory_space<vmem>>, vector<1x16xf32>,
      %swap3A_231 = arith.constant 2 : i32
      %swap3A_232 = arith.index_cast %swap3A_231 : i32 to index
      %swap3A_233 = arith.constant 64 : index
      %swap3A_234 = tpu.vector_load %arg6[%swap3A_232, %swap3A_233] {strides = array<i32>} : memref<8x128xf32, #tpu.memory_space<vmem>>, vector<1x16xf32>,
      %swap3A_235 = vector.shape_cast %swap3A_234 : vector<1x16xf32> to vector<16xf32>
      %swap3A_236 = vector.shape_cast %scan3A_205#4 : vector<16xf32> to vector<1x16xf32>
      tpu.vector_store %arg6[%swap3A_232, %swap3A_233], %swap3A_236 {strides = array<i32>} : memref<8x128xf32, #tpu.memory_space<vmem>>, vector<1x16xf32>,
      %swap3A_237 = arith.constant 2 : i32
      %swap3A_238 = arith.index_cast %swap3A_237 : i32 to index
      %swap3A_239 = arith.constant 80 : index
      %swap3A_240 = tpu.vector_load %arg6[%swap3A_238, %swap3A_239] {strides = array<i32>} : memref<8x128xf32, #tpu.memory_space<vmem>>, vector<1x16xf32>,
      %swap3A_241 = vector.shape_cast %swap3A_240 : vector<1x16xf32> to vector<16xf32>
      %swap3A_242 = vector.shape_cast %scan3A_205#5 : vector<16xf32> to vector<1x16xf32>
      tpu.vector_store %arg6[%swap3A_238, %swap3A_239], %swap3A_242 {strides = array<i32>} : memref<8x128xf32, #tpu.memory_space<vmem>>, vector<1x16xf32>,
      %swap3A_243 = arith.constant 2 : i32
      %swap3A_244 = arith.index_cast %swap3A_243 : i32 to index
      %swap3A_245 = arith.constant 96 : index
      %swap3A_246 = tpu.vector_load %arg6[%swap3A_244, %swap3A_245] {strides = array<i32>} : memref<8x128xf32, #tpu.memory_space<vmem>>, vector<1x16xf32>,
      %swap3A_247 = vector.shape_cast %swap3A_246 : vector<1x16xf32> to vector<16xf32>
      %swap3A_248 = vector.shape_cast %scan3A_205#6 : vector<16xf32> to vector<1x16xf32>
      tpu.vector_store %arg6[%swap3A_244, %swap3A_245], %swap3A_248 {strides = array<i32>} : memref<8x128xf32, #tpu.memory_space<vmem>>, vector<1x16xf32>,
      %swap3A_249 = arith.constant 2 : i32
      %swap3A_250 = arith.index_cast %swap3A_249 : i32 to index
      %swap3A_251 = arith.constant 112 : index
      %swap3A_252 = tpu.vector_load %arg6[%swap3A_250, %swap3A_251] {strides = array<i32>} : memref<8x128xf32, #tpu.memory_space<vmem>>, vector<1x16xf32>,
      %swap3A_253 = vector.shape_cast %swap3A_252 : vector<1x16xf32> to vector<16xf32>
      %swap3A_254 = vector.shape_cast %scan3A_205#7 : vector<16xf32> to vector<1x16xf32>
      tpu.vector_store %arg6[%swap3A_250, %swap3A_251], %swap3A_254 {strides = array<i32>} : memref<8x128xf32, #tpu.memory_space<vmem>>, vector<1x16xf32>,
      %broadcast_in_dim3A_255 = arith.constant 0.000000e+00 : f32
      %broadcast_in_dim3A_256 = vector.broadcast %broadcast_in_dim3A_255 : f32 to vector<16xf32>
      %broadcast_in_dim3A_257 = arith.constant 0.000000e+00 : f32
      %broadcast_in_dim3A_258 = vector.broadcast %broadcast_in_dim3A_257 : f32 to vector<16xf32>
      %broadcast_in_dim3A_259 = arith.constant 0.000000e+00 : f32
      %broadcast_in_dim3A_260 = vector.broadcast %broadcast_in_dim3A_259 : f32 to vector<16xf32>
      %broadcast_in_dim3A_261 = arith.constant 0.000000e+00 : f32
      %broadcast_in_dim3A_262 = vector.broadcast %broadcast_in_dim3A_261 : f32 to vector<16xf32>
      %broadcast_in_dim3A_263 = arith.constant 0.000000e+00 : f32
      %broadcast_in_dim3A_264 = vector.broadcast %broadcast_in_dim3A_263 : f32 to vector<16xf32>
      %broadcast_in_dim3A_265 = arith.constant 0.000000e+00 : f32
      %broadcast_in_dim3A_266 = vector.broadcast %broadcast_in_dim3A_265 : f32 to vector<16xf32>
      %broadcast_in_dim3A_267 = arith.constant 0.000000e+00 : f32
      %broadcast_in_dim3A_268 = vector.broadcast %broadcast_in_dim3A_267 : f32 to vector<16xf32>
      %broadcast_in_dim3A_269 = arith.constant 0.000000e+00 : f32
      %broadcast_in_dim3A_270 = vector.broadcast %broadcast_in_dim3A_269 : f32 to vector<16xf32>
      %scan3A_271 = arith.constant 0 : i32
      %scan3A_272 = arith.constant 32 : i32
      %scan3A_273 = arith.addi %scan3A_271, %scan3A_272 : i32
      %scan3A_274 = arith.constant 4 : i32
      %scan3A_275:8 = scf.for %scan3A_608 = %scan3A_271 to %scan3A_273 step %scan3A_274 iter_args(%scan3A_609 = %broadcast_in_dim3A_256, %scan3A_610 = %broadcast_in_dim3A_258, %scan3A_611 = %broadcast_in_dim3A_260, %scan3A_612 = %broadcast_in_dim3A_262, %scan3A_613 = %broadcast_in_dim3A_264, %scan3A_614 = %broadcast_in_dim3A_266, %scan3A_615 = %broadcast_in_dim3A_268, %scan3A_616 = %broadcast_in_dim3A_270) -> (vector<16xf32>, vector<16xf32>, vector<16xf32>, vector<16xf32>, vector<16xf32>, vector<16xf32>, vector<16xf32>, vector<16xf32>)  : i32 {
        %add3A_617 = arith.constant 96 : i32
        %add3A_618 = arith.addi %add3A_617, %scan3A_608 : i32
        %get3A = arith.index_cast %add3A_618 : i32 to index
        %get3A_619 = arith.constant 0 : index
        %get3A_620 = tpu.vector_load %arg5[%get3A, %get3A_619] {strides = array<i32>} : memref<256x128xf32, #tpu.memory_space<vmem>>, vector<1x16xf32>,
        %get3A_621 = vector.shape_cast %get3A_620 : vector<1x16xf32> to vector<16xf32>
        %add3A_622 = arith.addf %scan3A_609, %get3A_621 : vector<16xf32>
        %add3A_623 = arith.constant 96 : i32
        %add3A_624 = arith.addi %add3A_623, %scan3A_608 : i32
        %get3A_625 = arith.index_cast %add3A_624 : i32 to index
        %get3A_626 = arith.constant 16 : index
        %get3A_627 = tpu.vector_load %arg5[%get3A_625, %get3A_626] {strides = array<i32>} : memref<256x128xf32, #tpu.memory_space<vmem>>, vector<1x16xf32>,
        %get3A_628 = vector.shape_cast %get3A_627 : vector<1x16xf32> to vector<16xf32>
        %add3A_629 = arith.addf %scan3A_610, %get3A_628 : vector<16xf32>
        %add3A_630 = arith.constant 96 : i32
        %add3A_631 = arith.addi %add3A_630, %scan3A_608 : i32
        %get3A_632 = arith.index_cast %add3A_631 : i32 to index
        %get3A_633 = arith.constant 32 : index
        %get3A_634 = tpu.vector_load %arg5[%get3A_632, %get3A_633] {strides = array<i32>} : memref<256x128xf32, #tpu.memory_space<vmem>>, vector<1x16xf32>,
        %get3A_635 = vector.shape_cast %get3A_634 : vector<1x16xf32> to vector<16xf32>
        %add3A_636 = arith.addf %scan3A_611, %get3A_635 : vector<16xf32>
        %add3A_637 = arith.constant 96 : i32
        %add3A_638 = arith.addi %add3A_637, %scan3A_608 : i32
        %get3A_639 = arith.index_cast %add3A_638 : i32 to index
        %get3A_640 = arith.constant 48 : index
        %get3A_641 = tpu.vector_load %arg5[%get3A_639, %get3A_640] {strides = array<i32>} : memref<256x128xf32, #tpu.memory_space<vmem>>, vector<1x16xf32>,
        %get3A_642 = vector.shape_cast %get3A_641 : vector<1x16xf32> to vector<16xf32>
        %add3A_643 = arith.addf %scan3A_612, %get3A_642 : vector<16xf32>
        %add3A_644 = arith.constant 96 : i32
        %add3A_645 = arith.addi %add3A_644, %scan3A_608 : i32
        %get3A_646 = arith.index_cast %add3A_645 : i32 to index
        %get3A_647 = arith.constant 64 : index
        %get3A_648 = tpu.vector_load %arg5[%get3A_646, %get3A_647] {strides = array<i32>} : memref<256x128xf32, #tpu.memory_space<vmem>>, vector<1x16xf32>,
        %get3A_649 = vector.shape_cast %get3A_648 : vector<1x16xf32> to vector<16xf32>
        %add3A_650 = arith.addf %scan3A_613, %get3A_649 : vector<16xf32>
        %add3A_651 = arith.constant 96 : i32
        %add3A_652 = arith.addi %add3A_651, %scan3A_608 : i32
        %get3A_653 = arith.index_cast %add3A_652 : i32 to index
        %get3A_654 = arith.constant 80 : index
        %get3A_655 = tpu.vector_load %arg5[%get3A_653, %get3A_654] {strides = array<i32>} : memref<256x128xf32, #tpu.memory_space<vmem>>, vector<1x16xf32>,
        %get3A_656 = vector.shape_cast %get3A_655 : vector<1x16xf32> to vector<16xf32>
        %add3A_657 = arith.addf %scan3A_614, %get3A_656 : vector<16xf32>
        %add3A_658 = arith.constant 96 : i32
        %add3A_659 = arith.addi %add3A_658, %scan3A_608 : i32
        %get3A_660 = arith.index_cast %add3A_659 : i32 to index
        %get3A_661 = arith.constant 96 : index
        %get3A_662 = tpu.vector_load %arg5[%get3A_660, %get3A_661] {strides = array<i32>} : memref<256x128xf32, #tpu.memory_space<vmem>>, vector<1x16xf32>,
        %get3A_663 = vector.shape_cast %get3A_662 : vector<1x16xf32> to vector<16xf32>
        %add3A_664 = arith.addf %scan3A_615, %get3A_663 : vector<16xf32>
        %add3A_665 = arith.constant 96 : i32
        %add3A_666 = arith.addi %add3A_665, %scan3A_608 : i32
        %get3A_667 = arith.index_cast %add3A_666 : i32 to index
        %get3A_668 = arith.constant 112 : index
        %get3A_669 = tpu.vector_load %arg5[%get3A_667, %get3A_668] {strides = array<i32>} : memref<256x128xf32, #tpu.memory_space<vmem>>, vector<1x16xf32>,
        %get3A_670 = vector.shape_cast %get3A_669 : vector<1x16xf32> to vector<16xf32>
        %add3A_671 = arith.addf %scan3A_616, %get3A_670 : vector<16xf32>
        %scan3A_672 = arith.constant 1 : i32
        %scan3A_673 = arith.addi %scan3A_608, %scan3A_672 : i32
        %add3A_674 = arith.constant 96 : i32
        %add3A_675 = arith.addi %add3A_674, %scan3A_673 : i32
        %get3A_676 = arith.index_cast %add3A_675 : i32 to index
        %get3A_677 = arith.constant 0 : index
        %get3A_678 = tpu.vector_load %arg5[%get3A_676, %get3A_677] {strides = array<i32>} : memref<256x128xf32, #tpu.memory_space<vmem>>, vector<1x16xf32>,
        %get3A_679 = vector.shape_cast %get3A_678 : vector<1x16xf32> to vector<16xf32>
        %add3A_680 = arith.addf %add3A_622, %get3A_679 : vector<16xf32>
        %add3A_681 = arith.constant 96 : i32
        %add3A_682 = arith.addi %add3A_681, %scan3A_673 : i32
        %get3A_683 = arith.index_cast %add3A_682 : i32 to index
        %get3A_684 = arith.constant 16 : index
        %get3A_685 = tpu.vector_load %arg5[%get3A_683, %get3A_684] {strides = array<i32>} : memref<256x128xf32, #tpu.memory_space<vmem>>, vector<1x16xf32>,
        %get3A_686 = vector.shape_cast %get3A_685 : vector<1x16xf32> to vector<16xf32>
        %add3A_687 = arith.addf %add3A_629, %get3A_686 : vector<16xf32>
        %add3A_688 = arith.constant 96 : i32
        %add3A_689 = arith.addi %add3A_688, %scan3A_673 : i32
        %get3A_690 = arith.index_cast %add3A_689 : i32 to index
        %get3A_691 = arith.constant 32 : index
        %get3A_692 = tpu.vector_load %arg5[%get3A_690, %get3A_691] {strides = array<i32>} : memref<256x128xf32, #tpu.memory_space<vmem>>, vector<1x16xf32>,
        %get3A_693 = vector.shape_cast %get3A_692 : vector<1x16xf32> to vector<16xf32>
        %add3A_694 = arith.addf %add3A_636, %get3A_693 : vector<16xf32>
        %add3A_695 = arith.constant 96 : i32
        %add3A_696 = arith.addi %add3A_695, %scan3A_673 : i32
        %get3A_697 = arith.index_cast %add3A_696 : i32 to index
        %get3A_698 = arith.constant 48 : index
        %get3A_699 = tpu.vector_load %arg5[%get3A_697, %get3A_698] {strides = array<i32>} : memref<256x128xf32, #tpu.memory_space<vmem>>, vector<1x16xf32>,
        %get3A_700 = vector.shape_cast %get3A_699 : vector<1x16xf32> to vector<16xf32>
        %add3A_701 = arith.addf %add3A_643, %get3A_700 : vector<16xf32>
        %add3A_702 = arith.constant 96 : i32
        %add3A_703 = arith.addi %add3A_702, %scan3A_673 : i32
        %get3A_704 = arith.index_cast %add3A_703 : i32 to index
        %get3A_705 = arith.constant 64 : index
        %get3A_706 = tpu.vector_load %arg5[%get3A_704, %get3A_705] {strides = array<i32>} : memref<256x128xf32, #tpu.memory_space<vmem>>, vector<1x16xf32>,
        %get3A_707 = vector.shape_cast %get3A_706 : vector<1x16xf32> to vector<16xf32>
        %add3A_708 = arith.addf %add3A_650, %get3A_707 : vector<16xf32>
        %add3A_709 = arith.constant 96 : i32
        %add3A_710 = arith.addi %add3A_709, %scan3A_673 : i32
        %get3A_711 = arith.index_cast %add3A_710 : i32 to index
        %get3A_712 = arith.constant 80 : index
        %get3A_713 = tpu.vector_load %arg5[%get3A_711, %get3A_712] {strides = array<i32>} : memref<256x128xf32, #tpu.memory_space<vmem>>, vector<1x16xf32>,
        %get3A_714 = vector.shape_cast %get3A_713 : vector<1x16xf32> to vector<16xf32>
        %add3A_715 = arith.addf %add3A_657, %get3A_714 : vector<16xf32>
        %add3A_716 = arith.constant 96 : i32
        %add3A_717 = arith.addi %add3A_716, %scan3A_673 : i32
        %get3A_718 = arith.index_cast %add3A_717 : i32 to index
        %get3A_719 = arith.constant 96 : index
        %get3A_720 = tpu.vector_load %arg5[%get3A_718, %get3A_719] {strides = array<i32>} : memref<256x128xf32, #tpu.memory_space<vmem>>, vector<1x16xf32>,
        %get3A_721 = vector.shape_cast %get3A_720 : vector<1x16xf32> to vector<16xf32>
        %add3A_722 = arith.addf %add3A_664, %get3A_721 : vector<16xf32>
        %add3A_723 = arith.constant 96 : i32
        %add3A_724 = arith.addi %add3A_723, %scan3A_673 : i32
        %get3A_725 = arith.index_cast %add3A_724 : i32 to index
        %get3A_726 = arith.constant 112 : index
        %get3A_727 = tpu.vector_load %arg5[%get3A_725, %get3A_726] {strides = array<i32>} : memref<256x128xf32, #tpu.memory_space<vmem>>, vector<1x16xf32>,
        %get3A_728 = vector.shape_cast %get3A_727 : vector<1x16xf32> to vector<16xf32>
        %add3A_729 = arith.addf %add3A_671, %get3A_728 : vector<16xf32>
        %scan3A_730 = arith.constant 2 : i32
        %scan3A_731 = arith.addi %scan3A_608, %scan3A_730 : i32
        %add3A_732 = arith.constant 96 : i32
        %add3A_733 = arith.addi %add3A_732, %scan3A_731 : i32
        %get3A_734 = arith.index_cast %add3A_733 : i32 to index
        %get3A_735 = arith.constant 0 : index
        %get3A_736 = tpu.vector_load %arg5[%get3A_734, %get3A_735] {strides = array<i32>} : memref<256x128xf32, #tpu.memory_space<vmem>>, vector<1x16xf32>,
        %get3A_737 = vector.shape_cast %get3A_736 : vector<1x16xf32> to vector<16xf32>
        %add3A_738 = arith.addf %add3A_680, %get3A_737 : vector<16xf32>
        %add3A_739 = arith.constant 96 : i32
        %add3A_740 = arith.addi %add3A_739, %scan3A_731 : i32
        %get3A_741 = arith.index_cast %add3A_740 : i32 to index
        %get3A_742 = arith.constant 16 : index
        %get3A_743 = tpu.vector_load %arg5[%get3A_741, %get3A_742] {strides = array<i32>} : memref<256x128xf32, #tpu.memory_space<vmem>>, vector<1x16xf32>,
        %get3A_744 = vector.shape_cast %get3A_743 : vector<1x16xf32> to vector<16xf32>
        %add3A_745 = arith.addf %add3A_687, %get3A_744 : vector<16xf32>
        %add3A_746 = arith.constant 96 : i32
        %add3A_747 = arith.addi %add3A_746, %scan3A_731 : i32
        %get3A_748 = arith.index_cast %add3A_747 : i32 to index
        %get3A_749 = arith.constant 32 : index
        %get3A_750 = tpu.vector_load %arg5[%get3A_748, %get3A_749] {strides = array<i32>} : memref<256x128xf32, #tpu.memory_space<vmem>>, vector<1x16xf32>,
        %get3A_751 = vector.shape_cast %get3A_750 : vector<1x16xf32> to vector<16xf32>
        %add3A_752 = arith.addf %add3A_694, %get3A_751 : vector<16xf32>
        %add3A_753 = arith.constant 96 : i32
        %add3A_754 = arith.addi %add3A_753, %scan3A_731 : i32
        %get3A_755 = arith.index_cast %add3A_754 : i32 to index
        %get3A_756 = arith.constant 48 : index
        %get3A_757 = tpu.vector_load %arg5[%get3A_755, %get3A_756] {strides = array<i32>} : memref<256x128xf32, #tpu.memory_space<vmem>>, vector<1x16xf32>,
        %get3A_758 = vector.shape_cast %get3A_757 : vector<1x16xf32> to vector<16xf32>
        %add3A_759 = arith.addf %add3A_701, %get3A_758 : vector<16xf32>
        %add3A_760 = arith.constant 96 : i32
        %add3A_761 = arith.addi %add3A_760, %scan3A_731 : i32
        %get3A_762 = arith.index_cast %add3A_761 : i32 to index
        %get3A_763 = arith.constant 64 : index
        %get3A_764 = tpu.vector_load %arg5[%get3A_762, %get3A_763] {strides = array<i32>} : memref<256x128xf32, #tpu.memory_space<vmem>>, vector<1x16xf32>,
        %get3A_765 = vector.shape_cast %get3A_764 : vector<1x16xf32> to vector<16xf32>
        %add3A_766 = arith.addf %add3A_708, %get3A_765 : vector<16xf32>
        %add3A_767 = arith.constant 96 : i32
        %add3A_768 = arith.addi %add3A_767, %scan3A_731 : i32
        %get3A_769 = arith.index_cast %add3A_768 : i32 to index
        %get3A_770 = arith.constant 80 : index
        %get3A_771 = tpu.vector_load %arg5[%get3A_769, %get3A_770] {strides = array<i32>} : memref<256x128xf32, #tpu.memory_space<vmem>>, vector<1x16xf32>,
        %get3A_772 = vector.shape_cast %get3A_771 : vector<1x16xf32> to vector<16xf32>
        %add3A_773 = arith.addf %add3A_715, %get3A_772 : vector<16xf32>
        %add3A_774 = arith.constant 96 : i32
        %add3A_775 = arith.addi %add3A_774, %scan3A_731 : i32
        %get3A_776 = arith.index_cast %add3A_775 : i32 to index
        %get3A_777 = arith.constant 96 : index
        %get3A_778 = tpu.vector_load %arg5[%get3A_776, %get3A_777] {strides = array<i32>} : memref<256x128xf32, #tpu.memory_space<vmem>>, vector<1x16xf32>,
        %get3A_779 = vector.shape_cast %get3A_778 : vector<1x16xf32> to vector<16xf32>
        %add3A_780 = arith.addf %add3A_722, %get3A_779 : vector<16xf32>
        %add3A_781 = arith.constant 96 : i32
        %add3A_782 = arith.addi %add3A_781, %scan3A_731 : i32
        %get3A_783 = arith.index_cast %add3A_782 : i32 to index
        %get3A_784 = arith.constant 112 : index
        %get3A_785 = tpu.vector_load %arg5[%get3A_783, %get3A_784] {strides = array<i32>} : memref<256x128xf32, #tpu.memory_space<vmem>>, vector<1x16xf32>,
        %get3A_786 = vector.shape_cast %get3A_785 : vector<1x16xf32> to vector<16xf32>
        %add3A_787 = arith.addf %add3A_729, %get3A_786 : vector<16xf32>
        %scan3A_788 = arith.constant 3 : i32
        %scan3A_789 = arith.addi %scan3A_608, %scan3A_788 : i32
        %add3A_790 = arith.constant 96 : i32
        %add3A_791 = arith.addi %add3A_790, %scan3A_789 : i32
        %get3A_792 = arith.index_cast %add3A_791 : i32 to index
        %get3A_793 = arith.constant 0 : index
        %get3A_794 = tpu.vector_load %arg5[%get3A_792, %get3A_793] {strides = array<i32>} : memref<256x128xf32, #tpu.memory_space<vmem>>, vector<1x16xf32>,
        %get3A_795 = vector.shape_cast %get3A_794 : vector<1x16xf32> to vector<16xf32>
        %add3A_796 = arith.addf %add3A_738, %get3A_795 : vector<16xf32>
        %add3A_797 = arith.constant 96 : i32
        %add3A_798 = arith.addi %add3A_797, %scan3A_789 : i32
        %get3A_799 = arith.index_cast %add3A_798 : i32 to index
        %get3A_800 = arith.constant 16 : index
        %get3A_801 = tpu.vector_load %arg5[%get3A_799, %get3A_800] {strides = array<i32>} : memref<256x128xf32, #tpu.memory_space<vmem>>, vector<1x16xf32>,
        %get3A_802 = vector.shape_cast %get3A_801 : vector<1x16xf32> to vector<16xf32>
        %add3A_803 = arith.addf %add3A_745, %get3A_802 : vector<16xf32>
        %add3A_804 = arith.constant 96 : i32
        %add3A_805 = arith.addi %add3A_804, %scan3A_789 : i32
        %get3A_806 = arith.index_cast %add3A_805 : i32 to index
        %get3A_807 = arith.constant 32 : index
        %get3A_808 = tpu.vector_load %arg5[%get3A_806, %get3A_807] {strides = array<i32>} : memref<256x128xf32, #tpu.memory_space<vmem>>, vector<1x16xf32>,
        %get3A_809 = vector.shape_cast %get3A_808 : vector<1x16xf32> to vector<16xf32>
        %add3A_810 = arith.addf %add3A_752, %get3A_809 : vector<16xf32>
        %add3A_811 = arith.constant 96 : i32
        %add3A_812 = arith.addi %add3A_811, %scan3A_789 : i32
        %get3A_813 = arith.index_cast %add3A_812 : i32 to index
        %get3A_814 = arith.constant 48 : index
        %get3A_815 = tpu.vector_load %arg5[%get3A_813, %get3A_814] {strides = array<i32>} : memref<256x128xf32, #tpu.memory_space<vmem>>, vector<1x16xf32>,
        %get3A_816 = vector.shape_cast %get3A_815 : vector<1x16xf32> to vector<16xf32>
        %add3A_817 = arith.addf %add3A_759, %get3A_816 : vector<16xf32>
        %add3A_818 = arith.constant 96 : i32
        %add3A_819 = arith.addi %add3A_818, %scan3A_789 : i32
        %get3A_820 = arith.index_cast %add3A_819 : i32 to index
        %get3A_821 = arith.constant 64 : index
        %get3A_822 = tpu.vector_load %arg5[%get3A_820, %get3A_821] {strides = array<i32>} : memref<256x128xf32, #tpu.memory_space<vmem>>, vector<1x16xf32>,
        %get3A_823 = vector.shape_cast %get3A_822 : vector<1x16xf32> to vector<16xf32>
        %add3A_824 = arith.addf %add3A_766, %get3A_823 : vector<16xf32>
        %add3A_825 = arith.constant 96 : i32
        %add3A_826 = arith.addi %add3A_825, %scan3A_789 : i32
        %get3A_827 = arith.index_cast %add3A_826 : i32 to index
        %get3A_828 = arith.constant 80 : index
        %get3A_829 = tpu.vector_load %arg5[%get3A_827, %get3A_828] {strides = array<i32>} : memref<256x128xf32, #tpu.memory_space<vmem>>, vector<1x16xf32>,
        %get3A_830 = vector.shape_cast %get3A_829 : vector<1x16xf32> to vector<16xf32>
        %add3A_831 = arith.addf %add3A_773, %get3A_830 : vector<16xf32>
        %add3A_832 = arith.constant 96 : i32
        %add3A_833 = arith.addi %add3A_832, %scan3A_789 : i32
        %get3A_834 = arith.index_cast %add3A_833 : i32 to index
        %get3A_835 = arith.constant 96 : index
        %get3A_836 = tpu.vector_load %arg5[%get3A_834, %get3A_835] {strides = array<i32>} : memref<256x128xf32, #tpu.memory_space<vmem>>, vector<1x16xf32>,
        %get3A_837 = vector.shape_cast %get3A_836 : vector<1x16xf32> to vector<16xf32>
        %add3A_838 = arith.addf %add3A_780, %get3A_837 : vector<16xf32>
        %add3A_839 = arith.constant 96 : i32
        %add3A_840 = arith.addi %add3A_839, %scan3A_789 : i32
        %get3A_841 = arith.index_cast %add3A_840 : i32 to index
        %get3A_842 = arith.constant 112 : index
        %get3A_843 = tpu.vector_load %arg5[%get3A_841, %get3A_842] {strides = array<i32>} : memref<256x128xf32, #tpu.memory_space<vmem>>, vector<1x16xf32>,
        %get3A_844 = vector.shape_cast %get3A_843 : vector<1x16xf32> to vector<16xf32>
        %add3A_845 = arith.addf %add3A_787, %get3A_844 : vector<16xf32>
        scf.yield %add3A_796, %add3A_803, %add3A_810, %add3A_817, %add3A_824, %add3A_831, %add3A_838, %add3A_845 : vector<16xf32>, vector<16xf32>, vector<16xf32>, vector<16xf32>, vector<16xf32>, vector<16xf32>, vector<16xf32>, vector<16xf32>
      }
      %scan3A_276 = arith.constant 32 : i32
      %swap3A_277 = arith.constant 3 : i32
      %swap3A_278 = arith.index_cast %swap3A_277 : i32 to index
      %swap3A_279 = arith.constant 0 : index
      %swap3A_280 = tpu.vector_load %arg6[%swap3A_278, %swap3A_279] {strides = array<i32>} : memref<8x128xf32, #tpu.memory_space<vmem>>, vector<1x16xf32>,
      %swap3A_281 = vector.shape_cast %swap3A_280 : vector<1x16xf32> to vector<16xf32>
      %swap3A_282 = vector.shape_cast %scan3A_275#0 : vector<16xf32> to vector<1x16xf32>
      tpu.vector_store %arg6[%swap3A_278, %swap3A_279], %swap3A_282 {strides = array<i32>} : memref<8x128xf32, #tpu.memory_space<vmem>>, vector<1x16xf32>,
      %swap3A_283 = arith.constant 3 : i32
      %swap3A_284 = arith.index_cast %swap3A_283 : i32 to index
      %swap3A_285 = arith.constant 16 : index
      %swap3A_286 = tpu.vector_load %arg6[%swap3A_284, %swap3A_285] {strides = array<i32>} : memref<8x128xf32, #tpu.memory_space<vmem>>, vector<1x16xf32>,
      %swap3A_287 = vector.shape_cast %swap3A_286 : vector<1x16xf32> to vector<16xf32>
      %swap3A_288 = vector.shape_cast %scan3A_275#1 : vector<16xf32> to vector<1x16xf32>
      tpu.vector_store %arg6[%swap3A_284, %swap3A_285], %swap3A_288 {strides = array<i32>} : memref<8x128xf32, #tpu.memory_space<vmem>>, vector<1x16xf32>,
      %swap3A_289 = arith.constant 3 : i32
      %swap3A_290 = arith.index_cast %swap3A_289 : i32 to index
      %swap3A_291 = arith.constant 32 : index
      %swap3A_292 = tpu.vector_load %arg6[%swap3A_290, %swap3A_291] {strides = array<i32>} : memref<8x128xf32, #tpu.memory_space<vmem>>, vector<1x16xf32>,
      %swap3A_293 = vector.shape_cast %swap3A_292 : vector<1x16xf32> to vector<16xf32>
      %swap3A_294 = vector.shape_cast %scan3A_275#2 : vector<16xf32> to vector<1x16xf32>
      tpu.vector_store %arg6[%swap3A_290, %swap3A_291], %swap3A_294 {strides = array<i32>} : memref<8x128xf32, #tpu.memory_space<vmem>>, vector<1x16xf32>,
      %swap3A_295 = arith.constant 3 : i32
      %swap3A_296 = arith.index_cast %swap3A_295 : i32 to index
      %swap3A_297 = arith.constant 48 : index
      %swap3A_298 = tpu.vector_load %arg6[%swap3A_296, %swap3A_297] {strides = array<i32>} : memref<8x128xf32, #tpu.memory_space<vmem>>, vector<1x16xf32>,
      %swap3A_299 = vector.shape_cast %swap3A_298 : vector<1x16xf32> to vector<16xf32>
      %swap3A_300 = vector.shape_cast %scan3A_275#3 : vector<16xf32> to vector<1x16xf32>
      tpu.vector_store %arg6[%swap3A_296, %swap3A_297], %swap3A_300 {strides = array<i32>} : memref<8x128xf32, #tpu.memory_space<vmem>>, vector<1x16xf32>,
      %swap3A_301 = arith.constant 3 : i32
      %swap3A_302 = arith.index_cast %swap3A_301 : i32 to index
      %swap3A_303 = arith.constant 64 : index
      %swap3A_304 = tpu.vector_load %arg6[%swap3A_302, %swap3A_303] {strides = array<i32>} : memref<8x128xf32, #tpu.memory_space<vmem>>, vector<1x16xf32>,
      %swap3A_305 = vector.shape_cast %swap3A_304 : vector<1x16xf32> to vector<16xf32>
      %swap3A_306 = vector.shape_cast %scan3A_275#4 : vector<16xf32> to vector<1x16xf32>
      tpu.vector_store %arg6[%swap3A_302, %swap3A_303], %swap3A_306 {strides = array<i32>} : memref<8x128xf32, #tpu.memory_space<vmem>>, vector<1x16xf32>,
      %swap3A_307 = arith.constant 3 : i32
      %swap3A_308 = arith.index_cast %swap3A_307 : i32 to index
      %swap3A_309 = arith.constant 80 : index
      %swap3A_310 = tpu.vector_load %arg6[%swap3A_308, %swap3A_309] {strides = array<i32>} : memref<8x128xf32, #tpu.memory_space<vmem>>, vector<1x16xf32>,
      %swap3A_311 = vector.shape_cast %swap3A_310 : vector<1x16xf32> to vector<16xf32>
      %swap3A_312 = vector.shape_cast %scan3A_275#5 : vector<16xf32> to vector<1x16xf32>
      tpu.vector_store %arg6[%swap3A_308, %swap3A_309], %swap3A_312 {strides = array<i32>} : memref<8x128xf32, #tpu.memory_space<vmem>>, vector<1x16xf32>,
      %swap3A_313 = arith.constant 3 : i32
      %swap3A_314 = arith.index_cast %swap3A_313 : i32 to index
      %swap3A_315 = arith.constant 96 : index
      %swap3A_316 = tpu.vector_load %arg6[%swap3A_314, %swap3A_315] {strides = array<i32>} : memref<8x128xf32, #tpu.memory_space<vmem>>, vector<1x16xf32>,
      %swap3A_317 = vector.shape_cast %swap3A_316 : vector<1x16xf32> to vector<16xf32>
      %swap3A_318 = vector.shape_cast %scan3A_275#6 : vector<16xf32> to vector<1x16xf32>
      tpu.vector_store %arg6[%swap3A_314, %swap3A_315], %swap3A_318 {strides = array<i32>} : memref<8x128xf32, #tpu.memory_space<vmem>>, vector<1x16xf32>,
      %swap3A_319 = arith.constant 3 : i32
      %swap3A_320 = arith.index_cast %swap3A_319 : i32 to index
      %swap3A_321 = arith.constant 112 : index
      %swap3A_322 = tpu.vector_load %arg6[%swap3A_320, %swap3A_321] {strides = array<i32>} : memref<8x128xf32, #tpu.memory_space<vmem>>, vector<1x16xf32>,
      %swap3A_323 = vector.shape_cast %swap3A_322 : vector<1x16xf32> to vector<16xf32>
      %swap3A_324 = vector.shape_cast %scan3A_275#7 : vector<16xf32> to vector<1x16xf32>
      tpu.vector_store %arg6[%swap3A_320, %swap3A_321], %swap3A_324 {strides = array<i32>} : memref<8x128xf32, #tpu.memory_space<vmem>>, vector<1x16xf32>,
      %broadcast_in_dim3A_325 = arith.constant 0.000000e+00 : f32
      %broadcast_in_dim3A_326 = vector.broadcast %broadcast_in_dim3A_325 : f32 to vector<16xf32>
      %broadcast_in_dim3A_327 = arith.constant 0.000000e+00 : f32
      %broadcast_in_dim3A_328 = vector.broadcast %broadcast_in_dim3A_327 : f32 to vector<16xf32>
      %broadcast_in_dim3A_329 = arith.constant 0.000000e+00 : f32
      %broadcast_in_dim3A_330 = vector.broadcast %broadcast_in_dim3A_329 : f32 to vector<16xf32>
      %broadcast_in_dim3A_331 = arith.constant 0.000000e+00 : f32
      %broadcast_in_dim3A_332 = vector.broadcast %broadcast_in_dim3A_331 : f32 to vector<16xf32>
      %broadcast_in_dim3A_333 = arith.constant 0.000000e+00 : f32
      %broadcast_in_dim3A_334 = vector.broadcast %broadcast_in_dim3A_333 : f32 to vector<16xf32>
      %broadcast_in_dim3A_335 = arith.constant 0.000000e+00 : f32
      %broadcast_in_dim3A_336 = vector.broadcast %broadcast_in_dim3A_335 : f32 to vector<16xf32>
      %broadcast_in_dim3A_337 = arith.constant 0.000000e+00 : f32
      %broadcast_in_dim3A_338 = vector.broadcast %broadcast_in_dim3A_337 : f32 to vector<16xf32>
      %broadcast_in_dim3A_339 = arith.constant 0.000000e+00 : f32
      %broadcast_in_dim3A_340 = vector.broadcast %broadcast_in_dim3A_339 : f32 to vector<16xf32>
      %scan3A_341 = arith.constant 0 : i32
      %scan3A_342 = arith.constant 32 : i32
      %scan3A_343 = arith.addi %scan3A_341, %scan3A_342 : i32
      %scan3A_344 = arith.constant 4 : i32
      %scan3A_345:8 = scf.for %scan3A_608 = %scan3A_341 to %scan3A_343 step %scan3A_344 iter_args(%scan3A_609 = %broadcast_in_dim3A_326, %scan3A_610 = %broadcast_in_dim3A_328, %scan3A_611 = %broadcast_in_dim3A_330, %scan3A_612 = %broadcast_in_dim3A_332, %scan3A_613 = %broadcast_in_dim3A_334, %scan3A_614 = %broadcast_in_dim3A_336, %scan3A_615 = %broadcast_in_dim3A_338, %scan3A_616 = %broadcast_in_dim3A_340) -> (vector<16xf32>, vector<16xf32>, vector<16xf32>, vector<16xf32>, vector<16xf32>, vector<16xf32>, vector<16xf32>, vector<16xf32>)  : i32 {
        %add3A_617 = arith.constant 128 : i32
        %add3A_618 = arith.addi %add3A_617, %scan3A_608 : i32
        %get3A = arith.index_cast %add3A_618 : i32 to index
        %get3A_619 = arith.constant 0 : index
        %get3A_620 = tpu.vector_load %arg5[%get3A, %get3A_619] {strides = array<i32>} : memref<256x128xf32, #tpu.memory_space<vmem>>, vector<1x16xf32>,
        %get3A_621 = vector.shape_cast %get3A_620 : vector<1x16xf32> to vector<16xf32>
        %add3A_622 = arith.addf %scan3A_609, %get3A_621 : vector<16xf32>
        %add3A_623 = arith.constant 128 : i32
        %add3A_624 = arith.addi %add3A_623, %scan3A_608 : i32
        %get3A_625 = arith.index_cast %add3A_624 : i32 to index
        %get3A_626 = arith.constant 16 : index
        %get3A_627 = tpu.vector_load %arg5[%get3A_625, %get3A_626] {strides = array<i32>} : memref<256x128xf32, #tpu.memory_space<vmem>>, vector<1x16xf32>,
        %get3A_628 = vector.shape_cast %get3A_627 : vector<1x16xf32> to vector<16xf32>
        %add3A_629 = arith.addf %scan3A_610, %get3A_628 : vector<16xf32>
        %add3A_630 = arith.constant 128 : i32
        %add3A_631 = arith.addi %add3A_630, %scan3A_608 : i32
        %get3A_632 = arith.index_cast %add3A_631 : i32 to index
        %get3A_633 = arith.constant 32 : index
        %get3A_634 = tpu.vector_load %arg5[%get3A_632, %get3A_633] {strides = array<i32>} : memref<256x128xf32, #tpu.memory_space<vmem>>, vector<1x16xf32>,
        %get3A_635 = vector.shape_cast %get3A_634 : vector<1x16xf32> to vector<16xf32>
        %add3A_636 = arith.addf %scan3A_611, %get3A_635 : vector<16xf32>
        %add3A_637 = arith.constant 128 : i32
        %add3A_638 = arith.addi %add3A_637, %scan3A_608 : i32
        %get3A_639 = arith.index_cast %add3A_638 : i32 to index
        %get3A_640 = arith.constant 48 : index
        %get3A_641 = tpu.vector_load %arg5[%get3A_639, %get3A_640] {strides = array<i32>} : memref<256x128xf32, #tpu.memory_space<vmem>>, vector<1x16xf32>,
        %get3A_642 = vector.shape_cast %get3A_641 : vector<1x16xf32> to vector<16xf32>
        %add3A_643 = arith.addf %scan3A_612, %get3A_642 : vector<16xf32>
        %add3A_644 = arith.constant 128 : i32
        %add3A_645 = arith.addi %add3A_644, %scan3A_608 : i32
        %get3A_646 = arith.index_cast %add3A_645 : i32 to index
        %get3A_647 = arith.constant 64 : index
        %get3A_648 = tpu.vector_load %arg5[%get3A_646, %get3A_647] {strides = array<i32>} : memref<256x128xf32, #tpu.memory_space<vmem>>, vector<1x16xf32>,
        %get3A_649 = vector.shape_cast %get3A_648 : vector<1x16xf32> to vector<16xf32>
        %add3A_650 = arith.addf %scan3A_613, %get3A_649 : vector<16xf32>
        %add3A_651 = arith.constant 128 : i32
        %add3A_652 = arith.addi %add3A_651, %scan3A_608 : i32
        %get3A_653 = arith.index_cast %add3A_652 : i32 to index
        %get3A_654 = arith.constant 80 : index
        %get3A_655 = tpu.vector_load %arg5[%get3A_653, %get3A_654] {strides = array<i32>} : memref<256x128xf32, #tpu.memory_space<vmem>>, vector<1x16xf32>,
        %get3A_656 = vector.shape_cast %get3A_655 : vector<1x16xf32> to vector<16xf32>
        %add3A_657 = arith.addf %scan3A_614, %get3A_656 : vector<16xf32>
        %add3A_658 = arith.constant 128 : i32
        %add3A_659 = arith.addi %add3A_658, %scan3A_608 : i32
        %get3A_660 = arith.index_cast %add3A_659 : i32 to index
        %get3A_661 = arith.constant 96 : index
        %get3A_662 = tpu.vector_load %arg5[%get3A_660, %get3A_661] {strides = array<i32>} : memref<256x128xf32, #tpu.memory_space<vmem>>, vector<1x16xf32>,
        %get3A_663 = vector.shape_cast %get3A_662 : vector<1x16xf32> to vector<16xf32>
        %add3A_664 = arith.addf %scan3A_615, %get3A_663 : vector<16xf32>
        %add3A_665 = arith.constant 128 : i32
        %add3A_666 = arith.addi %add3A_665, %scan3A_608 : i32
        %get3A_667 = arith.index_cast %add3A_666 : i32 to index
        %get3A_668 = arith.constant 112 : index
        %get3A_669 = tpu.vector_load %arg5[%get3A_667, %get3A_668] {strides = array<i32>} : memref<256x128xf32, #tpu.memory_space<vmem>>, vector<1x16xf32>,
        %get3A_670 = vector.shape_cast %get3A_669 : vector<1x16xf32> to vector<16xf32>
        %add3A_671 = arith.addf %scan3A_616, %get3A_670 : vector<16xf32>
        %scan3A_672 = arith.constant 1 : i32
        %scan3A_673 = arith.addi %scan3A_608, %scan3A_672 : i32
        %add3A_674 = arith.constant 128 : i32
        %add3A_675 = arith.addi %add3A_674, %scan3A_673 : i32
        %get3A_676 = arith.index_cast %add3A_675 : i32 to index
        %get3A_677 = arith.constant 0 : index
        %get3A_678 = tpu.vector_load %arg5[%get3A_676, %get3A_677] {strides = array<i32>} : memref<256x128xf32, #tpu.memory_space<vmem>>, vector<1x16xf32>,
        %get3A_679 = vector.shape_cast %get3A_678 : vector<1x16xf32> to vector<16xf32>
        %add3A_680 = arith.addf %add3A_622, %get3A_679 : vector<16xf32>
        %add3A_681 = arith.constant 128 : i32
        %add3A_682 = arith.addi %add3A_681, %scan3A_673 : i32
        %get3A_683 = arith.index_cast %add3A_682 : i32 to index
        %get3A_684 = arith.constant 16 : index
        %get3A_685 = tpu.vector_load %arg5[%get3A_683, %get3A_684] {strides = array<i32>} : memref<256x128xf32, #tpu.memory_space<vmem>>, vector<1x16xf32>,
        %get3A_686 = vector.shape_cast %get3A_685 : vector<1x16xf32> to vector<16xf32>
        %add3A_687 = arith.addf %add3A_629, %get3A_686 : vector<16xf32>
        %add3A_688 = arith.constant 128 : i32
        %add3A_689 = arith.addi %add3A_688, %scan3A_673 : i32
        %get3A_690 = arith.index_cast %add3A_689 : i32 to index
        %get3A_691 = arith.constant 32 : index
        %get3A_692 = tpu.vector_load %arg5[%get3A_690, %get3A_691] {strides = array<i32>} : memref<256x128xf32, #tpu.memory_space<vmem>>, vector<1x16xf32>,
        %get3A_693 = vector.shape_cast %get3A_692 : vector<1x16xf32> to vector<16xf32>
        %add3A_694 = arith.addf %add3A_636, %get3A_693 : vector<16xf32>
        %add3A_695 = arith.constant 128 : i32
        %add3A_696 = arith.addi %add3A_695, %scan3A_673 : i32
        %get3A_697 = arith.index_cast %add3A_696 : i32 to index
        %get3A_698 = arith.constant 48 : index
        %get3A_699 = tpu.vector_load %arg5[%get3A_697, %get3A_698] {strides = array<i32>} : memref<256x128xf32, #tpu.memory_space<vmem>>, vector<1x16xf32>,
        %get3A_700 = vector.shape_cast %get3A_699 : vector<1x16xf32> to vector<16xf32>
        %add3A_701 = arith.addf %add3A_643, %get3A_700 : vector<16xf32>
        %add3A_702 = arith.constant 128 : i32
        %add3A_703 = arith.addi %add3A_702, %scan3A_673 : i32
        %get3A_704 = arith.index_cast %add3A_703 : i32 to index
        %get3A_705 = arith.constant 64 : index
        %get3A_706 = tpu.vector_load %arg5[%get3A_704, %get3A_705] {strides = array<i32>} : memref<256x128xf32, #tpu.memory_space<vmem>>, vector<1x16xf32>,
        %get3A_707 = vector.shape_cast %get3A_706 : vector<1x16xf32> to vector<16xf32>
        %add3A_708 = arith.addf %add3A_650, %get3A_707 : vector<16xf32>
        %add3A_709 = arith.constant 128 : i32
        %add3A_710 = arith.addi %add3A_709, %scan3A_673 : i32
        %get3A_711 = arith.index_cast %add3A_710 : i32 to index
        %get3A_712 = arith.constant 80 : index
        %get3A_713 = tpu.vector_load %arg5[%get3A_711, %get3A_712] {strides = array<i32>} : memref<256x128xf32, #tpu.memory_space<vmem>>, vector<1x16xf32>,
        %get3A_714 = vector.shape_cast %get3A_713 : vector<1x16xf32> to vector<16xf32>
        %add3A_715 = arith.addf %add3A_657, %get3A_714 : vector<16xf32>
        %add3A_716 = arith.constant 128 : i32
        %add3A_717 = arith.addi %add3A_716, %scan3A_673 : i32
        %get3A_718 = arith.index_cast %add3A_717 : i32 to index
        %get3A_719 = arith.constant 96 : index
        %get3A_720 = tpu.vector_load %arg5[%get3A_718, %get3A_719] {strides = array<i32>} : memref<256x128xf32, #tpu.memory_space<vmem>>, vector<1x16xf32>,
        %get3A_721 = vector.shape_cast %get3A_720 : vector<1x16xf32> to vector<16xf32>
        %add3A_722 = arith.addf %add3A_664, %get3A_721 : vector<16xf32>
        %add3A_723 = arith.constant 128 : i32
        %add3A_724 = arith.addi %add3A_723, %scan3A_673 : i32
        %get3A_725 = arith.index_cast %add3A_724 : i32 to index
        %get3A_726 = arith.constant 112 : index
        %get3A_727 = tpu.vector_load %arg5[%get3A_725, %get3A_726] {strides = array<i32>} : memref<256x128xf32, #tpu.memory_space<vmem>>, vector<1x16xf32>,
        %get3A_728 = vector.shape_cast %get3A_727 : vector<1x16xf32> to vector<16xf32>
        %add3A_729 = arith.addf %add3A_671, %get3A_728 : vector<16xf32>
        %scan3A_730 = arith.constant 2 : i32
        %scan3A_731 = arith.addi %scan3A_608, %scan3A_730 : i32
        %add3A_732 = arith.constant 128 : i32
        %add3A_733 = arith.addi %add3A_732, %scan3A_731 : i32
        %get3A_734 = arith.index_cast %add3A_733 : i32 to index
        %get3A_735 = arith.constant 0 : index
        %get3A_736 = tpu.vector_load %arg5[%get3A_734, %get3A_735] {strides = array<i32>} : memref<256x128xf32, #tpu.memory_space<vmem>>, vector<1x16xf32>,
        %get3A_737 = vector.shape_cast %get3A_736 : vector<1x16xf32> to vector<16xf32>
        %add3A_738 = arith.addf %add3A_680, %get3A_737 : vector<16xf32>
        %add3A_739 = arith.constant 128 : i32
        %add3A_740 = arith.addi %add3A_739, %scan3A_731 : i32
        %get3A_741 = arith.index_cast %add3A_740 : i32 to index
        %get3A_742 = arith.constant 16 : index
        %get3A_743 = tpu.vector_load %arg5[%get3A_741, %get3A_742] {strides = array<i32>} : memref<256x128xf32, #tpu.memory_space<vmem>>, vector<1x16xf32>,
        %get3A_744 = vector.shape_cast %get3A_743 : vector<1x16xf32> to vector<16xf32>
        %add3A_745 = arith.addf %add3A_687, %get3A_744 : vector<16xf32>
        %add3A_746 = arith.constant 128 : i32
        %add3A_747 = arith.addi %add3A_746, %scan3A_731 : i32
        %get3A_748 = arith.index_cast %add3A_747 : i32 to index
        %get3A_749 = arith.constant 32 : index
        %get3A_750 = tpu.vector_load %arg5[%get3A_748, %get3A_749] {strides = array<i32>} : memref<256x128xf32, #tpu.memory_space<vmem>>, vector<1x16xf32>,
        %get3A_751 = vector.shape_cast %get3A_750 : vector<1x16xf32> to vector<16xf32>
        %add3A_752 = arith.addf %add3A_694, %get3A_751 : vector<16xf32>
        %add3A_753 = arith.constant 128 : i32
        %add3A_754 = arith.addi %add3A_753, %scan3A_731 : i32
        %get3A_755 = arith.index_cast %add3A_754 : i32 to index
        %get3A_756 = arith.constant 48 : index
        %get3A_757 = tpu.vector_load %arg5[%get3A_755, %get3A_756] {strides = array<i32>} : memref<256x128xf32, #tpu.memory_space<vmem>>, vector<1x16xf32>,
        %get3A_758 = vector.shape_cast %get3A_757 : vector<1x16xf32> to vector<16xf32>
        %add3A_759 = arith.addf %add3A_701, %get3A_758 : vector<16xf32>
        %add3A_760 = arith.constant 128 : i32
        %add3A_761 = arith.addi %add3A_760, %scan3A_731 : i32
        %get3A_762 = arith.index_cast %add3A_761 : i32 to index
        %get3A_763 = arith.constant 64 : index
        %get3A_764 = tpu.vector_load %arg5[%get3A_762, %get3A_763] {strides = array<i32>} : memref<256x128xf32, #tpu.memory_space<vmem>>, vector<1x16xf32>,
        %get3A_765 = vector.shape_cast %get3A_764 : vector<1x16xf32> to vector<16xf32>
        %add3A_766 = arith.addf %add3A_708, %get3A_765 : vector<16xf32>
        %add3A_767 = arith.constant 128 : i32
        %add3A_768 = arith.addi %add3A_767, %scan3A_731 : i32
        %get3A_769 = arith.index_cast %add3A_768 : i32 to index
        %get3A_770 = arith.constant 80 : index
        %get3A_771 = tpu.vector_load %arg5[%get3A_769, %get3A_770] {strides = array<i32>} : memref<256x128xf32, #tpu.memory_space<vmem>>, vector<1x16xf32>,
        %get3A_772 = vector.shape_cast %get3A_771 : vector<1x16xf32> to vector<16xf32>
        %add3A_773 = arith.addf %add3A_715, %get3A_772 : vector<16xf32>
        %add3A_774 = arith.constant 128 : i32
        %add3A_775 = arith.addi %add3A_774, %scan3A_731 : i32
        %get3A_776 = arith.index_cast %add3A_775 : i32 to index
        %get3A_777 = arith.constant 96 : index
        %get3A_778 = tpu.vector_load %arg5[%get3A_776, %get3A_777] {strides = array<i32>} : memref<256x128xf32, #tpu.memory_space<vmem>>, vector<1x16xf32>,
        %get3A_779 = vector.shape_cast %get3A_778 : vector<1x16xf32> to vector<16xf32>
        %add3A_780 = arith.addf %add3A_722, %get3A_779 : vector<16xf32>
        %add3A_781 = arith.constant 128 : i32
        %add3A_782 = arith.addi %add3A_781, %scan3A_731 : i32
        %get3A_783 = arith.index_cast %add3A_782 : i32 to index
        %get3A_784 = arith.constant 112 : index
        %get3A_785 = tpu.vector_load %arg5[%get3A_783, %get3A_784] {strides = array<i32>} : memref<256x128xf32, #tpu.memory_space<vmem>>, vector<1x16xf32>,
        %get3A_786 = vector.shape_cast %get3A_785 : vector<1x16xf32> to vector<16xf32>
        %add3A_787 = arith.addf %add3A_729, %get3A_786 : vector<16xf32>
        %scan3A_788 = arith.constant 3 : i32
        %scan3A_789 = arith.addi %scan3A_608, %scan3A_788 : i32
        %add3A_790 = arith.constant 128 : i32
        %add3A_791 = arith.addi %add3A_790, %scan3A_789 : i32
        %get3A_792 = arith.index_cast %add3A_791 : i32 to index
        %get3A_793 = arith.constant 0 : index
        %get3A_794 = tpu.vector_load %arg5[%get3A_792, %get3A_793] {strides = array<i32>} : memref<256x128xf32, #tpu.memory_space<vmem>>, vector<1x16xf32>,
        %get3A_795 = vector.shape_cast %get3A_794 : vector<1x16xf32> to vector<16xf32>
        %add3A_796 = arith.addf %add3A_738, %get3A_795 : vector<16xf32>
        %add3A_797 = arith.constant 128 : i32
        %add3A_798 = arith.addi %add3A_797, %scan3A_789 : i32
        %get3A_799 = arith.index_cast %add3A_798 : i32 to index
        %get3A_800 = arith.constant 16 : index
        %get3A_801 = tpu.vector_load %arg5[%get3A_799, %get3A_800] {strides = array<i32>} : memref<256x128xf32, #tpu.memory_space<vmem>>, vector<1x16xf32>,
        %get3A_802 = vector.shape_cast %get3A_801 : vector<1x16xf32> to vector<16xf32>
        %add3A_803 = arith.addf %add3A_745, %get3A_802 : vector<16xf32>
        %add3A_804 = arith.constant 128 : i32
        %add3A_805 = arith.addi %add3A_804, %scan3A_789 : i32
        %get3A_806 = arith.index_cast %add3A_805 : i32 to index
        %get3A_807 = arith.constant 32 : index
        %get3A_808 = tpu.vector_load %arg5[%get3A_806, %get3A_807] {strides = array<i32>} : memref<256x128xf32, #tpu.memory_space<vmem>>, vector<1x16xf32>,
        %get3A_809 = vector.shape_cast %get3A_808 : vector<1x16xf32> to vector<16xf32>
        %add3A_810 = arith.addf %add3A_752, %get3A_809 : vector<16xf32>
        %add3A_811 = arith.constant 128 : i32
        %add3A_812 = arith.addi %add3A_811, %scan3A_789 : i32
        %get3A_813 = arith.index_cast %add3A_812 : i32 to index
        %get3A_814 = arith.constant 48 : index
        %get3A_815 = tpu.vector_load %arg5[%get3A_813, %get3A_814] {strides = array<i32>} : memref<256x128xf32, #tpu.memory_space<vmem>>, vector<1x16xf32>,
        %get3A_816 = vector.shape_cast %get3A_815 : vector<1x16xf32> to vector<16xf32>
        %add3A_817 = arith.addf %add3A_759, %get3A_816 : vector<16xf32>
        %add3A_818 = arith.constant 128 : i32
        %add3A_819 = arith.addi %add3A_818, %scan3A_789 : i32
        %get3A_820 = arith.index_cast %add3A_819 : i32 to index
        %get3A_821 = arith.constant 64 : index
        %get3A_822 = tpu.vector_load %arg5[%get3A_820, %get3A_821] {strides = array<i32>} : memref<256x128xf32, #tpu.memory_space<vmem>>, vector<1x16xf32>,
        %get3A_823 = vector.shape_cast %get3A_822 : vector<1x16xf32> to vector<16xf32>
        %add3A_824 = arith.addf %add3A_766, %get3A_823 : vector<16xf32>
        %add3A_825 = arith.constant 128 : i32
        %add3A_826 = arith.addi %add3A_825, %scan3A_789 : i32
        %get3A_827 = arith.index_cast %add3A_826 : i32 to index
        %get3A_828 = arith.constant 80 : index
        %get3A_829 = tpu.vector_load %arg5[%get3A_827, %get3A_828] {strides = array<i32>} : memref<256x128xf32, #tpu.memory_space<vmem>>, vector<1x16xf32>,
        %get3A_830 = vector.shape_cast %get3A_829 : vector<1x16xf32> to vector<16xf32>
        %add3A_831 = arith.addf %add3A_773, %get3A_830 : vector<16xf32>
        %add3A_832 = arith.constant 128 : i32
        %add3A_833 = arith.addi %add3A_832, %scan3A_789 : i32
        %get3A_834 = arith.index_cast %add3A_833 : i32 to index
        %get3A_835 = arith.constant 96 : index
        %get3A_836 = tpu.vector_load %arg5[%get3A_834, %get3A_835] {strides = array<i32>} : memref<256x128xf32, #tpu.memory_space<vmem>>, vector<1x16xf32>,
        %get3A_837 = vector.shape_cast %get3A_836 : vector<1x16xf32> to vector<16xf32>
        %add3A_838 = arith.addf %add3A_780, %get3A_837 : vector<16xf32>
        %add3A_839 = arith.constant 128 : i32
        %add3A_840 = arith.addi %add3A_839, %scan3A_789 : i32
        %get3A_841 = arith.index_cast %add3A_840 : i32 to index
        %get3A_842 = arith.constant 112 : index
        %get3A_843 = tpu.vector_load %arg5[%get3A_841, %get3A_842] {strides = array<i32>} : memref<256x128xf32, #tpu.memory_space<vmem>>, vector<1x16xf32>,
        %get3A_844 = vector.shape_cast %get3A_843 : vector<1x16xf32> to vector<16xf32>
        %add3A_845 = arith.addf %add3A_787, %get3A_844 : vector<16xf32>
        scf.yield %add3A_796, %add3A_803, %add3A_810, %add3A_817, %add3A_824, %add3A_831, %add3A_838, %add3A_845 : vector<16xf32>, vector<16xf32>, vector<16xf32>, vector<16xf32>, vector<16xf32>, vector<16xf32>, vector<16xf32>, vector<16xf32>
      }
      %scan3A_346 = arith.constant 32 : i32
      %swap3A_347 = arith.constant 4 : i32
      %swap3A_348 = arith.index_cast %swap3A_347 : i32 to index
      %swap3A_349 = arith.constant 0 : index
      %swap3A_350 = tpu.vector_load %arg6[%swap3A_348, %swap3A_349] {strides = array<i32>} : memref<8x128xf32, #tpu.memory_space<vmem>>, vector<1x16xf32>,
      %swap3A_351 = vector.shape_cast %swap3A_350 : vector<1x16xf32> to vector<16xf32>
      %swap3A_352 = vector.shape_cast %scan3A_345#0 : vector<16xf32> to vector<1x16xf32>
      tpu.vector_store %arg6[%swap3A_348, %swap3A_349], %swap3A_352 {strides = array<i32>} : memref<8x128xf32, #tpu.memory_space<vmem>>, vector<1x16xf32>,
      %swap3A_353 = arith.constant 4 : i32
      %swap3A_354 = arith.index_cast %swap3A_353 : i32 to index
      %swap3A_355 = arith.constant 16 : index
      %swap3A_356 = tpu.vector_load %arg6[%swap3A_354, %swap3A_355] {strides = array<i32>} : memref<8x128xf32, #tpu.memory_space<vmem>>, vector<1x16xf32>,
      %swap3A_357 = vector.shape_cast %swap3A_356 : vector<1x16xf32> to vector<16xf32>
      %swap3A_358 = vector.shape_cast %scan3A_345#1 : vector<16xf32> to vector<1x16xf32>
      tpu.vector_store %arg6[%swap3A_354, %swap3A_355], %swap3A_358 {strides = array<i32>} : memref<8x128xf32, #tpu.memory_space<vmem>>, vector<1x16xf32>,
      %swap3A_359 = arith.constant 4 : i32
      %swap3A_360 = arith.index_cast %swap3A_359 : i32 to index
      %swap3A_361 = arith.constant 32 : index
      %swap3A_362 = tpu.vector_load %arg6[%swap3A_360, %swap3A_361] {strides = array<i32>} : memref<8x128xf32, #tpu.memory_space<vmem>>, vector<1x16xf32>,
      %swap3A_363 = vector.shape_cast %swap3A_362 : vector<1x16xf32> to vector<16xf32>
      %swap3A_364 = vector.shape_cast %scan3A_345#2 : vector<16xf32> to vector<1x16xf32>
      tpu.vector_store %arg6[%swap3A_360, %swap3A_361], %swap3A_364 {strides = array<i32>} : memref<8x128xf32, #tpu.memory_space<vmem>>, vector<1x16xf32>,
      %swap3A_365 = arith.constant 4 : i32
      %swap3A_366 = arith.index_cast %swap3A_365 : i32 to index
      %swap3A_367 = arith.constant 48 : index
      %swap3A_368 = tpu.vector_load %arg6[%swap3A_366, %swap3A_367] {strides = array<i32>} : memref<8x128xf32, #tpu.memory_space<vmem>>, vector<1x16xf32>,
      %swap3A_369 = vector.shape_cast %swap3A_368 : vector<1x16xf32> to vector<16xf32>
      %swap3A_370 = vector.shape_cast %scan3A_345#3 : vector<16xf32> to vector<1x16xf32>
      tpu.vector_store %arg6[%swap3A_366, %swap3A_367], %swap3A_370 {strides = array<i32>} : memref<8x128xf32, #tpu.memory_space<vmem>>, vector<1x16xf32>,
      %swap3A_371 = arith.constant 4 : i32
      %swap3A_372 = arith.index_cast %swap3A_371 : i32 to index
      %swap3A_373 = arith.constant 64 : index
      %swap3A_374 = tpu.vector_load %arg6[%swap3A_372, %swap3A_373] {strides = array<i32>} : memref<8x128xf32, #tpu.memory_space<vmem>>, vector<1x16xf32>,
      %swap3A_375 = vector.shape_cast %swap3A_374 : vector<1x16xf32> to vector<16xf32>
      %swap3A_376 = vector.shape_cast %scan3A_345#4 : vector<16xf32> to vector<1x16xf32>
      tpu.vector_store %arg6[%swap3A_372, %swap3A_373], %swap3A_376 {strides = array<i32>} : memref<8x128xf32, #tpu.memory_space<vmem>>, vector<1x16xf32>,
      %swap3A_377 = arith.constant 4 : i32
      %swap3A_378 = arith.index_cast %swap3A_377 : i32 to index
      %swap3A_379 = arith.constant 80 : index
      %swap3A_380 = tpu.vector_load %arg6[%swap3A_378, %swap3A_379] {strides = array<i32>} : memref<8x128xf32, #tpu.memory_space<vmem>>, vector<1x16xf32>,
      %swap3A_381 = vector.shape_cast %swap3A_380 : vector<1x16xf32> to vector<16xf32>
      %swap3A_382 = vector.shape_cast %scan3A_345#5 : vector<16xf32> to vector<1x16xf32>
      tpu.vector_store %arg6[%swap3A_378, %swap3A_379], %swap3A_382 {strides = array<i32>} : memref<8x128xf32, #tpu.memory_space<vmem>>, vector<1x16xf32>,
      %swap3A_383 = arith.constant 4 : i32
      %swap3A_384 = arith.index_cast %swap3A_383 : i32 to index
      %swap3A_385 = arith.constant 96 : index
      %swap3A_386 = tpu.vector_load %arg6[%swap3A_384, %swap3A_385] {strides = array<i32>} : memref<8x128xf32, #tpu.memory_space<vmem>>, vector<1x16xf32>,
      %swap3A_387 = vector.shape_cast %swap3A_386 : vector<1x16xf32> to vector<16xf32>
      %swap3A_388 = vector.shape_cast %scan3A_345#6 : vector<16xf32> to vector<1x16xf32>
      tpu.vector_store %arg6[%swap3A_384, %swap3A_385], %swap3A_388 {strides = array<i32>} : memref<8x128xf32, #tpu.memory_space<vmem>>, vector<1x16xf32>,
      %swap3A_389 = arith.constant 4 : i32
      %swap3A_390 = arith.index_cast %swap3A_389 : i32 to index
      %swap3A_391 = arith.constant 112 : index
      %swap3A_392 = tpu.vector_load %arg6[%swap3A_390, %swap3A_391] {strides = array<i32>} : memref<8x128xf32, #tpu.memory_space<vmem>>, vector<1x16xf32>,
      %swap3A_393 = vector.shape_cast %swap3A_392 : vector<1x16xf32> to vector<16xf32>
      %swap3A_394 = vector.shape_cast %scan3A_345#7 : vector<16xf32> to vector<1x16xf32>
      tpu.vector_store %arg6[%swap3A_390, %swap3A_391], %swap3A_394 {strides = array<i32>} : memref<8x128xf32, #tpu.memory_space<vmem>>, vector<1x16xf32>,
      %broadcast_in_dim3A_395 = arith.constant 0.000000e+00 : f32
      %broadcast_in_dim3A_396 = vector.broadcast %broadcast_in_dim3A_395 : f32 to vector<16xf32>
      %broadcast_in_dim3A_397 = arith.constant 0.000000e+00 : f32
      %broadcast_in_dim3A_398 = vector.broadcast %broadcast_in_dim3A_397 : f32 to vector<16xf32>
      %broadcast_in_dim3A_399 = arith.constant 0.000000e+00 : f32
      %broadcast_in_dim3A_400 = vector.broadcast %broadcast_in_dim3A_399 : f32 to vector<16xf32>
      %broadcast_in_dim3A_401 = arith.constant 0.000000e+00 : f32
      %broadcast_in_dim3A_402 = vector.broadcast %broadcast_in_dim3A_401 : f32 to vector<16xf32>
      %broadcast_in_dim3A_403 = arith.constant 0.000000e+00 : f32
      %broadcast_in_dim3A_404 = vector.broadcast %broadcast_in_dim3A_403 : f32 to vector<16xf32>
      %broadcast_in_dim3A_405 = arith.constant 0.000000e+00 : f32
      %broadcast_in_dim3A_406 = vector.broadcast %broadcast_in_dim3A_405 : f32 to vector<16xf32>
      %broadcast_in_dim3A_407 = arith.constant 0.000000e+00 : f32
      %broadcast_in_dim3A_408 = vector.broadcast %broadcast_in_dim3A_407 : f32 to vector<16xf32>
      %broadcast_in_dim3A_409 = arith.constant 0.000000e+00 : f32
      %broadcast_in_dim3A_410 = vector.broadcast %broadcast_in_dim3A_409 : f32 to vector<16xf32>
      %scan3A_411 = arith.constant 0 : i32
      %scan3A_412 = arith.constant 32 : i32
      %scan3A_413 = arith.addi %scan3A_411, %scan3A_412 : i32
      %scan3A_414 = arith.constant 4 : i32
      %scan3A_415:8 = scf.for %scan3A_608 = %scan3A_411 to %scan3A_413 step %scan3A_414 iter_args(%scan3A_609 = %broadcast_in_dim3A_396, %scan3A_610 = %broadcast_in_dim3A_398, %scan3A_611 = %broadcast_in_dim3A_400, %scan3A_612 = %broadcast_in_dim3A_402, %scan3A_613 = %broadcast_in_dim3A_404, %scan3A_614 = %broadcast_in_dim3A_406, %scan3A_615 = %broadcast_in_dim3A_408, %scan3A_616 = %broadcast_in_dim3A_410) -> (vector<16xf32>, vector<16xf32>, vector<16xf32>, vector<16xf32>, vector<16xf32>, vector<16xf32>, vector<16xf32>, vector<16xf32>)  : i32 {
        %add3A_617 = arith.constant 160 : i32
        %add3A_618 = arith.addi %add3A_617, %scan3A_608 : i32
        %get3A = arith.index_cast %add3A_618 : i32 to index
        %get3A_619 = arith.constant 0 : index
        %get3A_620 = tpu.vector_load %arg5[%get3A, %get3A_619] {strides = array<i32>} : memref<256x128xf32, #tpu.memory_space<vmem>>, vector<1x16xf32>,
        %get3A_621 = vector.shape_cast %get3A_620 : vector<1x16xf32> to vector<16xf32>
        %add3A_622 = arith.addf %scan3A_609, %get3A_621 : vector<16xf32>
        %add3A_623 = arith.constant 160 : i32
        %add3A_624 = arith.addi %add3A_623, %scan3A_608 : i32
        %get3A_625 = arith.index_cast %add3A_624 : i32 to index
        %get3A_626 = arith.constant 16 : index
        %get3A_627 = tpu.vector_load %arg5[%get3A_625, %get3A_626] {strides = array<i32>} : memref<256x128xf32, #tpu.memory_space<vmem>>, vector<1x16xf32>,
        %get3A_628 = vector.shape_cast %get3A_627 : vector<1x16xf32> to vector<16xf32>
        %add3A_629 = arith.addf %scan3A_610, %get3A_628 : vector<16xf32>
        %add3A_630 = arith.constant 160 : i32
        %add3A_631 = arith.addi %add3A_630, %scan3A_608 : i32
        %get3A_632 = arith.index_cast %add3A_631 : i32 to index
        %get3A_633 = arith.constant 32 : index
        %get3A_634 = tpu.vector_load %arg5[%get3A_632, %get3A_633] {strides = array<i32>} : memref<256x128xf32, #tpu.memory_space<vmem>>, vector<1x16xf32>,
        %get3A_635 = vector.shape_cast %get3A_634 : vector<1x16xf32> to vector<16xf32>
        %add3A_636 = arith.addf %scan3A_611, %get3A_635 : vector<16xf32>
        %add3A_637 = arith.constant 160 : i32
        %add3A_638 = arith.addi %add3A_637, %scan3A_608 : i32
        %get3A_639 = arith.index_cast %add3A_638 : i32 to index
        %get3A_640 = arith.constant 48 : index
        %get3A_641 = tpu.vector_load %arg5[%get3A_639, %get3A_640] {strides = array<i32>} : memref<256x128xf32, #tpu.memory_space<vmem>>, vector<1x16xf32>,
        %get3A_642 = vector.shape_cast %get3A_641 : vector<1x16xf32> to vector<16xf32>
        %add3A_643 = arith.addf %scan3A_612, %get3A_642 : vector<16xf32>
        %add3A_644 = arith.constant 160 : i32
        %add3A_645 = arith.addi %add3A_644, %scan3A_608 : i32
        %get3A_646 = arith.index_cast %add3A_645 : i32 to index
        %get3A_647 = arith.constant 64 : index
        %get3A_648 = tpu.vector_load %arg5[%get3A_646, %get3A_647] {strides = array<i32>} : memref<256x128xf32, #tpu.memory_space<vmem>>, vector<1x16xf32>,
        %get3A_649 = vector.shape_cast %get3A_648 : vector<1x16xf32> to vector<16xf32>
        %add3A_650 = arith.addf %scan3A_613, %get3A_649 : vector<16xf32>
        %add3A_651 = arith.constant 160 : i32
        %add3A_652 = arith.addi %add3A_651, %scan3A_608 : i32
        %get3A_653 = arith.index_cast %add3A_652 : i32 to index
        %get3A_654 = arith.constant 80 : index
        %get3A_655 = tpu.vector_load %arg5[%get3A_653, %get3A_654] {strides = array<i32>} : memref<256x128xf32, #tpu.memory_space<vmem>>, vector<1x16xf32>,
        %get3A_656 = vector.shape_cast %get3A_655 : vector<1x16xf32> to vector<16xf32>
        %add3A_657 = arith.addf %scan3A_614, %get3A_656 : vector<16xf32>
        %add3A_658 = arith.constant 160 : i32
        %add3A_659 = arith.addi %add3A_658, %scan3A_608 : i32
        %get3A_660 = arith.index_cast %add3A_659 : i32 to index
        %get3A_661 = arith.constant 96 : index
        %get3A_662 = tpu.vector_load %arg5[%get3A_660, %get3A_661] {strides = array<i32>} : memref<256x128xf32, #tpu.memory_space<vmem>>, vector<1x16xf32>,
        %get3A_663 = vector.shape_cast %get3A_662 : vector<1x16xf32> to vector<16xf32>
        %add3A_664 = arith.addf %scan3A_615, %get3A_663 : vector<16xf32>
        %add3A_665 = arith.constant 160 : i32
        %add3A_666 = arith.addi %add3A_665, %scan3A_608 : i32
        %get3A_667 = arith.index_cast %add3A_666 : i32 to index
        %get3A_668 = arith.constant 112 : index
        %get3A_669 = tpu.vector_load %arg5[%get3A_667, %get3A_668] {strides = array<i32>} : memref<256x128xf32, #tpu.memory_space<vmem>>, vector<1x16xf32>,
        %get3A_670 = vector.shape_cast %get3A_669 : vector<1x16xf32> to vector<16xf32>
        %add3A_671 = arith.addf %scan3A_616, %get3A_670 : vector<16xf32>
        %scan3A_672 = arith.constant 1 : i32
        %scan3A_673 = arith.addi %scan3A_608, %scan3A_672 : i32
        %add3A_674 = arith.constant 160 : i32
        %add3A_675 = arith.addi %add3A_674, %scan3A_673 : i32
        %get3A_676 = arith.index_cast %add3A_675 : i32 to index
        %get3A_677 = arith.constant 0 : index
        %get3A_678 = tpu.vector_load %arg5[%get3A_676, %get3A_677] {strides = array<i32>} : memref<256x128xf32, #tpu.memory_space<vmem>>, vector<1x16xf32>,
        %get3A_679 = vector.shape_cast %get3A_678 : vector<1x16xf32> to vector<16xf32>
        %add3A_680 = arith.addf %add3A_622, %get3A_679 : vector<16xf32>
        %add3A_681 = arith.constant 160 : i32
        %add3A_682 = arith.addi %add3A_681, %scan3A_673 : i32
        %get3A_683 = arith.index_cast %add3A_682 : i32 to index
        %get3A_684 = arith.constant 16 : index
        %get3A_685 = tpu.vector_load %arg5[%get3A_683, %get3A_684] {strides = array<i32>} : memref<256x128xf32, #tpu.memory_space<vmem>>, vector<1x16xf32>,
        %get3A_686 = vector.shape_cast %get3A_685 : vector<1x16xf32> to vector<16xf32>
        %add3A_687 = arith.addf %add3A_629, %get3A_686 : vector<16xf32>
        %add3A_688 = arith.constant 160 : i32
        %add3A_689 = arith.addi %add3A_688, %scan3A_673 : i32
        %get3A_690 = arith.index_cast %add3A_689 : i32 to index
        %get3A_691 = arith.constant 32 : index
        %get3A_692 = tpu.vector_load %arg5[%get3A_690, %get3A_691] {strides = array<i32>} : memref<256x128xf32, #tpu.memory_space<vmem>>, vector<1x16xf32>,
        %get3A_693 = vector.shape_cast %get3A_692 : vector<1x16xf32> to vector<16xf32>
        %add3A_694 = arith.addf %add3A_636, %get3A_693 : vector<16xf32>
        %add3A_695 = arith.constant 160 : i32
        %add3A_696 = arith.addi %add3A_695, %scan3A_673 : i32
        %get3A_697 = arith.index_cast %add3A_696 : i32 to index
        %get3A_698 = arith.constant 48 : index
        %get3A_699 = tpu.vector_load %arg5[%get3A_697, %get3A_698] {strides = array<i32>} : memref<256x128xf32, #tpu.memory_space<vmem>>, vector<1x16xf32>,
        %get3A_700 = vector.shape_cast %get3A_699 : vector<1x16xf32> to vector<16xf32>
        %add3A_701 = arith.addf %add3A_643, %get3A_700 : vector<16xf32>
        %add3A_702 = arith.constant 160 : i32
        %add3A_703 = arith.addi %add3A_702, %scan3A_673 : i32
        %get3A_704 = arith.index_cast %add3A_703 : i32 to index
        %get3A_705 = arith.constant 64 : index
        %get3A_706 = tpu.vector_load %arg5[%get3A_704, %get3A_705] {strides = array<i32>} : memref<256x128xf32, #tpu.memory_space<vmem>>, vector<1x16xf32>,
        %get3A_707 = vector.shape_cast %get3A_706 : vector<1x16xf32> to vector<16xf32>
        %add3A_708 = arith.addf %add3A_650, %get3A_707 : vector<16xf32>
        %add3A_709 = arith.constant 160 : i32
        %add3A_710 = arith.addi %add3A_709, %scan3A_673 : i32
        %get3A_711 = arith.index_cast %add3A_710 : i32 to index
        %get3A_712 = arith.constant 80 : index
        %get3A_713 = tpu.vector_load %arg5[%get3A_711, %get3A_712] {strides = array<i32>} : memref<256x128xf32, #tpu.memory_space<vmem>>, vector<1x16xf32>,
        %get3A_714 = vector.shape_cast %get3A_713 : vector<1x16xf32> to vector<16xf32>
        %add3A_715 = arith.addf %add3A_657, %get3A_714 : vector<16xf32>
        %add3A_716 = arith.constant 160 : i32
        %add3A_717 = arith.addi %add3A_716, %scan3A_673 : i32
        %get3A_718 = arith.index_cast %add3A_717 : i32 to index
        %get3A_719 = arith.constant 96 : index
        %get3A_720 = tpu.vector_load %arg5[%get3A_718, %get3A_719] {strides = array<i32>} : memref<256x128xf32, #tpu.memory_space<vmem>>, vector<1x16xf32>,
        %get3A_721 = vector.shape_cast %get3A_720 : vector<1x16xf32> to vector<16xf32>
        %add3A_722 = arith.addf %add3A_664, %get3A_721 : vector<16xf32>
        %add3A_723 = arith.constant 160 : i32
        %add3A_724 = arith.addi %add3A_723, %scan3A_673 : i32
        %get3A_725 = arith.index_cast %add3A_724 : i32 to index
        %get3A_726 = arith.constant 112 : index
        %get3A_727 = tpu.vector_load %arg5[%get3A_725, %get3A_726] {strides = array<i32>} : memref<256x128xf32, #tpu.memory_space<vmem>>, vector<1x16xf32>,
        %get3A_728 = vector.shape_cast %get3A_727 : vector<1x16xf32> to vector<16xf32>
        %add3A_729 = arith.addf %add3A_671, %get3A_728 : vector<16xf32>
        %scan3A_730 = arith.constant 2 : i32
        %scan3A_731 = arith.addi %scan3A_608, %scan3A_730 : i32
        %add3A_732 = arith.constant 160 : i32
        %add3A_733 = arith.addi %add3A_732, %scan3A_731 : i32
        %get3A_734 = arith.index_cast %add3A_733 : i32 to index
        %get3A_735 = arith.constant 0 : index
        %get3A_736 = tpu.vector_load %arg5[%get3A_734, %get3A_735] {strides = array<i32>} : memref<256x128xf32, #tpu.memory_space<vmem>>, vector<1x16xf32>,
        %get3A_737 = vector.shape_cast %get3A_736 : vector<1x16xf32> to vector<16xf32>
        %add3A_738 = arith.addf %add3A_680, %get3A_737 : vector<16xf32>
        %add3A_739 = arith.constant 160 : i32
        %add3A_740 = arith.addi %add3A_739, %scan3A_731 : i32
        %get3A_741 = arith.index_cast %add3A_740 : i32 to index
        %get3A_742 = arith.constant 16 : index
        %get3A_743 = tpu.vector_load %arg5[%get3A_741, %get3A_742] {strides = array<i32>} : memref<256x128xf32, #tpu.memory_space<vmem>>, vector<1x16xf32>,
        %get3A_744 = vector.shape_cast %get3A_743 : vector<1x16xf32> to vector<16xf32>
        %add3A_745 = arith.addf %add3A_687, %get3A_744 : vector<16xf32>
        %add3A_746 = arith.constant 160 : i32
        %add3A_747 = arith.addi %add3A_746, %scan3A_731 : i32
        %get3A_748 = arith.index_cast %add3A_747 : i32 to index
        %get3A_749 = arith.constant 32 : index
        %get3A_750 = tpu.vector_load %arg5[%get3A_748, %get3A_749] {strides = array<i32>} : memref<256x128xf32, #tpu.memory_space<vmem>>, vector<1x16xf32>,
        %get3A_751 = vector.shape_cast %get3A_750 : vector<1x16xf32> to vector<16xf32>
        %add3A_752 = arith.addf %add3A_694, %get3A_751 : vector<16xf32>
        %add3A_753 = arith.constant 160 : i32
        %add3A_754 = arith.addi %add3A_753, %scan3A_731 : i32
        %get3A_755 = arith.index_cast %add3A_754 : i32 to index
        %get3A_756 = arith.constant 48 : index
        %get3A_757 = tpu.vector_load %arg5[%get3A_755, %get3A_756] {strides = array<i32>} : memref<256x128xf32, #tpu.memory_space<vmem>>, vector<1x16xf32>,
        %get3A_758 = vector.shape_cast %get3A_757 : vector<1x16xf32> to vector<16xf32>
        %add3A_759 = arith.addf %add3A_701, %get3A_758 : vector<16xf32>
        %add3A_760 = arith.constant 160 : i32
        %add3A_761 = arith.addi %add3A_760, %scan3A_731 : i32
        %get3A_762 = arith.index_cast %add3A_761 : i32 to index
        %get3A_763 = arith.constant 64 : index
        %get3A_764 = tpu.vector_load %arg5[%get3A_762, %get3A_763] {strides = array<i32>} : memref<256x128xf32, #tpu.memory_space<vmem>>, vector<1x16xf32>,
        %get3A_765 = vector.shape_cast %get3A_764 : vector<1x16xf32> to vector<16xf32>
        %add3A_766 = arith.addf %add3A_708, %get3A_765 : vector<16xf32>
        %add3A_767 = arith.constant 160 : i32
        %add3A_768 = arith.addi %add3A_767, %scan3A_731 : i32
        %get3A_769 = arith.index_cast %add3A_768 : i32 to index
        %get3A_770 = arith.constant 80 : index
        %get3A_771 = tpu.vector_load %arg5[%get3A_769, %get3A_770] {strides = array<i32>} : memref<256x128xf32, #tpu.memory_space<vmem>>, vector<1x16xf32>,
        %get3A_772 = vector.shape_cast %get3A_771 : vector<1x16xf32> to vector<16xf32>
        %add3A_773 = arith.addf %add3A_715, %get3A_772 : vector<16xf32>
        %add3A_774 = arith.constant 160 : i32
        %add3A_775 = arith.addi %add3A_774, %scan3A_731 : i32
        %get3A_776 = arith.index_cast %add3A_775 : i32 to index
        %get3A_777 = arith.constant 96 : index
        %get3A_778 = tpu.vector_load %arg5[%get3A_776, %get3A_777] {strides = array<i32>} : memref<256x128xf32, #tpu.memory_space<vmem>>, vector<1x16xf32>,
        %get3A_779 = vector.shape_cast %get3A_778 : vector<1x16xf32> to vector<16xf32>
        %add3A_780 = arith.addf %add3A_722, %get3A_779 : vector<16xf32>
        %add3A_781 = arith.constant 160 : i32
        %add3A_782 = arith.addi %add3A_781, %scan3A_731 : i32
        %get3A_783 = arith.index_cast %add3A_782 : i32 to index
        %get3A_784 = arith.constant 112 : index
        %get3A_785 = tpu.vector_load %arg5[%get3A_783, %get3A_784] {strides = array<i32>} : memref<256x128xf32, #tpu.memory_space<vmem>>, vector<1x16xf32>,
        %get3A_786 = vector.shape_cast %get3A_785 : vector<1x16xf32> to vector<16xf32>
        %add3A_787 = arith.addf %add3A_729, %get3A_786 : vector<16xf32>
        %scan3A_788 = arith.constant 3 : i32
        %scan3A_789 = arith.addi %scan3A_608, %scan3A_788 : i32
        %add3A_790 = arith.constant 160 : i32
        %add3A_791 = arith.addi %add3A_790, %scan3A_789 : i32
        %get3A_792 = arith.index_cast %add3A_791 : i32 to index
        %get3A_793 = arith.constant 0 : index
        %get3A_794 = tpu.vector_load %arg5[%get3A_792, %get3A_793] {strides = array<i32>} : memref<256x128xf32, #tpu.memory_space<vmem>>, vector<1x16xf32>,
        %get3A_795 = vector.shape_cast %get3A_794 : vector<1x16xf32> to vector<16xf32>
        %add3A_796 = arith.addf %add3A_738, %get3A_795 : vector<16xf32>
        %add3A_797 = arith.constant 160 : i32
        %add3A_798 = arith.addi %add3A_797, %scan3A_789 : i32
        %get3A_799 = arith.index_cast %add3A_798 : i32 to index
        %get3A_800 = arith.constant 16 : index
        %get3A_801 = tpu.vector_load %arg5[%get3A_799, %get3A_800] {strides = array<i32>} : memref<256x128xf32, #tpu.memory_space<vmem>>, vector<1x16xf32>,
        %get3A_802 = vector.shape_cast %get3A_801 : vector<1x16xf32> to vector<16xf32>
        %add3A_803 = arith.addf %add3A_745, %get3A_802 : vector<16xf32>
        %add3A_804 = arith.constant 160 : i32
        %add3A_805 = arith.addi %add3A_804, %scan3A_789 : i32
        %get3A_806 = arith.index_cast %add3A_805 : i32 to index
        %get3A_807 = arith.constant 32 : index
        %get3A_808 = tpu.vector_load %arg5[%get3A_806, %get3A_807] {strides = array<i32>} : memref<256x128xf32, #tpu.memory_space<vmem>>, vector<1x16xf32>,
        %get3A_809 = vector.shape_cast %get3A_808 : vector<1x16xf32> to vector<16xf32>
        %add3A_810 = arith.addf %add3A_752, %get3A_809 : vector<16xf32>
        %add3A_811 = arith.constant 160 : i32
        %add3A_812 = arith.addi %add3A_811, %scan3A_789 : i32
        %get3A_813 = arith.index_cast %add3A_812 : i32 to index
        %get3A_814 = arith.constant 48 : index
        %get3A_815 = tpu.vector_load %arg5[%get3A_813, %get3A_814] {strides = array<i32>} : memref<256x128xf32, #tpu.memory_space<vmem>>, vector<1x16xf32>,
        %get3A_816 = vector.shape_cast %get3A_815 : vector<1x16xf32> to vector<16xf32>
        %add3A_817 = arith.addf %add3A_759, %get3A_816 : vector<16xf32>
        %add3A_818 = arith.constant 160 : i32
        %add3A_819 = arith.addi %add3A_818, %scan3A_789 : i32
        %get3A_820 = arith.index_cast %add3A_819 : i32 to index
        %get3A_821 = arith.constant 64 : index
        %get3A_822 = tpu.vector_load %arg5[%get3A_820, %get3A_821] {strides = array<i32>} : memref<256x128xf32, #tpu.memory_space<vmem>>, vector<1x16xf32>,
        %get3A_823 = vector.shape_cast %get3A_822 : vector<1x16xf32> to vector<16xf32>
        %add3A_824 = arith.addf %add3A_766, %get3A_823 : vector<16xf32>
        %add3A_825 = arith.constant 160 : i32
        %add3A_826 = arith.addi %add3A_825, %scan3A_789 : i32
        %get3A_827 = arith.index_cast %add3A_826 : i32 to index
        %get3A_828 = arith.constant 80 : index
        %get3A_829 = tpu.vector_load %arg5[%get3A_827, %get3A_828] {strides = array<i32>} : memref<256x128xf32, #tpu.memory_space<vmem>>, vector<1x16xf32>,
        %get3A_830 = vector.shape_cast %get3A_829 : vector<1x16xf32> to vector<16xf32>
        %add3A_831 = arith.addf %add3A_773, %get3A_830 : vector<16xf32>
        %add3A_832 = arith.constant 160 : i32
        %add3A_833 = arith.addi %add3A_832, %scan3A_789 : i32
        %get3A_834 = arith.index_cast %add3A_833 : i32 to index
        %get3A_835 = arith.constant 96 : index
        %get3A_836 = tpu.vector_load %arg5[%get3A_834, %get3A_835] {strides = array<i32>} : memref<256x128xf32, #tpu.memory_space<vmem>>, vector<1x16xf32>,
        %get3A_837 = vector.shape_cast %get3A_836 : vector<1x16xf32> to vector<16xf32>
        %add3A_838 = arith.addf %add3A_780, %get3A_837 : vector<16xf32>
        %add3A_839 = arith.constant 160 : i32
        %add3A_840 = arith.addi %add3A_839, %scan3A_789 : i32
        %get3A_841 = arith.index_cast %add3A_840 : i32 to index
        %get3A_842 = arith.constant 112 : index
        %get3A_843 = tpu.vector_load %arg5[%get3A_841, %get3A_842] {strides = array<i32>} : memref<256x128xf32, #tpu.memory_space<vmem>>, vector<1x16xf32>,
        %get3A_844 = vector.shape_cast %get3A_843 : vector<1x16xf32> to vector<16xf32>
        %add3A_845 = arith.addf %add3A_787, %get3A_844 : vector<16xf32>
        scf.yield %add3A_796, %add3A_803, %add3A_810, %add3A_817, %add3A_824, %add3A_831, %add3A_838, %add3A_845 : vector<16xf32>, vector<16xf32>, vector<16xf32>, vector<16xf32>, vector<16xf32>, vector<16xf32>, vector<16xf32>, vector<16xf32>
      }
      %scan3A_416 = arith.constant 32 : i32
      %swap3A_417 = arith.constant 5 : i32
      %swap3A_418 = arith.index_cast %swap3A_417 : i32 to index
      %swap3A_419 = arith.constant 0 : index
      %swap3A_420 = tpu.vector_load %arg6[%swap3A_418, %swap3A_419] {strides = array<i32>} : memref<8x128xf32, #tpu.memory_space<vmem>>, vector<1x16xf32>,
      %swap3A_421 = vector.shape_cast %swap3A_420 : vector<1x16xf32> to vector<16xf32>
      %swap3A_422 = vector.shape_cast %scan3A_415#0 : vector<16xf32> to vector<1x16xf32>
      tpu.vector_store %arg6[%swap3A_418, %swap3A_419], %swap3A_422 {strides = array<i32>} : memref<8x128xf32, #tpu.memory_space<vmem>>, vector<1x16xf32>,
      %swap3A_423 = arith.constant 5 : i32
      %swap3A_424 = arith.index_cast %swap3A_423 : i32 to index
      %swap3A_425 = arith.constant 16 : index
      %swap3A_426 = tpu.vector_load %arg6[%swap3A_424, %swap3A_425] {strides = array<i32>} : memref<8x128xf32, #tpu.memory_space<vmem>>, vector<1x16xf32>,
      %swap3A_427 = vector.shape_cast %swap3A_426 : vector<1x16xf32> to vector<16xf32>
      %swap3A_428 = vector.shape_cast %scan3A_415#1 : vector<16xf32> to vector<1x16xf32>
      tpu.vector_store %arg6[%swap3A_424, %swap3A_425], %swap3A_428 {strides = array<i32>} : memref<8x128xf32, #tpu.memory_space<vmem>>, vector<1x16xf32>,
      %swap3A_429 = arith.constant 5 : i32
      %swap3A_430 = arith.index_cast %swap3A_429 : i32 to index
      %swap3A_431 = arith.constant 32 : index
      %swap3A_432 = tpu.vector_load %arg6[%swap3A_430, %swap3A_431] {strides = array<i32>} : memref<8x128xf32, #tpu.memory_space<vmem>>, vector<1x16xf32>,
      %swap3A_433 = vector.shape_cast %swap3A_432 : vector<1x16xf32> to vector<16xf32>
      %swap3A_434 = vector.shape_cast %scan3A_415#2 : vector<16xf32> to vector<1x16xf32>
      tpu.vector_store %arg6[%swap3A_430, %swap3A_431], %swap3A_434 {strides = array<i32>} : memref<8x128xf32, #tpu.memory_space<vmem>>, vector<1x16xf32>,
      %swap3A_435 = arith.constant 5 : i32
      %swap3A_436 = arith.index_cast %swap3A_435 : i32 to index
      %swap3A_437 = arith.constant 48 : index
      %swap3A_438 = tpu.vector_load %arg6[%swap3A_436, %swap3A_437] {strides = array<i32>} : memref<8x128xf32, #tpu.memory_space<vmem>>, vector<1x16xf32>,
      %swap3A_439 = vector.shape_cast %swap3A_438 : vector<1x16xf32> to vector<16xf32>
      %swap3A_440 = vector.shape_cast %scan3A_415#3 : vector<16xf32> to vector<1x16xf32>
      tpu.vector_store %arg6[%swap3A_436, %swap3A_437], %swap3A_440 {strides = array<i32>} : memref<8x128xf32, #tpu.memory_space<vmem>>, vector<1x16xf32>,
      %swap3A_441 = arith.constant 5 : i32
      %swap3A_442 = arith.index_cast %swap3A_441 : i32 to index
      %swap3A_443 = arith.constant 64 : index
      %swap3A_444 = tpu.vector_load %arg6[%swap3A_442, %swap3A_443] {strides = array<i32>} : memref<8x128xf32, #tpu.memory_space<vmem>>, vector<1x16xf32>,
      %swap3A_445 = vector.shape_cast %swap3A_444 : vector<1x16xf32> to vector<16xf32>
      %swap3A_446 = vector.shape_cast %scan3A_415#4 : vector<16xf32> to vector<1x16xf32>
      tpu.vector_store %arg6[%swap3A_442, %swap3A_443], %swap3A_446 {strides = array<i32>} : memref<8x128xf32, #tpu.memory_space<vmem>>, vector<1x16xf32>,
      %swap3A_447 = arith.constant 5 : i32
      %swap3A_448 = arith.index_cast %swap3A_447 : i32 to index
      %swap3A_449 = arith.constant 80 : index
      %swap3A_450 = tpu.vector_load %arg6[%swap3A_448, %swap3A_449] {strides = array<i32>} : memref<8x128xf32, #tpu.memory_space<vmem>>, vector<1x16xf32>,
      %swap3A_451 = vector.shape_cast %swap3A_450 : vector<1x16xf32> to vector<16xf32>
      %swap3A_452 = vector.shape_cast %scan3A_415#5 : vector<16xf32> to vector<1x16xf32>
      tpu.vector_store %arg6[%swap3A_448, %swap3A_449], %swap3A_452 {strides = array<i32>} : memref<8x128xf32, #tpu.memory_space<vmem>>, vector<1x16xf32>,
      %swap3A_453 = arith.constant 5 : i32
      %swap3A_454 = arith.index_cast %swap3A_453 : i32 to index
      %swap3A_455 = arith.constant 96 : index
      %swap3A_456 = tpu.vector_load %arg6[%swap3A_454, %swap3A_455] {strides = array<i32>} : memref<8x128xf32, #tpu.memory_space<vmem>>, vector<1x16xf32>,
      %swap3A_457 = vector.shape_cast %swap3A_456 : vector<1x16xf32> to vector<16xf32>
      %swap3A_458 = vector.shape_cast %scan3A_415#6 : vector<16xf32> to vector<1x16xf32>
      tpu.vector_store %arg6[%swap3A_454, %swap3A_455], %swap3A_458 {strides = array<i32>} : memref<8x128xf32, #tpu.memory_space<vmem>>, vector<1x16xf32>,
      %swap3A_459 = arith.constant 5 : i32
      %swap3A_460 = arith.index_cast %swap3A_459 : i32 to index
      %swap3A_461 = arith.constant 112 : index
      %swap3A_462 = tpu.vector_load %arg6[%swap3A_460, %swap3A_461] {strides = array<i32>} : memref<8x128xf32, #tpu.memory_space<vmem>>, vector<1x16xf32>,
      %swap3A_463 = vector.shape_cast %swap3A_462 : vector<1x16xf32> to vector<16xf32>
      %swap3A_464 = vector.shape_cast %scan3A_415#7 : vector<16xf32> to vector<1x16xf32>
      tpu.vector_store %arg6[%swap3A_460, %swap3A_461], %swap3A_464 {strides = array<i32>} : memref<8x128xf32, #tpu.memory_space<vmem>>, vector<1x16xf32>,
      %broadcast_in_dim3A_465 = arith.constant 0.000000e+00 : f32
      %broadcast_in_dim3A_466 = vector.broadcast %broadcast_in_dim3A_465 : f32 to vector<16xf32>
      %broadcast_in_dim3A_467 = arith.constant 0.000000e+00 : f32
      %broadcast_in_dim3A_468 = vector.broadcast %broadcast_in_dim3A_467 : f32 to vector<16xf32>
      %broadcast_in_dim3A_469 = arith.constant 0.000000e+00 : f32
      %broadcast_in_dim3A_470 = vector.broadcast %broadcast_in_dim3A_469 : f32 to vector<16xf32>
      %broadcast_in_dim3A_471 = arith.constant 0.000000e+00 : f32
      %broadcast_in_dim3A_472 = vector.broadcast %broadcast_in_dim3A_471 : f32 to vector<16xf32>
      %broadcast_in_dim3A_473 = arith.constant 0.000000e+00 : f32
      %broadcast_in_dim3A_474 = vector.broadcast %broadcast_in_dim3A_473 : f32 to vector<16xf32>
      %broadcast_in_dim3A_475 = arith.constant 0.000000e+00 : f32
      %broadcast_in_dim3A_476 = vector.broadcast %broadcast_in_dim3A_475 : f32 to vector<16xf32>
      %broadcast_in_dim3A_477 = arith.constant 0.000000e+00 : f32
      %broadcast_in_dim3A_478 = vector.broadcast %broadcast_in_dim3A_477 : f32 to vector<16xf32>
      %broadcast_in_dim3A_479 = arith.constant 0.000000e+00 : f32
      %broadcast_in_dim3A_480 = vector.broadcast %broadcast_in_dim3A_479 : f32 to vector<16xf32>
      %scan3A_481 = arith.constant 0 : i32
      %scan3A_482 = arith.constant 32 : i32
      %scan3A_483 = arith.addi %scan3A_481, %scan3A_482 : i32
      %scan3A_484 = arith.constant 4 : i32
      %scan3A_485:8 = scf.for %scan3A_608 = %scan3A_481 to %scan3A_483 step %scan3A_484 iter_args(%scan3A_609 = %broadcast_in_dim3A_466, %scan3A_610 = %broadcast_in_dim3A_468, %scan3A_611 = %broadcast_in_dim3A_470, %scan3A_612 = %broadcast_in_dim3A_472, %scan3A_613 = %broadcast_in_dim3A_474, %scan3A_614 = %broadcast_in_dim3A_476, %scan3A_615 = %broadcast_in_dim3A_478, %scan3A_616 = %broadcast_in_dim3A_480) -> (vector<16xf32>, vector<16xf32>, vector<16xf32>, vector<16xf32>, vector<16xf32>, vector<16xf32>, vector<16xf32>, vector<16xf32>)  : i32 {
        %add3A_617 = arith.constant 192 : i32
        %add3A_618 = arith.addi %add3A_617, %scan3A_608 : i32
        %get3A = arith.index_cast %add3A_618 : i32 to index
        %get3A_619 = arith.constant 0 : index
        %get3A_620 = tpu.vector_load %arg5[%get3A, %get3A_619] {strides = array<i32>} : memref<256x128xf32, #tpu.memory_space<vmem>>, vector<1x16xf32>,
        %get3A_621 = vector.shape_cast %get3A_620 : vector<1x16xf32> to vector<16xf32>
        %add3A_622 = arith.addf %scan3A_609, %get3A_621 : vector<16xf32>
        %add3A_623 = arith.constant 192 : i32
        %add3A_624 = arith.addi %add3A_623, %scan3A_608 : i32
        %get3A_625 = arith.index_cast %add3A_624 : i32 to index
        %get3A_626 = arith.constant 16 : index
        %get3A_627 = tpu.vector_load %arg5[%get3A_625, %get3A_626] {strides = array<i32>} : memref<256x128xf32, #tpu.memory_space<vmem>>, vector<1x16xf32>,
        %get3A_628 = vector.shape_cast %get3A_627 : vector<1x16xf32> to vector<16xf32>
        %add3A_629 = arith.addf %scan3A_610, %get3A_628 : vector<16xf32>
        %add3A_630 = arith.constant 192 : i32
        %add3A_631 = arith.addi %add3A_630, %scan3A_608 : i32
        %get3A_632 = arith.index_cast %add3A_631 : i32 to index
        %get3A_633 = arith.constant 32 : index
        %get3A_634 = tpu.vector_load %arg5[%get3A_632, %get3A_633] {strides = array<i32>} : memref<256x128xf32, #tpu.memory_space<vmem>>, vector<1x16xf32>,
        %get3A_635 = vector.shape_cast %get3A_634 : vector<1x16xf32> to vector<16xf32>
        %add3A_636 = arith.addf %scan3A_611, %get3A_635 : vector<16xf32>
        %add3A_637 = arith.constant 192 : i32
        %add3A_638 = arith.addi %add3A_637, %scan3A_608 : i32
        %get3A_639 = arith.index_cast %add3A_638 : i32 to index
        %get3A_640 = arith.constant 48 : index
        %get3A_641 = tpu.vector_load %arg5[%get3A_639, %get3A_640] {strides = array<i32>} : memref<256x128xf32, #tpu.memory_space<vmem>>, vector<1x16xf32>,
        %get3A_642 = vector.shape_cast %get3A_641 : vector<1x16xf32> to vector<16xf32>
        %add3A_643 = arith.addf %scan3A_612, %get3A_642 : vector<16xf32>
        %add3A_644 = arith.constant 192 : i32
        %add3A_645 = arith.addi %add3A_644, %scan3A_608 : i32
        %get3A_646 = arith.index_cast %add3A_645 : i32 to index
        %get3A_647 = arith.constant 64 : index
        %get3A_648 = tpu.vector_load %arg5[%get3A_646, %get3A_647] {strides = array<i32>} : memref<256x128xf32, #tpu.memory_space<vmem>>, vector<1x16xf32>,
        %get3A_649 = vector.shape_cast %get3A_648 : vector<1x16xf32> to vector<16xf32>
        %add3A_650 = arith.addf %scan3A_613, %get3A_649 : vector<16xf32>
        %add3A_651 = arith.constant 192 : i32
        %add3A_652 = arith.addi %add3A_651, %scan3A_608 : i32
        %get3A_653 = arith.index_cast %add3A_652 : i32 to index
        %get3A_654 = arith.constant 80 : index
        %get3A_655 = tpu.vector_load %arg5[%get3A_653, %get3A_654] {strides = array<i32>} : memref<256x128xf32, #tpu.memory_space<vmem>>, vector<1x16xf32>,
        %get3A_656 = vector.shape_cast %get3A_655 : vector<1x16xf32> to vector<16xf32>
        %add3A_657 = arith.addf %scan3A_614, %get3A_656 : vector<16xf32>
        %add3A_658 = arith.constant 192 : i32
        %add3A_659 = arith.addi %add3A_658, %scan3A_608 : i32
        %get3A_660 = arith.index_cast %add3A_659 : i32 to index
        %get3A_661 = arith.constant 96 : index
        %get3A_662 = tpu.vector_load %arg5[%get3A_660, %get3A_661] {strides = array<i32>} : memref<256x128xf32, #tpu.memory_space<vmem>>, vector<1x16xf32>,
        %get3A_663 = vector.shape_cast %get3A_662 : vector<1x16xf32> to vector<16xf32>
        %add3A_664 = arith.addf %scan3A_615, %get3A_663 : vector<16xf32>
        %add3A_665 = arith.constant 192 : i32
        %add3A_666 = arith.addi %add3A_665, %scan3A_608 : i32
        %get3A_667 = arith.index_cast %add3A_666 : i32 to index
        %get3A_668 = arith.constant 112 : index
        %get3A_669 = tpu.vector_load %arg5[%get3A_667, %get3A_668] {strides = array<i32>} : memref<256x128xf32, #tpu.memory_space<vmem>>, vector<1x16xf32>,
        %get3A_670 = vector.shape_cast %get3A_669 : vector<1x16xf32> to vector<16xf32>
        %add3A_671 = arith.addf %scan3A_616, %get3A_670 : vector<16xf32>
        %scan3A_672 = arith.constant 1 : i32
        %scan3A_673 = arith.addi %scan3A_608, %scan3A_672 : i32
        %add3A_674 = arith.constant 192 : i32
        %add3A_675 = arith.addi %add3A_674, %scan3A_673 : i32
        %get3A_676 = arith.index_cast %add3A_675 : i32 to index
        %get3A_677 = arith.constant 0 : index
        %get3A_678 = tpu.vector_load %arg5[%get3A_676, %get3A_677] {strides = array<i32>} : memref<256x128xf32, #tpu.memory_space<vmem>>, vector<1x16xf32>,
        %get3A_679 = vector.shape_cast %get3A_678 : vector<1x16xf32> to vector<16xf32>
        %add3A_680 = arith.addf %add3A_622, %get3A_679 : vector<16xf32>
        %add3A_681 = arith.constant 192 : i32
        %add3A_682 = arith.addi %add3A_681, %scan3A_673 : i32
        %get3A_683 = arith.index_cast %add3A_682 : i32 to index
        %get3A_684 = arith.constant 16 : index
        %get3A_685 = tpu.vector_load %arg5[%get3A_683, %get3A_684] {strides = array<i32>} : memref<256x128xf32, #tpu.memory_space<vmem>>, vector<1x16xf32>,
        %get3A_686 = vector.shape_cast %get3A_685 : vector<1x16xf32> to vector<16xf32>
        %add3A_687 = arith.addf %add3A_629, %get3A_686 : vector<16xf32>
        %add3A_688 = arith.constant 192 : i32
        %add3A_689 = arith.addi %add3A_688, %scan3A_673 : i32
        %get3A_690 = arith.index_cast %add3A_689 : i32 to index
        %get3A_691 = arith.constant 32 : index
        %get3A_692 = tpu.vector_load %arg5[%get3A_690, %get3A_691] {strides = array<i32>} : memref<256x128xf32, #tpu.memory_space<vmem>>, vector<1x16xf32>,
        %get3A_693 = vector.shape_cast %get3A_692 : vector<1x16xf32> to vector<16xf32>
        %add3A_694 = arith.addf %add3A_636, %get3A_693 : vector<16xf32>
        %add3A_695 = arith.constant 192 : i32
        %add3A_696 = arith.addi %add3A_695, %scan3A_673 : i32
        %get3A_697 = arith.index_cast %add3A_696 : i32 to index
        %get3A_698 = arith.constant 48 : index
        %get3A_699 = tpu.vector_load %arg5[%get3A_697, %get3A_698] {strides = array<i32>} : memref<256x128xf32, #tpu.memory_space<vmem>>, vector<1x16xf32>,
        %get3A_700 = vector.shape_cast %get3A_699 : vector<1x16xf32> to vector<16xf32>
        %add3A_701 = arith.addf %add3A_643, %get3A_700 : vector<16xf32>
        %add3A_702 = arith.constant 192 : i32
        %add3A_703 = arith.addi %add3A_702, %scan3A_673 : i32
        %get3A_704 = arith.index_cast %add3A_703 : i32 to index
        %get3A_705 = arith.constant 64 : index
        %get3A_706 = tpu.vector_load %arg5[%get3A_704, %get3A_705] {strides = array<i32>} : memref<256x128xf32, #tpu.memory_space<vmem>>, vector<1x16xf32>,
        %get3A_707 = vector.shape_cast %get3A_706 : vector<1x16xf32> to vector<16xf32>
        %add3A_708 = arith.addf %add3A_650, %get3A_707 : vector<16xf32>
        %add3A_709 = arith.constant 192 : i32
        %add3A_710 = arith.addi %add3A_709, %scan3A_673 : i32
        %get3A_711 = arith.index_cast %add3A_710 : i32 to index
        %get3A_712 = arith.constant 80 : index
        %get3A_713 = tpu.vector_load %arg5[%get3A_711, %get3A_712] {strides = array<i32>} : memref<256x128xf32, #tpu.memory_space<vmem>>, vector<1x16xf32>,
        %get3A_714 = vector.shape_cast %get3A_713 : vector<1x16xf32> to vector<16xf32>
        %add3A_715 = arith.addf %add3A_657, %get3A_714 : vector<16xf32>
        %add3A_716 = arith.constant 192 : i32
        %add3A_717 = arith.addi %add3A_716, %scan3A_673 : i32
        %get3A_718 = arith.index_cast %add3A_717 : i32 to index
        %get3A_719 = arith.constant 96 : index
        %get3A_720 = tpu.vector_load %arg5[%get3A_718, %get3A_719] {strides = array<i32>} : memref<256x128xf32, #tpu.memory_space<vmem>>, vector<1x16xf32>,
        %get3A_721 = vector.shape_cast %get3A_720 : vector<1x16xf32> to vector<16xf32>
        %add3A_722 = arith.addf %add3A_664, %get3A_721 : vector<16xf32>
        %add3A_723 = arith.constant 192 : i32
        %add3A_724 = arith.addi %add3A_723, %scan3A_673 : i32
        %get3A_725 = arith.index_cast %add3A_724 : i32 to index
        %get3A_726 = arith.constant 112 : index
        %get3A_727 = tpu.vector_load %arg5[%get3A_725, %get3A_726] {strides = array<i32>} : memref<256x128xf32, #tpu.memory_space<vmem>>, vector<1x16xf32>,
        %get3A_728 = vector.shape_cast %get3A_727 : vector<1x16xf32> to vector<16xf32>
        %add3A_729 = arith.addf %add3A_671, %get3A_728 : vector<16xf32>
        %scan3A_730 = arith.constant 2 : i32
        %scan3A_731 = arith.addi %scan3A_608, %scan3A_730 : i32
        %add3A_732 = arith.constant 192 : i32
        %add3A_733 = arith.addi %add3A_732, %scan3A_731 : i32
        %get3A_734 = arith.index_cast %add3A_733 : i32 to index
        %get3A_735 = arith.constant 0 : index
        %get3A_736 = tpu.vector_load %arg5[%get3A_734, %get3A_735] {strides = array<i32>} : memref<256x128xf32, #tpu.memory_space<vmem>>, vector<1x16xf32>,
        %get3A_737 = vector.shape_cast %get3A_736 : vector<1x16xf32> to vector<16xf32>
        %add3A_738 = arith.addf %add3A_680, %get3A_737 : vector<16xf32>
        %add3A_739 = arith.constant 192 : i32
        %add3A_740 = arith.addi %add3A_739, %scan3A_731 : i32
        %get3A_741 = arith.index_cast %add3A_740 : i32 to index
        %get3A_742 = arith.constant 16 : index
        %get3A_743 = tpu.vector_load %arg5[%get3A_741, %get3A_742] {strides = array<i32>} : memref<256x128xf32, #tpu.memory_space<vmem>>, vector<1x16xf32>,
        %get3A_744 = vector.shape_cast %get3A_743 : vector<1x16xf32> to vector<16xf32>
        %add3A_745 = arith.addf %add3A_687, %get3A_744 : vector<16xf32>
        %add3A_746 = arith.constant 192 : i32
        %add3A_747 = arith.addi %add3A_746, %scan3A_731 : i32
        %get3A_748 = arith.index_cast %add3A_747 : i32 to index
        %get3A_749 = arith.constant 32 : index
        %get3A_750 = tpu.vector_load %arg5[%get3A_748, %get3A_749] {strides = array<i32>} : memref<256x128xf32, #tpu.memory_space<vmem>>, vector<1x16xf32>,
        %get3A_751 = vector.shape_cast %get3A_750 : vector<1x16xf32> to vector<16xf32>
        %add3A_752 = arith.addf %add3A_694, %get3A_751 : vector<16xf32>
        %add3A_753 = arith.constant 192 : i32
        %add3A_754 = arith.addi %add3A_753, %scan3A_731 : i32
        %get3A_755 = arith.index_cast %add3A_754 : i32 to index
        %get3A_756 = arith.constant 48 : index
        %get3A_757 = tpu.vector_load %arg5[%get3A_755, %get3A_756] {strides = array<i32>} : memref<256x128xf32, #tpu.memory_space<vmem>>, vector<1x16xf32>,
        %get3A_758 = vector.shape_cast %get3A_757 : vector<1x16xf32> to vector<16xf32>
        %add3A_759 = arith.addf %add3A_701, %get3A_758 : vector<16xf32>
        %add3A_760 = arith.constant 192 : i32
        %add3A_761 = arith.addi %add3A_760, %scan3A_731 : i32
        %get3A_762 = arith.index_cast %add3A_761 : i32 to index
        %get3A_763 = arith.constant 64 : index
        %get3A_764 = tpu.vector_load %arg5[%get3A_762, %get3A_763] {strides = array<i32>} : memref<256x128xf32, #tpu.memory_space<vmem>>, vector<1x16xf32>,
        %get3A_765 = vector.shape_cast %get3A_764 : vector<1x16xf32> to vector<16xf32>
        %add3A_766 = arith.addf %add3A_708, %get3A_765 : vector<16xf32>
        %add3A_767 = arith.constant 192 : i32
        %add3A_768 = arith.addi %add3A_767, %scan3A_731 : i32
        %get3A_769 = arith.index_cast %add3A_768 : i32 to index
        %get3A_770 = arith.constant 80 : index
        %get3A_771 = tpu.vector_load %arg5[%get3A_769, %get3A_770] {strides = array<i32>} : memref<256x128xf32, #tpu.memory_space<vmem>>, vector<1x16xf32>,
        %get3A_772 = vector.shape_cast %get3A_771 : vector<1x16xf32> to vector<16xf32>
        %add3A_773 = arith.addf %add3A_715, %get3A_772 : vector<16xf32>
        %add3A_774 = arith.constant 192 : i32
        %add3A_775 = arith.addi %add3A_774, %scan3A_731 : i32
        %get3A_776 = arith.index_cast %add3A_775 : i32 to index
        %get3A_777 = arith.constant 96 : index
        %get3A_778 = tpu.vector_load %arg5[%get3A_776, %get3A_777] {strides = array<i32>} : memref<256x128xf32, #tpu.memory_space<vmem>>, vector<1x16xf32>,
        %get3A_779 = vector.shape_cast %get3A_778 : vector<1x16xf32> to vector<16xf32>
        %add3A_780 = arith.addf %add3A_722, %get3A_779 : vector<16xf32>
        %add3A_781 = arith.constant 192 : i32
        %add3A_782 = arith.addi %add3A_781, %scan3A_731 : i32
        %get3A_783 = arith.index_cast %add3A_782 : i32 to index
        %get3A_784 = arith.constant 112 : index
        %get3A_785 = tpu.vector_load %arg5[%get3A_783, %get3A_784] {strides = array<i32>} : memref<256x128xf32, #tpu.memory_space<vmem>>, vector<1x16xf32>,
        %get3A_786 = vector.shape_cast %get3A_785 : vector<1x16xf32> to vector<16xf32>
        %add3A_787 = arith.addf %add3A_729, %get3A_786 : vector<16xf32>
        %scan3A_788 = arith.constant 3 : i32
        %scan3A_789 = arith.addi %scan3A_608, %scan3A_788 : i32
        %add3A_790 = arith.constant 192 : i32
        %add3A_791 = arith.addi %add3A_790, %scan3A_789 : i32
        %get3A_792 = arith.index_cast %add3A_791 : i32 to index
        %get3A_793 = arith.constant 0 : index
        %get3A_794 = tpu.vector_load %arg5[%get3A_792, %get3A_793] {strides = array<i32>} : memref<256x128xf32, #tpu.memory_space<vmem>>, vector<1x16xf32>,
        %get3A_795 = vector.shape_cast %get3A_794 : vector<1x16xf32> to vector<16xf32>
        %add3A_796 = arith.addf %add3A_738, %get3A_795 : vector<16xf32>
        %add3A_797 = arith.constant 192 : i32
        %add3A_798 = arith.addi %add3A_797, %scan3A_789 : i32
        %get3A_799 = arith.index_cast %add3A_798 : i32 to index
        %get3A_800 = arith.constant 16 : index
        %get3A_801 = tpu.vector_load %arg5[%get3A_799, %get3A_800] {strides = array<i32>} : memref<256x128xf32, #tpu.memory_space<vmem>>, vector<1x16xf32>,
        %get3A_802 = vector.shape_cast %get3A_801 : vector<1x16xf32> to vector<16xf32>
        %add3A_803 = arith.addf %add3A_745, %get3A_802 : vector<16xf32>
        %add3A_804 = arith.constant 192 : i32
        %add3A_805 = arith.addi %add3A_804, %scan3A_789 : i32
        %get3A_806 = arith.index_cast %add3A_805 : i32 to index
        %get3A_807 = arith.constant 32 : index
        %get3A_808 = tpu.vector_load %arg5[%get3A_806, %get3A_807] {strides = array<i32>} : memref<256x128xf32, #tpu.memory_space<vmem>>, vector<1x16xf32>,
        %get3A_809 = vector.shape_cast %get3A_808 : vector<1x16xf32> to vector<16xf32>
        %add3A_810 = arith.addf %add3A_752, %get3A_809 : vector<16xf32>
        %add3A_811 = arith.constant 192 : i32
        %add3A_812 = arith.addi %add3A_811, %scan3A_789 : i32
        %get3A_813 = arith.index_cast %add3A_812 : i32 to index
        %get3A_814 = arith.constant 48 : index
        %get3A_815 = tpu.vector_load %arg5[%get3A_813, %get3A_814] {strides = array<i32>} : memref<256x128xf32, #tpu.memory_space<vmem>>, vector<1x16xf32>,
        %get3A_816 = vector.shape_cast %get3A_815 : vector<1x16xf32> to vector<16xf32>
        %add3A_817 = arith.addf %add3A_759, %get3A_816 : vector<16xf32>
        %add3A_818 = arith.constant 192 : i32
        %add3A_819 = arith.addi %add3A_818, %scan3A_789 : i32
        %get3A_820 = arith.index_cast %add3A_819 : i32 to index
        %get3A_821 = arith.constant 64 : index
        %get3A_822 = tpu.vector_load %arg5[%get3A_820, %get3A_821] {strides = array<i32>} : memref<256x128xf32, #tpu.memory_space<vmem>>, vector<1x16xf32>,
        %get3A_823 = vector.shape_cast %get3A_822 : vector<1x16xf32> to vector<16xf32>
        %add3A_824 = arith.addf %add3A_766, %get3A_823 : vector<16xf32>
        %add3A_825 = arith.constant 192 : i32
        %add3A_826 = arith.addi %add3A_825, %scan3A_789 : i32
        %get3A_827 = arith.index_cast %add3A_826 : i32 to index
        %get3A_828 = arith.constant 80 : index
        %get3A_829 = tpu.vector_load %arg5[%get3A_827, %get3A_828] {strides = array<i32>} : memref<256x128xf32, #tpu.memory_space<vmem>>, vector<1x16xf32>,
        %get3A_830 = vector.shape_cast %get3A_829 : vector<1x16xf32> to vector<16xf32>
        %add3A_831 = arith.addf %add3A_773, %get3A_830 : vector<16xf32>
        %add3A_832 = arith.constant 192 : i32
        %add3A_833 = arith.addi %add3A_832, %scan3A_789 : i32
        %get3A_834 = arith.index_cast %add3A_833 : i32 to index
        %get3A_835 = arith.constant 96 : index
        %get3A_836 = tpu.vector_load %arg5[%get3A_834, %get3A_835] {strides = array<i32>} : memref<256x128xf32, #tpu.memory_space<vmem>>, vector<1x16xf32>,
        %get3A_837 = vector.shape_cast %get3A_836 : vector<1x16xf32> to vector<16xf32>
        %add3A_838 = arith.addf %add3A_780, %get3A_837 : vector<16xf32>
        %add3A_839 = arith.constant 192 : i32
        %add3A_840 = arith.addi %add3A_839, %scan3A_789 : i32
        %get3A_841 = arith.index_cast %add3A_840 : i32 to index
        %get3A_842 = arith.constant 112 : index
        %get3A_843 = tpu.vector_load %arg5[%get3A_841, %get3A_842] {strides = array<i32>} : memref<256x128xf32, #tpu.memory_space<vmem>>, vector<1x16xf32>,
        %get3A_844 = vector.shape_cast %get3A_843 : vector<1x16xf32> to vector<16xf32>
        %add3A_845 = arith.addf %add3A_787, %get3A_844 : vector<16xf32>
        scf.yield %add3A_796, %add3A_803, %add3A_810, %add3A_817, %add3A_824, %add3A_831, %add3A_838, %add3A_845 : vector<16xf32>, vector<16xf32>, vector<16xf32>, vector<16xf32>, vector<16xf32>, vector<16xf32>, vector<16xf32>, vector<16xf32>
      }
      %scan3A_486 = arith.constant 32 : i32
      %swap3A_487 = arith.constant 6 : i32
      %swap3A_488 = arith.index_cast %swap3A_487 : i32 to index
      %swap3A_489 = arith.constant 0 : index
      %swap3A_490 = tpu.vector_load %arg6[%swap3A_488, %swap3A_489] {strides = array<i32>} : memref<8x128xf32, #tpu.memory_space<vmem>>, vector<1x16xf32>,
      %swap3A_491 = vector.shape_cast %swap3A_490 : vector<1x16xf32> to vector<16xf32>
      %swap3A_492 = vector.shape_cast %scan3A_485#0 : vector<16xf32> to vector<1x16xf32>
      tpu.vector_store %arg6[%swap3A_488, %swap3A_489], %swap3A_492 {strides = array<i32>} : memref<8x128xf32, #tpu.memory_space<vmem>>, vector<1x16xf32>,
      %swap3A_493 = arith.constant 6 : i32
      %swap3A_494 = arith.index_cast %swap3A_493 : i32 to index
      %swap3A_495 = arith.constant 16 : index
      %swap3A_496 = tpu.vector_load %arg6[%swap3A_494, %swap3A_495] {strides = array<i32>} : memref<8x128xf32, #tpu.memory_space<vmem>>, vector<1x16xf32>,
      %swap3A_497 = vector.shape_cast %swap3A_496 : vector<1x16xf32> to vector<16xf32>
      %swap3A_498 = vector.shape_cast %scan3A_485#1 : vector<16xf32> to vector<1x16xf32>
      tpu.vector_store %arg6[%swap3A_494, %swap3A_495], %swap3A_498 {strides = array<i32>} : memref<8x128xf32, #tpu.memory_space<vmem>>, vector<1x16xf32>,
      %swap3A_499 = arith.constant 6 : i32
      %swap3A_500 = arith.index_cast %swap3A_499 : i32 to index
      %swap3A_501 = arith.constant 32 : index
      %swap3A_502 = tpu.vector_load %arg6[%swap3A_500, %swap3A_501] {strides = array<i32>} : memref<8x128xf32, #tpu.memory_space<vmem>>, vector<1x16xf32>,
      %swap3A_503 = vector.shape_cast %swap3A_502 : vector<1x16xf32> to vector<16xf32>
      %swap3A_504 = vector.shape_cast %scan3A_485#2 : vector<16xf32> to vector<1x16xf32>
      tpu.vector_store %arg6[%swap3A_500, %swap3A_501], %swap3A_504 {strides = array<i32>} : memref<8x128xf32, #tpu.memory_space<vmem>>, vector<1x16xf32>,
      %swap3A_505 = arith.constant 6 : i32
      %swap3A_506 = arith.index_cast %swap3A_505 : i32 to index
      %swap3A_507 = arith.constant 48 : index
      %swap3A_508 = tpu.vector_load %arg6[%swap3A_506, %swap3A_507] {strides = array<i32>} : memref<8x128xf32, #tpu.memory_space<vmem>>, vector<1x16xf32>,
      %swap3A_509 = vector.shape_cast %swap3A_508 : vector<1x16xf32> to vector<16xf32>
      %swap3A_510 = vector.shape_cast %scan3A_485#3 : vector<16xf32> to vector<1x16xf32>
      tpu.vector_store %arg6[%swap3A_506, %swap3A_507], %swap3A_510 {strides = array<i32>} : memref<8x128xf32, #tpu.memory_space<vmem>>, vector<1x16xf32>,
      %swap3A_511 = arith.constant 6 : i32
      %swap3A_512 = arith.index_cast %swap3A_511 : i32 to index
      %swap3A_513 = arith.constant 64 : index
      %swap3A_514 = tpu.vector_load %arg6[%swap3A_512, %swap3A_513] {strides = array<i32>} : memref<8x128xf32, #tpu.memory_space<vmem>>, vector<1x16xf32>,
      %swap3A_515 = vector.shape_cast %swap3A_514 : vector<1x16xf32> to vector<16xf32>
      %swap3A_516 = vector.shape_cast %scan3A_485#4 : vector<16xf32> to vector<1x16xf32>
      tpu.vector_store %arg6[%swap3A_512, %swap3A_513], %swap3A_516 {strides = array<i32>} : memref<8x128xf32, #tpu.memory_space<vmem>>, vector<1x16xf32>,
      %swap3A_517 = arith.constant 6 : i32
      %swap3A_518 = arith.index_cast %swap3A_517 : i32 to index
      %swap3A_519 = arith.constant 80 : index
      %swap3A_520 = tpu.vector_load %arg6[%swap3A_518, %swap3A_519] {strides = array<i32>} : memref<8x128xf32, #tpu.memory_space<vmem>>, vector<1x16xf32>,
      %swap3A_521 = vector.shape_cast %swap3A_520 : vector<1x16xf32> to vector<16xf32>
      %swap3A_522 = vector.shape_cast %scan3A_485#5 : vector<16xf32> to vector<1x16xf32>
      tpu.vector_store %arg6[%swap3A_518, %swap3A_519], %swap3A_522 {strides = array<i32>} : memref<8x128xf32, #tpu.memory_space<vmem>>, vector<1x16xf32>,
      %swap3A_523 = arith.constant 6 : i32
      %swap3A_524 = arith.index_cast %swap3A_523 : i32 to index
      %swap3A_525 = arith.constant 96 : index
      %swap3A_526 = tpu.vector_load %arg6[%swap3A_524, %swap3A_525] {strides = array<i32>} : memref<8x128xf32, #tpu.memory_space<vmem>>, vector<1x16xf32>,
      %swap3A_527 = vector.shape_cast %swap3A_526 : vector<1x16xf32> to vector<16xf32>
      %swap3A_528 = vector.shape_cast %scan3A_485#6 : vector<16xf32> to vector<1x16xf32>
      tpu.vector_store %arg6[%swap3A_524, %swap3A_525], %swap3A_528 {strides = array<i32>} : memref<8x128xf32, #tpu.memory_space<vmem>>, vector<1x16xf32>,
      %swap3A_529 = arith.constant 6 : i32
      %swap3A_530 = arith.index_cast %swap3A_529 : i32 to index
      %swap3A_531 = arith.constant 112 : index
      %swap3A_532 = tpu.vector_load %arg6[%swap3A_530, %swap3A_531] {strides = array<i32>} : memref<8x128xf32, #tpu.memory_space<vmem>>, vector<1x16xf32>,
      %swap3A_533 = vector.shape_cast %swap3A_532 : vector<1x16xf32> to vector<16xf32>
      %swap3A_534 = vector.shape_cast %scan3A_485#7 : vector<16xf32> to vector<1x16xf32>
      tpu.vector_store %arg6[%swap3A_530, %swap3A_531], %swap3A_534 {strides = array<i32>} : memref<8x128xf32, #tpu.memory_space<vmem>>, vector<1x16xf32>,
      %broadcast_in_dim3A_535 = arith.constant 0.000000e+00 : f32
      %broadcast_in_dim3A_536 = vector.broadcast %broadcast_in_dim3A_535 : f32 to vector<16xf32>
      %broadcast_in_dim3A_537 = arith.constant 0.000000e+00 : f32
      %broadcast_in_dim3A_538 = vector.broadcast %broadcast_in_dim3A_537 : f32 to vector<16xf32>
      %broadcast_in_dim3A_539 = arith.constant 0.000000e+00 : f32
      %broadcast_in_dim3A_540 = vector.broadcast %broadcast_in_dim3A_539 : f32 to vector<16xf32>
      %broadcast_in_dim3A_541 = arith.constant 0.000000e+00 : f32
      %broadcast_in_dim3A_542 = vector.broadcast %broadcast_in_dim3A_541 : f32 to vector<16xf32>
      %broadcast_in_dim3A_543 = arith.constant 0.000000e+00 : f32
      %broadcast_in_dim3A_544 = vector.broadcast %broadcast_in_dim3A_543 : f32 to vector<16xf32>
      %broadcast_in_dim3A_545 = arith.constant 0.000000e+00 : f32
      %broadcast_in_dim3A_546 = vector.broadcast %broadcast_in_dim3A_545 : f32 to vector<16xf32>
      %broadcast_in_dim3A_547 = arith.constant 0.000000e+00 : f32
      %broadcast_in_dim3A_548 = vector.broadcast %broadcast_in_dim3A_547 : f32 to vector<16xf32>
      %broadcast_in_dim3A_549 = arith.constant 0.000000e+00 : f32
      %broadcast_in_dim3A_550 = vector.broadcast %broadcast_in_dim3A_549 : f32 to vector<16xf32>
      %scan3A_551 = arith.constant 0 : i32
      %scan3A_552 = arith.constant 32 : i32
      %scan3A_553 = arith.addi %scan3A_551, %scan3A_552 : i32
      %scan3A_554 = arith.constant 4 : i32
      %scan3A_555:8 = scf.for %scan3A_608 = %scan3A_551 to %scan3A_553 step %scan3A_554 iter_args(%scan3A_609 = %broadcast_in_dim3A_536, %scan3A_610 = %broadcast_in_dim3A_538, %scan3A_611 = %broadcast_in_dim3A_540, %scan3A_612 = %broadcast_in_dim3A_542, %scan3A_613 = %broadcast_in_dim3A_544, %scan3A_614 = %broadcast_in_dim3A_546, %scan3A_615 = %broadcast_in_dim3A_548, %scan3A_616 = %broadcast_in_dim3A_550) -> (vector<16xf32>, vector<16xf32>, vector<16xf32>, vector<16xf32>, vector<16xf32>, vector<16xf32>, vector<16xf32>, vector<16xf32>)  : i32 {
        %add3A_617 = arith.constant 224 : i32
        %add3A_618 = arith.addi %add3A_617, %scan3A_608 : i32
        %get3A = arith.index_cast %add3A_618 : i32 to index
        %get3A_619 = arith.constant 0 : index
        %get3A_620 = tpu.vector_load %arg5[%get3A, %get3A_619] {strides = array<i32>} : memref<256x128xf32, #tpu.memory_space<vmem>>, vector<1x16xf32>,
        %get3A_621 = vector.shape_cast %get3A_620 : vector<1x16xf32> to vector<16xf32>
        %add3A_622 = arith.addf %scan3A_609, %get3A_621 : vector<16xf32>
        %add3A_623 = arith.constant 224 : i32
        %add3A_624 = arith.addi %add3A_623, %scan3A_608 : i32
        %get3A_625 = arith.index_cast %add3A_624 : i32 to index
        %get3A_626 = arith.constant 16 : index
        %get3A_627 = tpu.vector_load %arg5[%get3A_625, %get3A_626] {strides = array<i32>} : memref<256x128xf32, #tpu.memory_space<vmem>>, vector<1x16xf32>,
        %get3A_628 = vector.shape_cast %get3A_627 : vector<1x16xf32> to vector<16xf32>
        %add3A_629 = arith.addf %scan3A_610, %get3A_628 : vector<16xf32>
        %add3A_630 = arith.constant 224 : i32
        %add3A_631 = arith.addi %add3A_630, %scan3A_608 : i32
        %get3A_632 = arith.index_cast %add3A_631 : i32 to index
        %get3A_633 = arith.constant 32 : index
        %get3A_634 = tpu.vector_load %arg5[%get3A_632, %get3A_633] {strides = array<i32>} : memref<256x128xf32, #tpu.memory_space<vmem>>, vector<1x16xf32>,
        %get3A_635 = vector.shape_cast %get3A_634 : vector<1x16xf32> to vector<16xf32>
        %add3A_636 = arith.addf %scan3A_611, %get3A_635 : vector<16xf32>
        %add3A_637 = arith.constant 224 : i32
        %add3A_638 = arith.addi %add3A_637, %scan3A_608 : i32
        %get3A_639 = arith.index_cast %add3A_638 : i32 to index
        %get3A_640 = arith.constant 48 : index
        %get3A_641 = tpu.vector_load %arg5[%get3A_639, %get3A_640] {strides = array<i32>} : memref<256x128xf32, #tpu.memory_space<vmem>>, vector<1x16xf32>,
        %get3A_642 = vector.shape_cast %get3A_641 : vector<1x16xf32> to vector<16xf32>
        %add3A_643 = arith.addf %scan3A_612, %get3A_642 : vector<16xf32>
        %add3A_644 = arith.constant 224 : i32
        %add3A_645 = arith.addi %add3A_644, %scan3A_608 : i32
        %get3A_646 = arith.index_cast %add3A_645 : i32 to index
        %get3A_647 = arith.constant 64 : index
        %get3A_648 = tpu.vector_load %arg5[%get3A_646, %get3A_647] {strides = array<i32>} : memref<256x128xf32, #tpu.memory_space<vmem>>, vector<1x16xf32>,
        %get3A_649 = vector.shape_cast %get3A_648 : vector<1x16xf32> to vector<16xf32>
        %add3A_650 = arith.addf %scan3A_613, %get3A_649 : vector<16xf32>
        %add3A_651 = arith.constant 224 : i32
        %add3A_652 = arith.addi %add3A_651, %scan3A_608 : i32
        %get3A_653 = arith.index_cast %add3A_652 : i32 to index
        %get3A_654 = arith.constant 80 : index
        %get3A_655 = tpu.vector_load %arg5[%get3A_653, %get3A_654] {strides = array<i32>} : memref<256x128xf32, #tpu.memory_space<vmem>>, vector<1x16xf32>,
        %get3A_656 = vector.shape_cast %get3A_655 : vector<1x16xf32> to vector<16xf32>
        %add3A_657 = arith.addf %scan3A_614, %get3A_656 : vector<16xf32>
        %add3A_658 = arith.constant 224 : i32
        %add3A_659 = arith.addi %add3A_658, %scan3A_608 : i32
        %get3A_660 = arith.index_cast %add3A_659 : i32 to index
        %get3A_661 = arith.constant 96 : index
        %get3A_662 = tpu.vector_load %arg5[%get3A_660, %get3A_661] {strides = array<i32>} : memref<256x128xf32, #tpu.memory_space<vmem>>, vector<1x16xf32>,
        %get3A_663 = vector.shape_cast %get3A_662 : vector<1x16xf32> to vector<16xf32>
        %add3A_664 = arith.addf %scan3A_615, %get3A_663 : vector<16xf32>
        %add3A_665 = arith.constant 224 : i32
        %add3A_666 = arith.addi %add3A_665, %scan3A_608 : i32
        %get3A_667 = arith.index_cast %add3A_666 : i32 to index
        %get3A_668 = arith.constant 112 : index
        %get3A_669 = tpu.vector_load %arg5[%get3A_667, %get3A_668] {strides = array<i32>} : memref<256x128xf32, #tpu.memory_space<vmem>>, vector<1x16xf32>,
        %get3A_670 = vector.shape_cast %get3A_669 : vector<1x16xf32> to vector<16xf32>
        %add3A_671 = arith.addf %scan3A_616, %get3A_670 : vector<16xf32>
        %scan3A_672 = arith.constant 1 : i32
        %scan3A_673 = arith.addi %scan3A_608, %scan3A_672 : i32
        %add3A_674 = arith.constant 224 : i32
        %add3A_675 = arith.addi %add3A_674, %scan3A_673 : i32
        %get3A_676 = arith.index_cast %add3A_675 : i32 to index
        %get3A_677 = arith.constant 0 : index
        %get3A_678 = tpu.vector_load %arg5[%get3A_676, %get3A_677] {strides = array<i32>} : memref<256x128xf32, #tpu.memory_space<vmem>>, vector<1x16xf32>,
        %get3A_679 = vector.shape_cast %get3A_678 : vector<1x16xf32> to vector<16xf32>
        %add3A_680 = arith.addf %add3A_622, %get3A_679 : vector<16xf32>
        %add3A_681 = arith.constant 224 : i32
        %add3A_682 = arith.addi %add3A_681, %scan3A_673 : i32
        %get3A_683 = arith.index_cast %add3A_682 : i32 to index
        %get3A_684 = arith.constant 16 : index
        %get3A_685 = tpu.vector_load %arg5[%get3A_683, %get3A_684] {strides = array<i32>} : memref<256x128xf32, #tpu.memory_space<vmem>>, vector<1x16xf32>,
        %get3A_686 = vector.shape_cast %get3A_685 : vector<1x16xf32> to vector<16xf32>
        %add3A_687 = arith.addf %add3A_629, %get3A_686 : vector<16xf32>
        %add3A_688 = arith.constant 224 : i32
        %add3A_689 = arith.addi %add3A_688, %scan3A_673 : i32
        %get3A_690 = arith.index_cast %add3A_689 : i32 to index
        %get3A_691 = arith.constant 32 : index
        %get3A_692 = tpu.vector_load %arg5[%get3A_690, %get3A_691] {strides = array<i32>} : memref<256x128xf32, #tpu.memory_space<vmem>>, vector<1x16xf32>,
        %get3A_693 = vector.shape_cast %get3A_692 : vector<1x16xf32> to vector<16xf32>
        %add3A_694 = arith.addf %add3A_636, %get3A_693 : vector<16xf32>
        %add3A_695 = arith.constant 224 : i32
        %add3A_696 = arith.addi %add3A_695, %scan3A_673 : i32
        %get3A_697 = arith.index_cast %add3A_696 : i32 to index
        %get3A_698 = arith.constant 48 : index
        %get3A_699 = tpu.vector_load %arg5[%get3A_697, %get3A_698] {strides = array<i32>} : memref<256x128xf32, #tpu.memory_space<vmem>>, vector<1x16xf32>,
        %get3A_700 = vector.shape_cast %get3A_699 : vector<1x16xf32> to vector<16xf32>
        %add3A_701 = arith.addf %add3A_643, %get3A_700 : vector<16xf32>
        %add3A_702 = arith.constant 224 : i32
        %add3A_703 = arith.addi %add3A_702, %scan3A_673 : i32
        %get3A_704 = arith.index_cast %add3A_703 : i32 to index
        %get3A_705 = arith.constant 64 : index
        %get3A_706 = tpu.vector_load %arg5[%get3A_704, %get3A_705] {strides = array<i32>} : memref<256x128xf32, #tpu.memory_space<vmem>>, vector<1x16xf32>,
        %get3A_707 = vector.shape_cast %get3A_706 : vector<1x16xf32> to vector<16xf32>
        %add3A_708 = arith.addf %add3A_650, %get3A_707 : vector<16xf32>
        %add3A_709 = arith.constant 224 : i32
        %add3A_710 = arith.addi %add3A_709, %scan3A_673 : i32
        %get3A_711 = arith.index_cast %add3A_710 : i32 to index
        %get3A_712 = arith.constant 80 : index
        %get3A_713 = tpu.vector_load %arg5[%get3A_711, %get3A_712] {strides = array<i32>} : memref<256x128xf32, #tpu.memory_space<vmem>>, vector<1x16xf32>,
        %get3A_714 = vector.shape_cast %get3A_713 : vector<1x16xf32> to vector<16xf32>
        %add3A_715 = arith.addf %add3A_657, %get3A_714 : vector<16xf32>
        %add3A_716 = arith.constant 224 : i32
        %add3A_717 = arith.addi %add3A_716, %scan3A_673 : i32
        %get3A_718 = arith.index_cast %add3A_717 : i32 to index
        %get3A_719 = arith.constant 96 : index
        %get3A_720 = tpu.vector_load %arg5[%get3A_718, %get3A_719] {strides = array<i32>} : memref<256x128xf32, #tpu.memory_space<vmem>>, vector<1x16xf32>,
        %get3A_721 = vector.shape_cast %get3A_720 : vector<1x16xf32> to vector<16xf32>
        %add3A_722 = arith.addf %add3A_664, %get3A_721 : vector<16xf32>
        %add3A_723 = arith.constant 224 : i32
        %add3A_724 = arith.addi %add3A_723, %scan3A_673 : i32
        %get3A_725 = arith.index_cast %add3A_724 : i32 to index
        %get3A_726 = arith.constant 112 : index
        %get3A_727 = tpu.vector_load %arg5[%get3A_725, %get3A_726] {strides = array<i32>} : memref<256x128xf32, #tpu.memory_space<vmem>>, vector<1x16xf32>,
        %get3A_728 = vector.shape_cast %get3A_727 : vector<1x16xf32> to vector<16xf32>
        %add3A_729 = arith.addf %add3A_671, %get3A_728 : vector<16xf32>
        %scan3A_730 = arith.constant 2 : i32
        %scan3A_731 = arith.addi %scan3A_608, %scan3A_730 : i32
        %add3A_732 = arith.constant 224 : i32
        %add3A_733 = arith.addi %add3A_732, %scan3A_731 : i32
        %get3A_734 = arith.index_cast %add3A_733 : i32 to index
        %get3A_735 = arith.constant 0 : index
        %get3A_736 = tpu.vector_load %arg5[%get3A_734, %get3A_735] {strides = array<i32>} : memref<256x128xf32, #tpu.memory_space<vmem>>, vector<1x16xf32>,
        %get3A_737 = vector.shape_cast %get3A_736 : vector<1x16xf32> to vector<16xf32>
        %add3A_738 = arith.addf %add3A_680, %get3A_737 : vector<16xf32>
        %add3A_739 = arith.constant 224 : i32
        %add3A_740 = arith.addi %add3A_739, %scan3A_731 : i32
        %get3A_741 = arith.index_cast %add3A_740 : i32 to index
        %get3A_742 = arith.constant 16 : index
        %get3A_743 = tpu.vector_load %arg5[%get3A_741, %get3A_742] {strides = array<i32>} : memref<256x128xf32, #tpu.memory_space<vmem>>, vector<1x16xf32>,
        %get3A_744 = vector.shape_cast %get3A_743 : vector<1x16xf32> to vector<16xf32>
        %add3A_745 = arith.addf %add3A_687, %get3A_744 : vector<16xf32>
        %add3A_746 = arith.constant 224 : i32
        %add3A_747 = arith.addi %add3A_746, %scan3A_731 : i32
        %get3A_748 = arith.index_cast %add3A_747 : i32 to index
        %get3A_749 = arith.constant 32 : index
        %get3A_750 = tpu.vector_load %arg5[%get3A_748, %get3A_749] {strides = array<i32>} : memref<256x128xf32, #tpu.memory_space<vmem>>, vector<1x16xf32>,
        %get3A_751 = vector.shape_cast %get3A_750 : vector<1x16xf32> to vector<16xf32>
        %add3A_752 = arith.addf %add3A_694, %get3A_751 : vector<16xf32>
        %add3A_753 = arith.constant 224 : i32
        %add3A_754 = arith.addi %add3A_753, %scan3A_731 : i32
        %get3A_755 = arith.index_cast %add3A_754 : i32 to index
        %get3A_756 = arith.constant 48 : index
        %get3A_757 = tpu.vector_load %arg5[%get3A_755, %get3A_756] {strides = array<i32>} : memref<256x128xf32, #tpu.memory_space<vmem>>, vector<1x16xf32>,
        %get3A_758 = vector.shape_cast %get3A_757 : vector<1x16xf32> to vector<16xf32>
        %add3A_759 = arith.addf %add3A_701, %get3A_758 : vector<16xf32>
        %add3A_760 = arith.constant 224 : i32
        %add3A_761 = arith.addi %add3A_760, %scan3A_731 : i32
        %get3A_762 = arith.index_cast %add3A_761 : i32 to index
        %get3A_763 = arith.constant 64 : index
        %get3A_764 = tpu.vector_load %arg5[%get3A_762, %get3A_763] {strides = array<i32>} : memref<256x128xf32, #tpu.memory_space<vmem>>, vector<1x16xf32>,
        %get3A_765 = vector.shape_cast %get3A_764 : vector<1x16xf32> to vector<16xf32>
        %add3A_766 = arith.addf %add3A_708, %get3A_765 : vector<16xf32>
        %add3A_767 = arith.constant 224 : i32
        %add3A_768 = arith.addi %add3A_767, %scan3A_731 : i32
        %get3A_769 = arith.index_cast %add3A_768 : i32 to index
        %get3A_770 = arith.constant 80 : index
        %get3A_771 = tpu.vector_load %arg5[%get3A_769, %get3A_770] {strides = array<i32>} : memref<256x128xf32, #tpu.memory_space<vmem>>, vector<1x16xf32>,
        %get3A_772 = vector.shape_cast %get3A_771 : vector<1x16xf32> to vector<16xf32>
        %add3A_773 = arith.addf %add3A_715, %get3A_772 : vector<16xf32>
        %add3A_774 = arith.constant 224 : i32
        %add3A_775 = arith.addi %add3A_774, %scan3A_731 : i32
        %get3A_776 = arith.index_cast %add3A_775 : i32 to index
        %get3A_777 = arith.constant 96 : index
        %get3A_778 = tpu.vector_load %arg5[%get3A_776, %get3A_777] {strides = array<i32>} : memref<256x128xf32, #tpu.memory_space<vmem>>, vector<1x16xf32>,
        %get3A_779 = vector.shape_cast %get3A_778 : vector<1x16xf32> to vector<16xf32>
        %add3A_780 = arith.addf %add3A_722, %get3A_779 : vector<16xf32>
        %add3A_781 = arith.constant 224 : i32
        %add3A_782 = arith.addi %add3A_781, %scan3A_731 : i32
        %get3A_783 = arith.index_cast %add3A_782 : i32 to index
        %get3A_784 = arith.constant 112 : index
        %get3A_785 = tpu.vector_load %arg5[%get3A_783, %get3A_784] {strides = array<i32>} : memref<256x128xf32, #tpu.memory_space<vmem>>, vector<1x16xf32>,
        %get3A_786 = vector.shape_cast %get3A_785 : vector<1x16xf32> to vector<16xf32>
        %add3A_787 = arith.addf %add3A_729, %get3A_786 : vector<16xf32>
        %scan3A_788 = arith.constant 3 : i32
        %scan3A_789 = arith.addi %scan3A_608, %scan3A_788 : i32
        %add3A_790 = arith.constant 224 : i32
        %add3A_791 = arith.addi %add3A_790, %scan3A_789 : i32
        %get3A_792 = arith.index_cast %add3A_791 : i32 to index
        %get3A_793 = arith.constant 0 : index
        %get3A_794 = tpu.vector_load %arg5[%get3A_792, %get3A_793] {strides = array<i32>} : memref<256x128xf32, #tpu.memory_space<vmem>>, vector<1x16xf32>,
        %get3A_795 = vector.shape_cast %get3A_794 : vector<1x16xf32> to vector<16xf32>
        %add3A_796 = arith.addf %add3A_738, %get3A_795 : vector<16xf32>
        %add3A_797 = arith.constant 224 : i32
        %add3A_798 = arith.addi %add3A_797, %scan3A_789 : i32
        %get3A_799 = arith.index_cast %add3A_798 : i32 to index
        %get3A_800 = arith.constant 16 : index
        %get3A_801 = tpu.vector_load %arg5[%get3A_799, %get3A_800] {strides = array<i32>} : memref<256x128xf32, #tpu.memory_space<vmem>>, vector<1x16xf32>,
        %get3A_802 = vector.shape_cast %get3A_801 : vector<1x16xf32> to vector<16xf32>
        %add3A_803 = arith.addf %add3A_745, %get3A_802 : vector<16xf32>
        %add3A_804 = arith.constant 224 : i32
        %add3A_805 = arith.addi %add3A_804, %scan3A_789 : i32
        %get3A_806 = arith.index_cast %add3A_805 : i32 to index
        %get3A_807 = arith.constant 32 : index
        %get3A_808 = tpu.vector_load %arg5[%get3A_806, %get3A_807] {strides = array<i32>} : memref<256x128xf32, #tpu.memory_space<vmem>>, vector<1x16xf32>,
        %get3A_809 = vector.shape_cast %get3A_808 : vector<1x16xf32> to vector<16xf32>
        %add3A_810 = arith.addf %add3A_752, %get3A_809 : vector<16xf32>
        %add3A_811 = arith.constant 224 : i32
        %add3A_812 = arith.addi %add3A_811, %scan3A_789 : i32
        %get3A_813 = arith.index_cast %add3A_812 : i32 to index
        %get3A_814 = arith.constant 48 : index
        %get3A_815 = tpu.vector_load %arg5[%get3A_813, %get3A_814] {strides = array<i32>} : memref<256x128xf32, #tpu.memory_space<vmem>>, vector<1x16xf32>,
        %get3A_816 = vector.shape_cast %get3A_815 : vector<1x16xf32> to vector<16xf32>
        %add3A_817 = arith.addf %add3A_759, %get3A_816 : vector<16xf32>
        %add3A_818 = arith.constant 224 : i32
        %add3A_819 = arith.addi %add3A_818, %scan3A_789 : i32
        %get3A_820 = arith.index_cast %add3A_819 : i32 to index
        %get3A_821 = arith.constant 64 : index
        %get3A_822 = tpu.vector_load %arg5[%get3A_820, %get3A_821] {strides = array<i32>} : memref<256x128xf32, #tpu.memory_space<vmem>>, vector<1x16xf32>,
        %get3A_823 = vector.shape_cast %get3A_822 : vector<1x16xf32> to vector<16xf32>
        %add3A_824 = arith.addf %add3A_766, %get3A_823 : vector<16xf32>
        %add3A_825 = arith.constant 224 : i32
        %add3A_826 = arith.addi %add3A_825, %scan3A_789 : i32
        %get3A_827 = arith.index_cast %add3A_826 : i32 to index
        %get3A_828 = arith.constant 80 : index
        %get3A_829 = tpu.vector_load %arg5[%get3A_827, %get3A_828] {strides = array<i32>} : memref<256x128xf32, #tpu.memory_space<vmem>>, vector<1x16xf32>,
        %get3A_830 = vector.shape_cast %get3A_829 : vector<1x16xf32> to vector<16xf32>
        %add3A_831 = arith.addf %add3A_773, %get3A_830 : vector<16xf32>
        %add3A_832 = arith.constant 224 : i32
        %add3A_833 = arith.addi %add3A_832, %scan3A_789 : i32
        %get3A_834 = arith.index_cast %add3A_833 : i32 to index
        %get3A_835 = arith.constant 96 : index
        %get3A_836 = tpu.vector_load %arg5[%get3A_834, %get3A_835] {strides = array<i32>} : memref<256x128xf32, #tpu.memory_space<vmem>>, vector<1x16xf32>,
        %get3A_837 = vector.shape_cast %get3A_836 : vector<1x16xf32> to vector<16xf32>
        %add3A_838 = arith.addf %add3A_780, %get3A_837 : vector<16xf32>
        %add3A_839 = arith.constant 224 : i32
        %add3A_840 = arith.addi %add3A_839, %scan3A_789 : i32
        %get3A_841 = arith.index_cast %add3A_840 : i32 to index
        %get3A_842 = arith.constant 112 : index
        %get3A_843 = tpu.vector_load %arg5[%get3A_841, %get3A_842] {strides = array<i32>} : memref<256x128xf32, #tpu.memory_space<vmem>>, vector<1x16xf32>,
        %get3A_844 = vector.shape_cast %get3A_843 : vector<1x16xf32> to vector<16xf32>
        %add3A_845 = arith.addf %add3A_787, %get3A_844 : vector<16xf32>
        scf.yield %add3A_796, %add3A_803, %add3A_810, %add3A_817, %add3A_824, %add3A_831, %add3A_838, %add3A_845 : vector<16xf32>, vector<16xf32>, vector<16xf32>, vector<16xf32>, vector<16xf32>, vector<16xf32>, vector<16xf32>, vector<16xf32>
      }
      %scan3A_556 = arith.constant 32 : i32
      %swap3A_557 = arith.constant 7 : i32
      %swap3A_558 = arith.index_cast %swap3A_557 : i32 to index
      %swap3A_559 = arith.constant 0 : index
      %swap3A_560 = tpu.vector_load %arg6[%swap3A_558, %swap3A_559] {strides = array<i32>} : memref<8x128xf32, #tpu.memory_space<vmem>>, vector<1x16xf32>,
      %swap3A_561 = vector.shape_cast %swap3A_560 : vector<1x16xf32> to vector<16xf32>
      %swap3A_562 = vector.shape_cast %scan3A_555#0 : vector<16xf32> to vector<1x16xf32>
      tpu.vector_store %arg6[%swap3A_558, %swap3A_559], %swap3A_562 {strides = array<i32>} : memref<8x128xf32, #tpu.memory_space<vmem>>, vector<1x16xf32>,
      %swap3A_563 = arith.constant 7 : i32
      %swap3A_564 = arith.index_cast %swap3A_563 : i32 to index
      %swap3A_565 = arith.constant 16 : index
      %swap3A_566 = tpu.vector_load %arg6[%swap3A_564, %swap3A_565] {strides = array<i32>} : memref<8x128xf32, #tpu.memory_space<vmem>>, vector<1x16xf32>,
      %swap3A_567 = vector.shape_cast %swap3A_566 : vector<1x16xf32> to vector<16xf32>
      %swap3A_568 = vector.shape_cast %scan3A_555#1 : vector<16xf32> to vector<1x16xf32>
      tpu.vector_store %arg6[%swap3A_564, %swap3A_565], %swap3A_568 {strides = array<i32>} : memref<8x128xf32, #tpu.memory_space<vmem>>, vector<1x16xf32>,
      %swap3A_569 = arith.constant 7 : i32
      %swap3A_570 = arith.index_cast %swap3A_569 : i32 to index
      %swap3A_571 = arith.constant 32 : index
      %swap3A_572 = tpu.vector_load %arg6[%swap3A_570, %swap3A_571] {strides = array<i32>} : memref<8x128xf32, #tpu.memory_space<vmem>>, vector<1x16xf32>,
      %swap3A_573 = vector.shape_cast %swap3A_572 : vector<1x16xf32> to vector<16xf32>
      %swap3A_574 = vector.shape_cast %scan3A_555#2 : vector<16xf32> to vector<1x16xf32>
      tpu.vector_store %arg6[%swap3A_570, %swap3A_571], %swap3A_574 {strides = array<i32>} : memref<8x128xf32, #tpu.memory_space<vmem>>, vector<1x16xf32>,
      %swap3A_575 = arith.constant 7 : i32
      %swap3A_576 = arith.index_cast %swap3A_575 : i32 to index
      %swap3A_577 = arith.constant 48 : index
      %swap3A_578 = tpu.vector_load %arg6[%swap3A_576, %swap3A_577] {strides = array<i32>} : memref<8x128xf32, #tpu.memory_space<vmem>>, vector<1x16xf32>,
      %swap3A_579 = vector.shape_cast %swap3A_578 : vector<1x16xf32> to vector<16xf32>
      %swap3A_580 = vector.shape_cast %scan3A_555#3 : vector<16xf32> to vector<1x16xf32>
      tpu.vector_store %arg6[%swap3A_576, %swap3A_577], %swap3A_580 {strides = array<i32>} : memref<8x128xf32, #tpu.memory_space<vmem>>, vector<1x16xf32>,
      %swap3A_581 = arith.constant 7 : i32
      %swap3A_582 = arith.index_cast %swap3A_581 : i32 to index
      %swap3A_583 = arith.constant 64 : index
      %swap3A_584 = tpu.vector_load %arg6[%swap3A_582, %swap3A_583] {strides = array<i32>} : memref<8x128xf32, #tpu.memory_space<vmem>>, vector<1x16xf32>,
      %swap3A_585 = vector.shape_cast %swap3A_584 : vector<1x16xf32> to vector<16xf32>
      %swap3A_586 = vector.shape_cast %scan3A_555#4 : vector<16xf32> to vector<1x16xf32>
      tpu.vector_store %arg6[%swap3A_582, %swap3A_583], %swap3A_586 {strides = array<i32>} : memref<8x128xf32, #tpu.memory_space<vmem>>, vector<1x16xf32>,
      %swap3A_587 = arith.constant 7 : i32
      %swap3A_588 = arith.index_cast %swap3A_587 : i32 to index
      %swap3A_589 = arith.constant 80 : index
      %swap3A_590 = tpu.vector_load %arg6[%swap3A_588, %swap3A_589] {strides = array<i32>} : memref<8x128xf32, #tpu.memory_space<vmem>>, vector<1x16xf32>,
      %swap3A_591 = vector.shape_cast %swap3A_590 : vector<1x16xf32> to vector<16xf32>
      %swap3A_592 = vector.shape_cast %scan3A_555#5 : vector<16xf32> to vector<1x16xf32>
      tpu.vector_store %arg6[%swap3A_588, %swap3A_589], %swap3A_592 {strides = array<i32>} : memref<8x128xf32, #tpu.memory_space<vmem>>, vector<1x16xf32>,
      %swap3A_593 = arith.constant 7 : i32
      %swap3A_594 = arith.index_cast %swap3A_593 : i32 to index
      %swap3A_595 = arith.constant 96 : index
      %swap3A_596 = tpu.vector_load %arg6[%swap3A_594, %swap3A_595] {strides = array<i32>} : memref<8x128xf32, #tpu.memory_space<vmem>>, vector<1x16xf32>,
      %swap3A_597 = vector.shape_cast %swap3A_596 : vector<1x16xf32> to vector<16xf32>
      %swap3A_598 = vector.shape_cast %scan3A_555#6 : vector<16xf32> to vector<1x16xf32>
      tpu.vector_store %arg6[%swap3A_594, %swap3A_595], %swap3A_598 {strides = array<i32>} : memref<8x128xf32, #tpu.memory_space<vmem>>, vector<1x16xf32>,
      %swap3A_599 = arith.constant 7 : i32
      %swap3A_600 = arith.index_cast %swap3A_599 : i32 to index
      %swap3A_601 = arith.constant 112 : index
      %swap3A_602 = tpu.vector_load %arg6[%swap3A_600, %swap3A_601] {strides = array<i32>} : memref<8x128xf32, #tpu.memory_space<vmem>>, vector<1x16xf32>,
      %swap3A_603 = vector.shape_cast %swap3A_602 : vector<1x16xf32> to vector<16xf32>
      %swap3A_604 = vector.shape_cast %scan3A_555#7 : vector<16xf32> to vector<1x16xf32>
      tpu.vector_store %arg6[%swap3A_600, %swap3A_601], %swap3A_604 {strides = array<i32>} : memref<8x128xf32, #tpu.memory_space<vmem>>, vector<1x16xf32>,
      %sub3A = arith.constant 1200 : i32
      %sub3A_605 = arith.subi %add3A_28, %sub3A : i32
      %mul3A_606 = arith.constant 8 : i32
      %mul3A_607 = arith.muli %sub3A_605, %mul3A_606 : i32
      "tpu.region"() ({
        %run_scoped3A = tpu.sem_alloc : memref<!tpu.dma_semaphore, #tpu.memory_space<semaphore_mem>>
        %dma_start3A = arith.constant 0 : i32
        %dma_start3A_608 = tpu.memref_slice %arg3[%mul3A_607, %dma_start3A] : memref<400x128xf32, #tpu.memory_space<hbm>> -> memref<8x128xf32, #tpu.memory_space<hbm>>
        %dma_start3A_609 = arith.constant 0 : i32
        %dma_start3A_610 = tpu.memref_slice %arg3[%mul3A_607, %dma_start3A_609] : memref<400x128xf32, #tpu.memory_space<hbm>> -> memref<8x128xf32, #tpu.memory_space<hbm>>
        tpu.enqueue_dma source(%arg6 : memref<8x128xf32, #tpu.memory_space<vmem>>) target(%dma_start3A_610 : memref<8x128xf32, #tpu.memory_space<hbm>>) target_semaphore(%run_scoped3A : memref<!tpu.dma_semaphore, #tpu.memory_space<semaphore_mem>>)
        %dma_wait3A_611 = arith.constant 0 : i32
        %dma_wait3A_612 = tpu.memref_slice %arg3[%mul3A_607, %dma_wait3A_611] : memref<400x128xf32, #tpu.memory_space<hbm>> -> memref<8x128xf32, #tpu.memory_space<hbm>>
        %dma_wait3A_613 = arith.constant 0 : i32
        %dma_wait3A_614 = tpu.memref_slice %arg3[%mul3A_607, %dma_wait3A_613] : memref<400x128xf32, #tpu.memory_space<hbm>> -> memref<8x128xf32, #tpu.memory_space<hbm>>
        tpu.wait_dma2 semaphore(%run_scoped3A : memref<!tpu.dma_semaphore, #tpu.memory_space<semaphore_mem>>) src(%arg6 : memref<8x128xf32, #tpu.memory_space<vmem>>) dst(%dma_wait3A_614 : memref<8x128xf32, #tpu.memory_space<hbm>>)
        tpu.yield
      }) : () -> ()
    } else {
    }
    %scan3A_34 = arith.constant 1 : i32
    return
  }
}

module attributes {stable_mosaic.version = 14 : i64} {
  func.func @_dense_body(%arg0: i32, %arg1: memref<10000x256xf32, #tpu.memory_space<any>>, %arg2: memref<400x128xf32, #tpu.memory_space<vmem>>, %arg3: memref<400x128xf32, #tpu.memory_space<vmem>>, %arg4: memref<256x256xf32, #tpu.memory_space<vmem>>, %arg5: memref<400x256xf32, #tpu.memory_space<vmem>>) attributes {dimension_semantics = [#tpu.dimension_semantics<parallel>], iteration_bounds = array<i64: 1>, scalar_prefetch = 0 : i64, scratch_operands = 0 : i64, tpu.core_type = #tpu.core_type<tc>, window_params = [{}, {transform_indices = @transform_1, window_bounds = array<i64: 400, 128>}, {transform_indices = @transform_2, window_bounds = array<i64: 400, 128>}, {pipeline_mode = #tpu.pipeline_mode<synchronous>, transform_indices = @transform_3, window_bounds = array<i64: 256, 256>}, {transform_indices = @transform_4, window_bounds = array<i64: 400, 256>}]} {
    %get3A = arith.constant 0 : index
    %get3A_0 = arith.constant 0 : index
    %get3A_1 = vector.load %arg2[%get3A, %get3A_0] : memref<400x128xf32, #tpu.memory_space<vmem>>, vector<400x128xf32>
    %get3A_2 = arith.constant 0 : index
    %get3A_3 = arith.constant 0 : index
    %get3A_4 = vector.load %arg4[%get3A_2, %get3A_3] : memref<256x256xf32, #tpu.memory_space<vmem>>, vector<128x256xf32>
    %dot_general3A = arith.constant dense<0.000000e+00> : vector<400x256xf32>
    %dot_general3A_5 = tpu.matmul %get3A_1, %get3A_4, %dot_general3A {dimension_numbers = #tpu.dot_dimension_numbers<[1], [0], [0], [1], [0, 0, 1, 1], [], []>, transpose_lhs_hint = false} : vector<400x128xf32>, vector<128x256xf32>, vector<400x256xf32> -> vector<400x256xf32>
    %get3A_6 = arith.constant 0 : index
    %get3A_7 = arith.constant 0 : index
    %get3A_8 = vector.load %arg3[%get3A_6, %get3A_7] : memref<400x128xf32, #tpu.memory_space<vmem>>, vector<400x128xf32>
    %mul3A = arith.constant 3.125000e-02 : f32
    %mul3A_9 = vector.broadcast %mul3A : f32 to vector<400x128xf32>
    %mul3A_10 = arith.mulf %get3A_8, %mul3A_9 : vector<400x128xf32>
    %get3A_11 = arith.constant 128 : index
    %get3A_12 = arith.constant 0 : index
    %get3A_13 = vector.load %arg4[%get3A_11, %get3A_12] : memref<256x256xf32, #tpu.memory_space<vmem>>, vector<128x256xf32>
    %dot_general3A_14 = arith.constant dense<0.000000e+00> : vector<400x256xf32>
    %dot_general3A_15 = tpu.matmul %mul3A_10, %get3A_13, %dot_general3A_14 {dimension_numbers = #tpu.dot_dimension_numbers<[1], [0], [0], [1], [0, 0, 1, 1], [], []>, transpose_lhs_hint = false} : vector<400x128xf32>, vector<128x256xf32>, vector<400x256xf32> -> vector<400x256xf32>
    %add3A = arith.addf %dot_general3A_5, %dot_general3A_15 : vector<400x256xf32>
    %max3A = arith.constant 0.000000e+00 : f32
    %max3A_16 = vector.broadcast %max3A : f32 to vector<400x256xf32>
    %max3A_17 = arith.maximumf %add3A, %max3A_16 : vector<400x256xf32>
    %swap3A = arith.constant 0 : index
    %swap3A_18 = arith.constant 0 : index
    %swap3A_19 = vector.load %arg5[%swap3A, %swap3A_18] : memref<400x256xf32, #tpu.memory_space<vmem>>, vector<400x256xf32>
    tpu.vector_store %arg5[%swap3A, %swap3A_18], %max3A_17 {strides = array<i32>} : memref<400x256xf32, #tpu.memory_space<vmem>>, vector<400x256xf32>,
    return
  }
  func.func @transform_1(%arg0: i32) -> (i32, i32) {
    %add3A = arith.constant 24 : i32
    %add3A_0 = arith.addi %arg0, %add3A : i32
    %c0_i32 = arith.constant 0 : i32
    %c0_i32_1 = arith.constant 0 : i32
    return %add3A_0, %c0_i32 : i32, i32
  }
  func.func @transform_2(%arg0: i32) -> (i32, i32) {
    %c0_i32 = arith.constant 0 : i32
    %c0_i32_0 = arith.constant 0 : i32
    return %arg0, %c0_i32 : i32, i32
  }
  func.func @transform_3(%arg0: i32) -> (i32, i32) {
    %c0_i32 = arith.constant 0 : i32
    %c0_i32_0 = arith.constant 0 : i32
    %c0_i32_1 = arith.constant 0 : i32
    return %c0_i32, %c0_i32_0 : i32, i32
  }
  func.func @transform_4(%arg0: i32) -> (i32, i32) {
    %add3A = arith.constant 24 : i32
    %add3A_0 = arith.addi %arg0, %add3A : i32
    %c0_i32 = arith.constant 0 : i32
    %c0_i32_1 = arith.constant 0 : i32
    return %add3A_0, %c0_i32 : i32, i32
  }
}

module attributes {stable_mosaic.version = 14 : i64} {
  func.func @_fused_body(%arg0: i32, %arg1: memref<800x128xf32, #tpu.memory_space<vmem>>, %arg2: memref<800x32x128xf32, #tpu.memory_space<vmem>>, %arg3: memref<256x256xf32, #tpu.memory_space<vmem>>, %arg4: memref<800x256xf32, #tpu.memory_space<vmem>>) attributes {dimension_semantics = [#tpu.dimension_semantics<parallel>], iteration_bounds = array<i64: 12>, scalar_prefetch = 0 : i64, scratch_operands = 0 : i64, tpu.core_type = #tpu.core_type<tc>, window_params = [{transform_indices = @transform_0, window_bounds = array<i64: 800, 128>}, {transform_indices = @transform_1, window_bounds = array<i64: 800, 32, 128>}, {pipeline_mode = #tpu.pipeline_mode<synchronous>, transform_indices = @transform_2, window_bounds = array<i64: 256, 256>}, {transform_indices = @transform_3, window_bounds = array<i64: 800, 256>}]} {
    %get3A = arith.constant 0 : index
    %get3A_0 = arith.constant 0 : index
    %get3A_1 = arith.constant 0 : index
    %get3A_2 = vector.load %arg2[%get3A, %get3A_0, %get3A_1] : memref<800x32x128xf32, #tpu.memory_space<vmem>>, vector<800x32x128xf32>
    %reduce_sum3A = arith.constant dense<0.000000e+00> : vector<800x128xf32>
    %reduce_sum3A_3 = vector.multi_reduction <add>, %get3A_2, %reduce_sum3A [1] : vector<800x32x128xf32> to vector<800x128xf32>
    %get3A_4 = arith.constant 0 : index
    %get3A_5 = arith.constant 0 : index
    %get3A_6 = vector.load %arg1[%get3A_4, %get3A_5] : memref<800x128xf32, #tpu.memory_space<vmem>>, vector<800x128xf32>
    %get3A_7 = arith.constant 0 : index
    %get3A_8 = arith.constant 0 : index
    %get3A_9 = vector.load %arg3[%get3A_7, %get3A_8] : memref<256x256xf32, #tpu.memory_space<vmem>>, vector<128x256xf32>
    %dot_general3A = arith.constant dense<0.000000e+00> : vector<800x256xf32>
    %dot_general3A_10 = tpu.matmul %get3A_6, %get3A_9, %dot_general3A {dimension_numbers = #tpu.dot_dimension_numbers<[1], [0], [0], [1], [0, 0, 1, 1], [], []>, transpose_lhs_hint = false} : vector<800x128xf32>, vector<128x256xf32>, vector<800x256xf32> -> vector<800x256xf32>
    %mul3A = arith.constant 3.125000e-02 : f32
    %mul3A_11 = vector.broadcast %mul3A : f32 to vector<800x128xf32>
    %mul3A_12 = arith.mulf %reduce_sum3A_3, %mul3A_11 : vector<800x128xf32>
    %get3A_13 = arith.constant 128 : index
    %get3A_14 = arith.constant 0 : index
    %get3A_15 = vector.load %arg3[%get3A_13, %get3A_14] : memref<256x256xf32, #tpu.memory_space<vmem>>, vector<128x256xf32>
    %dot_general3A_16 = arith.constant dense<0.000000e+00> : vector<800x256xf32>
    %dot_general3A_17 = tpu.matmul %mul3A_12, %get3A_15, %dot_general3A_16 {dimension_numbers = #tpu.dot_dimension_numbers<[1], [0], [0], [1], [0, 0, 1, 1], [], []>, transpose_lhs_hint = false} : vector<800x128xf32>, vector<128x256xf32>, vector<800x256xf32> -> vector<800x256xf32>
    %add3A = arith.addf %dot_general3A_10, %dot_general3A_17 : vector<800x256xf32>
    %max3A = arith.constant 0.000000e+00 : f32
    %max3A_18 = vector.broadcast %max3A : f32 to vector<800x256xf32>
    %max3A_19 = arith.maximumf %add3A, %max3A_18 : vector<800x256xf32>
    %swap3A = arith.constant 0 : index
    %swap3A_20 = arith.constant 0 : index
    %swap3A_21 = vector.load %arg4[%swap3A, %swap3A_20] : memref<800x256xf32, #tpu.memory_space<vmem>>, vector<800x256xf32>
    tpu.vector_store %arg4[%swap3A, %swap3A_20], %max3A_19 {strides = array<i32>} : memref<800x256xf32, #tpu.memory_space<vmem>>, vector<800x256xf32>,
    return
  }
  func.func @transform_0(%arg0: i32) -> (i32, i32) {
    %c0_i32 = arith.constant 0 : i32
    %c0_i32_0 = arith.constant 0 : i32
    return %arg0, %c0_i32 : i32, i32
  }
  func.func @transform_1(%arg0: i32) -> (i32, i32, i32) {
    %c0_i32 = arith.constant 0 : i32
    %c0_i32_0 = arith.constant 0 : i32
    %c0_i32_1 = arith.constant 0 : i32
    return %arg0, %c0_i32, %c0_i32_0 : i32, i32, i32
  }
  func.func @transform_2(%arg0: i32) -> (i32, i32) {
    %c0_i32 = arith.constant 0 : i32
    %c0_i32_0 = arith.constant 0 : i32
    %c0_i32_1 = arith.constant 0 : i32
    return %c0_i32, %c0_i32_0 : i32, i32
  }
  func.func @transform_3(%arg0: i32) -> (i32, i32) {
    %c0_i32 = arith.constant 0 : i32
    %c0_i32_0 = arith.constant 0 : i32
    return %arg0, %c0_i32 : i32, i32
  }
}

</mosaic_0001>

<sc_bundles>
// kernel: kernel.5.cloned.1.call-start
scs
__scs_entry_jumppad:
0x0: {  	(pc) =	sbr.rel $0x88, $3  }
0x1: {  	(tag) =	ssettag $0x0;
	lr =	simm.s32 $0x1  }
0x2: {  	[smem:$0x3F9E] =	sst lr;
	_ =	strace $0xD0000000  }
0x3: {  	_ = 	snop  }
0x4: {  	_ = 	snop  }
0x5: {  	_ = 	snop  }
0x6: {  	_ = 	snop  }
0x7: {  	_ = 	snop  }
__scs_overlays_trampoline_lowered:
0x8: {  	[smem:$0x3FAD] =	sst s0  }
0x9: {  	[smem:$0x3FAE] =	sst s1  }
0xa: {  	[smem:$0x3FAF] =	sst s2  }
0xb: {  	[smem:$0x3FB0] =	sst s3  }
0xc: {  	[smem:$0x3FB1] =	sst s4  }
0xd: {  	[smem:$0x3FB2] =	sst s5  }
0xe: {  	[smem:$0x3FB3] =	sst s6  }
0xf: {  	[smem:$0x3FB4] =	sst s7  }
0x10: {  	[smem:$0x3FB5] =	sst s8  }
0x11: {  	[smem:$0x3FB6] =	sst s9;
	s0 =	simm.s32 @!p0 $0x0  }
0x12: {  	s1 =	sld [smem:$0x3F9C];
	s0 =	simm.s32 @p0 $0x1  }
0x13: {  	[smem:$0x3FB7] =	sst s0;
	s0 =	simm.s32 @!p1 $0x0  }
0x14: {  	s2 =	sld [smem:$0x3F9B];
	s0 =	simm.s32 @p1 $0x1  }
0x15: {  	[smem:$0x3FB8] =	sst s0;
	s0 =	simm.s32 @!p2 $0x0  }
0x16: {  	s3 =	sld [smem:$0x3FDB];
	s0 =	simm.s32 @p2 $0x1  }
0x17: {  	s4 =	simm.s32 $0x1BF5;
	[smem:$0x3FBA] =	sst s0  }
0x18: {  	s0 =	sld [smem:$0x3F9D];
	_ =	swait.ge [sflag:s4], $0x0  }
0x19: {  	s7 =	sld [smem:$0x3F9E]  }
0x1a: {  	s8 =	sadd.s32 $0xFFFFE003, lr  }
0x1b: {  	s9 =	sadd.s32 $0xFFFFFEF7, lr;
	s5 =	simm.s32 $0xFFFFFFFF;
	p2 =	slt.u32 s8, $0xFFFFF086  }
0x1c: {  	p1 =	slt.u32 s9, $0xF7A;
	s5 =	simm.s32 @!p2 $0x0  }
0x1d: {  	s5 =	simm.s32 @p1 $0x1;
	p0 =	seq.s32 s7, s2  }
0x1e: {  	s7 =	smul.u32 @!p0 $0xF7A, s2;
	p2 =	seq.s32 @!p0 s5, $0x0  }
0x1f: {  	s9 =	smul.u32 $0xF7A, s1;
	s8 =	simm.s32 @!p0 $0x1BF5;
	p2 =	por !p2, p0  }
0x20: {  	[sflag:s8] =	ssyncset.s32 @!p0 $0xFFFFF086;
	s6 =	sadd.s32 @!p0 s3, s7;
	s7 =	simm.s32 @!p0 $0x108  }
0x21: {  	s3 =	sadd.s32 s3, s9;
	s6 =	sadd.s32 @!p0 $0x88, s6;
	s7 =	simm.s32 @p2 $0x1082  }
0x22: {  	[simem:s7], [sflag:s8] =	dma.local @!p0 [hbm:s6], $0xF7A  }
0x23: {  	s9 =	sor.u32 $0xD0000000, s2;
	s6 =	simm.s32 $0x108;
	_ =	swait.ge @!p0 [sflag:s8], $0x0  }
0x24: {  	s3 =	sadd.s32 $0x88, s3;
	s6 =	simm.s32 @!p1 $0x1082;
	[sflag:s4] =	ssyncset.s32 $0xFFFFF086  }
0x25: {  	[simem:s6], [sflag:s4] =	dma.local [hbm:s3], $0xF7A  }
0x26: {  	[smem:$0x3F9E] =	sst s1;
	(tag) =	ssettag s2;
	_ =	strace s9  }
0x27: {  	s1 =	sld [smem:$0x3FAE]  }
0x28: {  	s2 =	sld [smem:$0x3FAF]  }
0x29: {  	s4 =	sld [smem:$0x3FB1]  }
0x2a: {  	p0 =	seq.s32 s5, $0x0;
	s5 =	sld [smem:$0x3FB2]  }
0x2b: {  	s6 =	sld [smem:$0x3FB3]  }
0x2c: {  	s7 =	sld [smem:$0x3FB4]  }
0x2d: {  	s3 =	simm.s32 $0x108;
	s8 =	sld [smem:$0x3FB5]  }
0x2e: {  	s3 =	simm.s32 @!p0 $0x1082;
	s9 =	sld [smem:$0x3FB6]  }
0x2f: {  	lr =	sadd.s32 s0, s3;
	s0 =	sld [smem:$0x3FAD]  }
0x30: {  	s3 =	sld [smem:$0x3FB0]  }
0x31: {  	[smem:$0x3FB9] =	sst s10  }
0x32: {  	s10 =	sld [smem:$0x3FB7];
	_ =	sdelay $0x3  }
0x33: {  	p0 =	seq.s32 s10, $0x1;
	s10 =	sld [smem:$0x3FB9];
	_ =	sdelay $0x3  }
0x34: {  	[smem:$0x3FB9] =	sst s10  }
0x35: {  	s10 =	sld [smem:$0x3FB8];
	_ =	sdelay $0x3  }
0x36: {  	p1 =	seq.s32 s10, $0x1;
	s10 =	sld [smem:$0x3FB9];
	_ =	sdelay $0x3  }
0x37: {  	[smem:$0x3FB9] =	sst s10  }
0x38: {  	s10 =	sld [smem:$0x3FBA]  }
0x39: {  	_ = 	snop;
	(pc) =	sbr.ind lr, $3  }
0x3a: {  	_ = 	snop  }
0x3b: {  	_ = 	snop  }
0x3c: {  	p2 =	seq.s32 s10, $0x1;
	s10 =	sld [smem:$0x3FB9]  }
0x3d: {  	_ =	shalt  }
0x3e: {  	_ =	shalt  }
0x3f: {  	_ =	shalt  }
0x40: {  	_ =	shalt  }
0x41: {  	_ =	shalt  }
0x42: {  	_ =	shalt  }
0x43: {  	_ =	shalt  }
0x44: {  	_ =	shalt  }
0x45: {  	_ =	shalt  }
0x46: {  	_ =	shalt  }
0x47: {  	_ =	shalt  }
0x48: {  	_ =	shalt  }
0x49: {  	_ =	shalt  }
0x4a: {  	_ =	shalt  }
0x4b: {  	_ =	shalt  }
0x4c: {  	_ =	shalt  }
0x4d: {  	_ =	shalt  }
0x4e: {  	_ =	shalt  }
0x4f: {  	_ =	shalt  }
0x50: {  	_ =	shalt  }
0x51: {  	_ =	shalt  }
0x52: {  	_ =	shalt  }
0x53: {  	_ =	shalt  }
0x54: {  	_ =	shalt  }
0x55: {  	_ =	shalt  }
0x56: {  	_ =	shalt  }
0x57: {  	_ =	shalt  }
0x58: {  	_ =	shalt  }
0x59: {  	_ =	shalt  }
0x5a: {  	_ =	shalt  }
0x5b: {  	_ =	shalt  }
0x5c: {  	_ =	shalt  }
0x5d: {  	_ =	shalt  }
0x5e: {  	_ =	shalt  }
0x5f: {  	_ =	shalt  }
0x60: {  	_ =	shalt  }
0x61: {  	_ =	shalt  }
0x62: {  	_ =	shalt  }
0x63: {  	_ =	shalt  }
0x64: {  	_ =	shalt  }
0x65: {  	_ =	shalt  }
0x66: {  	_ =	shalt  }
0x67: {  	_ =	shalt  }
0x68: {  	_ =	shalt  }
0x69: {  	_ =	shalt  }
0x6a: {  	_ =	shalt  }
0x6b: {  	_ =	shalt  }
0x6c: {  	_ =	shalt  }
0x6d: {  	_ =	shalt  }
0x6e: {  	_ =	shalt  }
0x6f: {  	_ =	shalt  }
0x70: {  	_ =	shalt  }
0x71: {  	_ =	shalt  }
0x72: {  	_ =	shalt  }
0x73: {  	_ =	shalt  }
0x74: {  	_ =	shalt  }
0x75: {  	_ =	shalt  }
0x76: {  	_ =	shalt  }
0x77: {  	_ =	shalt  }
0x78: {  	_ =	shalt  }
0x79: {  	_ =	shalt  }
0x7a: {  	_ =	shalt  }
0x7b: {  	_ =	shalt  }
0x7c: {  	_ =	shalt  }
0x7d: {  	_ =	shalt  }
0x7e: {  	_ =	shalt  }
0x7f: {  	_ =	shalt  }
0x80: {  	_ =	shalt  }
0x81: {  	_ =	shalt  }
0x82: {  	_ =	shalt  }
0x83: {  	_ =	shalt  }
0x84: {  	_ =	shalt  }
0x85: {  	_ =	shalt  }
0x86: {  	_ =	shalt  }
0x87: {  	_ =	shalt  }
.Lfunc_end0:
.L_simem_size_0:
called_computation_lowered:
.L_overlay_start_0:
0x88: {  	s2 =	sld [smem:$0x3FD9]  }
0x89: {  	s3 =	sld [smem:$0x3FFE];
	_ =	sdelay $0x1  }
0x8a: {  	s1 =	srdreg.scid  }
0x8b: {  	s0 =	sand.u32 $0x1, s1  }
0x8c: {  	s17 =	sshll.u32 s0, $0xA;
	s2 =	sadd.s32 s3, s2  }
0x8d: {  	s2 =	sadd.s32 s2, s17  }
0x8e: {  	[smem:$0x3FC5] =	sst s2  }
0x8f: {  	_ = 	snop  }
0x90: {  	s2 =	sld [smem:$0x3FC8];
	(tm) =	ssettm $0x1  }
0x91: {  	s18 =	sld [smem:$0x3FFB];
	_ =	sdelay $0x3  }
0x92: {  	_ =	strace s18  }
0x93: {  	s3 =	sld [smem:$0x3FFC];
	_ =	sdelay $0x3  }
0x94: {  	_ =	strace s3  }
0x95: {  	s3 =	sld [smem:$0x3FFD];
	_ =	sdelay $0x3  }
0x96: {  	_ =	strace s3  }
0x97: {  	_ =	strace $0x8FFFFFFF  }
0x98: {  	s19 =	sld [smem:$0x3FDB];
	_ =	sdelay $0x1  }
0x99: {  	s4 =	simm.s32 $_scs_section_size  }
0x9a: {  	s5 =	simm.s32 $_size__tile_overlayer_lowered;
	s6 =	simm.s32 $_tile_overlayer_lowered  }
0x9b: {  	s22 =	simm.s32 $0x1BFF;
	s21 =	sshll.u32 s6, $0x1;
	s3 =	sadd.s32 s4, s19  }
0x9c: {  	s7 =	simm.s32 $0x0;
	s20 =	sshll.u32 s5, $0x1;
	s5 =	sadd.s32 s21, s3  }
0x9d: {  	[timem:s7], [sflag:s22] =	dma.local [hbm:s5], s20  }
0x9e: {  	_ =	swait.ge [sflag:s22], s20  }
0x9f: {  	s4 =	ssub.s32 $0x0, s20;
	[sflag:s22] =	ssyncset.done $0x0  }
0xa0: {  	[sflag:s22] =	ssyncadd.s32 s4;
	_ =	sdelay $0x1  }
0xa1: {  	s23 =	simm.s32 $0x1B8B  }
0xa2: {  	_ =	swait.ge [sflag:s23], $0x1  }
0xa3: {  	[sflag:s23] =	ssyncset.done $0x0  }
0xa4: {  	s25 =	simm.s32 $0x1B8E;
	s24 =	sld [smem:$0x3FFE];
	[sflag:s23] =	ssyncadd.s32 $0xFFFFFFFF  }
0xa5: {  	s26 =	simm.s32 $execute0_lowered;
	[smem:$0x3FD2] =	sst s25  }
0xa6: {  	s5 =	sshll.u32 s26, $0x1;
	_ =	strace $0x80000046;
	[dreg:$0x1] =	wrdreg $0xFFFFFFFF  }
0xa7: {  	s28 =	simm.s32 $_size_execute0_lowered;
	s3 =	sadd.s32 s3, s5;
	[dreg:$0x0] =	wrdreg $0x0  }
0xa8: {  	s5 =	sshll.u32 s28, $0x1;
	[dreg:$0x2] =	wrdreg s3  }
0xa9: {  	[dreg:$0x3] =	wrdreg s5  }
0xaa: {  	[dreg:$0x4] =	wrdreg $0xC0  }
0xab: {  	_ =	task [dreg:s7], $0x5FFFF  }
0xac: {  	[dreg:$0x1] =	wrdreg $0xFFFFFFFF  }
0xad: {  	[dreg:$0x0] =	wrdreg $0x60  }
0xae: {  	[dreg:$0x2] =	wrdreg s2  }
0xaf: {  	[dreg:$0x3] =	wrdreg s24  }
0xb0: {  	[dreg:$0x4] =	wrdreg $0x9  }
0xb1: {  	_ =	task.clear_ibuf [dreg:s7], $0x5FFFF;
	_ =	strace $0x90000046  }
0xb2: {  	s29 =	simm.s32 $0x9;
	_ =	strace $0x80000048  }
0xb3: {  	_ =	swait.ge [sflag:s29], $0x1  }
0xb4: {  	[sflag:s29] =	ssyncadd.s32 $0xFFFFFFFF  }
0xb5: {  	_ =	strace $0x90000048  }
0xb6: {  	_ =	sfence  }
0xb7: {  	s30 =	sld [smem:$0x0];
	_ =	sdelay $0x2  }
0xb8: {  	s31 =	sshll.u32 s1, $0xD;
	s1 =	sshrl.u32 s1, $0x2  }
0xb9: {  	s3 =	sand.u32 $0x4000, s31;
	s1 =	sadd.s32 s1, s30  }
0xba: {  	s0 =	sor.u32 s3, s0;
	s1 =	sshll.u32 s1, $0x11  }
0xbb: {  	s0 =	sor.u32 s1, s0  }
0xbc: {  	s0 =	sadd.s32 $0x8F2B, s0  }
0xbd: {  	[sflag:s0] =	ssyncadd.remote.s32 $0x1  }
0xbe: {  	_ =	sfence.sel $0xFFFF  }
0xbf: {  	[dreg:$0x0] =	wrdreg $0xFFFFFFFF;
	(pc) =	sbr.abs _section_cstart, $3  }
0xc0: {  	[dreg:$0x1] =	wrdreg $0xFFFFFFFF  }
0xc1: {  	_ =	task.clear_ibuf [dreg:s7], $0x2FFFF;
	_ =	strace $0x9FFFFFFF  }
0xc2: {  	(tm) =	ssettm $0x7FFFFFFF  }
0xc3: {  	_ =	shalt  }
tec
execute0_lowered:
.L_overlay_start_1:
0x0: {  	(tag) =	ssettag $0x1  }
0x1: {  	s3 =	rddreg [dreg:$0x0]  }
0x2: {  	s4 =	rddreg [dreg:$0x1];
	s1 =	srdreg.scid  }
0x3: {  	s0 =	rddreg [dreg:$0x2];
	s2 =	simm.s32 $0x0;
	s10 =	simm.s32 $0x3  }
0x4: {  	s11 =	simm.s32 $0x2;
	s12 =	simm.s32 $0x0;
	s5 =	sand.u32 $0x1, s1  }
0x5: {  	[smem:$0x7FF] =	sst s2;
	s1 =	stileid.u32;
	s6 =	sshll.u32 s5, $0x4  }
0x6: {  	_ =	strace $0x80000047;
	s5 =	ssub.s32 $0x2, s5;
	s8 =	sor.u32 s1, s6  }
.Ltmp0:
0x7: {  	s31 =	sshrl.u32 s5, $0x1;
	s6 =	sshll.u32 s8, $0x7;
	(pc) =	sbr.rel .LBB2_1-.Ltmp0, $4  }
0x8: {  	s7 =	sshll.u32 s8, $0xC;
	s9 =	ssub.s32 s5, s31;
	p0 =	sgt.u32 s8, $0x11  }
0x9: {  	s8 =	simm.s32 $0x1;
	s6 =	sadd.s32 s6, s4;
	s7 =	sadd.s32 s7, s3  }
0xa: {  	s3 =	sadd.s32 $0x4B0000, s7;
	s4 =	sadd.s32 $0x4D0000, s7;
	s5 =	sadd.s32 $0xA00, s6  }
0xb: {  	s6 =	sadd.s32 $0x1A00, s6;
	s7 =	smax.u32 s9, $0x1;
	s9 =	simm.s32 $0x10000  }
.LBB2_34:
0xc: {  	v8 =	vadd.f32 v8, v15;
	v3 =	vadd.f32 v3, v17;
	[tilespmem:$0x10380] =	vst v7  }
0xd: {  	v59 =	vadd.f32 v10, v14;
	v2 =	vadd.f32 v2, v16;
	[tilespmem:$0x10390] =	vst v6  }
0xe: {  	[tilespmem:$0x103A0] =	vst v5;
	v60 =	vadd.f32 v9, v8;
	v0 =	vadd.f32 v0, v3  }
0xf: {  	[tilespmem:$0x103B0] =	vst v4;
	v61 =	vadd.f32 v12, v59;
	v1 =	vadd.f32 v1, v2  }
0x10: {  	v62 =	vadd.f32 v11, v60;
	[tilespmem:$0x103C0] =	vst v0  }
0x11: {  	v63 =	vadd.f32 v13, v61;
	[tilespmem:$0x103D0] =	vst v1  }
0x12: {  	[tilespmem:$0x103E0] =	vst v62  }
0x13: {  	[tilespmem:$0x103F0] =	vst v63  }
0x14: {  	[hbm4b:s6+s2] =	stream.linear.scatter [tilespmem:s9], [sflag:$0x3], $0x400, $0x38;
	[tilespmem:$0x10400] =	vst v63  }
0x15: {  	_ =	swait.ge [sflag:s10], $0x400  }
0x16: {  	[sflag:s10] =	ssyncset.done $0x0  }
0x17: {  	[sflag:s10] =	ssyncadd.s32 $0xFFFFFC00  }
.LBB2_35:
0x18: {  	s12 =	sadd.s32 $0x1, s12  }
0x19: {  	p1 =	sne.s32 s12, s7  }
.Ltmp1:
0x1a: {  	_ = 	snop;
	(pc) =	sbr.rel @!p1 .LBB2_36-.Ltmp1, $1  }
0x1b: {  	_ =	sdelay $0x3  }
.LBB2_1:
0x1c: {  	[tilespmem:s2], [sflag:$0x1] =	stream.linear.gather [hbm4b:s3+s2], $0x8000, $0x38;
	[tilespmem:$0x10400] =	vst v63  }
0x1d: {  	_ =	swait.ge [sflag:s8], $0x8000  }
0x1e: {  	s13 =	simm.s32 @!p0 $0x0;
	[sflag:s8] =	ssyncset.done $0x0  }
0x1f: {  	s14 =	simm.s32 @!p0 $0x8000;
	s31 =	simm.s32 $0x100;
	[sflag:s8] =	ssyncadd.s32 $0xFFFF8000  }
0x20: {  	[tilespmem:s14], [sflag:$0x2] =	stream.linear.gather @!p0 [hbm4b:s4+s13], $0x8000, $0x38;
	[tilespmem:$0x10400] =	vst v63  }
0x21: {  	v4 =	vld [tilespmem:s31+$0x80]  }
0x22: {  	v5 =	vld [tilespmem:s31+$0x90]  }
0x23: {  	v11 =	vld [tilespmem:s31+$0xA0]  }
0x24: {  	v12 =	vld [tilespmem:s31+$0xB0]  }
0x25: {  	v0 =	vld [tilespmem:s31+$0xC0]  }
0x26: {  	v1 =	vld [tilespmem:s31+$0xD0]  }
0x27: {  	v6 =	vld [tilespmem:s31+$0x0]  }
0x28: {  	v7 =	vld [tilespmem:s31+$0x10]  }
0x29: {  	v9 =	vld [tilespmem:s31+$0x20]  }
0x2a: {  	v10 =	vld [tilespmem:s31+$0x30]  }
0x2b: {  	v3 =	vld [tilespmem:s31+$0x40]  }
0x2c: {  	v2 =	vld [tilespmem:s31+$0x50]  }
0x2d: {  	v8 =	vld [tilespmem:s31+$0xFFFFFF80]  }
0x2e: {  	v13 =	vld [tilespmem:s31+$0xFFFFFF90]  }
0x2f: {  	v14 =	vld [tilespmem:s31+$0xFFFFFF00]  }
0x30: {  	v15 =	vld [tilespmem:s31+$0xFFFFFF10]  }
0x31: {  	v16 =	vld [tilespmem:s31+$0xFFFFFF20]  }
0x32: {  	v17 =	vld [tilespmem:s31+$0xFFFFFF30]  }
0x33: {  	v18 =	vld [tilespmem:s31+$0xFFFFFFA0]  }
0x34: {  	v19 =	vld [tilespmem:s31+$0xFFFFFFB0]  }
0x35: {  	v20 =	vimm.f32 $0.0e+00;
	v21 =	vld [tilespmem:s31+$0xFFFFFFC0]  }
0x36: {  	v22 =	vld [tilespmem:s31+$0xFFFFFFD0];
	v14 =	vadd.f32 v14, v20;
	v15 =	vadd.f32 v15, v20  }
0x37: {  	v23 =	vld [tilespmem:s31+$0xFFFFFF40];
	v16 =	vadd.f32 v16, v20;
	v17 =	vadd.f32 v17, v20  }
0x38: {  	v24 =	vld [tilespmem:s31+$0xFFFFFF50];
	v8 =	vadd.f32 v8, v14;
	v13 =	vadd.f32 v13, v15  }
0x39: {  	v14 =	vld [tilespmem:s31+$0xFFFFFF60];
	v15 =	vadd.f32 v18, v16;
	v16 =	vadd.f32 v19, v17  }
0x3a: {  	v17 =	vld [tilespmem:s31+$0xFFFFFF70];
	v6 =	vadd.f32 v6, v8;
	v13 =	vadd.f32 v7, v13  }
0x3b: {  	v8 =	vld [tilespmem:s31+$0xFFFFFFE0];
	v15 =	vadd.f32 v9, v15;
	v16 =	vadd.f32 v10, v16  }
0x3c: {  	v10 =	vld [tilespmem:s31+$0xFFFFFFF0];
	v7 =	vadd.f32 v4, v6;
	v6 =	vadd.f32 v5, v13  }
0x3d: {  	v9 =	vld [tilespmem:s31+$0x60];
	v5 =	vadd.f32 v11, v15;
	v4 =	vadd.f32 v12, v16  }
0x3e: {  	v13 =	vadd.f32 v23, v20;
	v16 =	vadd.f32 v24, v20;
	v12 =	vld [tilespmem:s31+$0x70]  }
0x3f: {  	v11 =	vld [tilespmem:s31+$0xE0];
	v15 =	vadd.f32 v14, v20;
	v14 =	vadd.f32 v17, v20  }
0x40: {  	s13 =	simm.s32 $0x0;
	s14 =	simm.s32 $0x300;
	v17 =	vadd.f32 v21, v13;
	v16 =	vadd.f32 v22, v16;
	v13 =	vld [tilespmem:s31+$0xF0]  }
.LBB2_2:
0x41: {  	v18 =	vld [tilespmem:s14+$0x80];
	v8 =	vadd.f32 v8, v15;
	v10 =	vadd.f32 v10, v14  }
0x42: {  	v14 =	vld [tilespmem:s14+$0x90];
	v3 =	vadd.f32 v3, v17;
	v2 =	vadd.f32 v2, v16  }
0x43: {  	v15 =	vld [tilespmem:s14+$0xA0];
	v8 =	vadd.f32 v9, v8;
	v9 =	vadd.f32 v12, v10  }
0x44: {  	v12 =	vld [tilespmem:s14+$0xB0];
	v16 =	vadd.f32 v0, v3;
	v17 =	vadd.f32 v1, v2  }
0x45: {  	v0 =	vld [tilespmem:s14+$0xC0];
	v11 =	vadd.f32 v11, v8;
	v13 =	vadd.f32 v13, v9  }
0x46: {  	v1 =	vld [tilespmem:s14+$0xD0]  }
0x47: {  	v8 =	vld [tilespmem:s14+$0x0]  }
0x48: {  	v9 =	vld [tilespmem:s14+$0x10]  }
0x49: {  	v10 =	vld [tilespmem:s14+$0x20]  }
0x4a: {  	v19 =	vld [tilespmem:s14+$0x30]  }
0x4b: {  	v3 =	vld [tilespmem:s14+$0x40]  }
0x4c: {  	v2 =	vld [tilespmem:s14+$0x50]  }
0x4d: {  	v20 =	vld [tilespmem:s14+$0xFFFFFF80]  }
0x4e: {  	v21 =	vld [tilespmem:s14+$0xFFFFFF90]  }
0x4f: {  	v22 =	vld [tilespmem:s14+$0xFFFFFF00]  }
0x50: {  	v23 =	vld [tilespmem:s14+$0xFFFFFF10]  }
0x51: {  	v24 =	vld [tilespmem:s14+$0xFFFFFF20]  }
0x52: {  	v25 =	vld [tilespmem:s14+$0xFFFFFF30]  }
0x53: {  	v26 =	vld [tilespmem:s14+$0xFFFFFFA0]  }
0x54: {  	v27 =	vld [tilespmem:s14+$0xFFFFFFB0]  }
0x55: {  	v28 =	vld [tilespmem:s14+$0xFFFFFFC0]  }
0x56: {  	v7 =	vadd.f32 v22, v7;
	v6 =	vadd.f32 v23, v6;
	v22 =	vld [tilespmem:s14+$0xFFFFFFD0]  }
0x57: {  	v5 =	vadd.f32 v24, v5;
	v4 =	vadd.f32 v25, v4;
	v23 =	vld [tilespmem:s14+$0xFFFFFF40]  }
0x58: {  	v7 =	vadd.f32 v20, v7;
	v6 =	vadd.f32 v21, v6;
	v24 =	vld [tilespmem:s14+$0xFFFFFF50]  }
0x59: {  	v5 =	vadd.f32 v26, v5;
	v20 =	vld [tilespmem:s14+$0xFFFFFF60];
	v4 =	vadd.f32 v27, v4  }
0x5a: {  	s13 =	sadd.s32 $0x4, s13;
	v7 =	vadd.f32 v8, v7;
	v6 =	vadd.f32 v9, v6;
	v21 =	vld [tilespmem:s14+$0xFFFFFF70]  }
0x5b: {  	p1 =	slt.u32 s13, $0x1C;
	v5 =	vadd.f32 v10, v5;
	v8 =	vld [tilespmem:s14+$0xFFFFFFE0];
	v4 =	vadd.f32 v19, v4  }
.Ltmp2:
0x5c: {  	v7 =	vadd.f32 v18, v7;
	v6 =	vadd.f32 v14, v6;
	v10 =	vld [tilespmem:s14+$0xFFFFFFF0];
	(pc) =	sbr.rel @p1 .LBB2_2-.Ltmp2, $4  }
0x5d: {  	v5 =	vadd.f32 v15, v5;
	v9 =	vld [tilespmem:s14+$0x60];
	v4 =	vadd.f32 v12, v4  }
0x5e: {  	v16 =	vadd.f32 v23, v16;
	v18 =	vadd.f32 v24, v17;
	v12 =	vld [tilespmem:s14+$0x70]  }
0x5f: {  	v15 =	vadd.f32 v20, v11;
	v14 =	vadd.f32 v21, v13;
	v11 =	vld [tilespmem:s14+$0xE0]  }
0x60: {  	v17 =	vadd.f32 v28, v16;
	v16 =	vadd.f32 v22, v18;
	v13 =	vld [tilespmem:s14+$0xF0];
	s14 =	sadd.s32 $0x200, s14  }
0x61: {  	_ = 	snop  }
0x62: {  	v8 =	vadd.f32 v8, v15;
	[tilespmem:$0x10000] =	vst v7;
	v3 =	vadd.f32 v3, v17  }
0x63: {  	v7 =	vadd.f32 v10, v14;
	[tilespmem:$0x10010] =	vst v6;
	v2 =	vadd.f32 v2, v16  }
0x64: {  	[tilespmem:$0x10020] =	vst v5;
	v6 =	vadd.f32 v9, v8;
	v0 =	vadd.f32 v0, v3  }
0x65: {  	[tilespmem:$0x10030] =	vst v4;
	v3 =	vadd.f32 v12, v7;
	v1 =	vadd.f32 v1, v2  }
0x66: {  	v2 =	vadd.f32 v11, v6;
	[tilespmem:$0x10040] =	vst v0  }
0x67: {  	v0 =	vadd.f32 v13, v3;
	[tilespmem:$0x10050] =	vst v1  }
0x68: {  	[tilespmem:$0x10060] =	vst v2  }
0x69: {  	s14 =	simm.s32 $0x11F0;
	[tilespmem:$0x10070] =	vst v0  }
0x6a: {  	v4 =	vld [tilespmem:s14+$0xFFFFFF90]  }
0x6b: {  	v5 =	vld [tilespmem:s14+$0xFFFFFFA0]  }
0x6c: {  	v11 =	vld [tilespmem:s14+$0xFFFFFFB0]  }
0x6d: {  	v12 =	vld [tilespmem:s14+$0xFFFFFFC0]  }
0x6e: {  	v0 =	vld [tilespmem:s14+$0xFFFFFFD0]  }
0x6f: {  	v1 =	vld [tilespmem:s14+$0xFFFFFFE0]  }
0x70: {  	v6 =	vld [tilespmem:s14+$0xFFFFFF10]  }
0x71: {  	v7 =	vld [tilespmem:s14+$0xFFFFFF20]  }
0x72: {  	v9 =	vld [tilespmem:s14+$0xFFFFFF30]  }
0x73: {  	v10 =	vld [tilespmem:s14+$0xFFFFFF40]  }
0x74: {  	v3 =	vld [tilespmem:s14+$0xFFFFFF50]  }
0x75: {  	v2 =	vld [tilespmem:s14+$0xFFFFFF60]  }
0x76: {  	v8 =	vld [tilespmem:s14+$0xFFFFFE90]  }
0x77: {  	v13 =	vld [tilespmem:s14+$0xFFFFFEA0]  }
0x78: {  	v14 =	vld [tilespmem:s14+$0xFFFFFE10]  }
0x79: {  	v15 =	vld [tilespmem:s14+$0xFFFFFE20]  }
0x7a: {  	v16 =	vld [tilespmem:s14+$0xFFFFFE30]  }
0x7b: {  	v17 =	vld [tilespmem:s14+$0xFFFFFE40]  }
0x7c: {  	v18 =	vld [tilespmem:s14+$0xFFFFFEB0]  }
0x7d: {  	v19 =	vld [tilespmem:s14+$0xFFFFFEC0]  }
0x7e: {  	v20 =	vimm.f32 $0.0e+00;
	v21 =	vld [tilespmem:s14+$0xFFFFFED0]  }
0x7f: {  	v22 =	vld [tilespmem:s14+$0xFFFFFEE0];
	v14 =	vadd.f32 v14, v20;
	v15 =	vadd.f32 v15, v20  }
0x80: {  	v23 =	vld [tilespmem:s14+$0xFFFFFE50];
	v16 =	vadd.f32 v16, v20;
	v17 =	vadd.f32 v17, v20  }
0x81: {  	v24 =	vld [tilespmem:s14+$0xFFFFFE60];
	v8 =	vadd.f32 v8, v14;
	v13 =	vadd.f32 v13, v15  }
0x82: {  	v14 =	vld [tilespmem:s14+$0xFFFFFE70];
	v15 =	vadd.f32 v18, v16;
	v16 =	vadd.f32 v19, v17  }
0x83: {  	v17 =	vld [tilespmem:s14+$0xFFFFFE80];
	v6 =	vadd.f32 v6, v8;
	v13 =	vadd.f32 v7, v13  }
0x84: {  	v8 =	vld [tilespmem:s14+$0xFFFFFEF0];
	v15 =	vadd.f32 v9, v15;
	v16 =	vadd.f32 v10, v16  }
0x85: {  	v10 =	vld [tilespmem:s14+$0xFFFFFF00];
	v7 =	vadd.f32 v4, v6;
	v6 =	vadd.f32 v5, v13  }
0x86: {  	v9 =	vld [tilespmem:s14+$0xFFFFFF70];
	v5 =	vadd.f32 v11, v15;
	v4 =	vadd.f32 v12, v16  }
0x87: {  	v13 =	vadd.f32 v23, v20;
	v16 =	vadd.f32 v24, v20;
	v12 =	vld [tilespmem:s14+$0xFFFFFF80]  }
0x88: {  	v11 =	vld [tilespmem:s14+$0xFFFFFFF0];
	v15 =	vadd.f32 v14, v20;
	v14 =	vadd.f32 v17, v20  }
0x89: {  	s13 =	simm.s32 $0x0;
	v17 =	vadd.f32 v21, v13;
	v16 =	vadd.f32 v22, v16;
	v13 =	vld [tilespmem:s14+$0x0];
	s14 =	simm.s32 $0x13F0  }
.LBB2_4:
0x8a: {  	v18 =	vld [tilespmem:s14+$0xFFFFFF90];
	v8 =	vadd.f32 v8, v15;
	v10 =	vadd.f32 v10, v14  }
0x8b: {  	v14 =	vld [tilespmem:s14+$0xFFFFFFA0];
	v3 =	vadd.f32 v3, v17;
	v2 =	vadd.f32 v2, v16  }
0x8c: {  	v15 =	vld [tilespmem:s14+$0xFFFFFFB0];
	v8 =	vadd.f32 v9, v8;
	v9 =	vadd.f32 v12, v10  }
0x8d: {  	v12 =	vld [tilespmem:s14+$0xFFFFFFC0];
	v16 =	vadd.f32 v0, v3;
	v17 =	vadd.f32 v1, v2  }
0x8e: {  	v0 =	vld [tilespmem:s14+$0xFFFFFFD0];
	v11 =	vadd.f32 v11, v8;
	v13 =	vadd.f32 v13, v9  }
0x8f: {  	v1 =	vld [tilespmem:s14+$0xFFFFFFE0]  }
0x90: {  	v8 =	vld [tilespmem:s14+$0xFFFFFF10]  }
0x91: {  	v9 =	vld [tilespmem:s14+$0xFFFFFF20]  }
0x92: {  	v10 =	vld [tilespmem:s14+$0xFFFFFF30]  }
0x93: {  	v19 =	vld [tilespmem:s14+$0xFFFFFF40]  }
0x94: {  	v3 =	vld [tilespmem:s14+$0xFFFFFF50]  }
0x95: {  	v2 =	vld [tilespmem:s14+$0xFFFFFF60]  }
0x96: {  	v20 =	vld [tilespmem:s14+$0xFFFFFE90]  }
0x97: {  	v21 =	vld [tilespmem:s14+$0xFFFFFEA0]  }
0x98: {  	v22 =	vld [tilespmem:s14+$0xFFFFFE10]  }
0x99: {  	v23 =	vld [tilespmem:s14+$0xFFFFFE20]  }
0x9a: {  	v24 =	vld [tilespmem:s14+$0xFFFFFE30]  }
0x9b: {  	v25 =	vld [tilespmem:s14+$0xFFFFFE40]  }
0x9c: {  	v26 =	vld [tilespmem:s14+$0xFFFFFEB0]  }
0x9d: {  	v27 =	vld [tilespmem:s14+$0xFFFFFEC0]  }
0x9e: {  	v28 =	vld [tilespmem:s14+$0xFFFFFED0]  }
0x9f: {  	v7 =	vadd.f32 v22, v7;
	v6 =	vadd.f32 v23, v6;
	v22 =	vld [tilespmem:s14+$0xFFFFFEE0]  }
0xa0: {  	v5 =	vadd.f32 v24, v5;
	v4 =	vadd.f32 v25, v4;
	v23 =	vld [tilespmem:s14+$0xFFFFFE50]  }
0xa1: {  	v7 =	vadd.f32 v20, v7;
	v6 =	vadd.f32 v21, v6;
	v24 =	vld [tilespmem:s14+$0xFFFFFE60]  }
0xa2: {  	v5 =	vadd.f32 v26, v5;
	v20 =	vld [tilespmem:s14+$0xFFFFFE70];
	v4 =	vadd.f32 v27, v4  }
0xa3: {  	s13 =	sadd.s32 $0x4, s13;
	v7 =	vadd.f32 v8, v7;
	v6 =	vadd.f32 v9, v6;
	v21 =	vld [tilespmem:s14+$0xFFFFFE80]  }
0xa4: {  	p1 =	slt.u32 s13, $0x1C;
	v5 =	vadd.f32 v10, v5;
	v8 =	vld [tilespmem:s14+$0xFFFFFEF0];
	v4 =	vadd.f32 v19, v4  }
.Ltmp3:
0xa5: {  	v7 =	vadd.f32 v18, v7;
	v6 =	vadd.f32 v14, v6;
	v10 =	vld [tilespmem:s14+$0xFFFFFF00];
	(pc) =	sbr.rel @p1 .LBB2_4-.Ltmp3, $4  }
0xa6: {  	v5 =	vadd.f32 v15, v5;
	v9 =	vld [tilespmem:s14+$0xFFFFFF70];
	v4 =	vadd.f32 v12, v4  }
0xa7: {  	v16 =	vadd.f32 v23, v16;
	v18 =	vadd.f32 v24, v17;
	v12 =	vld [tilespmem:s14+$0xFFFFFF80]  }
0xa8: {  	v15 =	vadd.f32 v20, v11;
	v14 =	vadd.f32 v21, v13;
	v11 =	vld [tilespmem:s14+$0xFFFFFFF0]  }
0xa9: {  	v17 =	vadd.f32 v28, v16;
	v16 =	vadd.f32 v22, v18;
	v13 =	vld [tilespmem:s14+$0x0];
	s14 =	sadd.s32 $0x200, s14  }
0xaa: {  	_ = 	snop  }
0xab: {  	v8 =	vadd.f32 v8, v15;
	[tilespmem:$0x10080] =	vst v7;
	v3 =	vadd.f32 v3, v17  }
0xac: {  	v7 =	vadd.f32 v10, v14;
	[tilespmem:$0x10090] =	vst v6;
	v2 =	vadd.f32 v2, v16  }
0xad: {  	[tilespmem:$0x100A0] =	vst v5;
	v6 =	vadd.f32 v9, v8;
	v0 =	vadd.f32 v0, v3  }
0xae: {  	[tilespmem:$0x100B0] =	vst v4;
	v3 =	vadd.f32 v12, v7;
	v1 =	vadd.f32 v1, v2  }
0xaf: {  	v2 =	vadd.f32 v11, v6;
	[tilespmem:$0x100C0] =	vst v0  }
0xb0: {  	v0 =	vadd.f32 v13, v3;
	[tilespmem:$0x100D0] =	vst v1  }
0xb1: {  	[tilespmem:$0x100E0] =	vst v2  }
0xb2: {  	s14 =	simm.s32 $0x21F0;
	[tilespmem:$0x100F0] =	vst v0  }
0xb3: {  	v4 =	vld [tilespmem:s14+$0xFFFFFF90]  }
0xb4: {  	v5 =	vld [tilespmem:s14+$0xFFFFFFA0]  }
0xb5: {  	v11 =	vld [tilespmem:s14+$0xFFFFFFB0]  }
0xb6: {  	v12 =	vld [tilespmem:s14+$0xFFFFFFC0]  }
0xb7: {  	v0 =	vld [tilespmem:s14+$0xFFFFFFD0]  }
0xb8: {  	v1 =	vld [tilespmem:s14+$0xFFFFFFE0]  }
0xb9: {  	v6 =	vld [tilespmem:s14+$0xFFFFFF10]  }
0xba: {  	v7 =	vld [tilespmem:s14+$0xFFFFFF20]  }
0xbb: {  	v9 =	vld [tilespmem:s14+$0xFFFFFF30]  }
0xbc: {  	v10 =	vld [tilespmem:s14+$0xFFFFFF40]  }
0xbd: {  	v3 =	vld [tilespmem:s14+$0xFFFFFF50]  }
0xbe: {  	v2 =	vld [tilespmem:s14+$0xFFFFFF60]  }
0xbf: {  	v8 =	vld [tilespmem:s14+$0xFFFFFE90]  }
0xc0: {  	v13 =	vld [tilespmem:s14+$0xFFFFFEA0]  }
0xc1: {  	v14 =	vld [tilespmem:s14+$0xFFFFFE10]  }
0xc2: {  	v15 =	vld [tilespmem:s14+$0xFFFFFE20]  }
0xc3: {  	v16 =	vld [tilespmem:s14+$0xFFFFFE30]  }
0xc4: {  	v17 =	vld [tilespmem:s14+$0xFFFFFE40]  }
0xc5: {  	v18 =	vld [tilespmem:s14+$0xFFFFFEB0]  }
0xc6: {  	v19 =	vld [tilespmem:s14+$0xFFFFFEC0]  }
0xc7: {  	v20 =	vimm.f32 $0.0e+00;
	v21 =	vld [tilespmem:s14+$0xFFFFFED0]  }
0xc8: {  	v22 =	vld [tilespmem:s14+$0xFFFFFEE0];
	v14 =	vadd.f32 v14, v20;
	v15 =	vadd.f32 v15, v20  }
0xc9: {  	v23 =	vld [tilespmem:s14+$0xFFFFFE50];
	v16 =	vadd.f32 v16, v20;
	v17 =	vadd.f32 v17, v20  }
0xca: {  	v24 =	vld [tilespmem:s14+$0xFFFFFE60];
	v8 =	vadd.f32 v8, v14;
	v13 =	vadd.f32 v13, v15  }
0xcb: {  	v14 =	vld [tilespmem:s14+$0xFFFFFE70];
	v15 =	vadd.f32 v18, v16;
	v16 =	vadd.f32 v19, v17  }
0xcc: {  	v17 =	vld [tilespmem:s14+$0xFFFFFE80];
	v6 =	vadd.f32 v6, v8;
	v13 =	vadd.f32 v7, v13  }
0xcd: {  	v8 =	vld [tilespmem:s14+$0xFFFFFEF0];
	v15 =	vadd.f32 v9, v15;
	v16 =	vadd.f32 v10, v16  }
0xce: {  	v10 =	vld [tilespmem:s14+$0xFFFFFF00];
	v7 =	vadd.f32 v4, v6;
	v6 =	vadd.f32 v5, v13  }
0xcf: {  	v9 =	vld [tilespmem:s14+$0xFFFFFF70];
	v5 =	vadd.f32 v11, v15;
	v4 =	vadd.f32 v12, v16  }
0xd0: {  	v13 =	vadd.f32 v23, v20;
	v16 =	vadd.f32 v24, v20;
	v12 =	vld [tilespmem:s14+$0xFFFFFF80]  }
0xd1: {  	v11 =	vld [tilespmem:s14+$0xFFFFFFF0];
	v15 =	vadd.f32 v14, v20;
	v14 =	vadd.f32 v17, v20  }
0xd2: {  	s13 =	simm.s32 $0x0;
	v17 =	vadd.f32 v21, v13;
	v16 =	vadd.f32 v22, v16;
	v13 =	vld [tilespmem:s14+$0x0];
	s14 =	simm.s32 $0x23F0  }
.LBB2_6:
0xd3: {  	v18 =	vld [tilespmem:s14+$0xFFFFFF90];
	v8 =	vadd.f32 v8, v15;
	v10 =	vadd.f32 v10, v14  }
0xd4: {  	v14 =	vld [tilespmem:s14+$0xFFFFFFA0];
	v3 =	vadd.f32 v3, v17;
	v2 =	vadd.f32 v2, v16  }
0xd5: {  	v15 =	vld [tilespmem:s14+$0xFFFFFFB0];
	v8 =	vadd.f32 v9, v8;
	v9 =	vadd.f32 v12, v10  }
0xd6: {  	v12 =	vld [tilespmem:s14+$0xFFFFFFC0];
	v16 =	vadd.f32 v0, v3;
	v17 =	vadd.f32 v1, v2  }
0xd7: {  	v0 =	vld [tilespmem:s14+$0xFFFFFFD0];
	v11 =	vadd.f32 v11, v8;
	v13 =	vadd.f32 v13, v9  }
0xd8: {  	v1 =	vld [tilespmem:s14+$0xFFFFFFE0]  }
0xd9: {  	v8 =	vld [tilespmem:s14+$0xFFFFFF10]  }
0xda: {  	v9 =	vld [tilespmem:s14+$0xFFFFFF20]  }
0xdb: {  	v10 =	vld [tilespmem:s14+$0xFFFFFF30]  }
0xdc: {  	v19 =	vld [tilespmem:s14+$0xFFFFFF40]  }
0xdd: {  	v3 =	vld [tilespmem:s14+$0xFFFFFF50]  }
0xde: {  	v2 =	vld [tilespmem:s14+$0xFFFFFF60]  }
0xdf: {  	v20 =	vld [tilespmem:s14+$0xFFFFFE90]  }
0xe0: {  	v21 =	vld [tilespmem:s14+$0xFFFFFEA0]  }
0xe1: {  	v22 =	vld [tilespmem:s14+$0xFFFFFE10]  }
0xe2: {  	v23 =	vld [tilespmem:s14+$0xFFFFFE20]  }
0xe3: {  	v24 =	vld [tilespmem:s14+$0xFFFFFE30]  }
0xe4: {  	v25 =	vld [tilespmem:s14+$0xFFFFFE40]  }
0xe5: {  	v26 =	vld [tilespmem:s14+$0xFFFFFEB0]  }
0xe6: {  	v27 =	vld [tilespmem:s14+$0xFFFFFEC0]  }
0xe7: {  	v28 =	vld [tilespmem:s14+$0xFFFFFED0]  }
0xe8: {  	v7 =	vadd.f32 v22, v7;
	v6 =	vadd.f32 v23, v6;
	v22 =	vld [tilespmem:s14+$0xFFFFFEE0]  }
0xe9: {  	v5 =	vadd.f32 v24, v5;
	v4 =	vadd.f32 v25, v4;
	v23 =	vld [tilespmem:s14+$0xFFFFFE50]  }
0xea: {  	v7 =	vadd.f32 v20, v7;
	v6 =	vadd.f32 v21, v6;
	v24 =	vld [tilespmem:s14+$0xFFFFFE60]  }
0xeb: {  	v5 =	vadd.f32 v26, v5;
	v20 =	vld [tilespmem:s14+$0xFFFFFE70];
	v4 =	vadd.f32 v27, v4  }
0xec: {  	s13 =	sadd.s32 $0x4, s13;
	v7 =	vadd.f32 v8, v7;
	v6 =	vadd.f32 v9, v6;
	v21 =	vld [tilespmem:s14+$0xFFFFFE80]  }
0xed: {  	p1 =	slt.u32 s13, $0x1C;
	v5 =	vadd.f32 v10, v5;
	v8 =	vld [tilespmem:s14+$0xFFFFFEF0];
	v4 =	vadd.f32 v19, v4  }
.Ltmp4:
0xee: {  	v7 =	vadd.f32 v18, v7;
	v6 =	vadd.f32 v14, v6;
	v10 =	vld [tilespmem:s14+$0xFFFFFF00];
	(pc) =	sbr.rel @p1 .LBB2_6-.Ltmp4, $4  }
0xef: {  	v5 =	vadd.f32 v15, v5;
	v9 =	vld [tilespmem:s14+$0xFFFFFF70];
	v4 =	vadd.f32 v12, v4  }
0xf0: {  	v16 =	vadd.f32 v23, v16;
	v18 =	vadd.f32 v24, v17;
	v12 =	vld [tilespmem:s14+$0xFFFFFF80]  }
0xf1: {  	v15 =	vadd.f32 v20, v11;
	v14 =	vadd.f32 v21, v13;
	v11 =	vld [tilespmem:s14+$0xFFFFFFF0]  }
0xf2: {  	v17 =	vadd.f32 v28, v16;
	v16 =	vadd.f32 v22, v18;
	v13 =	vld [tilespmem:s14+$0x0];
	s14 =	sadd.s32 $0x200, s14  }
0xf3: {  	_ = 	snop  }
0xf4: {  	v8 =	vadd.f32 v8, v15;
	[tilespmem:$0x10100] =	vst v7;
	v3 =	vadd.f32 v3, v17  }
0xf5: {  	v7 =	vadd.f32 v10, v14;
	[tilespmem:$0x10110] =	vst v6;
	v2 =	vadd.f32 v2, v16  }
0xf6: {  	[tilespmem:$0x10120] =	vst v5;
	v6 =	vadd.f32 v9, v8;
	v0 =	vadd.f32 v0, v3  }
0xf7: {  	[tilespmem:$0x10130] =	vst v4;
	v3 =	vadd.f32 v12, v7;
	v1 =	vadd.f32 v1, v2  }
0xf8: {  	v2 =	vadd.f32 v11, v6;
	[tilespmem:$0x10140] =	vst v0  }
0xf9: {  	v0 =	vadd.f32 v13, v3;
	[tilespmem:$0x10150] =	vst v1  }
0xfa: {  	[tilespmem:$0x10160] =	vst v2  }
0xfb: {  	s14 =	simm.s32 $0x31F0;
	[tilespmem:$0x10170] =	vst v0  }
0xfc: {  	v4 =	vld [tilespmem:s14+$0xFFFFFF90]  }
0xfd: {  	v5 =	vld [tilespmem:s14+$0xFFFFFFA0]  }
0xfe: {  	v11 =	vld [tilespmem:s14+$0xFFFFFFB0]  }
0xff: {  	v12 =	vld [tilespmem:s14+$0xFFFFFFC0]  }
0x100: {  	v0 =	vld [tilespmem:s14+$0xFFFFFFD0]  }
0x101: {  	v1 =	vld [tilespmem:s14+$0xFFFFFFE0]  }
0x102: {  	v6 =	vld [tilespmem:s14+$0xFFFFFF10]  }
0x103: {  	v7 =	vld [tilespmem:s14+$0xFFFFFF20]  }
0x104: {  	v9 =	vld [tilespmem:s14+$0xFFFFFF30]  }
0x105: {  	v10 =	vld [tilespmem:s14+$0xFFFFFF40]  }
0x106: {  	v3 =	vld [tilespmem:s14+$0xFFFFFF50]  }
0x107: {  	v2 =	vld [tilespmem:s14+$0xFFFFFF60]  }
0x108: {  	v8 =	vld [tilespmem:s14+$0xFFFFFE90]  }
0x109: {  	v13 =	vld [tilespmem:s14+$0xFFFFFEA0]  }
0x10a: {  	v14 =	vld [tilespmem:s14+$0xFFFFFE10]  }
0x10b: {  	v15 =	vld [tilespmem:s14+$0xFFFFFE20]  }
0x10c: {  	v16 =	vld [tilespmem:s14+$0xFFFFFE30]  }
0x10d: {  	v17 =	vld [tilespmem:s14+$0xFFFFFE40]  }
0x10e: {  	v18 =	vld [tilespmem:s14+$0xFFFFFEB0]  }
0x10f: {  	v19 =	vld [tilespmem:s14+$0xFFFFFEC0]  }
0x110: {  	v20 =	vimm.f32 $0.0e+00;
	v21 =	vld [tilespmem:s14+$0xFFFFFED0]  }
0x111: {  	v22 =	vld [tilespmem:s14+$0xFFFFFEE0];
	v14 =	vadd.f32 v14, v20;
	v15 =	vadd.f32 v15, v20  }
0x112: {  	v23 =	vld [tilespmem:s14+$0xFFFFFE50];
	v16 =	vadd.f32 v16, v20;
	v17 =	vadd.f32 v17, v20  }
0x113: {  	v24 =	vld [tilespmem:s14+$0xFFFFFE60];
	v8 =	vadd.f32 v8, v14;
	v13 =	vadd.f32 v13, v15  }
0x114: {  	v14 =	vld [tilespmem:s14+$0xFFFFFE70];
	v15 =	vadd.f32 v18, v16;
	v16 =	vadd.f32 v19, v17  }
0x115: {  	v17 =	vld [tilespmem:s14+$0xFFFFFE80];
	v6 =	vadd.f32 v6, v8;
	v13 =	vadd.f32 v7, v13  }
0x116: {  	v8 =	vld [tilespmem:s14+$0xFFFFFEF0];
	v15 =	vadd.f32 v9, v15;
	v16 =	vadd.f32 v10, v16  }
0x117: {  	v10 =	vld [tilespmem:s14+$0xFFFFFF00];
	v7 =	vadd.f32 v4, v6;
	v6 =	vadd.f32 v5, v13  }
0x118: {  	v9 =	vld [tilespmem:s14+$0xFFFFFF70];
	v5 =	vadd.f32 v11, v15;
	v4 =	vadd.f32 v12, v16  }
0x119: {  	v13 =	vadd.f32 v23, v20;
	v16 =	vadd.f32 v24, v20;
	v12 =	vld [tilespmem:s14+$0xFFFFFF80]  }
0x11a: {  	v11 =	vld [tilespmem:s14+$0xFFFFFFF0];
	v15 =	vadd.f32 v14, v20;
	v14 =	vadd.f32 v17, v20  }
0x11b: {  	s13 =	simm.s32 $0x0;
	v17 =	vadd.f32 v21, v13;
	v16 =	vadd.f32 v22, v16;
	v13 =	vld [tilespmem:s14+$0x0];
	s14 =	simm.s32 $0x33F0  }
.LBB2_8:
0x11c: {  	v18 =	vld [tilespmem:s14+$0xFFFFFF90];
	v8 =	vadd.f32 v8, v15;
	v10 =	vadd.f32 v10, v14  }
0x11d: {  	v14 =	vld [tilespmem:s14+$0xFFFFFFA0];
	v3 =	vadd.f32 v3, v17;
	v2 =	vadd.f32 v2, v16  }
0x11e: {  	v15 =	vld [tilespmem:s14+$0xFFFFFFB0];
	v8 =	vadd.f32 v9, v8;
	v9 =	vadd.f32 v12, v10  }
0x11f: {  	v12 =	vld [tilespmem:s14+$0xFFFFFFC0];
	v16 =	vadd.f32 v0, v3;
	v17 =	vadd.f32 v1, v2  }
0x120: {  	v0 =	vld [tilespmem:s14+$0xFFFFFFD0];
	v11 =	vadd.f32 v11, v8;
	v13 =	vadd.f32 v13, v9  }
0x121: {  	v1 =	vld [tilespmem:s14+$0xFFFFFFE0]  }
0x122: {  	v8 =	vld [tilespmem:s14+$0xFFFFFF10]  }
0x123: {  	v9 =	vld [tilespmem:s14+$0xFFFFFF20]  }
0x124: {  	v10 =	vld [tilespmem:s14+$0xFFFFFF30]  }
0x125: {  	v19 =	vld [tilespmem:s14+$0xFFFFFF40]  }
0x126: {  	v3 =	vld [tilespmem:s14+$0xFFFFFF50]  }
0x127: {  	v2 =	vld [tilespmem:s14+$0xFFFFFF60]  }
0x128: {  	v20 =	vld [tilespmem:s14+$0xFFFFFE90]  }
0x129: {  	v21 =	vld [tilespmem:s14+$0xFFFFFEA0]  }
0x12a: {  	v22 =	vld [tilespmem:s14+$0xFFFFFE10]  }
0x12b: {  	v23 =	vld [tilespmem:s14+$0xFFFFFE20]  }
0x12c: {  	v24 =	vld [tilespmem:s14+$0xFFFFFE30]  }
0x12d: {  	v25 =	vld [tilespmem:s14+$0xFFFFFE40]  }
0x12e: {  	v26 =	vld [tilespmem:s14+$0xFFFFFEB0]  }
0x12f: {  	v27 =	vld [tilespmem:s14+$0xFFFFFEC0]  }
0x130: {  	v28 =	vld [tilespmem:s14+$0xFFFFFED0]  }
0x131: {  	v7 =	vadd.f32 v22, v7;
	v6 =	vadd.f32 v23, v6;
	v22 =	vld [tilespmem:s14+$0xFFFFFEE0]  }
0x132: {  	v5 =	vadd.f32 v24, v5;
	v4 =	vadd.f32 v25, v4;
	v23 =	vld [tilespmem:s14+$0xFFFFFE50]  }
0x133: {  	v7 =	vadd.f32 v20, v7;
	v6 =	vadd.f32 v21, v6;
	v24 =	vld [tilespmem:s14+$0xFFFFFE60]  }
0x134: {  	v5 =	vadd.f32 v26, v5;
	v20 =	vld [tilespmem:s14+$0xFFFFFE70];
	v4 =	vadd.f32 v27, v4  }
0x135: {  	s13 =	sadd.s32 $0x4, s13;
	v7 =	vadd.f32 v8, v7;
	v6 =	vadd.f32 v9, v6;
	v21 =	vld [tilespmem:s14+$0xFFFFFE80]  }
0x136: {  	p1 =	slt.u32 s13, $0x1C;
	v5 =	vadd.f32 v10, v5;
	v8 =	vld [tilespmem:s14+$0xFFFFFEF0];
	v4 =	vadd.f32 v19, v4  }
.Ltmp5:
0x137: {  	v7 =	vadd.f32 v18, v7;
	v6 =	vadd.f32 v14, v6;
	v10 =	vld [tilespmem:s14+$0xFFFFFF00];
	(pc) =	sbr.rel @p1 .LBB2_8-.Ltmp5, $4  }
0x138: {  	v5 =	vadd.f32 v15, v5;
	v9 =	vld [tilespmem:s14+$0xFFFFFF70];
	v4 =	vadd.f32 v12, v4  }
0x139: {  	v16 =	vadd.f32 v23, v16;
	v18 =	vadd.f32 v24, v17;
	v12 =	vld [tilespmem:s14+$0xFFFFFF80]  }
0x13a: {  	v15 =	vadd.f32 v20, v11;
	v14 =	vadd.f32 v21, v13;
	v11 =	vld [tilespmem:s14+$0xFFFFFFF0]  }
0x13b: {  	v17 =	vadd.f32 v28, v16;
	v16 =	vadd.f32 v22, v18;
	v13 =	vld [tilespmem:s14+$0x0];
	s14 =	sadd.s32 $0x200, s14  }
0x13c: {  	_ = 	snop  }
0x13d: {  	v8 =	vadd.f32 v8, v15;
	[tilespmem:$0x10180] =	vst v7;
	v3 =	vadd.f32 v3, v17  }
0x13e: {  	v7 =	vadd.f32 v10, v14;
	[tilespmem:$0x10190] =	vst v6;
	v2 =	vadd.f32 v2, v16  }
0x13f: {  	[tilespmem:$0x101A0] =	vst v5;
	v6 =	vadd.f32 v9, v8;
	v0 =	vadd.f32 v0, v3  }
0x140: {  	[tilespmem:$0x101B0] =	vst v4;
	v3 =	vadd.f32 v12, v7;
	v1 =	vadd.f32 v1, v2  }
0x141: {  	v2 =	vadd.f32 v11, v6;
	[tilespmem:$0x101C0] =	vst v0  }
0x142: {  	v0 =	vadd.f32 v13, v3;
	[tilespmem:$0x101D0] =	vst v1  }
0x143: {  	[tilespmem:$0x101E0] =	vst v2  }
0x144: {  	s14 =	simm.s32 $0x4000;
	[tilespmem:$0x101F0] =	vst v0  }
0x145: {  	v4 =	vld [tilespmem:s14+$0x180]  }
0x146: {  	v5 =	vld [tilespmem:s14+$0x190]  }
0x147: {  	v11 =	vld [tilespmem:s14+$0x1A0]  }
0x148: {  	v12 =	vld [tilespmem:s14+$0x1B0]  }
0x149: {  	v0 =	vld [tilespmem:s14+$0x1C0]  }
0x14a: {  	v1 =	vld [tilespmem:s14+$0x1D0]  }
0x14b: {  	v6 =	vld [tilespmem:s14+$0x100]  }
0x14c: {  	v7 =	vld [tilespmem:s14+$0x110]  }
0x14d: {  	v9 =	vld [tilespmem:s14+$0x120]  }
0x14e: {  	v10 =	vld [tilespmem:s14+$0x130]  }
0x14f: {  	v3 =	vld [tilespmem:s14+$0x140]  }
0x150: {  	v2 =	vld [tilespmem:s14+$0x150]  }
0x151: {  	v8 =	vld [tilespmem:s14+$0x80]  }
0x152: {  	v13 =	vld [tilespmem:s14+$0x90]  }
0x153: {  	v14 =	vld [tilespmem:s14+$0x0]  }
0x154: {  	v15 =	vld [tilespmem:s14+$0x10]  }
0x155: {  	v16 =	vld [tilespmem:s14+$0x20]  }
0x156: {  	v17 =	vld [tilespmem:s14+$0x30]  }
0x157: {  	v18 =	vld [tilespmem:s14+$0xA0]  }
0x158: {  	v19 =	vld [tilespmem:s14+$0xB0]  }
0x159: {  	v20 =	vimm.f32 $0.0e+00;
	v21 =	vld [tilespmem:s14+$0xC0]  }
0x15a: {  	v22 =	vld [tilespmem:s14+$0xD0];
	v14 =	vadd.f32 v14, v20;
	v15 =	vadd.f32 v15, v20  }
0x15b: {  	v23 =	vld [tilespmem:s14+$0x40];
	v16 =	vadd.f32 v16, v20;
	v17 =	vadd.f32 v17, v20  }
0x15c: {  	v24 =	vld [tilespmem:s14+$0x50];
	v8 =	vadd.f32 v8, v14;
	v13 =	vadd.f32 v13, v15  }
0x15d: {  	v14 =	vld [tilespmem:s14+$0x60];
	v15 =	vadd.f32 v18, v16;
	v16 =	vadd.f32 v19, v17  }
0x15e: {  	v17 =	vld [tilespmem:s14+$0x70];
	v6 =	vadd.f32 v6, v8;
	v13 =	vadd.f32 v7, v13  }
0x15f: {  	v8 =	vld [tilespmem:s14+$0xE0];
	v15 =	vadd.f32 v9, v15;
	v16 =	vadd.f32 v10, v16  }
0x160: {  	v10 =	vld [tilespmem:s14+$0xF0];
	v7 =	vadd.f32 v4, v6;
	v6 =	vadd.f32 v5, v13  }
0x161: {  	v9 =	vld [tilespmem:s14+$0x160];
	v5 =	vadd.f32 v11, v15;
	v4 =	vadd.f32 v12, v16  }
0x162: {  	v13 =	vadd.f32 v23, v20;
	v16 =	vadd.f32 v24, v20;
	v12 =	vld [tilespmem:s14+$0x170]  }
0x163: {  	v11 =	vld [tilespmem:s14+$0x1E0];
	v15 =	vadd.f32 v14, v20;
	v14 =	vadd.f32 v17, v20  }
0x164: {  	s13 =	simm.s32 $0x0;
	v17 =	vadd.f32 v21, v13;
	v16 =	vadd.f32 v22, v16;
	v13 =	vld [tilespmem:s14+$0x1F0];
	s14 =	simm.s32 $0x4200  }
.LBB2_10:
0x165: {  	v18 =	vld [tilespmem:s14+$0x180];
	v8 =	vadd.f32 v8, v15;
	v10 =	vadd.f32 v10, v14  }
0x166: {  	v14 =	vld [tilespmem:s14+$0x190];
	v3 =	vadd.f32 v3, v17;
	v2 =	vadd.f32 v2, v16  }
0x167: {  	v15 =	vld [tilespmem:s14+$0x1A0];
	v8 =	vadd.f32 v9, v8;
	v9 =	vadd.f32 v12, v10  }
0x168: {  	v12 =	vld [tilespmem:s14+$0x1B0];
	v16 =	vadd.f32 v0, v3;
	v17 =	vadd.f32 v1, v2  }
0x169: {  	v0 =	vld [tilespmem:s14+$0x1C0];
	v11 =	vadd.f32 v11, v8;
	v13 =	vadd.f32 v13, v9  }
0x16a: {  	v1 =	vld [tilespmem:s14+$0x1D0]  }
0x16b: {  	v8 =	vld [tilespmem:s14+$0x100]  }
0x16c: {  	v9 =	vld [tilespmem:s14+$0x110]  }
0x16d: {  	v10 =	vld [tilespmem:s14+$0x120]  }
0x16e: {  	v19 =	vld [tilespmem:s14+$0x130]  }
0x16f: {  	v3 =	vld [tilespmem:s14+$0x140]  }
0x170: {  	v2 =	vld [tilespmem:s14+$0x150]  }
0x171: {  	v20 =	vld [tilespmem:s14+$0x80]  }
0x172: {  	v21 =	vld [tilespmem:s14+$0x90]  }
0x173: {  	v22 =	vld [tilespmem:s14+$0x0]  }
0x174: {  	v23 =	vld [tilespmem:s14+$0x10]  }
0x175: {  	v24 =	vld [tilespmem:s14+$0x20]  }
0x176: {  	v25 =	vld [tilespmem:s14+$0x30]  }
0x177: {  	v26 =	vld [tilespmem:s14+$0xA0]  }
0x178: {  	v27 =	vld [tilespmem:s14+$0xB0]  }
0x179: {  	v28 =	vld [tilespmem:s14+$0xC0]  }
0x17a: {  	v7 =	vadd.f32 v22, v7;
	v6 =	vadd.f32 v23, v6;
	v22 =	vld [tilespmem:s14+$0xD0]  }
0x17b: {  	v5 =	vadd.f32 v24, v5;
	v4 =	vadd.f32 v25, v4;
	v23 =	vld [tilespmem:s14+$0x40]  }
0x17c: {  	v7 =	vadd.f32 v20, v7;
	v6 =	vadd.f32 v21, v6;
	v24 =	vld [tilespmem:s14+$0x50]  }
0x17d: {  	v5 =	vadd.f32 v26, v5;
	v20 =	vld [tilespmem:s14+$0x60];
	v4 =	vadd.f32 v27, v4  }
0x17e: {  	s13 =	sadd.s32 $0x4, s13;
	v7 =	vadd.f32 v8, v7;
	v6 =	vadd.f32 v9, v6;
	v21 =	vld [tilespmem:s14+$0x70]  }
0x17f: {  	p1 =	slt.u32 s13, $0x1C;
	v5 =	vadd.f32 v10, v5;
	v8 =	vld [tilespmem:s14+$0xE0];
	v4 =	vadd.f32 v19, v4  }
.Ltmp6:
0x180: {  	v7 =	vadd.f32 v18, v7;
	v6 =	vadd.f32 v14, v6;
	v10 =	vld [tilespmem:s14+$0xF0];
	(pc) =	sbr.rel @p1 .LBB2_10-.Ltmp6, $4  }
0x181: {  	v5 =	vadd.f32 v15, v5;
	v9 =	vld [tilespmem:s14+$0x160];
	v4 =	vadd.f32 v12, v4  }
0x182: {  	v16 =	vadd.f32 v23, v16;
	v18 =	vadd.f32 v24, v17;
	v12 =	vld [tilespmem:s14+$0x170]  }
0x183: {  	v15 =	vadd.f32 v20, v11;
	v14 =	vadd.f32 v21, v13;
	v11 =	vld [tilespmem:s14+$0x1E0]  }
0x184: {  	v17 =	vadd.f32 v28, v16;
	v16 =	vadd.f32 v22, v18;
	v13 =	vld [tilespmem:s14+$0x1F0];
	s14 =	sadd.s32 $0x200, s14  }
0x185: {  	_ = 	snop  }
0x186: {  	v8 =	vadd.f32 v8, v15;
	[tilespmem:$0x10200] =	vst v7;
	v3 =	vadd.f32 v3, v17  }
0x187: {  	v7 =	vadd.f32 v10, v14;
	[tilespmem:$0x10210] =	vst v6;
	v2 =	vadd.f32 v2, v16  }
0x188: {  	[tilespmem:$0x10220] =	vst v5;
	v6 =	vadd.f32 v9, v8;
	v0 =	vadd.f32 v0, v3  }
0x189: {  	[tilespmem:$0x10230] =	vst v4;
	v3 =	vadd.f32 v12, v7;
	v1 =	vadd.f32 v1, v2  }
0x18a: {  	v2 =	vadd.f32 v11, v6;
	[tilespmem:$0x10240] =	vst v0  }
0x18b: {  	v0 =	vadd.f32 v13, v3;
	[tilespmem:$0x10250] =	vst v1  }
0x18c: {  	[tilespmem:$0x10260] =	vst v2  }
0x18d: {  	s14 =	simm.s32 $0x5000;
	[tilespmem:$0x10270] =	vst v0  }
0x18e: {  	v4 =	vld [tilespmem:s14+$0x180]  }
0x18f: {  	v5 =	vld [tilespmem:s14+$0x190]  }
0x190: {  	v11 =	vld [tilespmem:s14+$0x1A0]  }
0x191: {  	v12 =	vld [tilespmem:s14+$0x1B0]  }
0x192: {  	v0 =	vld [tilespmem:s14+$0x1C0]  }
0x193: {  	v1 =	vld [tilespmem:s14+$0x1D0]  }
0x194: {  	v6 =	vld [tilespmem:s14+$0x100]  }
0x195: {  	v7 =	vld [tilespmem:s14+$0x110]  }
0x196: {  	v9 =	vld [tilespmem:s14+$0x120]  }
0x197: {  	v10 =	vld [tilespmem:s14+$0x130]  }
0x198: {  	v3 =	vld [tilespmem:s14+$0x140]  }
0x199: {  	v2 =	vld [tilespmem:s14+$0x150]  }
0x19a: {  	v8 =	vld [tilespmem:s14+$0x80]  }
0x19b: {  	v13 =	vld [tilespmem:s14+$0x90]  }
0x19c: {  	v14 =	vld [tilespmem:s14+$0x0]  }
0x19d: {  	v15 =	vld [tilespmem:s14+$0x10]  }
0x19e: {  	v16 =	vld [tilespmem:s14+$0x20]  }
0x19f: {  	v17 =	vld [tilespmem:s14+$0x30]  }
0x1a0: {  	v18 =	vld [tilespmem:s14+$0xA0]  }
0x1a1: {  	v19 =	vld [tilespmem:s14+$0xB0]  }
0x1a2: {  	v20 =	vimm.f32 $0.0e+00;
	v21 =	vld [tilespmem:s14+$0xC0]  }
0x1a3: {  	v22 =	vld [tilespmem:s14+$0xD0];
	v14 =	vadd.f32 v14, v20;
	v15 =	vadd.f32 v15, v20  }
0x1a4: {  	v23 =	vld [tilespmem:s14+$0x40];
	v16 =	vadd.f32 v16, v20;
	v17 =	vadd.f32 v17, v20  }
0x1a5: {  	v24 =	vld [tilespmem:s14+$0x50];
	v8 =	vadd.f32 v8, v14;
	v13 =	vadd.f32 v13, v15  }
0x1a6: {  	v14 =	vld [tilespmem:s14+$0x60];
	v15 =	vadd.f32 v18, v16;
	v16 =	vadd.f32 v19, v17  }
0x1a7: {  	v17 =	vld [tilespmem:s14+$0x70];
	v6 =	vadd.f32 v6, v8;
	v13 =	vadd.f32 v7, v13  }
0x1a8: {  	v8 =	vld [tilespmem:s14+$0xE0];
	v15 =	vadd.f32 v9, v15;
	v16 =	vadd.f32 v10, v16  }
0x1a9: {  	v10 =	vld [tilespmem:s14+$0xF0];
	v7 =	vadd.f32 v4, v6;
	v6 =	vadd.f32 v5, v13  }
0x1aa: {  	v9 =	vld [tilespmem:s14+$0x160];
	v5 =	vadd.f32 v11, v15;
	v4 =	vadd.f32 v12, v16  }
0x1ab: {  	v13 =	vadd.f32 v23, v20;
	v16 =	vadd.f32 v24, v20;
	v12 =	vld [tilespmem:s14+$0x170]  }
0x1ac: {  	v11 =	vld [tilespmem:s14+$0x1E0];
	v15 =	vadd.f32 v14, v20;
	v14 =	vadd.f32 v17, v20  }
0x1ad: {  	s13 =	simm.s32 $0x0;
	v17 =	vadd.f32 v21, v13;
	v16 =	vadd.f32 v22, v16;
	v13 =	vld [tilespmem:s14+$0x1F0];
	s14 =	simm.s32 $0x5200  }
.LBB2_12:
0x1ae: {  	v18 =	vld [tilespmem:s14+$0x180];
	v8 =	vadd.f32 v8, v15;
	v10 =	vadd.f32 v10, v14  }
0x1af: {  	v14 =	vld [tilespmem:s14+$0x190];
	v3 =	vadd.f32 v3, v17;
	v2 =	vadd.f32 v2, v16  }
0x1b0: {  	v15 =	vld [tilespmem:s14+$0x1A0];
	v8 =	vadd.f32 v9, v8;
	v9 =	vadd.f32 v12, v10  }
0x1b1: {  	v12 =	vld [tilespmem:s14+$0x1B0];
	v16 =	vadd.f32 v0, v3;
	v17 =	vadd.f32 v1, v2  }
0x1b2: {  	v0 =	vld [tilespmem:s14+$0x1C0];
	v11 =	vadd.f32 v11, v8;
	v13 =	vadd.f32 v13, v9  }
0x1b3: {  	v1 =	vld [tilespmem:s14+$0x1D0]  }
0x1b4: {  	v8 =	vld [tilespmem:s14+$0x100]  }
0x1b5: {  	v9 =	vld [tilespmem:s14+$0x110]  }
0x1b6: {  	v10 =	vld [tilespmem:s14+$0x120]  }
0x1b7: {  	v19 =	vld [tilespmem:s14+$0x130]  }
0x1b8: {  	v3 =	vld [tilespmem:s14+$0x140]  }
0x1b9: {  	v2 =	vld [tilespmem:s14+$0x150]  }
0x1ba: {  	v20 =	vld [tilespmem:s14+$0x80]  }
0x1bb: {  	v21 =	vld [tilespmem:s14+$0x90]  }
0x1bc: {  	v22 =	vld [tilespmem:s14+$0x0]  }
0x1bd: {  	v23 =	vld [tilespmem:s14+$0x10]  }
0x1be: {  	v24 =	vld [tilespmem:s14+$0x20]  }
0x1bf: {  	v25 =	vld [tilespmem:s14+$0x30]  }
0x1c0: {  	v26 =	vld [tilespmem:s14+$0xA0]  }
0x1c1: {  	v27 =	vld [tilespmem:s14+$0xB0]  }
0x1c2: {  	v28 =	vld [tilespmem:s14+$0xC0]  }
0x1c3: {  	v7 =	vadd.f32 v22, v7;
	v6 =	vadd.f32 v23, v6;
	v22 =	vld [tilespmem:s14+$0xD0]  }
0x1c4: {  	v5 =	vadd.f32 v24, v5;
	v4 =	vadd.f32 v25, v4;
	v23 =	vld [tilespmem:s14+$0x40]  }
0x1c5: {  	v7 =	vadd.f32 v20, v7;
	v6 =	vadd.f32 v21, v6;
	v24 =	vld [tilespmem:s14+$0x50]  }
0x1c6: {  	v5 =	vadd.f32 v26, v5;
	v20 =	vld [tilespmem:s14+$0x60];
	v4 =	vadd.f32 v27, v4  }
0x1c7: {  	s13 =	sadd.s32 $0x4, s13;
	v7 =	vadd.f32 v8, v7;
	v6 =	vadd.f32 v9, v6;
	v21 =	vld [tilespmem:s14+$0x70]  }
0x1c8: {  	p1 =	slt.u32 s13, $0x1C;
	v5 =	vadd.f32 v10, v5;
	v8 =	vld [tilespmem:s14+$0xE0];
	v4 =	vadd.f32 v19, v4  }
.Ltmp7:
0x1c9: {  	v7 =	vadd.f32 v18, v7;
	v6 =	vadd.f32 v14, v6;
	v10 =	vld [tilespmem:s14+$0xF0];
	(pc) =	sbr.rel @p1 .LBB2_12-.Ltmp7, $4  }
0x1ca: {  	v5 =	vadd.f32 v15, v5;
	v9 =	vld [tilespmem:s14+$0x160];
	v4 =	vadd.f32 v12, v4  }
0x1cb: {  	v16 =	vadd.f32 v23, v16;
	v18 =	vadd.f32 v24, v17;
	v12 =	vld [tilespmem:s14+$0x170]  }
0x1cc: {  	v15 =	vadd.f32 v20, v11;
	v14 =	vadd.f32 v21, v13;
	v11 =	vld [tilespmem:s14+$0x1E0]  }
0x1cd: {  	v17 =	vadd.f32 v28, v16;
	v16 =	vadd.f32 v22, v18;
	v13 =	vld [tilespmem:s14+$0x1F0];
	s14 =	sadd.s32 $0x200, s14  }
0x1ce: {  	_ = 	snop  }
0x1cf: {  	v8 =	vadd.f32 v8, v15;
	[tilespmem:$0x10280] =	vst v7;
	v3 =	vadd.f32 v3, v17  }
0x1d0: {  	v7 =	vadd.f32 v10, v14;
	[tilespmem:$0x10290] =	vst v6;
	v2 =	vadd.f32 v2, v16  }
0x1d1: {  	[tilespmem:$0x102A0] =	vst v5;
	v6 =	vadd.f32 v9, v8;
	v0 =	vadd.f32 v0, v3  }
0x1d2: {  	[tilespmem:$0x102B0] =	vst v4;
	v3 =	vadd.f32 v12, v7;
	v1 =	vadd.f32 v1, v2  }
0x1d3: {  	v2 =	vadd.f32 v11, v6;
	[tilespmem:$0x102C0] =	vst v0  }
0x1d4: {  	v0 =	vadd.f32 v13, v3;
	[tilespmem:$0x102D0] =	vst v1  }
0x1d5: {  	[tilespmem:$0x102E0] =	vst v2  }
0x1d6: {  	s14 =	simm.s32 $0x6000;
	[tilespmem:$0x102F0] =	vst v0  }
0x1d7: {  	v4 =	vld [tilespmem:s14+$0x180]  }
0x1d8: {  	v5 =	vld [tilespmem:s14+$0x190]  }
0x1d9: {  	v11 =	vld [tilespmem:s14+$0x1A0]  }
0x1da: {  	v12 =	vld [tilespmem:s14+$0x1B0]  }
0x1db: {  	v0 =	vld [tilespmem:s14+$0x1C0]  }
0x1dc: {  	v1 =	vld [tilespmem:s14+$0x1D0]  }
0x1dd: {  	v6 =	vld [tilespmem:s14+$0x100]  }
0x1de: {  	v7 =	vld [tilespmem:s14+$0x110]  }
0x1df: {  	v9 =	vld [tilespmem:s14+$0x120]  }
0x1e0: {  	v10 =	vld [tilespmem:s14+$0x130]  }
0x1e1: {  	v3 =	vld [tilespmem:s14+$0x140]  }
0x1e2: {  	v2 =	vld [tilespmem:s14+$0x150]  }
0x1e3: {  	v8 =	vld [tilespmem:s14+$0x80]  }
0x1e4: {  	v13 =	vld [tilespmem:s14+$0x90]  }
0x1e5: {  	v14 =	vld [tilespmem:s14+$0x0]  }
0x1e6: {  	v15 =	vld [tilespmem:s14+$0x10]  }
0x1e7: {  	v16 =	vld [tilespmem:s14+$0x20]  }
0x1e8: {  	v17 =	vld [tilespmem:s14+$0x30]  }
0x1e9: {  	v18 =	vld [tilespmem:s14+$0xA0]  }
0x1ea: {  	v19 =	vld [tilespmem:s14+$0xB0]  }
0x1eb: {  	v20 =	vimm.f32 $0.0e+00;
	v21 =	vld [tilespmem:s14+$0xC0]  }
0x1ec: {  	v22 =	vld [tilespmem:s14+$0xD0];
	v14 =	vadd.f32 v14, v20;
	v15 =	vadd.f32 v15, v20  }
0x1ed: {  	v23 =	vld [tilespmem:s14+$0x40];
	v16 =	vadd.f32 v16, v20;
	v17 =	vadd.f32 v17, v20  }
0x1ee: {  	v24 =	vld [tilespmem:s14+$0x50];
	v8 =	vadd.f32 v8, v14;
	v13 =	vadd.f32 v13, v15  }
0x1ef: {  	v14 =	vld [tilespmem:s14+$0x60];
	v15 =	vadd.f32 v18, v16;
	v16 =	vadd.f32 v19, v17  }
0x1f0: {  	v17 =	vld [tilespmem:s14+$0x70];
	v6 =	vadd.f32 v6, v8;
	v13 =	vadd.f32 v7, v13  }
0x1f1: {  	v8 =	vld [tilespmem:s14+$0xE0];
	v15 =	vadd.f32 v9, v15;
	v16 =	vadd.f32 v10, v16  }
0x1f2: {  	v10 =	vld [tilespmem:s14+$0xF0];
	v7 =	vadd.f32 v4, v6;
	v6 =	vadd.f32 v5, v13  }
0x1f3: {  	v9 =	vld [tilespmem:s14+$0x160];
	v5 =	vadd.f32 v11, v15;
	v4 =	vadd.f32 v12, v16  }
0x1f4: {  	v13 =	vadd.f32 v23, v20;
	v16 =	vadd.f32 v24, v20;
	v12 =	vld [tilespmem:s14+$0x170]  }
0x1f5: {  	v11 =	vld [tilespmem:s14+$0x1E0];
	v15 =	vadd.f32 v14, v20;
	v14 =	vadd.f32 v17, v20  }
0x1f6: {  	s13 =	simm.s32 $0x0;
	v17 =	vadd.f32 v21, v13;
	v16 =	vadd.f32 v22, v16;
	v13 =	vld [tilespmem:s14+$0x1F0];
	s14 =	simm.s32 $0x6200  }
.LBB2_14:
0x1f7: {  	v18 =	vld [tilespmem:s14+$0x180];
	v8 =	vadd.f32 v8, v15;
	v10 =	vadd.f32 v10, v14  }
0x1f8: {  	v14 =	vld [tilespmem:s14+$0x190];
	v3 =	vadd.f32 v3, v17;
	v2 =	vadd.f32 v2, v16  }
0x1f9: {  	v15 =	vld [tilespmem:s14+$0x1A0];
	v8 =	vadd.f32 v9, v8;
	v9 =	vadd.f32 v12, v10  }
0x1fa: {  	v12 =	vld [tilespmem:s14+$0x1B0];
	v16 =	vadd.f32 v0, v3;
	v17 =	vadd.f32 v1, v2  }
0x1fb: {  	v0 =	vld [tilespmem:s14+$0x1C0];
	v11 =	vadd.f32 v11, v8;
	v13 =	vadd.f32 v13, v9  }
0x1fc: {  	v1 =	vld [tilespmem:s14+$0x1D0]  }
0x1fd: {  	v8 =	vld [tilespmem:s14+$0x100]  }
0x1fe: {  	v9 =	vld [tilespmem:s14+$0x110]  }
0x1ff: {  	v10 =	vld [tilespmem:s14+$0x120]  }
0x200: {  	v19 =	vld [tilespmem:s14+$0x130]  }
0x201: {  	v3 =	vld [tilespmem:s14+$0x140]  }
0x202: {  	v2 =	vld [tilespmem:s14+$0x150]  }
0x203: {  	v20 =	vld [tilespmem:s14+$0x80]  }
0x204: {  	v21 =	vld [tilespmem:s14+$0x90]  }
0x205: {  	v22 =	vld [tilespmem:s14+$0x0]  }
0x206: {  	v23 =	vld [tilespmem:s14+$0x10]  }
0x207: {  	v24 =	vld [tilespmem:s14+$0x20]  }
0x208: {  	v25 =	vld [tilespmem:s14+$0x30]  }
0x209: {  	v26 =	vld [tilespmem:s14+$0xA0]  }
0x20a: {  	v27 =	vld [tilespmem:s14+$0xB0]  }
0x20b: {  	v28 =	vld [tilespmem:s14+$0xC0]  }
0x20c: {  	v7 =	vadd.f32 v22, v7;
	v6 =	vadd.f32 v23, v6;
	v22 =	vld [tilespmem:s14+$0xD0]  }
0x20d: {  	v5 =	vadd.f32 v24, v5;
	v4 =	vadd.f32 v25, v4;
	v23 =	vld [tilespmem:s14+$0x40]  }
0x20e: {  	v7 =	vadd.f32 v20, v7;
	v6 =	vadd.f32 v21, v6;
	v24 =	vld [tilespmem:s14+$0x50]  }
0x20f: {  	v5 =	vadd.f32 v26, v5;
	v20 =	vld [tilespmem:s14+$0x60];
	v4 =	vadd.f32 v27, v4  }
0x210: {  	s13 =	sadd.s32 $0x4, s13;
	v7 =	vadd.f32 v8, v7;
	v6 =	vadd.f32 v9, v6;
	v21 =	vld [tilespmem:s14+$0x70]  }
0x211: {  	p1 =	slt.u32 s13, $0x1C;
	v5 =	vadd.f32 v10, v5;
	v8 =	vld [tilespmem:s14+$0xE0];
	v4 =	vadd.f32 v19, v4  }
.Ltmp8:
0x212: {  	v7 =	vadd.f32 v18, v7;
	v6 =	vadd.f32 v14, v6;
	v10 =	vld [tilespmem:s14+$0xF0];
	(pc) =	sbr.rel @p1 .LBB2_14-.Ltmp8, $4  }
0x213: {  	v5 =	vadd.f32 v15, v5;
	v9 =	vld [tilespmem:s14+$0x160];
	v4 =	vadd.f32 v12, v4  }
0x214: {  	v16 =	vadd.f32 v23, v16;
	v18 =	vadd.f32 v24, v17;
	v12 =	vld [tilespmem:s14+$0x170]  }
0x215: {  	v15 =	vadd.f32 v20, v11;
	v14 =	vadd.f32 v21, v13;
	v11 =	vld [tilespmem:s14+$0x1E0]  }
0x216: {  	v17 =	vadd.f32 v28, v16;
	v16 =	vadd.f32 v22, v18;
	v13 =	vld [tilespmem:s14+$0x1F0];
	s14 =	sadd.s32 $0x200, s14  }
0x217: {  	_ = 	snop  }
0x218: {  	v8 =	vadd.f32 v8, v15;
	[tilespmem:$0x10300] =	vst v7;
	v3 =	vadd.f32 v3, v17  }
0x219: {  	v7 =	vadd.f32 v10, v14;
	[tilespmem:$0x10310] =	vst v6;
	v2 =	vadd.f32 v2, v16  }
0x21a: {  	[tilespmem:$0x10320] =	vst v5;
	v6 =	vadd.f32 v9, v8;
	v0 =	vadd.f32 v0, v3  }
0x21b: {  	[tilespmem:$0x10330] =	vst v4;
	v3 =	vadd.f32 v12, v7;
	v1 =	vadd.f32 v1, v2  }
0x21c: {  	v2 =	vadd.f32 v11, v6;
	[tilespmem:$0x10340] =	vst v0  }
0x21d: {  	v0 =	vadd.f32 v13, v3;
	[tilespmem:$0x10350] =	vst v1  }
0x21e: {  	[tilespmem:$0x10360] =	vst v2  }
0x21f: {  	s14 =	simm.s32 $0x7000;
	[tilespmem:$0x10370] =	vst v0  }
0x220: {  	v4 =	vld [tilespmem:s14+$0x180]  }
0x221: {  	v5 =	vld [tilespmem:s14+$0x190]  }
0x222: {  	v11 =	vld [tilespmem:s14+$0x1A0]  }
0x223: {  	v12 =	vld [tilespmem:s14+$0x1B0]  }
0x224: {  	v0 =	vld [tilespmem:s14+$0x1C0]  }
0x225: {  	v1 =	vld [tilespmem:s14+$0x1D0]  }
0x226: {  	v6 =	vld [tilespmem:s14+$0x100]  }
0x227: {  	v7 =	vld [tilespmem:s14+$0x110]  }
0x228: {  	v9 =	vld [tilespmem:s14+$0x120]  }
0x229: {  	v10 =	vld [tilespmem:s14+$0x130]  }
0x22a: {  	v3 =	vld [tilespmem:s14+$0x140]  }
0x22b: {  	v2 =	vld [tilespmem:s14+$0x150]  }
0x22c: {  	v8 =	vld [tilespmem:s14+$0x80]  }
0x22d: {  	v13 =	vld [tilespmem:s14+$0x90]  }
0x22e: {  	v14 =	vld [tilespmem:s14+$0x0]  }
0x22f: {  	v15 =	vld [tilespmem:s14+$0x10]  }
0x230: {  	v16 =	vld [tilespmem:s14+$0x20]  }
0x231: {  	v17 =	vld [tilespmem:s14+$0x30]  }
0x232: {  	v18 =	vld [tilespmem:s14+$0xA0]  }
0x233: {  	v19 =	vld [tilespmem:s14+$0xB0]  }
0x234: {  	v20 =	vimm.f32 $0.0e+00;
	v21 =	vld [tilespmem:s14+$0xC0]  }
0x235: {  	v22 =	vld [tilespmem:s14+$0xD0];
	v14 =	vadd.f32 v14, v20;
	v15 =	vadd.f32 v15, v20  }
0x236: {  	v23 =	vld [tilespmem:s14+$0x40];
	v16 =	vadd.f32 v16, v20;
	v17 =	vadd.f32 v17, v20  }
0x237: {  	v24 =	vld [tilespmem:s14+$0x50];
	v8 =	vadd.f32 v8, v14;
	v13 =	vadd.f32 v13, v15  }
0x238: {  	v14 =	vld [tilespmem:s14+$0x60];
	v15 =	vadd.f32 v18, v16;
	v16 =	vadd.f32 v19, v17  }
0x239: {  	v17 =	vld [tilespmem:s14+$0x70];
	v6 =	vadd.f32 v6, v8;
	v13 =	vadd.f32 v7, v13  }
0x23a: {  	v8 =	vld [tilespmem:s14+$0xE0];
	v15 =	vadd.f32 v9, v15;
	v16 =	vadd.f32 v10, v16  }
0x23b: {  	v10 =	vld [tilespmem:s14+$0xF0];
	v7 =	vadd.f32 v4, v6;
	v6 =	vadd.f32 v5, v13  }
0x23c: {  	v9 =	vld [tilespmem:s14+$0x160];
	v5 =	vadd.f32 v11, v15;
	v4 =	vadd.f32 v12, v16  }
0x23d: {  	v13 =	vadd.f32 v23, v20;
	v16 =	vadd.f32 v24, v20;
	v12 =	vld [tilespmem:s14+$0x170]  }
0x23e: {  	v11 =	vld [tilespmem:s14+$0x1E0];
	v15 =	vadd.f32 v14, v20;
	v14 =	vadd.f32 v17, v20  }
0x23f: {  	s13 =	simm.s32 $0x0;
	v17 =	vadd.f32 v21, v13;
	v16 =	vadd.f32 v22, v16;
	v13 =	vld [tilespmem:s14+$0x1F0];
	s14 =	simm.s32 $0x7200  }
.LBB2_16:
0x240: {  	v18 =	vld [tilespmem:s14+$0x180];
	v8 =	vadd.f32 v8, v15;
	v10 =	vadd.f32 v10, v14  }
0x241: {  	v14 =	vld [tilespmem:s14+$0x190];
	v3 =	vadd.f32 v3, v17;
	v2 =	vadd.f32 v2, v16  }
0x242: {  	v15 =	vld [tilespmem:s14+$0x1A0];
	v8 =	vadd.f32 v9, v8;
	v9 =	vadd.f32 v12, v10  }
0x243: {  	v12 =	vld [tilespmem:s14+$0x1B0];
	v16 =	vadd.f32 v0, v3;
	v17 =	vadd.f32 v1, v2  }
0x244: {  	v0 =	vld [tilespmem:s14+$0x1C0];
	v11 =	vadd.f32 v11, v8;
	v13 =	vadd.f32 v13, v9  }
0x245: {  	v1 =	vld [tilespmem:s14+$0x1D0]  }
0x246: {  	v8 =	vld [tilespmem:s14+$0x100]  }
0x247: {  	v9 =	vld [tilespmem:s14+$0x110]  }
0x248: {  	v10 =	vld [tilespmem:s14+$0x120]  }
0x249: {  	v19 =	vld [tilespmem:s14+$0x130]  }
0x24a: {  	v3 =	vld [tilespmem:s14+$0x140]  }
0x24b: {  	v2 =	vld [tilespmem:s14+$0x150]  }
0x24c: {  	v20 =	vld [tilespmem:s14+$0x80]  }
0x24d: {  	v21 =	vld [tilespmem:s14+$0x90]  }
0x24e: {  	v22 =	vld [tilespmem:s14+$0x0]  }
0x24f: {  	v23 =	vld [tilespmem:s14+$0x10]  }
0x250: {  	v24 =	vld [tilespmem:s14+$0x20]  }
0x251: {  	v25 =	vld [tilespmem:s14+$0x30]  }
0x252: {  	v26 =	vld [tilespmem:s14+$0xA0]  }
0x253: {  	v27 =	vld [tilespmem:s14+$0xB0]  }
0x254: {  	v28 =	vld [tilespmem:s14+$0xC0]  }
0x255: {  	v7 =	vadd.f32 v22, v7;
	v6 =	vadd.f32 v23, v6;
	v22 =	vld [tilespmem:s14+$0xD0]  }
0x256: {  	v5 =	vadd.f32 v24, v5;
	v4 =	vadd.f32 v25, v4;
	v23 =	vld [tilespmem:s14+$0x40]  }
0x257: {  	v7 =	vadd.f32 v20, v7;
	v6 =	vadd.f32 v21, v6;
	v24 =	vld [tilespmem:s14+$0x50]  }
0x258: {  	v5 =	vadd.f32 v26, v5;
	v20 =	vld [tilespmem:s14+$0x60];
	v4 =	vadd.f32 v27, v4  }
0x259: {  	s13 =	sadd.s32 $0x4, s13;
	v7 =	vadd.f32 v8, v7;
	v6 =	vadd.f32 v9, v6;
	v21 =	vld [tilespmem:s14+$0x70]  }
0x25a: {  	p1 =	slt.u32 s13, $0x1C;
	v5 =	vadd.f32 v10, v5;
	v8 =	vld [tilespmem:s14+$0xE0];
	v4 =	vadd.f32 v19, v4  }
.Ltmp9:
0x25b: {  	v7 =	vadd.f32 v18, v7;
	v6 =	vadd.f32 v14, v6;
	v10 =	vld [tilespmem:s14+$0xF0];
	(pc) =	sbr.rel @p1 .LBB2_16-.Ltmp9, $4  }
0x25c: {  	v5 =	vadd.f32 v15, v5;
	v9 =	vld [tilespmem:s14+$0x160];
	v4 =	vadd.f32 v12, v4  }
0x25d: {  	v16 =	vadd.f32 v23, v16;
	v18 =	vadd.f32 v24, v17;
	v12 =	vld [tilespmem:s14+$0x170]  }
0x25e: {  	v15 =	vadd.f32 v20, v11;
	v14 =	vadd.f32 v21, v13;
	v11 =	vld [tilespmem:s14+$0x1E0]  }
0x25f: {  	v17 =	vadd.f32 v28, v16;
	v16 =	vadd.f32 v22, v18;
	v13 =	vld [tilespmem:s14+$0x1F0];
	s14 =	sadd.s32 $0x200, s14  }
0x260: {  	_ = 	snop  }
0x261: {  	v8 =	vadd.f32 v8, v15;
	[tilespmem:$0x10380] =	vst v7;
	v3 =	vadd.f32 v3, v17  }
0x262: {  	v59 =	vadd.f32 v10, v14;
	[tilespmem:$0x10390] =	vst v6;
	v2 =	vadd.f32 v2, v16  }
0x263: {  	[tilespmem:$0x103A0] =	vst v5;
	v60 =	vadd.f32 v9, v8;
	v0 =	vadd.f32 v0, v3  }
0x264: {  	[tilespmem:$0x103B0] =	vst v4;
	v61 =	vadd.f32 v12, v59;
	v1 =	vadd.f32 v1, v2  }
0x265: {  	v62 =	vadd.f32 v11, v60;
	[tilespmem:$0x103C0] =	vst v0  }
0x266: {  	v63 =	vadd.f32 v13, v61;
	[tilespmem:$0x103D0] =	vst v1  }
0x267: {  	[tilespmem:$0x103E0] =	vst v62  }
.Ltmp10:
0x268: {  	[tilespmem:$0x103F0] =	vst v63;
	(pc) =	sbr.rel @p0 .LBB2_35-.Ltmp10, $4  }
0x269: {  	[hbm4b:s5+s2] =	stream.linear.scatter [tilespmem:s9], [sflag:$0x3], $0x400, $0x38;
	[tilespmem:$0x10400] =	vst v63  }
0x26a: {  	_ =	swait.ge [sflag:s10], $0x400  }
0x26b: {  	[sflag:s10] =	ssyncset.done $0x0  }
0x26c: {  	[sflag:s10] =	ssyncadd.s32 $0xFFFFFC00  }
0x26d: {  	_ =	swait.ge [sflag:s11], $0x8000  }
0x26e: {  	[sflag:s11] =	ssyncset.done $0x0  }
0x26f: {  	s14 =	simm.s32 $0x8100;
	[sflag:s11] =	ssyncadd.s32 $0xFFFF8000  }
0x270: {  	v4 =	vld [tilespmem:s14+$0x80]  }
0x271: {  	v5 =	vld [tilespmem:s14+$0x90]  }
0x272: {  	v11 =	vld [tilespmem:s14+$0xA0]  }
0x273: {  	v12 =	vld [tilespmem:s14+$0xB0]  }
0x274: {  	v0 =	vld [tilespmem:s14+$0xC0]  }
0x275: {  	v1 =	vld [tilespmem:s14+$0xD0]  }
0x276: {  	v6 =	vld [tilespmem:s14+$0x0]  }
0x277: {  	v7 =	vld [tilespmem:s14+$0x10]  }
0x278: {  	v9 =	vld [tilespmem:s14+$0x20]  }
0x279: {  	v10 =	vld [tilespmem:s14+$0x30]  }
0x27a: {  	v3 =	vld [tilespmem:s14+$0x40]  }
0x27b: {  	v2 =	vld [tilespmem:s14+$0x50]  }
0x27c: {  	v8 =	vld [tilespmem:s14+$0xFFFFFF80]  }
0x27d: {  	v13 =	vld [tilespmem:s14+$0xFFFFFF90]  }
0x27e: {  	v14 =	vld [tilespmem:s14+$0xFFFFFF00]  }
0x27f: {  	v15 =	vld [tilespmem:s14+$0xFFFFFF10]  }
0x280: {  	v16 =	vld [tilespmem:s14+$0xFFFFFF20]  }
0x281: {  	v17 =	vld [tilespmem:s14+$0xFFFFFF30]  }
0x282: {  	v18 =	vld [tilespmem:s14+$0xFFFFFFA0]  }
0x283: {  	v19 =	vld [tilespmem:s14+$0xFFFFFFB0]  }
0x284: {  	v20 =	vimm.f32 $0.0e+00;
	v21 =	vld [tilespmem:s14+$0xFFFFFFC0]  }
0x285: {  	v22 =	vld [tilespmem:s14+$0xFFFFFFD0];
	v14 =	vadd.f32 v14, v20;
	v15 =	vadd.f32 v15, v20  }
0x286: {  	v23 =	vld [tilespmem:s14+$0xFFFFFF40];
	v16 =	vadd.f32 v16, v20;
	v17 =	vadd.f32 v17, v20  }
0x287: {  	v24 =	vld [tilespmem:s14+$0xFFFFFF50];
	v8 =	vadd.f32 v8, v14;
	v13 =	vadd.f32 v13, v15  }
0x288: {  	v14 =	vld [tilespmem:s14+$0xFFFFFF60];
	v15 =	vadd.f32 v18, v16;
	v16 =	vadd.f32 v19, v17  }
0x289: {  	v17 =	vld [tilespmem:s14+$0xFFFFFF70];
	v6 =	vadd.f32 v6, v8;
	v13 =	vadd.f32 v7, v13  }
0x28a: {  	v8 =	vld [tilespmem:s14+$0xFFFFFFE0];
	v15 =	vadd.f32 v9, v15;
	v16 =	vadd.f32 v10, v16  }
0x28b: {  	v10 =	vld [tilespmem:s14+$0xFFFFFFF0];
	v7 =	vadd.f32 v4, v6;
	v6 =	vadd.f32 v5, v13  }
0x28c: {  	v9 =	vld [tilespmem:s14+$0x60];
	v5 =	vadd.f32 v11, v15;
	v4 =	vadd.f32 v12, v16  }
0x28d: {  	v13 =	vadd.f32 v23, v20;
	v16 =	vadd.f32 v24, v20;
	v12 =	vld [tilespmem:s14+$0x70]  }
0x28e: {  	v11 =	vld [tilespmem:s14+$0xE0];
	v15 =	vadd.f32 v14, v20;
	v14 =	vadd.f32 v17, v20  }
0x28f: {  	s13 =	simm.s32 $0x0;
	v17 =	vadd.f32 v21, v13;
	v16 =	vadd.f32 v22, v16;
	v13 =	vld [tilespmem:s14+$0xF0];
	s14 =	simm.s32 $0x8300  }
.LBB2_19:
0x290: {  	v18 =	vld [tilespmem:s14+$0x80];
	v8 =	vadd.f32 v8, v15;
	v10 =	vadd.f32 v10, v14  }
0x291: {  	v14 =	vld [tilespmem:s14+$0x90];
	v3 =	vadd.f32 v3, v17;
	v2 =	vadd.f32 v2, v16  }
0x292: {  	v15 =	vld [tilespmem:s14+$0xA0];
	v8 =	vadd.f32 v9, v8;
	v9 =	vadd.f32 v12, v10  }
0x293: {  	v12 =	vld [tilespmem:s14+$0xB0];
	v16 =	vadd.f32 v0, v3;
	v17 =	vadd.f32 v1, v2  }
0x294: {  	v0 =	vld [tilespmem:s14+$0xC0];
	v11 =	vadd.f32 v11, v8;
	v13 =	vadd.f32 v13, v9  }
0x295: {  	v1 =	vld [tilespmem:s14+$0xD0]  }
0x296: {  	v8 =	vld [tilespmem:s14+$0x0]  }
0x297: {  	v9 =	vld [tilespmem:s14+$0x10]  }
0x298: {  	v10 =	vld [tilespmem:s14+$0x20]  }
0x299: {  	v19 =	vld [tilespmem:s14+$0x30]  }
0x29a: {  	v3 =	vld [tilespmem:s14+$0x40]  }
0x29b: {  	v2 =	vld [tilespmem:s14+$0x50]  }
0x29c: {  	v20 =	vld [tilespmem:s14+$0xFFFFFF80]  }
0x29d: {  	v21 =	vld [tilespmem:s14+$0xFFFFFF90]  }
0x29e: {  	v22 =	vld [tilespmem:s14+$0xFFFFFF00]  }
0x29f: {  	v23 =	vld [tilespmem:s14+$0xFFFFFF10]  }
0x2a0: {  	v24 =	vld [tilespmem:s14+$0xFFFFFF20]  }
0x2a1: {  	v25 =	vld [tilespmem:s14+$0xFFFFFF30]  }
0x2a2: {  	v26 =	vld [tilespmem:s14+$0xFFFFFFA0]  }
0x2a3: {  	v27 =	vld [tilespmem:s14+$0xFFFFFFB0]  }
0x2a4: {  	v28 =	vld [tilespmem:s14+$0xFFFFFFC0]  }
0x2a5: {  	v7 =	vadd.f32 v22, v7;
	v6 =	vadd.f32 v23, v6;
	v22 =	vld [tilespmem:s14+$0xFFFFFFD0]  }
0x2a6: {  	v5 =	vadd.f32 v24, v5;
	v4 =	vadd.f32 v25, v4;
	v23 =	vld [tilespmem:s14+$0xFFFFFF40]  }
0x2a7: {  	v7 =	vadd.f32 v20, v7;
	v6 =	vadd.f32 v21, v6;
	v24 =	vld [tilespmem:s14+$0xFFFFFF50]  }
0x2a8: {  	v5 =	vadd.f32 v26, v5;
	v20 =	vld [tilespmem:s14+$0xFFFFFF60];
	v4 =	vadd.f32 v27, v4  }
0x2a9: {  	s13 =	sadd.s32 $0x4, s13;
	v7 =	vadd.f32 v8, v7;
	v6 =	vadd.f32 v9, v6;
	v21 =	vld [tilespmem:s14+$0xFFFFFF70]  }
0x2aa: {  	p1 =	slt.u32 s13, $0x1C;
	v5 =	vadd.f32 v10, v5;
	v8 =	vld [tilespmem:s14+$0xFFFFFFE0];
	v4 =	vadd.f32 v19, v4  }
.Ltmp11:
0x2ab: {  	v7 =	vadd.f32 v18, v7;
	v6 =	vadd.f32 v14, v6;
	v10 =	vld [tilespmem:s14+$0xFFFFFFF0];
	(pc) =	sbr.rel @p1 .LBB2_19-.Ltmp11, $4  }
0x2ac: {  	v5 =	vadd.f32 v15, v5;
	v9 =	vld [tilespmem:s14+$0x60];
	v4 =	vadd.f32 v12, v4  }
0x2ad: {  	v16 =	vadd.f32 v23, v16;
	v18 =	vadd.f32 v24, v17;
	v12 =	vld [tilespmem:s14+$0x70]  }
0x2ae: {  	v15 =	vadd.f32 v20, v11;
	v14 =	vadd.f32 v21, v13;
	v11 =	vld [tilespmem:s14+$0xE0]  }
0x2af: {  	v17 =	vadd.f32 v28, v16;
	v16 =	vadd.f32 v22, v18;
	v13 =	vld [tilespmem:s14+$0xF0];
	s14 =	sadd.s32 $0x200, s14  }
0x2b0: {  	_ = 	snop  }
0x2b1: {  	v8 =	vadd.f32 v8, v15;
	[tilespmem:$0x10000] =	vst v7;
	v3 =	vadd.f32 v3, v17  }
0x2b2: {  	v7 =	vadd.f32 v10, v14;
	[tilespmem:$0x10010] =	vst v6;
	v2 =	vadd.f32 v2, v16  }
0x2b3: {  	[tilespmem:$0x10020] =	vst v5;
	v6 =	vadd.f32 v9, v8;
	v0 =	vadd.f32 v0, v3  }
0x2b4: {  	[tilespmem:$0x10030] =	vst v4;
	v3 =	vadd.f32 v12, v7;
	v1 =	vadd.f32 v1, v2  }
0x2b5: {  	v2 =	vadd.f32 v11, v6;
	[tilespmem:$0x10040] =	vst v0  }
0x2b6: {  	v0 =	vadd.f32 v13, v3;
	[tilespmem:$0x10050] =	vst v1  }
0x2b7: {  	[tilespmem:$0x10060] =	vst v2  }
0x2b8: {  	s14 =	simm.s32 $0x91F0;
	[tilespmem:$0x10070] =	vst v0  }
0x2b9: {  	v4 =	vld [tilespmem:s14+$0xFFFFFF90]  }
0x2ba: {  	v5 =	vld [tilespmem:s14+$0xFFFFFFA0]  }
0x2bb: {  	v11 =	vld [tilespmem:s14+$0xFFFFFFB0]  }
0x2bc: {  	v12 =	vld [tilespmem:s14+$0xFFFFFFC0]  }
0x2bd: {  	v0 =	vld [tilespmem:s14+$0xFFFFFFD0]  }
0x2be: {  	v1 =	vld [tilespmem:s14+$0xFFFFFFE0]  }
0x2bf: {  	v6 =	vld [tilespmem:s14+$0xFFFFFF10]  }
0x2c0: {  	v7 =	vld [tilespmem:s14+$0xFFFFFF20]  }
0x2c1: {  	v9 =	vld [tilespmem:s14+$0xFFFFFF30]  }
0x2c2: {  	v10 =	vld [tilespmem:s14+$0xFFFFFF40]  }
0x2c3: {  	v3 =	vld [tilespmem:s14+$0xFFFFFF50]  }
0x2c4: {  	v2 =	vld [tilespmem:s14+$0xFFFFFF60]  }
0x2c5: {  	v8 =	vld [tilespmem:s14+$0xFFFFFE90]  }
0x2c6: {  	v13 =	vld [tilespmem:s14+$0xFFFFFEA0]  }
0x2c7: {  	v14 =	vld [tilespmem:s14+$0xFFFFFE10]  }
0x2c8: {  	v15 =	vld [tilespmem:s14+$0xFFFFFE20]  }
0x2c9: {  	v16 =	vld [tilespmem:s14+$0xFFFFFE30]  }
0x2ca: {  	v17 =	vld [tilespmem:s14+$0xFFFFFE40]  }
0x2cb: {  	v18 =	vld [tilespmem:s14+$0xFFFFFEB0]  }
0x2cc: {  	v19 =	vld [tilespmem:s14+$0xFFFFFEC0]  }
0x2cd: {  	v20 =	vimm.f32 $0.0e+00;
	v21 =	vld [tilespmem:s14+$0xFFFFFED0]  }
0x2ce: {  	v22 =	vld [tilespmem:s14+$0xFFFFFEE0];
	v14 =	vadd.f32 v14, v20;
	v15 =	vadd.f32 v15, v20  }
0x2cf: {  	v23 =	vld [tilespmem:s14+$0xFFFFFE50];
	v16 =	vadd.f32 v16, v20;
	v17 =	vadd.f32 v17, v20  }
0x2d0: {  	v24 =	vld [tilespmem:s14+$0xFFFFFE60];
	v8 =	vadd.f32 v8, v14;
	v13 =	vadd.f32 v13, v15  }
0x2d1: {  	v14 =	vld [tilespmem:s14+$0xFFFFFE70];
	v15 =	vadd.f32 v18, v16;
	v16 =	vadd.f32 v19, v17  }
0x2d2: {  	v17 =	vld [tilespmem:s14+$0xFFFFFE80];
	v6 =	vadd.f32 v6, v8;
	v13 =	vadd.f32 v7, v13  }
0x2d3: {  	v8 =	vld [tilespmem:s14+$0xFFFFFEF0];
	v15 =	vadd.f32 v9, v15;
	v16 =	vadd.f32 v10, v16  }
0x2d4: {  	v10 =	vld [tilespmem:s14+$0xFFFFFF00];
	v7 =	vadd.f32 v4, v6;
	v6 =	vadd.f32 v5, v13  }
0x2d5: {  	v9 =	vld [tilespmem:s14+$0xFFFFFF70];
	v5 =	vadd.f32 v11, v15;
	v4 =	vadd.f32 v12, v16  }
0x2d6: {  	v13 =	vadd.f32 v23, v20;
	v16 =	vadd.f32 v24, v20;
	v12 =	vld [tilespmem:s14+$0xFFFFFF80]  }
0x2d7: {  	v11 =	vld [tilespmem:s14+$0xFFFFFFF0];
	v15 =	vadd.f32 v14, v20;
	v14 =	vadd.f32 v17, v20  }
0x2d8: {  	s13 =	simm.s32 $0x0;
	v17 =	vadd.f32 v21, v13;
	v16 =	vadd.f32 v22, v16;
	v13 =	vld [tilespmem:s14+$0x0];
	s14 =	simm.s32 $0x93F0  }
.LBB2_21:
0x2d9: {  	v18 =	vld [tilespmem:s14+$0xFFFFFF90];
	v8 =	vadd.f32 v8, v15;
	v10 =	vadd.f32 v10, v14  }
0x2da: {  	v14 =	vld [tilespmem:s14+$0xFFFFFFA0];
	v3 =	vadd.f32 v3, v17;
	v2 =	vadd.f32 v2, v16  }
0x2db: {  	v15 =	vld [tilespmem:s14+$0xFFFFFFB0];
	v8 =	vadd.f32 v9, v8;
	v9 =	vadd.f32 v12, v10  }
0x2dc: {  	v12 =	vld [tilespmem:s14+$0xFFFFFFC0];
	v16 =	vadd.f32 v0, v3;
	v17 =	vadd.f32 v1, v2  }
0x2dd: {  	v0 =	vld [tilespmem:s14+$0xFFFFFFD0];
	v11 =	vadd.f32 v11, v8;
	v13 =	vadd.f32 v13, v9  }
0x2de: {  	v1 =	vld [tilespmem:s14+$0xFFFFFFE0]  }
0x2df: {  	v8 =	vld [tilespmem:s14+$0xFFFFFF10]  }
0x2e0: {  	v9 =	vld [tilespmem:s14+$0xFFFFFF20]  }
0x2e1: {  	v10 =	vld [tilespmem:s14+$0xFFFFFF30]  }
0x2e2: {  	v19 =	vld [tilespmem:s14+$0xFFFFFF40]  }
0x2e3: {  	v3 =	vld [tilespmem:s14+$0xFFFFFF50]  }
0x2e4: {  	v2 =	vld [tilespmem:s14+$0xFFFFFF60]  }
0x2e5: {  	v20 =	vld [tilespmem:s14+$0xFFFFFE90]  }
0x2e6: {  	v21 =	vld [tilespmem:s14+$0xFFFFFEA0]  }
0x2e7: {  	v22 =	vld [tilespmem:s14+$0xFFFFFE10]  }
0x2e8: {  	v23 =	vld [tilespmem:s14+$0xFFFFFE20]  }
0x2e9: {  	v24 =	vld [tilespmem:s14+$0xFFFFFE30]  }
0x2ea: {  	v25 =	vld [tilespmem:s14+$0xFFFFFE40]  }
0x2eb: {  	v26 =	vld [tilespmem:s14+$0xFFFFFEB0]  }
0x2ec: {  	v27 =	vld [tilespmem:s14+$0xFFFFFEC0]  }
0x2ed: {  	v28 =	vld [tilespmem:s14+$0xFFFFFED0]  }
0x2ee: {  	v7 =	vadd.f32 v22, v7;
	v6 =	vadd.f32 v23, v6;
	v22 =	vld [tilespmem:s14+$0xFFFFFEE0]  }
0x2ef: {  	v5 =	vadd.f32 v24, v5;
	v4 =	vadd.f32 v25, v4;
	v23 =	vld [tilespmem:s14+$0xFFFFFE50]  }
0x2f0: {  	v7 =	vadd.f32 v20, v7;
	v6 =	vadd.f32 v21, v6;
	v24 =	vld [tilespmem:s14+$0xFFFFFE60]  }
0x2f1: {  	v5 =	vadd.f32 v26, v5;
	v20 =	vld [tilespmem:s14+$0xFFFFFE70];
	v4 =	vadd.f32 v27, v4  }
0x2f2: {  	s13 =	sadd.s32 $0x4, s13;
	v7 =	vadd.f32 v8, v7;
	v6 =	vadd.f32 v9, v6;
	v21 =	vld [tilespmem:s14+$0xFFFFFE80]  }
0x2f3: {  	p1 =	slt.u32 s13, $0x1C;
	v5 =	vadd.f32 v10, v5;
	v8 =	vld [tilespmem:s14+$0xFFFFFEF0];
	v4 =	vadd.f32 v19, v4  }
.Ltmp12:
0x2f4: {  	v7 =	vadd.f32 v18, v7;
	v6 =	vadd.f32 v14, v6;
	v10 =	vld [tilespmem:s14+$0xFFFFFF00];
	(pc) =	sbr.rel @p1 .LBB2_21-.Ltmp12, $4  }
0x2f5: {  	v5 =	vadd.f32 v15, v5;
	v9 =	vld [tilespmem:s14+$0xFFFFFF70];
	v4 =	vadd.f32 v12, v4  }
0x2f6: {  	v16 =	vadd.f32 v23, v16;
	v18 =	vadd.f32 v24, v17;
	v12 =	vld [tilespmem:s14+$0xFFFFFF80]  }
0x2f7: {  	v15 =	vadd.f32 v20, v11;
	v14 =	vadd.f32 v21, v13;
	v11 =	vld [tilespmem:s14+$0xFFFFFFF0]  }
0x2f8: {  	v17 =	vadd.f32 v28, v16;
	v16 =	vadd.f32 v22, v18;
	v13 =	vld [tilespmem:s14+$0x0];
	s14 =	sadd.s32 $0x200, s14  }
0x2f9: {  	_ = 	snop  }
0x2fa: {  	v8 =	vadd.f32 v8, v15;
	[tilespmem:$0x10080] =	vst v7;
	v3 =	vadd.f32 v3, v17  }
0x2fb: {  	v7 =	vadd.f32 v10, v14;
	[tilespmem:$0x10090] =	vst v6;
	v2 =	vadd.f32 v2, v16  }
0x2fc: {  	[tilespmem:$0x100A0] =	vst v5;
	v6 =	vadd.f32 v9, v8;
	v0 =	vadd.f32 v0, v3  }
0x2fd: {  	[tilespmem:$0x100B0] =	vst v4;
	v3 =	vadd.f32 v12, v7;
	v1 =	vadd.f32 v1, v2  }
0x2fe: {  	v2 =	vadd.f32 v11, v6;
	[tilespmem:$0x100C0] =	vst v0  }
0x2ff: {  	v0 =	vadd.f32 v13, v3;
	[tilespmem:$0x100D0] =	vst v1  }
0x300: {  	[tilespmem:$0x100E0] =	vst v2  }
0x301: {  	s14 =	simm.s32 $0xA1F0;
	[tilespmem:$0x100F0] =	vst v0  }
0x302: {  	v4 =	vld [tilespmem:s14+$0xFFFFFF90]  }
0x303: {  	v5 =	vld [tilespmem:s14+$0xFFFFFFA0]  }
0x304: {  	v11 =	vld [tilespmem:s14+$0xFFFFFFB0]  }
0x305: {  	v12 =	vld [tilespmem:s14+$0xFFFFFFC0]  }
0x306: {  	v0 =	vld [tilespmem:s14+$0xFFFFFFD0]  }
0x307: {  	v1 =	vld [tilespmem:s14+$0xFFFFFFE0]  }
0x308: {  	v6 =	vld [tilespmem:s14+$0xFFFFFF10]  }
0x309: {  	v7 =	vld [tilespmem:s14+$0xFFFFFF20]  }
0x30a: {  	v9 =	vld [tilespmem:s14+$0xFFFFFF30]  }
0x30b: {  	v10 =	vld [tilespmem:s14+$0xFFFFFF40]  }
0x30c: {  	v3 =	vld [tilespmem:s14+$0xFFFFFF50]  }
0x30d: {  	v2 =	vld [tilespmem:s14+$0xFFFFFF60]  }
0x30e: {  	v8 =	vld [tilespmem:s14+$0xFFFFFE90]  }
0x30f: {  	v13 =	vld [tilespmem:s14+$0xFFFFFEA0]  }
0x310: {  	v14 =	vld [tilespmem:s14+$0xFFFFFE10]  }
0x311: {  	v15 =	vld [tilespmem:s14+$0xFFFFFE20]  }
0x312: {  	v16 =	vld [tilespmem:s14+$0xFFFFFE30]  }
0x313: {  	v17 =	vld [tilespmem:s14+$0xFFFFFE40]  }
0x314: {  	v18 =	vld [tilespmem:s14+$0xFFFFFEB0]  }
0x315: {  	v19 =	vld [tilespmem:s14+$0xFFFFFEC0]  }
0x316: {  	v20 =	vimm.f32 $0.0e+00;
	v21 =	vld [tilespmem:s14+$0xFFFFFED0]  }
0x317: {  	v22 =	vld [tilespmem:s14+$0xFFFFFEE0];
	v14 =	vadd.f32 v14, v20;
	v15 =	vadd.f32 v15, v20  }
0x318: {  	v23 =	vld [tilespmem:s14+$0xFFFFFE50];
	v16 =	vadd.f32 v16, v20;
	v17 =	vadd.f32 v17, v20  }
0x319: {  	v24 =	vld [tilespmem:s14+$0xFFFFFE60];
	v8 =	vadd.f32 v8, v14;
	v13 =	vadd.f32 v13, v15  }
0x31a: {  	v14 =	vld [tilespmem:s14+$0xFFFFFE70];
	v15 =	vadd.f32 v18, v16;
	v16 =	vadd.f32 v19, v17  }
0x31b: {  	v17 =	vld [tilespmem:s14+$0xFFFFFE80];
	v6 =	vadd.f32 v6, v8;
	v13 =	vadd.f32 v7, v13  }
0x31c: {  	v8 =	vld [tilespmem:s14+$0xFFFFFEF0];
	v15 =	vadd.f32 v9, v15;
	v16 =	vadd.f32 v10, v16  }
0x31d: {  	v10 =	vld [tilespmem:s14+$0xFFFFFF00];
	v7 =	vadd.f32 v4, v6;
	v6 =	vadd.f32 v5, v13  }
0x31e: {  	v9 =	vld [tilespmem:s14+$0xFFFFFF70];
	v5 =	vadd.f32 v11, v15;
	v4 =	vadd.f32 v12, v16  }
0x31f: {  	v13 =	vadd.f32 v23, v20;
	v16 =	vadd.f32 v24, v20;
	v12 =	vld [tilespmem:s14+$0xFFFFFF80]  }
0x320: {  	v11 =	vld [tilespmem:s14+$0xFFFFFFF0];
	v15 =	vadd.f32 v14, v20;
	v14 =	vadd.f32 v17, v20  }
0x321: {  	s13 =	simm.s32 $0x0;
	v17 =	vadd.f32 v21, v13;
	v16 =	vadd.f32 v22, v16;
	v13 =	vld [tilespmem:s14+$0x0];
	s14 =	simm.s32 $0xA3F0  }
.LBB2_23:
0x322: {  	v18 =	vld [tilespmem:s14+$0xFFFFFF90];
	v8 =	vadd.f32 v8, v15;
	v10 =	vadd.f32 v10, v14  }
0x323: {  	v14 =	vld [tilespmem:s14+$0xFFFFFFA0];
	v3 =	vadd.f32 v3, v17;
	v2 =	vadd.f32 v2, v16  }
0x324: {  	v15 =	vld [tilespmem:s14+$0xFFFFFFB0];
	v8 =	vadd.f32 v9, v8;
	v9 =	vadd.f32 v12, v10  }
0x325: {  	v12 =	vld [tilespmem:s14+$0xFFFFFFC0];
	v16 =	vadd.f32 v0, v3;
	v17 =	vadd.f32 v1, v2  }
0x326: {  	v0 =	vld [tilespmem:s14+$0xFFFFFFD0];
	v11 =	vadd.f32 v11, v8;
	v13 =	vadd.f32 v13, v9  }
0x327: {  	v1 =	vld [tilespmem:s14+$0xFFFFFFE0]  }
0x328: {  	v8 =	vld [tilespmem:s14+$0xFFFFFF10]  }
0x329: {  	v9 =	vld [tilespmem:s14+$0xFFFFFF20]  }
0x32a: {  	v10 =	vld [tilespmem:s14+$0xFFFFFF30]  }
0x32b: {  	v19 =	vld [tilespmem:s14+$0xFFFFFF40]  }
0x32c: {  	v3 =	vld [tilespmem:s14+$0xFFFFFF50]  }
0x32d: {  	v2 =	vld [tilespmem:s14+$0xFFFFFF60]  }
0x32e: {  	v20 =	vld [tilespmem:s14+$0xFFFFFE90]  }
0x32f: {  	v21 =	vld [tilespmem:s14+$0xFFFFFEA0]  }
0x330: {  	v22 =	vld [tilespmem:s14+$0xFFFFFE10]  }
0x331: {  	v23 =	vld [tilespmem:s14+$0xFFFFFE20]  }
0x332: {  	v24 =	vld [tilespmem:s14+$0xFFFFFE30]  }
0x333: {  	v25 =	vld [tilespmem:s14+$0xFFFFFE40]  }
0x334: {  	v26 =	vld [tilespmem:s14+$0xFFFFFEB0]  }
0x335: {  	v27 =	vld [tilespmem:s14+$0xFFFFFEC0]  }
0x336: {  	v28 =	vld [tilespmem:s14+$0xFFFFFED0]  }
0x337: {  	v7 =	vadd.f32 v22, v7;
	v6 =	vadd.f32 v23, v6;
	v22 =	vld [tilespmem:s14+$0xFFFFFEE0]  }
0x338: {  	v5 =	vadd.f32 v24, v5;
	v4 =	vadd.f32 v25, v4;
	v23 =	vld [tilespmem:s14+$0xFFFFFE50]  }
0x339: {  	v7 =	vadd.f32 v20, v7;
	v6 =	vadd.f32 v21, v6;
	v24 =	vld [tilespmem:s14+$0xFFFFFE60]  }
0x33a: {  	v5 =	vadd.f32 v26, v5;
	v20 =	vld [tilespmem:s14+$0xFFFFFE70];
	v4 =	vadd.f32 v27, v4  }
0x33b: {  	s13 =	sadd.s32 $0x4, s13;
	v7 =	vadd.f32 v8, v7;
	v6 =	vadd.f32 v9, v6;
	v21 =	vld [tilespmem:s14+$0xFFFFFE80]  }
0x33c: {  	p1 =	slt.u32 s13, $0x1C;
	v5 =	vadd.f32 v10, v5;
	v8 =	vld [tilespmem:s14+$0xFFFFFEF0];
	v4 =	vadd.f32 v19, v4  }
.Ltmp13:
0x33d: {  	v7 =	vadd.f32 v18, v7;
	v6 =	vadd.f32 v14, v6;
	v10 =	vld [tilespmem:s14+$0xFFFFFF00];
	(pc) =	sbr.rel @p1 .LBB2_23-.Ltmp13, $4  }
0x33e: {  	v5 =	vadd.f32 v15, v5;
	v9 =	vld [tilespmem:s14+$0xFFFFFF70];
	v4 =	vadd.f32 v12, v4  }
0x33f: {  	v16 =	vadd.f32 v23, v16;
	v18 =	vadd.f32 v24, v17;
	v12 =	vld [tilespmem:s14+$0xFFFFFF80]  }
0x340: {  	v15 =	vadd.f32 v20, v11;
	v14 =	vadd.f32 v21, v13;
	v11 =	vld [tilespmem:s14+$0xFFFFFFF0]  }
0x341: {  	v17 =	vadd.f32 v28, v16;
	v16 =	vadd.f32 v22, v18;
	v13 =	vld [tilespmem:s14+$0x0];
	s14 =	sadd.s32 $0x200, s14  }
0x342: {  	_ = 	snop  }
0x343: {  	v8 =	vadd.f32 v8, v15;
	[tilespmem:$0x10100] =	vst v7;
	v3 =	vadd.f32 v3, v17  }
0x344: {  	v7 =	vadd.f32 v10, v14;
	[tilespmem:$0x10110] =	vst v6;
	v2 =	vadd.f32 v2, v16  }
0x345: {  	[tilespmem:$0x10120] =	vst v5;
	v6 =	vadd.f32 v9, v8;
	v0 =	vadd.f32 v0, v3  }
0x346: {  	[tilespmem:$0x10130] =	vst v4;
	v3 =	vadd.f32 v12, v7;
	v1 =	vadd.f32 v1, v2  }
0x347: {  	v2 =	vadd.f32 v11, v6;
	[tilespmem:$0x10140] =	vst v0  }
0x348: {  	v0 =	vadd.f32 v13, v3;
	[tilespmem:$0x10150] =	vst v1  }
0x349: {  	[tilespmem:$0x10160] =	vst v2  }
0x34a: {  	s14 =	simm.s32 $0xB1F0;
	[tilespmem:$0x10170] =	vst v0  }
0x34b: {  	v4 =	vld [tilespmem:s14+$0xFFFFFF90]  }
0x34c: {  	v5 =	vld [tilespmem:s14+$0xFFFFFFA0]  }
0x34d: {  	v11 =	vld [tilespmem:s14+$0xFFFFFFB0]  }
0x34e: {  	v12 =	vld [tilespmem:s14+$0xFFFFFFC0]  }
0x34f: {  	v0 =	vld [tilespmem:s14+$0xFFFFFFD0]  }
0x350: {  	v1 =	vld [tilespmem:s14+$0xFFFFFFE0]  }
0x351: {  	v6 =	vld [tilespmem:s14+$0xFFFFFF10]  }
0x352: {  	v7 =	vld [tilespmem:s14+$0xFFFFFF20]  }
0x353: {  	v9 =	vld [tilespmem:s14+$0xFFFFFF30]  }
0x354: {  	v10 =	vld [tilespmem:s14+$0xFFFFFF40]  }
0x355: {  	v3 =	vld [tilespmem:s14+$0xFFFFFF50]  }
0x356: {  	v2 =	vld [tilespmem:s14+$0xFFFFFF60]  }
0x357: {  	v8 =	vld [tilespmem:s14+$0xFFFFFE90]  }
0x358: {  	v13 =	vld [tilespmem:s14+$0xFFFFFEA0]  }
0x359: {  	v14 =	vld [tilespmem:s14+$0xFFFFFE10]  }
0x35a: {  	v15 =	vld [tilespmem:s14+$0xFFFFFE20]  }
0x35b: {  	v16 =	vld [tilespmem:s14+$0xFFFFFE30]  }
0x35c: {  	v17 =	vld [tilespmem:s14+$0xFFFFFE40]  }
0x35d: {  	v18 =	vld [tilespmem:s14+$0xFFFFFEB0]  }
0x35e: {  	v19 =	vld [tilespmem:s14+$0xFFFFFEC0]  }
0x35f: {  	v20 =	vimm.f32 $0.0e+00;
	v21 =	vld [tilespmem:s14+$0xFFFFFED0]  }
0x360: {  	v22 =	vld [tilespmem:s14+$0xFFFFFEE0];
	v14 =	vadd.f32 v14, v20;
	v15 =	vadd.f32 v15, v20  }
0x361: {  	v23 =	vld [tilespmem:s14+$0xFFFFFE50];
	v16 =	vadd.f32 v16, v20;
	v17 =	vadd.f32 v17, v20  }
0x362: {  	v24 =	vld [tilespmem:s14+$0xFFFFFE60];
	v8 =	vadd.f32 v8, v14;
	v13 =	vadd.f32 v13, v15  }
0x363: {  	v14 =	vld [tilespmem:s14+$0xFFFFFE70];
	v15 =	vadd.f32 v18, v16;
	v16 =	vadd.f32 v19, v17  }
0x364: {  	v17 =	vld [tilespmem:s14+$0xFFFFFE80];
	v6 =	vadd.f32 v6, v8;
	v13 =	vadd.f32 v7, v13  }
0x365: {  	v8 =	vld [tilespmem:s14+$0xFFFFFEF0];
	v15 =	vadd.f32 v9, v15;
	v16 =	vadd.f32 v10, v16  }
0x366: {  	v10 =	vld [tilespmem:s14+$0xFFFFFF00];
	v7 =	vadd.f32 v4, v6;
	v6 =	vadd.f32 v5, v13  }
0x367: {  	v9 =	vld [tilespmem:s14+$0xFFFFFF70];
	v5 =	vadd.f32 v11, v15;
	v4 =	vadd.f32 v12, v16  }
0x368: {  	v13 =	vadd.f32 v23, v20;
	v16 =	vadd.f32 v24, v20;
	v12 =	vld [tilespmem:s14+$0xFFFFFF80]  }
0x369: {  	v11 =	vld [tilespmem:s14+$0xFFFFFFF0];
	v15 =	vadd.f32 v14, v20;
	v14 =	vadd.f32 v17, v20  }
0x36a: {  	s13 =	simm.s32 $0x0;
	v17 =	vadd.f32 v21, v13;
	v16 =	vadd.f32 v22, v16;
	v13 =	vld [tilespmem:s14+$0x0];
	s14 =	simm.s32 $0xB3F0  }
.LBB2_25:
0x36b: {  	v18 =	vld [tilespmem:s14+$0xFFFFFF90];
	v8 =	vadd.f32 v8, v15;
	v10 =	vadd.f32 v10, v14  }
0x36c: {  	v14 =	vld [tilespmem:s14+$0xFFFFFFA0];
	v3 =	vadd.f32 v3, v17;
	v2 =	vadd.f32 v2, v16  }
0x36d: {  	v15 =	vld [tilespmem:s14+$0xFFFFFFB0];
	v8 =	vadd.f32 v9, v8;
	v9 =	vadd.f32 v12, v10  }
0x36e: {  	v12 =	vld [tilespmem:s14+$0xFFFFFFC0];
	v16 =	vadd.f32 v0, v3;
	v17 =	vadd.f32 v1, v2  }
0x36f: {  	v0 =	vld [tilespmem:s14+$0xFFFFFFD0];
	v11 =	vadd.f32 v11, v8;
	v13 =	vadd.f32 v13, v9  }
0x370: {  	v1 =	vld [tilespmem:s14+$0xFFFFFFE0]  }
0x371: {  	v8 =	vld [tilespmem:s14+$0xFFFFFF10]  }
0x372: {  	v9 =	vld [tilespmem:s14+$0xFFFFFF20]  }
0x373: {  	v10 =	vld [tilespmem:s14+$0xFFFFFF30]  }
0x374: {  	v19 =	vld [tilespmem:s14+$0xFFFFFF40]  }
0x375: {  	v3 =	vld [tilespmem:s14+$0xFFFFFF50]  }
0x376: {  	v2 =	vld [tilespmem:s14+$0xFFFFFF60]  }
0x377: {  	v20 =	vld [tilespmem:s14+$0xFFFFFE90]  }
0x378: {  	v21 =	vld [tilespmem:s14+$0xFFFFFEA0]  }
0x379: {  	v22 =	vld [tilespmem:s14+$0xFFFFFE10]  }
0x37a: {  	v23 =	vld [tilespmem:s14+$0xFFFFFE20]  }
0x37b: {  	v24 =	vld [tilespmem:s14+$0xFFFFFE30]  }
0x37c: {  	v25 =	vld [tilespmem:s14+$0xFFFFFE40]  }
0x37d: {  	v26 =	vld [tilespmem:s14+$0xFFFFFEB0]  }
0x37e: {  	v27 =	vld [tilespmem:s14+$0xFFFFFEC0]  }
0x37f: {  	v28 =	vld [tilespmem:s14+$0xFFFFFED0]  }
0x380: {  	v7 =	vadd.f32 v22, v7;
	v6 =	vadd.f32 v23, v6;
	v22 =	vld [tilespmem:s14+$0xFFFFFEE0]  }
0x381: {  	v5 =	vadd.f32 v24, v5;
	v4 =	vadd.f32 v25, v4;
	v23 =	vld [tilespmem:s14+$0xFFFFFE50]  }
0x382: {  	v7 =	vadd.f32 v20, v7;
	v6 =	vadd.f32 v21, v6;
	v24 =	vld [tilespmem:s14+$0xFFFFFE60]  }
0x383: {  	v5 =	vadd.f32 v26, v5;
	v20 =	vld [tilespmem:s14+$0xFFFFFE70];
	v4 =	vadd.f32 v27, v4  }
0x384: {  	s13 =	sadd.s32 $0x4, s13;
	v7 =	vadd.f32 v8, v7;
	v6 =	vadd.f32 v9, v6;
	v21 =	vld [tilespmem:s14+$0xFFFFFE80]  }
0x385: {  	p1 =	slt.u32 s13, $0x1C;
	v5 =	vadd.f32 v10, v5;
	v8 =	vld [tilespmem:s14+$0xFFFFFEF0];
	v4 =	vadd.f32 v19, v4  }
.Ltmp14:
0x386: {  	v7 =	vadd.f32 v18, v7;
	v6 =	vadd.f32 v14, v6;
	v10 =	vld [tilespmem:s14+$0xFFFFFF00];
	(pc) =	sbr.rel @p1 .LBB2_25-.Ltmp14, $4  }
0x387: {  	v5 =	vadd.f32 v15, v5;
	v9 =	vld [tilespmem:s14+$0xFFFFFF70];
	v4 =	vadd.f32 v12, v4  }
0x388: {  	v16 =	vadd.f32 v23, v16;
	v18 =	vadd.f32 v24, v17;
	v12 =	vld [tilespmem:s14+$0xFFFFFF80]  }
0x389: {  	v15 =	vadd.f32 v20, v11;
	v14 =	vadd.f32 v21, v13;
	v11 =	vld [tilespmem:s14+$0xFFFFFFF0]  }
0x38a: {  	v17 =	vadd.f32 v28, v16;
	v16 =	vadd.f32 v22, v18;
	v13 =	vld [tilespmem:s14+$0x0];
	s14 =	sadd.s32 $0x200, s14  }
0x38b: {  	_ = 	snop  }
0x38c: {  	v8 =	vadd.f32 v8, v15;
	[tilespmem:$0x10180] =	vst v7;
	v3 =	vadd.f32 v3, v17  }
0x38d: {  	v7 =	vadd.f32 v10, v14;
	[tilespmem:$0x10190] =	vst v6;
	v2 =	vadd.f32 v2, v16  }
0x38e: {  	[tilespmem:$0x101A0] =	vst v5;
	v6 =	vadd.f32 v9, v8;
	v0 =	vadd.f32 v0, v3  }
0x38f: {  	[tilespmem:$0x101B0] =	vst v4;
	v3 =	vadd.f32 v12, v7;
	v1 =	vadd.f32 v1, v2  }
0x390: {  	v2 =	vadd.f32 v11, v6;
	[tilespmem:$0x101C0] =	vst v0  }
0x391: {  	v0 =	vadd.f32 v13, v3;
	[tilespmem:$0x101D0] =	vst v1  }
0x392: {  	[tilespmem:$0x101E0] =	vst v2  }
0x393: {  	s14 =	simm.s32 $0xC000;
	[tilespmem:$0x101F0] =	vst v0  }
0x394: {  	v4 =	vld [tilespmem:s14+$0x180]  }
0x395: {  	v5 =	vld [tilespmem:s14+$0x190]  }
0x396: {  	v11 =	vld [tilespmem:s14+$0x1A0]  }
0x397: {  	v12 =	vld [tilespmem:s14+$0x1B0]  }
0x398: {  	v0 =	vld [tilespmem:s14+$0x1C0]  }
0x399: {  	v1 =	vld [tilespmem:s14+$0x1D0]  }
0x39a: {  	v6 =	vld [tilespmem:s14+$0x100]  }
0x39b: {  	v7 =	vld [tilespmem:s14+$0x110]  }
0x39c: {  	v9 =	vld [tilespmem:s14+$0x120]  }
0x39d: {  	v10 =	vld [tilespmem:s14+$0x130]  }
0x39e: {  	v3 =	vld [tilespmem:s14+$0x140]  }
0x39f: {  	v2 =	vld [tilespmem:s14+$0x150]  }
0x3a0: {  	v8 =	vld [tilespmem:s14+$0x80]  }
0x3a1: {  	v13 =	vld [tilespmem:s14+$0x90]  }
0x3a2: {  	v14 =	vld [tilespmem:s14+$0x0]  }
0x3a3: {  	v15 =	vld [tilespmem:s14+$0x10]  }
0x3a4: {  	v16 =	vld [tilespmem:s14+$0x20]  }
0x3a5: {  	v17 =	vld [tilespmem:s14+$0x30]  }
0x3a6: {  	v18 =	vld [tilespmem:s14+$0xA0]  }
0x3a7: {  	v19 =	vld [tilespmem:s14+$0xB0]  }
0x3a8: {  	v20 =	vimm.f32 $0.0e+00;
	v21 =	vld [tilespmem:s14+$0xC0]  }
0x3a9: {  	v22 =	vld [tilespmem:s14+$0xD0];
	v14 =	vadd.f32 v14, v20;
	v15 =	vadd.f32 v15, v20  }
0x3aa: {  	v23 =	vld [tilespmem:s14+$0x40];
	v16 =	vadd.f32 v16, v20;
	v17 =	vadd.f32 v17, v20  }
0x3ab: {  	v24 =	vld [tilespmem:s14+$0x50];
	v8 =	vadd.f32 v8, v14;
	v13 =	vadd.f32 v13, v15  }
0x3ac: {  	v14 =	vld [tilespmem:s14+$0x60];
	v15 =	vadd.f32 v18, v16;
	v16 =	vadd.f32 v19, v17  }
0x3ad: {  	v17 =	vld [tilespmem:s14+$0x70];
	v6 =	vadd.f32 v6, v8;
	v13 =	vadd.f32 v7, v13  }
0x3ae: {  	v8 =	vld [tilespmem:s14+$0xE0];
	v15 =	vadd.f32 v9, v15;
	v16 =	vadd.f32 v10, v16  }
0x3af: {  	v10 =	vld [tilespmem:s14+$0xF0];
	v7 =	vadd.f32 v4, v6;
	v6 =	vadd.f32 v5, v13  }
0x3b0: {  	v9 =	vld [tilespmem:s14+$0x160];
	v5 =	vadd.f32 v11, v15;
	v4 =	vadd.f32 v12, v16  }
0x3b1: {  	v13 =	vadd.f32 v23, v20;
	v16 =	vadd.f32 v24, v20;
	v12 =	vld [tilespmem:s14+$0x170]  }
0x3b2: {  	v11 =	vld [tilespmem:s14+$0x1E0];
	v15 =	vadd.f32 v14, v20;
	v14 =	vadd.f32 v17, v20  }
0x3b3: {  	s13 =	simm.s32 $0x0;
	v17 =	vadd.f32 v21, v13;
	v16 =	vadd.f32 v22, v16;
	v13 =	vld [tilespmem:s14+$0x1F0];
	s14 =	simm.s32 $0xC200  }
.LBB2_27:
0x3b4: {  	v18 =	vld [tilespmem:s14+$0x180];
	v8 =	vadd.f32 v8, v15;
	v10 =	vadd.f32 v10, v14  }
0x3b5: {  	v14 =	vld [tilespmem:s14+$0x190];
	v3 =	vadd.f32 v3, v17;
	v2 =	vadd.f32 v2, v16  }
0x3b6: {  	v15 =	vld [tilespmem:s14+$0x1A0];
	v8 =	vadd.f32 v9, v8;
	v9 =	vadd.f32 v12, v10  }
0x3b7: {  	v12 =	vld [tilespmem:s14+$0x1B0];
	v16 =	vadd.f32 v0, v3;
	v17 =	vadd.f32 v1, v2  }
0x3b8: {  	v0 =	vld [tilespmem:s14+$0x1C0];
	v11 =	vadd.f32 v11, v8;
	v13 =	vadd.f32 v13, v9  }
0x3b9: {  	v1 =	vld [tilespmem:s14+$0x1D0]  }
0x3ba: {  	v8 =	vld [tilespmem:s14+$0x100]  }
0x3bb: {  	v9 =	vld [tilespmem:s14+$0x110]  }
0x3bc: {  	v10 =	vld [tilespmem:s14+$0x120]  }
0x3bd: {  	v19 =	vld [tilespmem:s14+$0x130]  }
0x3be: {  	v3 =	vld [tilespmem:s14+$0x140]  }
0x3bf: {  	v2 =	vld [tilespmem:s14+$0x150]  }
0x3c0: {  	v20 =	vld [tilespmem:s14+$0x80]  }
0x3c1: {  	v21 =	vld [tilespmem:s14+$0x90]  }
0x3c2: {  	v22 =	vld [tilespmem:s14+$0x0]  }
0x3c3: {  	v23 =	vld [tilespmem:s14+$0x10]  }
0x3c4: {  	v24 =	vld [tilespmem:s14+$0x20]  }
0x3c5: {  	v25 =	vld [tilespmem:s14+$0x30]  }
0x3c6: {  	v26 =	vld [tilespmem:s14+$0xA0]  }
0x3c7: {  	v27 =	vld [tilespmem:s14+$0xB0]  }
0x3c8: {  	v28 =	vld [tilespmem:s14+$0xC0]  }
0x3c9: {  	v7 =	vadd.f32 v22, v7;
	v6 =	vadd.f32 v23, v6;
	v22 =	vld [tilespmem:s14+$0xD0]  }
0x3ca: {  	v5 =	vadd.f32 v24, v5;
	v4 =	vadd.f32 v25, v4;
	v23 =	vld [tilespmem:s14+$0x40]  }
0x3cb: {  	v7 =	vadd.f32 v20, v7;
	v6 =	vadd.f32 v21, v6;
	v24 =	vld [tilespmem:s14+$0x50]  }
0x3cc: {  	v5 =	vadd.f32 v26, v5;
	v20 =	vld [tilespmem:s14+$0x60];
	v4 =	vadd.f32 v27, v4  }
0x3cd: {  	s13 =	sadd.s32 $0x4, s13;
	v7 =	vadd.f32 v8, v7;
	v6 =	vadd.f32 v9, v6;
	v21 =	vld [tilespmem:s14+$0x70]  }
0x3ce: {  	p1 =	slt.u32 s13, $0x1C;
	v5 =	vadd.f32 v10, v5;
	v8 =	vld [tilespmem:s14+$0xE0];
	v4 =	vadd.f32 v19, v4  }
.Ltmp15:
0x3cf: {  	v7 =	vadd.f32 v18, v7;
	v6 =	vadd.f32 v14, v6;
	v10 =	vld [tilespmem:s14+$0xF0];
	(pc) =	sbr.rel @p1 .LBB2_27-.Ltmp15, $4  }
0x3d0: {  	v5 =	vadd.f32 v15, v5;
	v9 =	vld [tilespmem:s14+$0x160];
	v4 =	vadd.f32 v12, v4  }
0x3d1: {  	v16 =	vadd.f32 v23, v16;
	v18 =	vadd.f32 v24, v17;
	v12 =	vld [tilespmem:s14+$0x170]  }
0x3d2: {  	v15 =	vadd.f32 v20, v11;
	v14 =	vadd.f32 v21, v13;
	v11 =	vld [tilespmem:s14+$0x1E0]  }
0x3d3: {  	v17 =	vadd.f32 v28, v16;
	v16 =	vadd.f32 v22, v18;
	v13 =	vld [tilespmem:s14+$0x1F0];
	s14 =	sadd.s32 $0x200, s14  }
0x3d4: {  	_ = 	snop  }
0x3d5: {  	v8 =	vadd.f32 v8, v15;
	[tilespmem:$0x10200] =	vst v7;
	v3 =	vadd.f32 v3, v17  }
0x3d6: {  	v7 =	vadd.f32 v10, v14;
	[tilespmem:$0x10210] =	vst v6;
	v2 =	vadd.f32 v2, v16  }
0x3d7: {  	[tilespmem:$0x10220] =	vst v5;
	v6 =	vadd.f32 v9, v8;
	v0 =	vadd.f32 v0, v3  }
0x3d8: {  	[tilespmem:$0x10230] =	vst v4;
	v3 =	vadd.f32 v12, v7;
	v1 =	vadd.f32 v1, v2  }
0x3d9: {  	v2 =	vadd.f32 v11, v6;
	[tilespmem:$0x10240] =	vst v0  }
0x3da: {  	v0 =	vadd.f32 v13, v3;
	[tilespmem:$0x10250] =	vst v1  }
0x3db: {  	[tilespmem:$0x10260] =	vst v2  }
0x3dc: {  	s14 =	simm.s32 $0xD000;
	[tilespmem:$0x10270] =	vst v0  }
0x3dd: {  	v4 =	vld [tilespmem:s14+$0x180]  }
0x3de: {  	v5 =	vld [tilespmem:s14+$0x190]  }
0x3df: {  	v11 =	vld [tilespmem:s14+$0x1A0]  }
0x3e0: {  	v12 =	vld [tilespmem:s14+$0x1B0]  }
0x3e1: {  	v0 =	vld [tilespmem:s14+$0x1C0]  }
0x3e2: {  	v1 =	vld [tilespmem:s14+$0x1D0]  }
0x3e3: {  	v6 =	vld [tilespmem:s14+$0x100]  }
0x3e4: {  	v7 =	vld [tilespmem:s14+$0x110]  }
0x3e5: {  	v9 =	vld [tilespmem:s14+$0x120]  }
0x3e6: {  	v10 =	vld [tilespmem:s14+$0x130]  }
0x3e7: {  	v3 =	vld [tilespmem:s14+$0x140]  }
0x3e8: {  	v2 =	vld [tilespmem:s14+$0x150]  }
0x3e9: {  	v8 =	vld [tilespmem:s14+$0x80]  }
0x3ea: {  	v13 =	vld [tilespmem:s14+$0x90]  }
0x3eb: {  	v14 =	vld [tilespmem:s14+$0x0]  }
0x3ec: {  	v15 =	vld [tilespmem:s14+$0x10]  }
0x3ed: {  	v16 =	vld [tilespmem:s14+$0x20]  }
0x3ee: {  	v17 =	vld [tilespmem:s14+$0x30]  }
0x3ef: {  	v18 =	vld [tilespmem:s14+$0xA0]  }
0x3f0: {  	v19 =	vld [tilespmem:s14+$0xB0]  }
0x3f1: {  	v20 =	vimm.f32 $0.0e+00;
	v21 =	vld [tilespmem:s14+$0xC0]  }
0x3f2: {  	v22 =	vld [tilespmem:s14+$0xD0];
	v14 =	vadd.f32 v14, v20;
	v15 =	vadd.f32 v15, v20  }
0x3f3: {  	v23 =	vld [tilespmem:s14+$0x40];
	v16 =	vadd.f32 v16, v20;
	v17 =	vadd.f32 v17, v20  }
0x3f4: {  	v24 =	vld [tilespmem:s14+$0x50];
	v8 =	vadd.f32 v8, v14;
	v13 =	vadd.f32 v13, v15  }
0x3f5: {  	v14 =	vld [tilespmem:s14+$0x60];
	v15 =	vadd.f32 v18, v16;
	v16 =	vadd.f32 v19, v17  }
0x3f6: {  	v17 =	vld [tilespmem:s14+$0x70];
	v6 =	vadd.f32 v6, v8;
	v13 =	vadd.f32 v7, v13  }
0x3f7: {  	v8 =	vld [tilespmem:s14+$0xE0];
	v15 =	vadd.f32 v9, v15;
	v16 =	vadd.f32 v10, v16  }
0x3f8: {  	v10 =	vld [tilespmem:s14+$0xF0];
	v7 =	vadd.f32 v4, v6;
	v6 =	vadd.f32 v5, v13  }
0x3f9: {  	v9 =	vld [tilespmem:s14+$0x160];
	v5 =	vadd.f32 v11, v15;
	v4 =	vadd.f32 v12, v16  }
0x3fa: {  	v13 =	vadd.f32 v23, v20;
	v16 =	vadd.f32 v24, v20;
	v12 =	vld [tilespmem:s14+$0x170]  }
0x3fb: {  	v11 =	vld [tilespmem:s14+$0x1E0];
	v15 =	vadd.f32 v14, v20;
	v14 =	vadd.f32 v17, v20  }
0x3fc: {  	s13 =	simm.s32 $0x0;
	v17 =	vadd.f32 v21, v13;
	v16 =	vadd.f32 v22, v16;
	v13 =	vld [tilespmem:s14+$0x1F0];
	s14 =	simm.s32 $0xD200  }
.LBB2_29:
0x3fd: {  	v18 =	vld [tilespmem:s14+$0x180];
	v8 =	vadd.f32 v8, v15;
	v10 =	vadd.f32 v10, v14  }
0x3fe: {  	v14 =	vld [tilespmem:s14+$0x190];
	v3 =	vadd.f32 v3, v17;
	v2 =	vadd.f32 v2, v16  }
0x3ff: {  	v15 =	vld [tilespmem:s14+$0x1A0];
	v8 =	vadd.f32 v9, v8;
	v9 =	vadd.f32 v12, v10  }
0x400: {  	v12 =	vld [tilespmem:s14+$0x1B0];
	v16 =	vadd.f32 v0, v3;
	v17 =	vadd.f32 v1, v2  }
0x401: {  	v0 =	vld [tilespmem:s14+$0x1C0];
	v11 =	vadd.f32 v11, v8;
	v13 =	vadd.f32 v13, v9  }
0x402: {  	v1 =	vld [tilespmem:s14+$0x1D0]  }
0x403: {  	v8 =	vld [tilespmem:s14+$0x100]  }
0x404: {  	v9 =	vld [tilespmem:s14+$0x110]  }
0x405: {  	v10 =	vld [tilespmem:s14+$0x120]  }
0x406: {  	v19 =	vld [tilespmem:s14+$0x130]  }
0x407: {  	v3 =	vld [tilespmem:s14+$0x140]  }
0x408: {  	v2 =	vld [tilespmem:s14+$0x150]  }
0x409: {  	v20 =	vld [tilespmem:s14+$0x80]  }
0x40a: {  	v21 =	vld [tilespmem:s14+$0x90]  }
0x40b: {  	v22 =	vld [tilespmem:s14+$0x0]  }
0x40c: {  	v23 =	vld [tilespmem:s14+$0x10]  }
0x40d: {  	v24 =	vld [tilespmem:s14+$0x20]  }
0x40e: {  	v25 =	vld [tilespmem:s14+$0x30]  }
0x40f: {  	v26 =	vld [tilespmem:s14+$0xA0]  }
0x410: {  	v27 =	vld [tilespmem:s14+$0xB0]  }
0x411: {  	v28 =	vld [tilespmem:s14+$0xC0]  }
0x412: {  	v7 =	vadd.f32 v22, v7;
	v6 =	vadd.f32 v23, v6;
	v22 =	vld [tilespmem:s14+$0xD0]  }
0x413: {  	v5 =	vadd.f32 v24, v5;
	v4 =	vadd.f32 v25, v4;
	v23 =	vld [tilespmem:s14+$0x40]  }
0x414: {  	v7 =	vadd.f32 v20, v7;
	v6 =	vadd.f32 v21, v6;
	v24 =	vld [tilespmem:s14+$0x50]  }
0x415: {  	v5 =	vadd.f32 v26, v5;
	v20 =	vld [tilespmem:s14+$0x60];
	v4 =	vadd.f32 v27, v4  }
0x416: {  	s13 =	sadd.s32 $0x4, s13;
	v7 =	vadd.f32 v8, v7;
	v6 =	vadd.f32 v9, v6;
	v21 =	vld [tilespmem:s14+$0x70]  }
0x417: {  	p1 =	slt.u32 s13, $0x1C;
	v5 =	vadd.f32 v10, v5;
	v8 =	vld [tilespmem:s14+$0xE0];
	v4 =	vadd.f32 v19, v4  }
.Ltmp16:
0x418: {  	v7 =	vadd.f32 v18, v7;
	v6 =	vadd.f32 v14, v6;
	v10 =	vld [tilespmem:s14+$0xF0];
	(pc) =	sbr.rel @p1 .LBB2_29-.Ltmp16, $4  }
0x419: {  	v5 =	vadd.f32 v15, v5;
	v9 =	vld [tilespmem:s14+$0x160];
	v4 =	vadd.f32 v12, v4  }
0x41a: {  	v16 =	vadd.f32 v23, v16;
	v18 =	vadd.f32 v24, v17;
	v12 =	vld [tilespmem:s14+$0x170]  }
0x41b: {  	v15 =	vadd.f32 v20, v11;
	v14 =	vadd.f32 v21, v13;
	v11 =	vld [tilespmem:s14+$0x1E0]  }
0x41c: {  	v17 =	vadd.f32 v28, v16;
	v16 =	vadd.f32 v22, v18;
	v13 =	vld [tilespmem:s14+$0x1F0];
	s14 =	sadd.s32 $0x200, s14  }
0x41d: {  	_ = 	snop  }
0x41e: {  	v8 =	vadd.f32 v8, v15;
	[tilespmem:$0x10280] =	vst v7;
	v3 =	vadd.f32 v3, v17  }
0x41f: {  	v7 =	vadd.f32 v10, v14;
	[tilespmem:$0x10290] =	vst v6;
	v2 =	vadd.f32 v2, v16  }
0x420: {  	[tilespmem:$0x102A0] =	vst v5;
	v6 =	vadd.f32 v9, v8;
	v0 =	vadd.f32 v0, v3  }
0x421: {  	[tilespmem:$0x102B0] =	vst v4;
	v3 =	vadd.f32 v12, v7;
	v1 =	vadd.f32 v1, v2  }
0x422: {  	v2 =	vadd.f32 v11, v6;
	[tilespmem:$0x102C0] =	vst v0  }
0x423: {  	v0 =	vadd.f32 v13, v3;
	[tilespmem:$0x102D0] =	vst v1  }
0x424: {  	[tilespmem:$0x102E0] =	vst v2  }
0x425: {  	s14 =	simm.s32 $0xE000;
	[tilespmem:$0x102F0] =	vst v0  }
0x426: {  	v4 =	vld [tilespmem:s14+$0x180]  }
0x427: {  	v5 =	vld [tilespmem:s14+$0x190]  }
0x428: {  	v11 =	vld [tilespmem:s14+$0x1A0]  }
0x429: {  	v12 =	vld [tilespmem:s14+$0x1B0]  }
0x42a: {  	v0 =	vld [tilespmem:s14+$0x1C0]  }
0x42b: {  	v1 =	vld [tilespmem:s14+$0x1D0]  }
0x42c: {  	v6 =	vld [tilespmem:s14+$0x100]  }
0x42d: {  	v7 =	vld [tilespmem:s14+$0x110]  }
0x42e: {  	v9 =	vld [tilespmem:s14+$0x120]  }
0x42f: {  	v10 =	vld [tilespmem:s14+$0x130]  }
0x430: {  	v3 =	vld [tilespmem:s14+$0x140]  }
0x431: {  	v2 =	vld [tilespmem:s14+$0x150]  }
0x432: {  	v8 =	vld [tilespmem:s14+$0x80]  }
0x433: {  	v13 =	vld [tilespmem:s14+$0x90]  }
0x434: {  	v14 =	vld [tilespmem:s14+$0x0]  }
0x435: {  	v15 =	vld [tilespmem:s14+$0x10]  }
0x436: {  	v16 =	vld [tilespmem:s14+$0x20]  }
0x437: {  	v17 =	vld [tilespmem:s14+$0x30]  }
0x438: {  	v18 =	vld [tilespmem:s14+$0xA0]  }
0x439: {  	v19 =	vld [tilespmem:s14+$0xB0]  }
0x43a: {  	v20 =	vimm.f32 $0.0e+00;
	v21 =	vld [tilespmem:s14+$0xC0]  }
0x43b: {  	v22 =	vld [tilespmem:s14+$0xD0];
	v14 =	vadd.f32 v14, v20;
	v15 =	vadd.f32 v15, v20  }
0x43c: {  	v23 =	vld [tilespmem:s14+$0x40];
	v16 =	vadd.f32 v16, v20;
	v17 =	vadd.f32 v17, v20  }
0x43d: {  	v24 =	vld [tilespmem:s14+$0x50];
	v8 =	vadd.f32 v8, v14;
	v13 =	vadd.f32 v13, v15  }
0x43e: {  	v14 =	vld [tilespmem:s14+$0x60];
	v15 =	vadd.f32 v18, v16;
	v16 =	vadd.f32 v19, v17  }
0x43f: {  	v17 =	vld [tilespmem:s14+$0x70];
	v6 =	vadd.f32 v6, v8;
	v13 =	vadd.f32 v7, v13  }
0x440: {  	v8 =	vld [tilespmem:s14+$0xE0];
	v15 =	vadd.f32 v9, v15;
	v16 =	vadd.f32 v10, v16  }
0x441: {  	v10 =	vld [tilespmem:s14+$0xF0];
	v7 =	vadd.f32 v4, v6;
	v6 =	vadd.f32 v5, v13  }
0x442: {  	v9 =	vld [tilespmem:s14+$0x160];
	v5 =	vadd.f32 v11, v15;
	v4 =	vadd.f32 v12, v16  }
0x443: {  	v13 =	vadd.f32 v23, v20;
	v16 =	vadd.f32 v24, v20;
	v12 =	vld [tilespmem:s14+$0x170]  }
0x444: {  	v11 =	vld [tilespmem:s14+$0x1E0];
	v15 =	vadd.f32 v14, v20;
	v14 =	vadd.f32 v17, v20  }
0x445: {  	s13 =	simm.s32 $0x0;
	v17 =	vadd.f32 v21, v13;
	v16 =	vadd.f32 v22, v16;
	v13 =	vld [tilespmem:s14+$0x1F0];
	s14 =	simm.s32 $0xE200  }
.LBB2_31:
0x446: {  	v18 =	vld [tilespmem:s14+$0x180];
	v8 =	vadd.f32 v8, v15;
	v10 =	vadd.f32 v10, v14  }
0x447: {  	v14 =	vld [tilespmem:s14+$0x190];
	v3 =	vadd.f32 v3, v17;
	v2 =	vadd.f32 v2, v16  }
0x448: {  	v15 =	vld [tilespmem:s14+$0x1A0];
	v8 =	vadd.f32 v9, v8;
	v9 =	vadd.f32 v12, v10  }
0x449: {  	v12 =	vld [tilespmem:s14+$0x1B0];
	v16 =	vadd.f32 v0, v3;
	v17 =	vadd.f32 v1, v2  }
0x44a: {  	v0 =	vld [tilespmem:s14+$0x1C0];
	v11 =	vadd.f32 v11, v8;
	v13 =	vadd.f32 v13, v9  }
0x44b: {  	v1 =	vld [tilespmem:s14+$0x1D0]  }
0x44c: {  	v8 =	vld [tilespmem:s14+$0x100]  }
0x44d: {  	v9 =	vld [tilespmem:s14+$0x110]  }
0x44e: {  	v10 =	vld [tilespmem:s14+$0x120]  }
0x44f: {  	v19 =	vld [tilespmem:s14+$0x130]  }
0x450: {  	v3 =	vld [tilespmem:s14+$0x140]  }
0x451: {  	v2 =	vld [tilespmem:s14+$0x150]  }
0x452: {  	v20 =	vld [tilespmem:s14+$0x80]  }
0x453: {  	v21 =	vld [tilespmem:s14+$0x90]  }
0x454: {  	v22 =	vld [tilespmem:s14+$0x0]  }
0x455: {  	v23 =	vld [tilespmem:s14+$0x10]  }
0x456: {  	v24 =	vld [tilespmem:s14+$0x20]  }
0x457: {  	v25 =	vld [tilespmem:s14+$0x30]  }
0x458: {  	v26 =	vld [tilespmem:s14+$0xA0]  }
0x459: {  	v27 =	vld [tilespmem:s14+$0xB0]  }
0x45a: {  	v28 =	vld [tilespmem:s14+$0xC0]  }
0x45b: {  	v7 =	vadd.f32 v22, v7;
	v6 =	vadd.f32 v23, v6;
	v22 =	vld [tilespmem:s14+$0xD0]  }
0x45c: {  	v5 =	vadd.f32 v24, v5;
	v4 =	vadd.f32 v25, v4;
	v23 =	vld [tilespmem:s14+$0x40]  }
0x45d: {  	v7 =	vadd.f32 v20, v7;
	v6 =	vadd.f32 v21, v6;
	v24 =	vld [tilespmem:s14+$0x50]  }
0x45e: {  	v5 =	vadd.f32 v26, v5;
	v20 =	vld [tilespmem:s14+$0x60];
	v4 =	vadd.f32 v27, v4  }
0x45f: {  	s13 =	sadd.s32 $0x4, s13;
	v7 =	vadd.f32 v8, v7;
	v6 =	vadd.f32 v9, v6;
	v21 =	vld [tilespmem:s14+$0x70]  }
0x460: {  	p1 =	slt.u32 s13, $0x1C;
	v5 =	vadd.f32 v10, v5;
	v8 =	vld [tilespmem:s14+$0xE0];
	v4 =	vadd.f32 v19, v4  }
.Ltmp17:
0x461: {  	v7 =	vadd.f32 v18, v7;
	v6 =	vadd.f32 v14, v6;
	v10 =	vld [tilespmem:s14+$0xF0];
	(pc) =	sbr.rel @p1 .LBB2_31-.Ltmp17, $4  }
0x462: {  	v5 =	vadd.f32 v15, v5;
	v9 =	vld [tilespmem:s14+$0x160];
	v4 =	vadd.f32 v12, v4  }
0x463: {  	v16 =	vadd.f32 v23, v16;
	v18 =	vadd.f32 v24, v17;
	v12 =	vld [tilespmem:s14+$0x170]  }
0x464: {  	v15 =	vadd.f32 v20, v11;
	v14 =	vadd.f32 v21, v13;
	v11 =	vld [tilespmem:s14+$0x1E0]  }
0x465: {  	v17 =	vadd.f32 v28, v16;
	v16 =	vadd.f32 v22, v18;
	v13 =	vld [tilespmem:s14+$0x1F0];
	s14 =	sadd.s32 $0x200, s14  }
0x466: {  	_ = 	snop  }
0x467: {  	v8 =	vadd.f32 v8, v15;
	[tilespmem:$0x10300] =	vst v7;
	v3 =	vadd.f32 v3, v17  }
0x468: {  	v7 =	vadd.f32 v10, v14;
	[tilespmem:$0x10310] =	vst v6;
	v2 =	vadd.f32 v2, v16  }
0x469: {  	[tilespmem:$0x10320] =	vst v5;
	v6 =	vadd.f32 v9, v8;
	v0 =	vadd.f32 v0, v3  }
0x46a: {  	[tilespmem:$0x10330] =	vst v4;
	v3 =	vadd.f32 v12, v7;
	v1 =	vadd.f32 v1, v2  }
0x46b: {  	v2 =	vadd.f32 v11, v6;
	[tilespmem:$0x10340] =	vst v0  }
0x46c: {  	v0 =	vadd.f32 v13, v3;
	[tilespmem:$0x10350] =	vst v1  }
0x46d: {  	[tilespmem:$0x10360] =	vst v2  }
0x46e: {  	s14 =	simm.s32 $0xF000;
	[tilespmem:$0x10370] =	vst v0  }
0x46f: {  	v4 =	vld [tilespmem:s14+$0x180]  }
0x470: {  	v5 =	vld [tilespmem:s14+$0x190]  }
0x471: {  	v11 =	vld [tilespmem:s14+$0x1A0]  }
0x472: {  	v12 =	vld [tilespmem:s14+$0x1B0]  }
0x473: {  	v0 =	vld [tilespmem:s14+$0x1C0]  }
0x474: {  	v1 =	vld [tilespmem:s14+$0x1D0]  }
0x475: {  	v6 =	vld [tilespmem:s14+$0x100]  }
0x476: {  	v7 =	vld [tilespmem:s14+$0x110]  }
0x477: {  	v9 =	vld [tilespmem:s14+$0x120]  }
0x478: {  	v10 =	vld [tilespmem:s14+$0x130]  }
0x479: {  	v3 =	vld [tilespmem:s14+$0x140]  }
0x47a: {  	v2 =	vld [tilespmem:s14+$0x150]  }
0x47b: {  	v8 =	vld [tilespmem:s14+$0x80]  }
0x47c: {  	v13 =	vld [tilespmem:s14+$0x90]  }
0x47d: {  	v14 =	vld [tilespmem:s14+$0x0]  }
0x47e: {  	v15 =	vld [tilespmem:s14+$0x10]  }
0x47f: {  	v16 =	vld [tilespmem:s14+$0x20]  }
0x480: {  	v17 =	vld [tilespmem:s14+$0x30]  }
0x481: {  	v18 =	vld [tilespmem:s14+$0xA0]  }
0x482: {  	v19 =	vld [tilespmem:s14+$0xB0]  }
0x483: {  	v20 =	vimm.f32 $0.0e+00;
	v21 =	vld [tilespmem:s14+$0xC0]  }
0x484: {  	v22 =	vld [tilespmem:s14+$0xD0];
	v14 =	vadd.f32 v14, v20;
	v15 =	vadd.f32 v15, v20  }
0x485: {  	v23 =	vld [tilespmem:s14+$0x40];
	v16 =	vadd.f32 v16, v20;
	v17 =	vadd.f32 v17, v20  }
0x486: {  	v24 =	vld [tilespmem:s14+$0x50];
	v8 =	vadd.f32 v8, v14;
	v13 =	vadd.f32 v13, v15  }
0x487: {  	v14 =	vld [tilespmem:s14+$0x60];
	v15 =	vadd.f32 v18, v16;
	v16 =	vadd.f32 v19, v17  }
0x488: {  	v17 =	vld [tilespmem:s14+$0x70];
	v6 =	vadd.f32 v6, v8;
	v13 =	vadd.f32 v7, v13  }
0x489: {  	v8 =	vld [tilespmem:s14+$0xE0];
	v15 =	vadd.f32 v9, v15;
	v16 =	vadd.f32 v10, v16  }
0x48a: {  	v10 =	vld [tilespmem:s14+$0xF0];
	v7 =	vadd.f32 v4, v6;
	v6 =	vadd.f32 v5, v13  }
0x48b: {  	v9 =	vld [tilespmem:s14+$0x160];
	v5 =	vadd.f32 v11, v15;
	v4 =	vadd.f32 v12, v16  }
0x48c: {  	v13 =	vadd.f32 v23, v20;
	v16 =	vadd.f32 v24, v20;
	v12 =	vld [tilespmem:s14+$0x170]  }
0x48d: {  	v11 =	vld [tilespmem:s14+$0x1E0];
	v15 =	vadd.f32 v14, v20;
	v14 =	vadd.f32 v17, v20  }
0x48e: {  	s13 =	simm.s32 $0x0;
	v17 =	vadd.f32 v21, v13;
	v16 =	vadd.f32 v22, v16;
	v13 =	vld [tilespmem:s14+$0x1F0];
	s14 =	simm.s32 $0xF200  }
.LBB2_33:
0x48f: {  	v18 =	vld [tilespmem:s14+$0x180];
	v8 =	vadd.f32 v8, v15;
	v10 =	vadd.f32 v10, v14  }
0x490: {  	v3 =	vadd.f32 v3, v17;
	v2 =	vadd.f32 v2, v16;
	v14 =	vld [tilespmem:s14+$0x190]  }
0x491: {  	v15 =	vld [tilespmem:s14+$0x1A0];
	v8 =	vadd.f32 v9, v8;
	v9 =	vadd.f32 v12, v10  }
0x492: {  	v16 =	vadd.f32 v0, v3;
	v17 =	vadd.f32 v1, v2;
	v12 =	vld [tilespmem:s14+$0x1B0]  }
0x493: {  	v0 =	vld [tilespmem:s14+$0x1C0];
	v11 =	vadd.f32 v11, v8;
	v13 =	vadd.f32 v13, v9  }
0x494: {  	v1 =	vld [tilespmem:s14+$0x1D0]  }
0x495: {  	v8 =	vld [tilespmem:s14+$0x100]  }
0x496: {  	v9 =	vld [tilespmem:s14+$0x110]  }
0x497: {  	v10 =	vld [tilespmem:s14+$0x120]  }
0x498: {  	v19 =	vld [tilespmem:s14+$0x130]  }
0x499: {  	v3 =	vld [tilespmem:s14+$0x140]  }
0x49a: {  	v2 =	vld [tilespmem:s14+$0x150]  }
0x49b: {  	v20 =	vld [tilespmem:s14+$0x80]  }
0x49c: {  	v21 =	vld [tilespmem:s14+$0x90]  }
0x49d: {  	v22 =	vld [tilespmem:s14+$0x0]  }
0x49e: {  	v23 =	vld [tilespmem:s14+$0x10]  }
0x49f: {  	v24 =	vld [tilespmem:s14+$0x20]  }
0x4a0: {  	v25 =	vld [tilespmem:s14+$0x30]  }
0x4a1: {  	v26 =	vld [tilespmem:s14+$0xA0]  }
0x4a2: {  	v27 =	vld [tilespmem:s14+$0xB0]  }
0x4a3: {  	v28 =	vld [tilespmem:s14+$0xC0]  }
0x4a4: {  	v7 =	vadd.f32 v22, v7;
	v6 =	vadd.f32 v23, v6;
	v22 =	vld [tilespmem:s14+$0xD0]  }
0x4a5: {  	v5 =	vadd.f32 v24, v5;
	v4 =	vadd.f32 v25, v4;
	v23 =	vld [tilespmem:s14+$0x40]  }
0x4a6: {  	v7 =	vadd.f32 v20, v7;
	v6 =	vadd.f32 v21, v6;
	v24 =	vld [tilespmem:s14+$0x50]  }
0x4a7: {  	v5 =	vadd.f32 v26, v5;
	v20 =	vld [tilespmem:s14+$0x60];
	v4 =	vadd.f32 v27, v4  }
0x4a8: {  	s13 =	sadd.s32 $0x4, s13;
	v7 =	vadd.f32 v8, v7;
	v6 =	vadd.f32 v9, v6;
	v21 =	vld [tilespmem:s14+$0x70]  }
0x4a9: {  	p1 =	slt.u32 s13, $0x1C;
	v5 =	vadd.f32 v10, v5;
	v8 =	vld [tilespmem:s14+$0xE0];
	v4 =	vadd.f32 v19, v4  }
.Ltmp18:
0x4aa: {  	v7 =	vadd.f32 v18, v7;
	v6 =	vadd.f32 v14, v6;
	v10 =	vld [tilespmem:s14+$0xF0];
	(pc) =	sbr.rel @p1 .LBB2_33-.Ltmp18, $4  }
0x4ab: {  	v5 =	vadd.f32 v15, v5;
	v9 =	vld [tilespmem:s14+$0x160];
	v4 =	vadd.f32 v12, v4  }
0x4ac: {  	v16 =	vadd.f32 v23, v16;
	v18 =	vadd.f32 v24, v17;
	v12 =	vld [tilespmem:s14+$0x170]  }
0x4ad: {  	v15 =	vadd.f32 v20, v11;
	v14 =	vadd.f32 v21, v13;
	v11 =	vld [tilespmem:s14+$0x1E0]  }
0x4ae: {  	v17 =	vadd.f32 v28, v16;
	v16 =	vadd.f32 v22, v18;
	v13 =	vld [tilespmem:s14+$0x1F0];
	s14 =	sadd.s32 $0x200, s14  }
.Ltmp19:
0x4af: {  	_ = 	snop;
	(pc) =	sbr.rel .LBB2_34-.Ltmp19, $1  }
0x4b0: {  	_ =	sdelay $0x3  }
.LBB2_36:
0x4b1: {  	_ =	sfence.sel $0x180000  }
0x4b2: {  	[bflag:$0x0] =	sbarrier.arrive $0xFFFF  }
0x4b3: {  	p0 =	sne.s32 s1, $0x0;
	_ =	strace $0x90000047  }
0x4b4: {  	s0 =	sadd.s32 @!p0 $0x100000, s0;
	[bflag:$0x2] =	sbarrier.arrive $0xFFFF  }
0x4b5: {  	[sflag:s0] =	ssyncadd.tile.s32 @!p0 $0x1;
	_ =	shalt  }
.Lfunc_end2:
_tile_overlayer_lowered:
.L_overlay_start_2:
0x4b6: {  	(tag) =	ssettag $0x2  }
0x4b7: {  	s0 =	rddreg [dreg:$0x0];
	s2 =	stileid.u32  }
0x4b8: {  	s1 =	rddreg [dreg:$0x1];
	p0 =	sne.s32 s2, $0x0  }
0x4b9: {  	s3 =	rddreg [dreg:$0x2];
	[bflag:$0x3] =	sbarrier.arrive $0xFFFF;
	s2 =	simm.s32 @!p0 $0x1C03  }
0x4ba: {  	[timem:s3], [sflag:s2] =	dma.local @!p0 [hbm:s0], s1  }
0x4bb: {  	s0 =	simm.s32 @!p0 $0x3  }
0x4bc: {  	_ =	swait.ge @!p0 [sflag:s0], s1  }
0x4bd: {  	s1 =	ssub.s32 @!p0 $0x0, s1;
	[sflag:s0] =	ssyncset.done @!p0 $0x0  }
0x4be: {  	[sflag:s0] =	ssyncadd.s32 @!p0 s1  }
0x4bf: {  	[bflag:$0x3] =	sbarrier.arrive $0xFFFF  }
0x4c0: {  	_ =	shalt  }

</sc_bundles>
